<compile_context>
chip_gen: v7x
topology: tpu7x:2x2x1
jax: 0.10.2.dev20260603
libtpu: 0.0.44.dev20260713+nightly
codegen_flags: <defaults>
</compile_context>

<pallas_src>
import functools

import jax
import jax.numpy as jnp
from jax import lax
from jax.experimental import pallas as pl
from jax.experimental.pallas import tpu as pltpu
from jax.experimental.pallas import tpu_sc as plsc

N_VAL = 320000
NUM_VAR = 10000
NVP = 10240
HID = 128

NC = 2
NS = 16
NW = NC * NS

EPW = N_VAL // NW
RPS = NVP // NS

SCB1 = 80
CHUNK1 = 160
NFULL1 = EPW // CHUNK1
TAIL1 = EPW - NFULL1 * CHUNK1
NPAIR1 = NFULL1 // 2

G_SPLITS = ((0, 104), (104, 96))
CHUNK3 = 200
NCHUNK3 = EPW // CHUNK3

_MESH = plsc.VectorSubcoreMesh(
    core_axis_name="c", subcore_axis_name="s", num_cores=NC, num_subcores=NS)


@functools.partial(
    pl.kernel,
    out_type=[
        jax.ShapeDtypeStruct((NC, NVP, HID), jnp.float32),
        jax.ShapeDtypeStruct((NC * NVP,), jnp.float32),
    ],
    mesh=_MESH,
    scratch_types=[
        pltpu.VMEM((CHUNK1,), jnp.int32),
        pltpu.VMEM((CHUNK1,), jnp.int32),
        pltpu.VMEM((CHUNK1, HID), jnp.float32),
        pltpu.VMEM((CHUNK1, HID), jnp.float32),
        pltpu.VMEM((SCB1,), jnp.float32),
        pltpu.VMEM_SHARED((NVP, HID), jnp.float32),
        pltpu.VMEM_SHARED((NVP,), jnp.float32),
        pltpu.SemaphoreType.DMA,
        pltpu.SemaphoreType.DMA,
    ],
)
def _sc_scatter(y_hbm, idx_hbm, zrow0_hbm, cnt0_hbm, ones_hbm,
                zpart_hbm, cpart_hbm,
                idx_a, idx_b, rows_a, rows_b, ones_v, z_sh, c_sh,
                sem_a, sem_b):
    c = lax.axis_index("c")
    s = lax.axis_index("s")
    wid = c * NS + s
    ebase = wid * EPW

    pltpu.sync_copy(zrow0_hbm.at[pl.ds(s * RPS, RPS)], z_sh.at[pl.ds(s * RPS, RPS)])
    pltpu.sync_copy(cnt0_hbm.at[pl.ds(s * RPS, RPS)], c_sh.at[pl.ds(s * RPS, RPS)])
    pltpu.sync_copy(ones_hbm, ones_v)
    plsc.subcore_barrier()

    def issue_in(k, n, idx_v, rows_v, sem):
        off = ebase + k * CHUNK1
        pltpu.async_copy(idx_hbm.at[pl.ds(off, n)], idx_v.at[pl.ds(0, n)], sem)
        pltpu.async_copy(y_hbm.at[pl.ds(off, n)], rows_v.at[pl.ds(0, n)], sem)

    def wait_in(k, n, idx_v, rows_v, sem):
        off = ebase + k * CHUNK1
        pltpu.make_async_copy(
            y_hbm.at[pl.ds(off, n)], rows_v.at[pl.ds(0, n)], sem).wait()
        pltpu.make_async_copy(
            idx_hbm.at[pl.ds(off, n)], idx_v.at[pl.ds(0, n)], sem).wait()

    def scatter(n, idx_v, rows_v):
        for j in range(n // SCB1):
            ix = idx_v.at[pl.ds(j * SCB1, SCB1)]
            pltpu.sync_copy(rows_v.at[pl.ds(j * SCB1, SCB1)],
                            z_sh.at[ix], add=True)
            pltpu.sync_copy(ones_v, c_sh.at[ix], add=True)

    issue_in(0, CHUNK1, idx_a, rows_a, sem_a)

    def pair(i, carry):
        k = 2 * i
        wait_in(k, CHUNK1, idx_a, rows_a, sem_a)
        issue_in(k + 1, CHUNK1, idx_b, rows_b, sem_b)
        scatter(CHUNK1, idx_a, rows_a)
        wait_in(k + 1, CHUNK1, idx_b, rows_b, sem_b)
        issue_in(k + 2, CHUNK1, idx_a, rows_a, sem_a)
        scatter(CHUNK1, idx_b, rows_b)
        return carry

    lax.fori_loop(0, NPAIR1 - 1, pair, 0)
    wait_in(NFULL1 - 2, CHUNK1, idx_a, rows_a, sem_a)
    issue_in(NFULL1 - 1, CHUNK1, idx_b, rows_b, sem_b)
    scatter(CHUNK1, idx_a, rows_a)
    wait_in(NFULL1 - 1, CHUNK1, idx_b, rows_b, sem_b)
    issue_in(NFULL1, TAIL1, idx_a, rows_a, sem_a)
    scatter(CHUNK1, idx_b, rows_b)
    wait_in(NFULL1, TAIL1, idx_a, rows_a, sem_a)
    scatter(TAIL1, idx_a, rows_a)

    plsc.subcore_barrier()

    pltpu.sync_copy(z_sh.at[pl.ds(s * RPS, RPS)],
                    zpart_hbm.at[c, pl.ds(s * RPS, RPS)])
    pltpu.sync_copy(c_sh.at[pl.ds(s * RPS, RPS)],
                    cpart_hbm.at[pl.ds(c * NVP + s * RPS, RPS)])


_MLP_BLOCK = 512


def _mlp_body(zp_ref, cnt_ref, w1_ref, b1_ref, w2_ref, ls_ref, lb_ref, h_ref):
    z = zp_ref[0] + zp_ref[1]
    cnt = (cnt_ref[0] + cnt_ref[1]).reshape(_MLP_BLOCK, 1)
    zv = z / jnp.clip(cnt, 1.0, None)
    h = jnp.dot(zv, w1_ref[...], preferred_element_type=jnp.float32,
                precision=lax.Precision.HIGHEST) + b1_ref[...]
    h = jnp.maximum(h, 0.0)
    h = jnp.dot(h, w2_ref[...], preferred_element_type=jnp.float32,
                precision=lax.Precision.HIGHEST)
    mu = jnp.mean(h, axis=-1, keepdims=True)
    var = jnp.mean((h - mu) ** 2, axis=-1, keepdims=True)
    h_ref[...] = (h - mu) * lax.rsqrt(var + 1e-5) * ls_ref[...] + lb_ref[...]


def _mlp(zpart, cpart, W1, b1, W2, ln_scale, ln_bias):
    nblk = NVP // _MLP_BLOCK
    return pl.pallas_call(
        _mlp_body,
        grid=(nblk,),
        in_specs=[
            pl.BlockSpec((NC, _MLP_BLOCK, HID), lambda i: (0, i, 0)),
            pl.BlockSpec((NC, _MLP_BLOCK), lambda i: (0, i)),
            pl.BlockSpec((HID, HID), lambda i: (0, 0)),
            pl.BlockSpec((1, HID), lambda i: (0, 0)),
            pl.BlockSpec((HID, HID), lambda i: (0, 0)),
            pl.BlockSpec((1, HID), lambda i: (0, 0)),
            pl.BlockSpec((1, HID), lambda i: (0, 0)),
        ],
        out_specs=pl.BlockSpec((_MLP_BLOCK, HID), lambda i: (i, 0)),
        out_shape=jax.ShapeDtypeStruct((NVP, HID), jnp.float32),
    )(zpart, cpart.reshape(NC, NVP), W1, b1.reshape(1, HID), W2,
      ln_scale.reshape(1, HID), ln_bias.reshape(1, HID))


@functools.partial(
    pl.kernel,
    out_type=jax.ShapeDtypeStruct((N_VAL, HID), jnp.float32),
    mesh=_MESH,
    scratch_types=[
        pltpu.VMEM((CHUNK3,), jnp.int32),
        pltpu.VMEM((CHUNK3,), jnp.int32),
        pltpu.VMEM((CHUNK3,), jnp.int32),
        pltpu.VMEM((CHUNK3, HID), jnp.float32),
        pltpu.VMEM((CHUNK3, HID), jnp.float32),
        pltpu.VMEM((CHUNK3, HID), jnp.float32),
        pltpu.VMEM((CHUNK3, HID), jnp.float32),
        pltpu.SemaphoreType.DMA,
        pltpu.SemaphoreType.DMA,
        pltpu.SemaphoreType.DMA,
        pltpu.SemaphoreType.DMA,
        pltpu.SemaphoreType.DMA,
        pltpu.SemaphoreType.DMA,
        pltpu.SemaphoreType.DMA,
    ],
)
def _sc_gather(y_hbm, idx_hbm, h_hbm, out_hbm,
               idx0, idx1, idx2, y0, y1, y2, g_v,
               si0, si1, si2, so0, so1, so2, sg):
    c = lax.axis_index("c")
    s = lax.axis_index("s")
    wid = c * NS + s
    ebase = wid * EPW

    idx_s = (idx0, idx1, idx2)
    y_s = (y0, y1, y2)
    si_s = (si0, si1, si2)
    so_s = (so0, so1, so2)

    def issue_in(k, sl):
        off = ebase + k * CHUNK3
        pltpu.async_copy(idx_hbm.at[pl.ds(off, CHUNK3)], idx_s[sl], si_s[sl])
        pltpu.async_copy(y_hbm.at[pl.ds(off, CHUNK3)], y_s[sl], si_s[sl])

    def wait_in(k, sl):
        off = ebase + k * CHUNK3
        pltpu.make_async_copy(y_hbm.at[pl.ds(off, CHUNK3)], y_s[sl], si_s[sl]).wait()
        pltpu.make_async_copy(idx_hbm.at[pl.ds(off, CHUNK3)], idx_s[sl], si_s[sl]).wait()

    def wait_out(k, sl):
        off = ebase + k * CHUNK3
        pltpu.make_async_copy(y_s[sl], out_hbm.at[pl.ds(off, CHUNK3)], so_s[sl]).wait()

    def process(k, sl, wait_prev_out, issue_next_in):
        wait_in(k, sl)
        idx_v, y_v = idx_s[sl], y_s[sl]
        descs = []
        for (o, n) in G_SPLITS:
            descs.append(pltpu.async_copy(
                h_hbm.at[idx_v.at[pl.ds(o, n)]],
                g_v.at[pl.ds(o, n)], sg))
        for d in descs:
            d.wait()

        @plsc.parallel_loop(0, CHUNK3, 1, unroll=4)
        def add_row(r):
            for kk in range(HID // 16):
                slc = pl.ds(kk * 16, 16)
                y_v[r, slc] = y_v[r, slc] + g_v[r, slc]

        off = ebase + k * CHUNK3
        pltpu.async_copy(y_v, out_hbm.at[pl.ds(off, CHUNK3)], so_s[sl])
        if wait_prev_out:
            wait_out(k - 1, (sl + 2) % 3)
        if issue_next_in:
            issue_in(k + 2, (sl + 2) % 3)

    issue_in(0, 0)
    issue_in(1, 1)
    process(0, 0, False, True)
    process(1, 1, True, True)
    process(2, 2, True, True)

    def body(j, carry):
        k = 3 * j
        process(k, 0, True, True)
        process(k + 1, 1, True, True)
        process(k + 2, 2, True, True)
        return carry

    lax.fori_loop(1, (NCHUNK3 - 2) // 3, body, 0)
    process(NCHUNK3 - 2, 0, True, False)
    process(NCHUNK3 - 1, 1, True, False)
    wait_out(NCHUNK3 - 1, 1)


def kernel(y_val, W1, b1, W2, ln_scale, ln_bias, var_idx, num_var):
    del num_var
    idx = var_idx.astype(jnp.int32)
    zrow0 = jnp.zeros((NVP, HID), jnp.float32)
    cnt0 = jnp.zeros((NVP,), jnp.float32)
    ones = jnp.ones((SCB1,), jnp.float32)
    zpart, cpart = _sc_scatter(y_val, idx, zrow0, cnt0, ones)
    h = _mlp(zpart, cpart, W1, b1, W2, ln_scale, ln_bias)
    return _sc_gather(y_val, idx, h)

# --- scband reference (transcript-rebuilt; emitter-appended) ---
"""Pipeline reference for scband-val2-val-layer-9191230013857 (READ-ONLY COPY).

The authoritative reference and input builder live on the scoring server;
editing this copy changes nothing except your own understanding.
"""

import jax, jax.numpy as jnp
import numpy as np

N_VAL = 320000
NUM_VAR = 10000
HID = 128

def setup_inputs(seed: int = 0) -> dict:
    key = jax.random.key(seed)
    k1, k2, k3, k4, k5 = jax.random.split(key, 5)
    y_val = jax.random.normal(k1, (N_VAL, HID), dtype=jnp.float32)
    var_idx = jax.random.randint(k2, (N_VAL,), 0, NUM_VAR, dtype=jnp.int64 if jax.config.jax_enable_x64 else jnp.int32)
    # Learned params (Linear stored as [in, out] for x @ W convention)
    s = 1.0 / np.sqrt(HID)
    W1 = jax.random.uniform(k3, (HID, HID), dtype=jnp.float32, minval=-s, maxval=s)
    b1 = jax.random.uniform(k4, (HID,), dtype=jnp.float32, minval=-s, maxval=s)
    W2 = jax.random.uniform(k5, (HID, HID), dtype=jnp.float32, minval=-s, maxval=s)
    ln_scale = jnp.ones((HID,), dtype=jnp.float32)
    ln_bias = jnp.zeros((HID,), dtype=jnp.float32)
    return {"y_val": y_val, "W1": W1, "b1": b1, "W2": W2, "ln_scale": ln_scale, "ln_bias": ln_bias, "var_idx": var_idx, "num_var": NUM_VAR}

def reference(y_val, W1, b1, W2, ln_scale, ln_bias, var_idx, num_var):
    # scatter_mean(y_val, var_idx, dim=0, dim_size=num_var)
    z_sum = jax.ops.segment_sum(y_val, var_idx, num_segments=NUM_VAR)
    cnt = jax.ops.segment_sum(jnp.ones((y_val.shape[0],), dtype=y_val.dtype), var_idx, num_segments=NUM_VAR)
    z_var = z_sum / jnp.clip(cnt, 1.0, None)[:, None]
    # var_enc: Linear -> ReLU -> Linear(no bias) -> LayerNorm
    h = jnp.maximum(z_var @ W1 + b1, 0.0)
    h = h @ W2
    mu = jnp.mean(h, axis=-1, keepdims=True)
    var = jnp.var(h, axis=-1, keepdims=True)
    h = (h - mu) / jnp.sqrt(var + 1e-5) * ln_scale + ln_bias
    # y_val += z_var[var_idx] (gather back to value nodes)
    num_var_zero = jnp.asarray(num_var - num_var, dtype=y_val.dtype)
    return y_val + jnp.take(h, var_idx, axis=0) + num_var_zero

if __name__ == "__main__":
    import jax
    _d = setup_inputs()
    print(jax.jit(kernel)(*tuple(_d.values())))

</pallas_src>

<mosaic_0001>
#map = affine_map<(d0, d1) -> (0, 0)>
#map1 = affine_map<(d0, d1) -> (0)>
#map2 = affine_map<(d0, d1) -> (0, 0, 0)>
module attributes {stable_mosaic.version = 14 : i64} {
  func.func @_sc_scatter(%arg0: i32, %arg1: i32, %arg2: memref<320000x128xf32, #tpu.memory_space<hbm>>, %arg3: memref<320000xi32, #tpu.memory_space<hbm>>, %arg4: memref<10240x128xf32, #tpu.memory_space<hbm>>, %arg5: memref<10240xf32, #tpu.memory_space<hbm>>, %arg6: memref<80xf32, #tpu.memory_space<hbm>>, %arg7: memref<2x10240x128xf32, #tpu.memory_space<hbm>>, %arg8: memref<20480xf32, #tpu.memory_space<hbm>>, %arg9: memref<160xi32, #tpu.memory_space<vmem>>, %arg10: memref<160xi32, #tpu.memory_space<vmem>>, %arg11: memref<160x128xf32, #tpu.memory_space<vmem>>, %arg12: memref<160x128xf32, #tpu.memory_space<vmem>>, %arg13: memref<80xf32, #tpu.memory_space<vmem>>, %arg14: memref<10240x128xf32, #tpu.memory_space<vmem_shared>>, %arg15: memref<10240xf32, #tpu.memory_space<vmem_shared>>, %arg16: memref<!tpu.dma_semaphore, #tpu.memory_space<semaphore_mem>>, %arg17: memref<!tpu.dma_semaphore, #tpu.memory_space<semaphore_mem>>) attributes {dimension_semantics = [#tpu.dimension_semantics<core_parallel>, #tpu.dimension_semantics<subcore_parallel>], iteration_bounds = array<i64: 2, 16>, scalar_prefetch = 0 : i64, scratch_operands = 9 : i64, tpu.core_type = #tpu.core_type<sc_vector_subcore>, window_params = [{transform_indices = #map}, {transform_indices = #map1}, {transform_indices = #map}, {transform_indices = #map1}, {transform_indices = #map1}, {transform_indices = #map2}, {transform_indices = #map1}]} {
    %mul3A = arith.constant 16 : i32
    %mul3A_0 = arith.muli %arg0, %mul3A : i32
    %add3A = arith.addi %mul3A_0, %arg1 : i32
    %mul3A_1 = arith.constant 10000 : i32
    %mul3A_2 = arith.muli %add3A, %mul3A_1 : i32
    %mul3A_3 = arith.constant 640 : i32
    %mul3A_4 = arith.muli %arg1, %mul3A_3 : i32
    %mul3A_5 = arith.constant 640 : i32
    %mul3A_6 = arith.muli %arg1, %mul3A_5 : i32
    "tpu.region"() ({
      %run_scoped3A = tpu.sem_alloc : memref<!tpu.dma_semaphore, #tpu.memory_space<semaphore_mem>>
      %dma_start3A_134 = arith.constant 0 : i32
      %dma_start3A_135 = tpu.memref_slice %arg14[%mul3A_6, %dma_start3A_134] : memref<10240x128xf32, #tpu.memory_space<vmem_shared>> -> memref<640x128xf32, #tpu.memory_space<vmem_shared>>
      %dma_start3A_136 = arith.constant 0 : i32
      %dma_start3A_137 = tpu.memref_slice %arg4[%mul3A_4, %dma_start3A_136] : memref<10240x128xf32, #tpu.memory_space<hbm>> -> memref<640x128xf32, #tpu.memory_space<hbm>>
      tpu.enqueue_dma source(%dma_start3A_137 : memref<640x128xf32, #tpu.memory_space<hbm>>) target(%dma_start3A_135 : memref<640x128xf32, #tpu.memory_space<vmem_shared>>) target_semaphore(%run_scoped3A : memref<!tpu.dma_semaphore, #tpu.memory_space<semaphore_mem>>)
      %dma_wait3A_138 = arith.constant 0 : i32
      %dma_wait3A_139 = tpu.memref_slice %arg14[%mul3A_6, %dma_wait3A_138] : memref<10240x128xf32, #tpu.memory_space<vmem_shared>> -> memref<640x128xf32, #tpu.memory_space<vmem_shared>>
      %dma_wait3A_140 = arith.constant 0 : i32
      %dma_wait3A_141 = tpu.memref_slice %arg4[%mul3A_4, %dma_wait3A_140] : memref<10240x128xf32, #tpu.memory_space<hbm>> -> memref<640x128xf32, #tpu.memory_space<hbm>>
      tpu.wait_dma2 semaphore(%run_scoped3A : memref<!tpu.dma_semaphore, #tpu.memory_space<semaphore_mem>>) src(%dma_wait3A_141 : memref<640x128xf32, #tpu.memory_space<hbm>>) dst(%dma_wait3A_139 : memref<640x128xf32, #tpu.memory_space<vmem_shared>>)
      tpu.yield
    }) : () -> ()
    %mul3A_7 = arith.constant 640 : i32
    %mul3A_8 = arith.muli %arg1, %mul3A_7 : i32
    %mul3A_9 = arith.constant 640 : i32
    %mul3A_10 = arith.muli %arg1, %mul3A_9 : i32
    "tpu.region"() ({
      %run_scoped3A = tpu.sem_alloc : memref<!tpu.dma_semaphore, #tpu.memory_space<semaphore_mem>>
      %dma_start3A_134 = tpu.memref_slice %arg15[%mul3A_10] : memref<10240xf32, #tpu.memory_space<vmem_shared>> -> memref<640xf32, #tpu.memory_space<vmem_shared>>
      %dma_start3A_135 = tpu.memref_slice %arg5[%mul3A_8] : memref<10240xf32, #tpu.memory_space<hbm>> -> memref<640xf32, #tpu.memory_space<hbm>>
      tpu.enqueue_dma source(%dma_start3A_135 : memref<640xf32, #tpu.memory_space<hbm>>) target(%dma_start3A_134 : memref<640xf32, #tpu.memory_space<vmem_shared>>) target_semaphore(%run_scoped3A : memref<!tpu.dma_semaphore, #tpu.memory_space<semaphore_mem>>)
      %dma_wait3A_136 = tpu.memref_slice %arg15[%mul3A_10] : memref<10240xf32, #tpu.memory_space<vmem_shared>> -> memref<640xf32, #tpu.memory_space<vmem_shared>>
      %dma_wait3A_137 = tpu.memref_slice %arg5[%mul3A_8] : memref<10240xf32, #tpu.memory_space<hbm>> -> memref<640xf32, #tpu.memory_space<hbm>>
      tpu.wait_dma2 semaphore(%run_scoped3A : memref<!tpu.dma_semaphore, #tpu.memory_space<semaphore_mem>>) src(%dma_wait3A_137 : memref<640xf32, #tpu.memory_space<hbm>>) dst(%dma_wait3A_136 : memref<640xf32, #tpu.memory_space<vmem_shared>>)
      tpu.yield
    }) : () -> ()
    "tpu.region"() ({
      %run_scoped3A = tpu.sem_alloc : memref<!tpu.dma_semaphore, #tpu.memory_space<semaphore_mem>>
      tpu.enqueue_dma source(%arg6 : memref<80xf32, #tpu.memory_space<hbm>>) target(%arg13 : memref<80xf32, #tpu.memory_space<vmem>>) target_semaphore(%run_scoped3A : memref<!tpu.dma_semaphore, #tpu.memory_space<semaphore_mem>>)
      tpu.wait_dma2 semaphore(%run_scoped3A : memref<!tpu.dma_semaphore, #tpu.memory_space<semaphore_mem>>) src(%arg6 : memref<80xf32, #tpu.memory_space<hbm>>) dst(%arg13 : memref<80xf32, #tpu.memory_space<vmem>>)
      tpu.yield
    }) : () -> ()
    %barrier3A = arith.constant 0 : index
    tpu.barrier barrier_id(%barrier3A)
    %add3A_11 = arith.constant 0 : i32
    %add3A_12 = arith.addi %mul3A_2, %add3A_11 : i32
    %dma_start3A = arith.constant 0 : i32
    %dma_start3A_13 = tpu.memref_slice %arg9[%dma_start3A] : memref<160xi32, #tpu.memory_space<vmem>> -> memref<160xi32, #tpu.memory_space<vmem>>
    %dma_start3A_14 = tpu.memref_slice %arg3[%add3A_12] : memref<320000xi32, #tpu.memory_space<hbm>> -> memref<160xi32, #tpu.memory_space<hbm>>
    %dma_start3A_15 = arith.constant 0 : i32
    %dma_start3A_16 = tpu.memref_slice %arg9[%dma_start3A_15] : memref<160xi32, #tpu.memory_space<vmem>> -> memref<160xi32, #tpu.memory_space<vmem>>
    %dma_start3A_17 = tpu.memref_slice %arg3[%add3A_12] : memref<320000xi32, #tpu.memory_space<hbm>> -> memref<160xi32, #tpu.memory_space<hbm>>
    tpu.enqueue_dma source(%dma_start3A_17 : memref<160xi32, #tpu.memory_space<hbm>>) target(%dma_start3A_16 : memref<160xi32, #tpu.memory_space<vmem>>) target_semaphore(%arg16 : memref<!tpu.dma_semaphore, #tpu.memory_space<semaphore_mem>>)
    %dma_start3A_18 = arith.constant 0 : i32
    %dma_start3A_19 = arith.constant 0 : i32
    %dma_start3A_20 = tpu.memref_slice %arg11[%dma_start3A_18, %dma_start3A_19] : memref<160x128xf32, #tpu.memory_space<vmem>> -> memref<160x128xf32, #tpu.memory_space<vmem>>
    %dma_start3A_21 = arith.constant 0 : i32
    %dma_start3A_22 = tpu.memref_slice %arg2[%add3A_12, %dma_start3A_21] : memref<320000x128xf32, #tpu.memory_space<hbm>> -> memref<160x128xf32, #tpu.memory_space<hbm>>
    %dma_start3A_23 = arith.constant 0 : i32
    %dma_start3A_24 = arith.constant 0 : i32
    %dma_start3A_25 = tpu.memref_slice %arg11[%dma_start3A_23, %dma_start3A_24] : memref<160x128xf32, #tpu.memory_space<vmem>> -> memref<160x128xf32, #tpu.memory_space<vmem>>
    %dma_start3A_26 = arith.constant 0 : i32
    %dma_start3A_27 = tpu.memref_slice %arg2[%add3A_12, %dma_start3A_26] : memref<320000x128xf32, #tpu.memory_space<hbm>> -> memref<160x128xf32, #tpu.memory_space<hbm>>
    tpu.enqueue_dma source(%dma_start3A_27 : memref<160x128xf32, #tpu.memory_space<hbm>>) target(%dma_start3A_25 : memref<160x128xf32, #tpu.memory_space<vmem>>) target_semaphore(%arg16 : memref<!tpu.dma_semaphore, #tpu.memory_space<semaphore_mem>>)
    %scan3A = arith.constant 0 : i32
    %scan3A_28 = arith.constant 0 : i32
    %scan3A_29 = arith.constant 30 : i32
    %scan3A_30 = arith.addi %scan3A_28, %scan3A_29 : i32
    %scan3A_31 = arith.constant 1 : i32
    scf.for %scan3A_134 = %scan3A_28 to %scan3A_30 step %scan3A_31  : i32 {
      %mul3A_135 = arith.constant 2 : i32
      %mul3A_136 = arith.muli %mul3A_135, %scan3A_134 : i32
      %mul3A_137 = arith.constant 160 : i32
      %mul3A_138 = arith.muli %mul3A_136, %mul3A_137 : i32
      %add3A_139 = arith.addi %mul3A_2, %mul3A_138 : i32
      %dma_wait3A_140 = arith.constant 0 : i32
      %dma_wait3A_141 = arith.constant 0 : i32
      %dma_wait3A_142 = tpu.memref_slice %arg11[%dma_wait3A_140, %dma_wait3A_141] : memref<160x128xf32, #tpu.memory_space<vmem>> -> memref<160x128xf32, #tpu.memory_space<vmem>>
      %dma_wait3A_143 = arith.constant 0 : i32
      %dma_wait3A_144 = tpu.memref_slice %arg2[%add3A_139, %dma_wait3A_143] : memref<320000x128xf32, #tpu.memory_space<hbm>> -> memref<160x128xf32, #tpu.memory_space<hbm>>
      %dma_wait3A_145 = arith.constant 0 : i32
      %dma_wait3A_146 = arith.constant 0 : i32
      %dma_wait3A_147 = tpu.memref_slice %arg11[%dma_wait3A_145, %dma_wait3A_146] : memref<160x128xf32, #tpu.memory_space<vmem>> -> memref<160x128xf32, #tpu.memory_space<vmem>>
      %dma_wait3A_148 = arith.constant 0 : i32
      %dma_wait3A_149 = tpu.memref_slice %arg2[%add3A_139, %dma_wait3A_148] : memref<320000x128xf32, #tpu.memory_space<hbm>> -> memref<160x128xf32, #tpu.memory_space<hbm>>
      tpu.wait_dma2 semaphore(%arg16 : memref<!tpu.dma_semaphore, #tpu.memory_space<semaphore_mem>>) src(%dma_wait3A_149 : memref<160x128xf32, #tpu.memory_space<hbm>>) dst(%dma_wait3A_147 : memref<160x128xf32, #tpu.memory_space<vmem>>)
      %dma_wait3A_150 = arith.constant 0 : i32
      %dma_wait3A_151 = tpu.memref_slice %arg9[%dma_wait3A_150] : memref<160xi32, #tpu.memory_space<vmem>> -> memref<160xi32, #tpu.memory_space<vmem>>
      %dma_wait3A_152 = tpu.memref_slice %arg3[%add3A_139] : memref<320000xi32, #tpu.memory_space<hbm>> -> memref<160xi32, #tpu.memory_space<hbm>>
      %dma_wait3A_153 = arith.constant 0 : i32
      %dma_wait3A_154 = tpu.memref_slice %arg9[%dma_wait3A_153] : memref<160xi32, #tpu.memory_space<vmem>> -> memref<160xi32, #tpu.memory_space<vmem>>
      %dma_wait3A_155 = tpu.memref_slice %arg3[%add3A_139] : memref<320000xi32, #tpu.memory_space<hbm>> -> memref<160xi32, #tpu.memory_space<hbm>>
      tpu.wait_dma2 semaphore(%arg16 : memref<!tpu.dma_semaphore, #tpu.memory_space<semaphore_mem>>) src(%dma_wait3A_155 : memref<160xi32, #tpu.memory_space<hbm>>) dst(%dma_wait3A_154 : memref<160xi32, #tpu.memory_space<vmem>>)
      %add3A_156 = arith.constant 1 : i32
      %add3A_157 = arith.addi %mul3A_136, %add3A_156 : i32
      %mul3A_158 = arith.constant 160 : i32
      %mul3A_159 = arith.muli %add3A_157, %mul3A_158 : i32
      %add3A_160 = arith.addi %mul3A_2, %mul3A_159 : i32
      %dma_start3A_161 = arith.constant 0 : i32
      %dma_start3A_162 = tpu.memref_slice %arg10[%dma_start3A_161] : memref<160xi32, #tpu.memory_space<vmem>> -> memref<160xi32, #tpu.memory_space<vmem>>
      %dma_start3A_163 = tpu.memref_slice %arg3[%add3A_160] : memref<320000xi32, #tpu.memory_space<hbm>> -> memref<160xi32, #tpu.memory_space<hbm>>
      %dma_start3A_164 = arith.constant 0 : i32
      %dma_start3A_165 = tpu.memref_slice %arg10[%dma_start3A_164] : memref<160xi32, #tpu.memory_space<vmem>> -> memref<160xi32, #tpu.memory_space<vmem>>
      %dma_start3A_166 = tpu.memref_slice %arg3[%add3A_160] : memref<320000xi32, #tpu.memory_space<hbm>> -> memref<160xi32, #tpu.memory_space<hbm>>
      tpu.enqueue_dma source(%dma_start3A_166 : memref<160xi32, #tpu.memory_space<hbm>>) target(%dma_start3A_165 : memref<160xi32, #tpu.memory_space<vmem>>) target_semaphore(%arg17 : memref<!tpu.dma_semaphore, #tpu.memory_space<semaphore_mem>>)
      %dma_start3A_167 = arith.constant 0 : i32
      %dma_start3A_168 = arith.constant 0 : i32
      %dma_start3A_169 = tpu.memref_slice %arg12[%dma_start3A_167, %dma_start3A_168] : memref<160x128xf32, #tpu.memory_space<vmem>> -> memref<160x128xf32, #tpu.memory_space<vmem>>
      %dma_start3A_170 = arith.constant 0 : i32
      %dma_start3A_171 = tpu.memref_slice %arg2[%add3A_160, %dma_start3A_170] : memref<320000x128xf32, #tpu.memory_space<hbm>> -> memref<160x128xf32, #tpu.memory_space<hbm>>
      %dma_start3A_172 = arith.constant 0 : i32
      %dma_start3A_173 = arith.constant 0 : i32
      %dma_start3A_174 = tpu.memref_slice %arg12[%dma_start3A_172, %dma_start3A_173] : memref<160x128xf32, #tpu.memory_space<vmem>> -> memref<160x128xf32, #tpu.memory_space<vmem>>
      %dma_start3A_175 = arith.constant 0 : i32
      %dma_start3A_176 = tpu.memref_slice %arg2[%add3A_160, %dma_start3A_175] : memref<320000x128xf32, #tpu.memory_space<hbm>> -> memref<160x128xf32, #tpu.memory_space<hbm>>
      tpu.enqueue_dma source(%dma_start3A_176 : memref<160x128xf32, #tpu.memory_space<hbm>>) target(%dma_start3A_174 : memref<160x128xf32, #tpu.memory_space<vmem>>) target_semaphore(%arg17 : memref<!tpu.dma_semaphore, #tpu.memory_space<semaphore_mem>>)
      "tpu.region"() ({
        %run_scoped3A = tpu.sem_alloc : memref<!tpu.dma_semaphore, #tpu.memory_space<semaphore_mem>>
        %dma_start3A_219 = arith.constant 0 : i32
        %dma_start3A_220 = arith.constant 0 : i32
        %dma_start3A_221 = tpu.memref_slice %arg11[%dma_start3A_219, %dma_start3A_220] : memref<160x128xf32, #tpu.memory_space<vmem>> -> memref<80x128xf32, #tpu.memory_space<vmem>>
        %dma_start3A_222 = arith.constant 0 : i32
        %dma_start3A_223 = tpu.memref_slice %arg9[%dma_start3A_222] : memref<160xi32, #tpu.memory_space<vmem>> -> memref<80xi32, #tpu.memory_space<vmem>>
        %dma_start3A_224 = arith.constant 0 : i32
        %dma_start3A_225 = arith.constant 0 : i32
        %dma_start3A_226 = tpu.memref_slice %arg14[%dma_start3A_224, %dma_start3A_225] : memref<10240x128xf32, #tpu.memory_space<vmem_shared>> -> memref<10240x128xf32, #tpu.memory_space<vmem_shared>>
        tpu.enqueue_indirect_dma source(%dma_start3A_221 : memref<80x128xf32, #tpu.memory_space<vmem>>) target(%dma_start3A_226 : memref<10240x128xf32, #tpu.memory_space<vmem_shared>>) offsets(%dma_start3A_223 : memref<80xi32, #tpu.memory_space<vmem>>) semaphore(%run_scoped3A : memref<!tpu.dma_semaphore, #tpu.memory_space<semaphore_mem>>) {add = true}
        %dma_wait3A_227 = arith.constant 0 : i32
        %dma_wait3A_228 = arith.constant 0 : i32
        %dma_wait3A_229 = tpu.memref_slice %arg11[%dma_wait3A_227, %dma_wait3A_228] : memref<160x128xf32, #tpu.memory_space<vmem>> -> memref<80x128xf32, #tpu.memory_space<vmem>>
        %dma_wait3A_230 = arith.constant 0 : i32
        %dma_wait3A_231 = tpu.memref_slice %arg9[%dma_wait3A_230] : memref<160xi32, #tpu.memory_space<vmem>> -> memref<80xi32, #tpu.memory_space<vmem>>
        %dma_wait3A_232 = arith.constant 0 : i32
        %dma_wait3A_233 = arith.constant 0 : i32
        %dma_wait3A_234 = tpu.memref_slice %arg14[%dma_wait3A_232, %dma_wait3A_233] : memref<10240x128xf32, #tpu.memory_space<vmem_shared>> -> memref<10240x128xf32, #tpu.memory_space<vmem_shared>>
        tpu.wait_indirect_dma semaphore(%run_scoped3A : memref<!tpu.dma_semaphore, #tpu.memory_space<semaphore_mem>>) src(%dma_wait3A_229 : memref<80x128xf32, #tpu.memory_space<vmem>>) dst(%dma_wait3A_234 : memref<10240x128xf32, #tpu.memory_space<vmem_shared>>)
        tpu.yield
      }) : () -> ()
      "tpu.region"() ({
        %run_scoped3A = tpu.sem_alloc : memref<!tpu.dma_semaphore, #tpu.memory_space<semaphore_mem>>
        %dma_start3A_219 = arith.constant 0 : i32
        %dma_start3A_220 = tpu.memref_slice %arg9[%dma_start3A_219] : memref<160xi32, #tpu.memory_space<vmem>> -> memref<80xi32, #tpu.memory_space<vmem>>
        %dma_start3A_221 = arith.constant 0 : i32
        %dma_start3A_222 = tpu.memref_slice %arg15[%dma_start3A_221] : memref<10240xf32, #tpu.memory_space<vmem_shared>> -> memref<10240xf32, #tpu.memory_space<vmem_shared>>
        tpu.enqueue_indirect_dma source(%arg13 : memref<80xf32, #tpu.memory_space<vmem>>) target(%dma_start3A_222 : memref<10240xf32, #tpu.memory_space<vmem_shared>>) offsets(%dma_start3A_220 : memref<80xi32, #tpu.memory_space<vmem>>) semaphore(%run_scoped3A : memref<!tpu.dma_semaphore, #tpu.memory_space<semaphore_mem>>) {add = true}
        %dma_wait3A_223 = arith.constant 0 : i32
        %dma_wait3A_224 = tpu.memref_slice %arg9[%dma_wait3A_223] : memref<160xi32, #tpu.memory_space<vmem>> -> memref<80xi32, #tpu.memory_space<vmem>>
        %dma_wait3A_225 = arith.constant 0 : i32
        %dma_wait3A_226 = tpu.memref_slice %arg15[%dma_wait3A_225] : memref<10240xf32, #tpu.memory_space<vmem_shared>> -> memref<10240xf32, #tpu.memory_space<vmem_shared>>
        tpu.wait_indirect_dma semaphore(%run_scoped3A : memref<!tpu.dma_semaphore, #tpu.memory_space<semaphore_mem>>) src(%arg13 : memref<80xf32, #tpu.memory_space<vmem>>) dst(%dma_wait3A_226 : memref<10240xf32, #tpu.memory_space<vmem_shared>>)
        tpu.yield
      }) : () -> ()
      "tpu.region"() ({
        %run_scoped3A = tpu.sem_alloc : memref<!tpu.dma_semaphore, #tpu.memory_space<semaphore_mem>>
        %dma_start3A_219 = arith.constant 80 : i32
        %dma_start3A_220 = arith.constant 0 : i32
        %dma_start3A_221 = tpu.memref_slice %arg11[%dma_start3A_219, %dma_start3A_220] : memref<160x128xf32, #tpu.memory_space<vmem>> -> memref<80x128xf32, #tpu.memory_space<vmem>>
        %dma_start3A_222 = arith.constant 80 : i32
        %dma_start3A_223 = tpu.memref_slice %arg9[%dma_start3A_222] : memref<160xi32, #tpu.memory_space<vmem>> -> memref<80xi32, #tpu.memory_space<vmem>>
        %dma_start3A_224 = arith.constant 0 : i32
        %dma_start3A_225 = arith.constant 0 : i32
        %dma_start3A_226 = tpu.memref_slice %arg14[%dma_start3A_224, %dma_start3A_225] : memref<10240x128xf32, #tpu.memory_space<vmem_shared>> -> memref<10240x128xf32, #tpu.memory_space<vmem_shared>>
        tpu.enqueue_indirect_dma source(%dma_start3A_221 : memref<80x128xf32, #tpu.memory_space<vmem>>) target(%dma_start3A_226 : memref<10240x128xf32, #tpu.memory_space<vmem_shared>>) offsets(%dma_start3A_223 : memref<80xi32, #tpu.memory_space<vmem>>) semaphore(%run_scoped3A : memref<!tpu.dma_semaphore, #tpu.memory_space<semaphore_mem>>) {add = true}
        %dma_wait3A_227 = arith.constant 80 : i32
        %dma_wait3A_228 = arith.constant 0 : i32
        %dma_wait3A_229 = tpu.memref_slice %arg11[%dma_wait3A_227, %dma_wait3A_228] : memref<160x128xf32, #tpu.memory_space<vmem>> -> memref<80x128xf32, #tpu.memory_space<vmem>>
        %dma_wait3A_230 = arith.constant 80 : i32
        %dma_wait3A_231 = tpu.memref_slice %arg9[%dma_wait3A_230] : memref<160xi32, #tpu.memory_space<vmem>> -> memref<80xi32, #tpu.memory_space<vmem>>
        %dma_wait3A_232 = arith.constant 0 : i32
        %dma_wait3A_233 = arith.constant 0 : i32
        %dma_wait3A_234 = tpu.memref_slice %arg14[%dma_wait3A_232, %dma_wait3A_233] : memref<10240x128xf32, #tpu.memory_space<vmem_shared>> -> memref<10240x128xf32, #tpu.memory_space<vmem_shared>>
        tpu.wait_indirect_dma semaphore(%run_scoped3A : memref<!tpu.dma_semaphore, #tpu.memory_space<semaphore_mem>>) src(%dma_wait3A_229 : memref<80x128xf32, #tpu.memory_space<vmem>>) dst(%dma_wait3A_234 : memref<10240x128xf32, #tpu.memory_space<vmem_shared>>)
        tpu.yield
      }) : () -> ()
      "tpu.region"() ({
        %run_scoped3A = tpu.sem_alloc : memref<!tpu.dma_semaphore, #tpu.memory_space<semaphore_mem>>
        %dma_start3A_219 = arith.constant 80 : i32
        %dma_start3A_220 = tpu.memref_slice %arg9[%dma_start3A_219] : memref<160xi32, #tpu.memory_space<vmem>> -> memref<80xi32, #tpu.memory_space<vmem>>
        %dma_start3A_221 = arith.constant 0 : i32
        %dma_start3A_222 = tpu.memref_slice %arg15[%dma_start3A_221] : memref<10240xf32, #tpu.memory_space<vmem_shared>> -> memref<10240xf32, #tpu.memory_space<vmem_shared>>
        tpu.enqueue_indirect_dma source(%arg13 : memref<80xf32, #tpu.memory_space<vmem>>) target(%dma_start3A_222 : memref<10240xf32, #tpu.memory_space<vmem_shared>>) offsets(%dma_start3A_220 : memref<80xi32, #tpu.memory_space<vmem>>) semaphore(%run_scoped3A : memref<!tpu.dma_semaphore, #tpu.memory_space<semaphore_mem>>) {add = true}
        %dma_wait3A_223 = arith.constant 80 : i32
        %dma_wait3A_224 = tpu.memref_slice %arg9[%dma_wait3A_223] : memref<160xi32, #tpu.memory_space<vmem>> -> memref<80xi32, #tpu.memory_space<vmem>>
        %dma_wait3A_225 = arith.constant 0 : i32
        %dma_wait3A_226 = tpu.memref_slice %arg15[%dma_wait3A_225] : memref<10240xf32, #tpu.memory_space<vmem_shared>> -> memref<10240xf32, #tpu.memory_space<vmem_shared>>
        tpu.wait_indirect_dma semaphore(%run_scoped3A : memref<!tpu.dma_semaphore, #tpu.memory_space<semaphore_mem>>) src(%arg13 : memref<80xf32, #tpu.memory_space<vmem>>) dst(%dma_wait3A_226 : memref<10240xf32, #tpu.memory_space<vmem_shared>>)
        tpu.yield
      }) : () -> ()
      %add3A_177 = arith.constant 1 : i32
      %add3A_178 = arith.addi %mul3A_136, %add3A_177 : i32
      %mul3A_179 = arith.constant 160 : i32
      %mul3A_180 = arith.muli %add3A_178, %mul3A_179 : i32
      %add3A_181 = arith.addi %mul3A_2, %mul3A_180 : i32
      %dma_wait3A_182 = arith.constant 0 : i32
      %dma_wait3A_183 = arith.constant 0 : i32
      %dma_wait3A_184 = tpu.memref_slice %arg12[%dma_wait3A_182, %dma_wait3A_183] : memref<160x128xf32, #tpu.memory_space<vmem>> -> memref<160x128xf32, #tpu.memory_space<vmem>>
      %dma_wait3A_185 = arith.constant 0 : i32
      %dma_wait3A_186 = tpu.memref_slice %arg2[%add3A_181, %dma_wait3A_185] : memref<320000x128xf32, #tpu.memory_space<hbm>> -> memref<160x128xf32, #tpu.memory_space<hbm>>
      %dma_wait3A_187 = arith.constant 0 : i32
      %dma_wait3A_188 = arith.constant 0 : i32
      %dma_wait3A_189 = tpu.memref_slice %arg12[%dma_wait3A_187, %dma_wait3A_188] : memref<160x128xf32, #tpu.memory_space<vmem>> -> memref<160x128xf32, #tpu.memory_space<vmem>>
      %dma_wait3A_190 = arith.constant 0 : i32
      %dma_wait3A_191 = tpu.memref_slice %arg2[%add3A_181, %dma_wait3A_190] : memref<320000x128xf32, #tpu.memory_space<hbm>> -> memref<160x128xf32, #tpu.memory_space<hbm>>
      tpu.wait_dma2 semaphore(%arg17 : memref<!tpu.dma_semaphore, #tpu.memory_space<semaphore_mem>>) src(%dma_wait3A_191 : memref<160x128xf32, #tpu.memory_space<hbm>>) dst(%dma_wait3A_189 : memref<160x128xf32, #tpu.memory_space<vmem>>)
      %dma_wait3A_192 = arith.constant 0 : i32
      %dma_wait3A_193 = tpu.memref_slice %arg10[%dma_wait3A_192] : memref<160xi32, #tpu.memory_space<vmem>> -> memref<160xi32, #tpu.memory_space<vmem>>
      %dma_wait3A_194 = tpu.memref_slice %arg3[%add3A_181] : memref<320000xi32, #tpu.memory_space<hbm>> -> memref<160xi32, #tpu.memory_space<hbm>>
      %dma_wait3A_195 = arith.constant 0 : i32
      %dma_wait3A_196 = tpu.memref_slice %arg10[%dma_wait3A_195] : memref<160xi32, #tpu.memory_space<vmem>> -> memref<160xi32, #tpu.memory_space<vmem>>
      %dma_wait3A_197 = tpu.memref_slice %arg3[%add3A_181] : memref<320000xi32, #tpu.memory_space<hbm>> -> memref<160xi32, #tpu.memory_space<hbm>>
      tpu.wait_dma2 semaphore(%arg17 : memref<!tpu.dma_semaphore, #tpu.memory_space<semaphore_mem>>) src(%dma_wait3A_197 : memref<160xi32, #tpu.memory_space<hbm>>) dst(%dma_wait3A_196 : memref<160xi32, #tpu.memory_space<vmem>>)
      %add3A_198 = arith.constant 2 : i32
      %add3A_199 = arith.addi %mul3A_136, %add3A_198 : i32
      %mul3A_200 = arith.constant 160 : i32
      %mul3A_201 = arith.muli %add3A_199, %mul3A_200 : i32
      %add3A_202 = arith.addi %mul3A_2, %mul3A_201 : i32
      %dma_start3A_203 = arith.constant 0 : i32
      %dma_start3A_204 = tpu.memref_slice %arg9[%dma_start3A_203] : memref<160xi32, #tpu.memory_space<vmem>> -> memref<160xi32, #tpu.memory_space<vmem>>
      %dma_start3A_205 = tpu.memref_slice %arg3[%add3A_202] : memref<320000xi32, #tpu.memory_space<hbm>> -> memref<160xi32, #tpu.memory_space<hbm>>
      %dma_start3A_206 = arith.constant 0 : i32
      %dma_start3A_207 = tpu.memref_slice %arg9[%dma_start3A_206] : memref<160xi32, #tpu.memory_space<vmem>> -> memref<160xi32, #tpu.memory_space<vmem>>
      %dma_start3A_208 = tpu.memref_slice %arg3[%add3A_202] : memref<320000xi32, #tpu.memory_space<hbm>> -> memref<160xi32, #tpu.memory_space<hbm>>
      tpu.enqueue_dma source(%dma_start3A_208 : memref<160xi32, #tpu.memory_space<hbm>>) target(%dma_start3A_207 : memref<160xi32, #tpu.memory_space<vmem>>) target_semaphore(%arg16 : memref<!tpu.dma_semaphore, #tpu.memory_space<semaphore_mem>>)
      %dma_start3A_209 = arith.constant 0 : i32
      %dma_start3A_210 = arith.constant 0 : i32
      %dma_start3A_211 = tpu.memref_slice %arg11[%dma_start3A_209, %dma_start3A_210] : memref<160x128xf32, #tpu.memory_space<vmem>> -> memref<160x128xf32, #tpu.memory_space<vmem>>
      %dma_start3A_212 = arith.constant 0 : i32
      %dma_start3A_213 = tpu.memref_slice %arg2[%add3A_202, %dma_start3A_212] : memref<320000x128xf32, #tpu.memory_space<hbm>> -> memref<160x128xf32, #tpu.memory_space<hbm>>
      %dma_start3A_214 = arith.constant 0 : i32
      %dma_start3A_215 = arith.constant 0 : i32
      %dma_start3A_216 = tpu.memref_slice %arg11[%dma_start3A_214, %dma_start3A_215] : memref<160x128xf32, #tpu.memory_space<vmem>> -> memref<160x128xf32, #tpu.memory_space<vmem>>
      %dma_start3A_217 = arith.constant 0 : i32
      %dma_start3A_218 = tpu.memref_slice %arg2[%add3A_202, %dma_start3A_217] : memref<320000x128xf32, #tpu.memory_space<hbm>> -> memref<160x128xf32, #tpu.memory_space<hbm>>
      tpu.enqueue_dma source(%dma_start3A_218 : memref<160x128xf32, #tpu.memory_space<hbm>>) target(%dma_start3A_216 : memref<160x128xf32, #tpu.memory_space<vmem>>) target_semaphore(%arg16 : memref<!tpu.dma_semaphore, #tpu.memory_space<semaphore_mem>>)
      "tpu.region"() ({
        %run_scoped3A = tpu.sem_alloc : memref<!tpu.dma_semaphore, #tpu.memory_space<semaphore_mem>>
        %dma_start3A_219 = arith.constant 0 : i32
        %dma_start3A_220 = arith.constant 0 : i32
        %dma_start3A_221 = tpu.memref_slice %arg12[%dma_start3A_219, %dma_start3A_220] : memref<160x128xf32, #tpu.memory_space<vmem>> -> memref<80x128xf32, #tpu.memory_space<vmem>>
        %dma_start3A_222 = arith.constant 0 : i32
        %dma_start3A_223 = tpu.memref_slice %arg10[%dma_start3A_222] : memref<160xi32, #tpu.memory_space<vmem>> -> memref<80xi32, #tpu.memory_space<vmem>>
        %dma_start3A_224 = arith.constant 0 : i32
        %dma_start3A_225 = arith.constant 0 : i32
        %dma_start3A_226 = tpu.memref_slice %arg14[%dma_start3A_224, %dma_start3A_225] : memref<10240x128xf32, #tpu.memory_space<vmem_shared>> -> memref<10240x128xf32, #tpu.memory_space<vmem_shared>>
        tpu.enqueue_indirect_dma source(%dma_start3A_221 : memref<80x128xf32, #tpu.memory_space<vmem>>) target(%dma_start3A_226 : memref<10240x128xf32, #tpu.memory_space<vmem_shared>>) offsets(%dma_start3A_223 : memref<80xi32, #tpu.memory_space<vmem>>) semaphore(%run_scoped3A : memref<!tpu.dma_semaphore, #tpu.memory_space<semaphore_mem>>) {add = true}
        %dma_wait3A_227 = arith.constant 0 : i32
        %dma_wait3A_228 = arith.constant 0 : i32
        %dma_wait3A_229 = tpu.memref_slice %arg12[%dma_wait3A_227, %dma_wait3A_228] : memref<160x128xf32, #tpu.memory_space<vmem>> -> memref<80x128xf32, #tpu.memory_space<vmem>>
        %dma_wait3A_230 = arith.constant 0 : i32
        %dma_wait3A_231 = tpu.memref_slice %arg10[%dma_wait3A_230] : memref<160xi32, #tpu.memory_space<vmem>> -> memref<80xi32, #tpu.memory_space<vmem>>
        %dma_wait3A_232 = arith.constant 0 : i32
        %dma_wait3A_233 = arith.constant 0 : i32
        %dma_wait3A_234 = tpu.memref_slice %arg14[%dma_wait3A_232, %dma_wait3A_233] : memref<10240x128xf32, #tpu.memory_space<vmem_shared>> -> memref<10240x128xf32, #tpu.memory_space<vmem_shared>>
        tpu.wait_indirect_dma semaphore(%run_scoped3A : memref<!tpu.dma_semaphore, #tpu.memory_space<semaphore_mem>>) src(%dma_wait3A_229 : memref<80x128xf32, #tpu.memory_space<vmem>>) dst(%dma_wait3A_234 : memref<10240x128xf32, #tpu.memory_space<vmem_shared>>)
        tpu.yield
      }) : () -> ()
      "tpu.region"() ({
        %run_scoped3A = tpu.sem_alloc : memref<!tpu.dma_semaphore, #tpu.memory_space<semaphore_mem>>
        %dma_start3A_219 = arith.constant 0 : i32
        %dma_start3A_220 = tpu.memref_slice %arg10[%dma_start3A_219] : memref<160xi32, #tpu.memory_space<vmem>> -> memref<80xi32, #tpu.memory_space<vmem>>
        %dma_start3A_221 = arith.constant 0 : i32
        %dma_start3A_222 = tpu.memref_slice %arg15[%dma_start3A_221] : memref<10240xf32, #tpu.memory_space<vmem_shared>> -> memref<10240xf32, #tpu.memory_space<vmem_shared>>
        tpu.enqueue_indirect_dma source(%arg13 : memref<80xf32, #tpu.memory_space<vmem>>) target(%dma_start3A_222 : memref<10240xf32, #tpu.memory_space<vmem_shared>>) offsets(%dma_start3A_220 : memref<80xi32, #tpu.memory_space<vmem>>) semaphore(%run_scoped3A : memref<!tpu.dma_semaphore, #tpu.memory_space<semaphore_mem>>) {add = true}
        %dma_wait3A_223 = arith.constant 0 : i32
        %dma_wait3A_224 = tpu.memref_slice %arg10[%dma_wait3A_223] : memref<160xi32, #tpu.memory_space<vmem>> -> memref<80xi32, #tpu.memory_space<vmem>>
        %dma_wait3A_225 = arith.constant 0 : i32
        %dma_wait3A_226 = tpu.memref_slice %arg15[%dma_wait3A_225] : memref<10240xf32, #tpu.memory_space<vmem_shared>> -> memref<10240xf32, #tpu.memory_space<vmem_shared>>
        tpu.wait_indirect_dma semaphore(%run_scoped3A : memref<!tpu.dma_semaphore, #tpu.memory_space<semaphore_mem>>) src(%arg13 : memref<80xf32, #tpu.memory_space<vmem>>) dst(%dma_wait3A_226 : memref<10240xf32, #tpu.memory_space<vmem_shared>>)
        tpu.yield
      }) : () -> ()
      "tpu.region"() ({
        %run_scoped3A = tpu.sem_alloc : memref<!tpu.dma_semaphore, #tpu.memory_space<semaphore_mem>>
        %dma_start3A_219 = arith.constant 80 : i32
        %dma_start3A_220 = arith.constant 0 : i32
        %dma_start3A_221 = tpu.memref_slice %arg12[%dma_start3A_219, %dma_start3A_220] : memref<160x128xf32, #tpu.memory_space<vmem>> -> memref<80x128xf32, #tpu.memory_space<vmem>>
        %dma_start3A_222 = arith.constant 80 : i32
        %dma_start3A_223 = tpu.memref_slice %arg10[%dma_start3A_222] : memref<160xi32, #tpu.memory_space<vmem>> -> memref<80xi32, #tpu.memory_space<vmem>>
        %dma_start3A_224 = arith.constant 0 : i32
        %dma_start3A_225 = arith.constant 0 : i32
        %dma_start3A_226 = tpu.memref_slice %arg14[%dma_start3A_224, %dma_start3A_225] : memref<10240x128xf32, #tpu.memory_space<vmem_shared>> -> memref<10240x128xf32, #tpu.memory_space<vmem_shared>>
        tpu.enqueue_indirect_dma source(%dma_start3A_221 : memref<80x128xf32, #tpu.memory_space<vmem>>) target(%dma_start3A_226 : memref<10240x128xf32, #tpu.memory_space<vmem_shared>>) offsets(%dma_start3A_223 : memref<80xi32, #tpu.memory_space<vmem>>) semaphore(%run_scoped3A : memref<!tpu.dma_semaphore, #tpu.memory_space<semaphore_mem>>) {add = true}
        %dma_wait3A_227 = arith.constant 80 : i32
        %dma_wait3A_228 = arith.constant 0 : i32
        %dma_wait3A_229 = tpu.memref_slice %arg12[%dma_wait3A_227, %dma_wait3A_228] : memref<160x128xf32, #tpu.memory_space<vmem>> -> memref<80x128xf32, #tpu.memory_space<vmem>>
        %dma_wait3A_230 = arith.constant 80 : i32
        %dma_wait3A_231 = tpu.memref_slice %arg10[%dma_wait3A_230] : memref<160xi32, #tpu.memory_space<vmem>> -> memref<80xi32, #tpu.memory_space<vmem>>
        %dma_wait3A_232 = arith.constant 0 : i32
        %dma_wait3A_233 = arith.constant 0 : i32
        %dma_wait3A_234 = tpu.memref_slice %arg14[%dma_wait3A_232, %dma_wait3A_233] : memref<10240x128xf32, #tpu.memory_space<vmem_shared>> -> memref<10240x128xf32, #tpu.memory_space<vmem_shared>>
        tpu.wait_indirect_dma semaphore(%run_scoped3A : memref<!tpu.dma_semaphore, #tpu.memory_space<semaphore_mem>>) src(%dma_wait3A_229 : memref<80x128xf32, #tpu.memory_space<vmem>>) dst(%dma_wait3A_234 : memref<10240x128xf32, #tpu.memory_space<vmem_shared>>)
        tpu.yield
      }) : () -> ()
      "tpu.region"() ({
        %run_scoped3A = tpu.sem_alloc : memref<!tpu.dma_semaphore, #tpu.memory_space<semaphore_mem>>
        %dma_start3A_219 = arith.constant 80 : i32
        %dma_start3A_220 = tpu.memref_slice %arg10[%dma_start3A_219] : memref<160xi32, #tpu.memory_space<vmem>> -> memref<80xi32, #tpu.memory_space<vmem>>
        %dma_start3A_221 = arith.constant 0 : i32
        %dma_start3A_222 = tpu.memref_slice %arg15[%dma_start3A_221] : memref<10240xf32, #tpu.memory_space<vmem_shared>> -> memref<10240xf32, #tpu.memory_space<vmem_shared>>
        tpu.enqueue_indirect_dma source(%arg13 : memref<80xf32, #tpu.memory_space<vmem>>) target(%dma_start3A_222 : memref<10240xf32, #tpu.memory_space<vmem_shared>>) offsets(%dma_start3A_220 : memref<80xi32, #tpu.memory_space<vmem>>) semaphore(%run_scoped3A : memref<!tpu.dma_semaphore, #tpu.memory_space<semaphore_mem>>) {add = true}
        %dma_wait3A_223 = arith.constant 80 : i32
        %dma_wait3A_224 = tpu.memref_slice %arg10[%dma_wait3A_223] : memref<160xi32, #tpu.memory_space<vmem>> -> memref<80xi32, #tpu.memory_space<vmem>>
        %dma_wait3A_225 = arith.constant 0 : i32
        %dma_wait3A_226 = tpu.memref_slice %arg15[%dma_wait3A_225] : memref<10240xf32, #tpu.memory_space<vmem_shared>> -> memref<10240xf32, #tpu.memory_space<vmem_shared>>
        tpu.wait_indirect_dma semaphore(%run_scoped3A : memref<!tpu.dma_semaphore, #tpu.memory_space<semaphore_mem>>) src(%arg13 : memref<80xf32, #tpu.memory_space<vmem>>) dst(%dma_wait3A_226 : memref<10240xf32, #tpu.memory_space<vmem_shared>>)
        tpu.yield
      }) : () -> ()
    }
    %scan3A_32 = arith.constant 30 : i32
    %add3A_33 = arith.constant 9600 : i32
    %add3A_34 = arith.addi %mul3A_2, %add3A_33 : i32
    %dma_wait3A = arith.constant 0 : i32
    %dma_wait3A_35 = arith.constant 0 : i32
    %dma_wait3A_36 = tpu.memref_slice %arg11[%dma_wait3A, %dma_wait3A_35] : memref<160x128xf32, #tpu.memory_space<vmem>> -> memref<160x128xf32, #tpu.memory_space<vmem>>
    %dma_wait3A_37 = arith.constant 0 : i32
    %dma_wait3A_38 = tpu.memref_slice %arg2[%add3A_34, %dma_wait3A_37] : memref<320000x128xf32, #tpu.memory_space<hbm>> -> memref<160x128xf32, #tpu.memory_space<hbm>>
    %dma_wait3A_39 = arith.constant 0 : i32
    %dma_wait3A_40 = arith.constant 0 : i32
    %dma_wait3A_41 = tpu.memref_slice %arg11[%dma_wait3A_39, %dma_wait3A_40] : memref<160x128xf32, #tpu.memory_space<vmem>> -> memref<160x128xf32, #tpu.memory_space<vmem>>
    %dma_wait3A_42 = arith.constant 0 : i32
    %dma_wait3A_43 = tpu.memref_slice %arg2[%add3A_34, %dma_wait3A_42] : memref<320000x128xf32, #tpu.memory_space<hbm>> -> memref<160x128xf32, #tpu.memory_space<hbm>>
    tpu.wait_dma2 semaphore(%arg16 : memref<!tpu.dma_semaphore, #tpu.memory_space<semaphore_mem>>) src(%dma_wait3A_43 : memref<160x128xf32, #tpu.memory_space<hbm>>) dst(%dma_wait3A_41 : memref<160x128xf32, #tpu.memory_space<vmem>>)
    %dma_wait3A_44 = arith.constant 0 : i32
    %dma_wait3A_45 = tpu.memref_slice %arg9[%dma_wait3A_44] : memref<160xi32, #tpu.memory_space<vmem>> -> memref<160xi32, #tpu.memory_space<vmem>>
    %dma_wait3A_46 = tpu.memref_slice %arg3[%add3A_34] : memref<320000xi32, #tpu.memory_space<hbm>> -> memref<160xi32, #tpu.memory_space<hbm>>
    %dma_wait3A_47 = arith.constant 0 : i32
    %dma_wait3A_48 = tpu.memref_slice %arg9[%dma_wait3A_47] : memref<160xi32, #tpu.memory_space<vmem>> -> memref<160xi32, #tpu.memory_space<vmem>>
    %dma_wait3A_49 = tpu.memref_slice %arg3[%add3A_34] : memref<320000xi32, #tpu.memory_space<hbm>> -> memref<160xi32, #tpu.memory_space<hbm>>
    tpu.wait_dma2 semaphore(%arg16 : memref<!tpu.dma_semaphore, #tpu.memory_space<semaphore_mem>>) src(%dma_wait3A_49 : memref<160xi32, #tpu.memory_space<hbm>>) dst(%dma_wait3A_48 : memref<160xi32, #tpu.memory_space<vmem>>)
    %add3A_50 = arith.constant 9760 : i32
    %add3A_51 = arith.addi %mul3A_2, %add3A_50 : i32
    %dma_start3A_52 = arith.constant 0 : i32
    %dma_start3A_53 = tpu.memref_slice %arg10[%dma_start3A_52] : memref<160xi32, #tpu.memory_space<vmem>> -> memref<160xi32, #tpu.memory_space<vmem>>
    %dma_start3A_54 = tpu.memref_slice %arg3[%add3A_51] : memref<320000xi32, #tpu.memory_space<hbm>> -> memref<160xi32, #tpu.memory_space<hbm>>
    %dma_start3A_55 = arith.constant 0 : i32
    %dma_start3A_56 = tpu.memref_slice %arg10[%dma_start3A_55] : memref<160xi32, #tpu.memory_space<vmem>> -> memref<160xi32, #tpu.memory_space<vmem>>
    %dma_start3A_57 = tpu.memref_slice %arg3[%add3A_51] : memref<320000xi32, #tpu.memory_space<hbm>> -> memref<160xi32, #tpu.memory_space<hbm>>
    tpu.enqueue_dma source(%dma_start3A_57 : memref<160xi32, #tpu.memory_space<hbm>>) target(%dma_start3A_56 : memref<160xi32, #tpu.memory_space<vmem>>) target_semaphore(%arg17 : memref<!tpu.dma_semaphore, #tpu.memory_space<semaphore_mem>>)
    %dma_start3A_58 = arith.constant 0 : i32
    %dma_start3A_59 = arith.constant 0 : i32
    %dma_start3A_60 = tpu.memref_slice %arg12[%dma_start3A_58, %dma_start3A_59] : memref<160x128xf32, #tpu.memory_space<vmem>> -> memref<160x128xf32, #tpu.memory_space<vmem>>
    %dma_start3A_61 = arith.constant 0 : i32
    %dma_start3A_62 = tpu.memref_slice %arg2[%add3A_51, %dma_start3A_61] : memref<320000x128xf32, #tpu.memory_space<hbm>> -> memref<160x128xf32, #tpu.memory_space<hbm>>
    %dma_start3A_63 = arith.constant 0 : i32
    %dma_start3A_64 = arith.constant 0 : i32
    %dma_start3A_65 = tpu.memref_slice %arg12[%dma_start3A_63, %dma_start3A_64] : memref<160x128xf32, #tpu.memory_space<vmem>> -> memref<160x128xf32, #tpu.memory_space<vmem>>
    %dma_start3A_66 = arith.constant 0 : i32
    %dma_start3A_67 = tpu.memref_slice %arg2[%add3A_51, %dma_start3A_66] : memref<320000x128xf32, #tpu.memory_space<hbm>> -> memref<160x128xf32, #tpu.memory_space<hbm>>
    tpu.enqueue_dma source(%dma_start3A_67 : memref<160x128xf32, #tpu.memory_space<hbm>>) target(%dma_start3A_65 : memref<160x128xf32, #tpu.memory_space<vmem>>) target_semaphore(%arg17 : memref<!tpu.dma_semaphore, #tpu.memory_space<semaphore_mem>>)
    "tpu.region"() ({
      %run_scoped3A = tpu.sem_alloc : memref<!tpu.dma_semaphore, #tpu.memory_space<semaphore_mem>>
      %dma_start3A_134 = arith.constant 0 : i32
      %dma_start3A_135 = arith.constant 0 : i32
      %dma_start3A_136 = tpu.memref_slice %arg11[%dma_start3A_134, %dma_start3A_135] : memref<160x128xf32, #tpu.memory_space<vmem>> -> memref<80x128xf32, #tpu.memory_space<vmem>>
      %dma_start3A_137 = arith.constant 0 : i32
      %dma_start3A_138 = tpu.memref_slice %arg9[%dma_start3A_137] : memref<160xi32, #tpu.memory_space<vmem>> -> memref<80xi32, #tpu.memory_space<vmem>>
      %dma_start3A_139 = arith.constant 0 : i32
      %dma_start3A_140 = arith.constant 0 : i32
      %dma_start3A_141 = tpu.memref_slice %arg14[%dma_start3A_139, %dma_start3A_140] : memref<10240x128xf32, #tpu.memory_space<vmem_shared>> -> memref<10240x128xf32, #tpu.memory_space<vmem_shared>>
      tpu.enqueue_indirect_dma source(%dma_start3A_136 : memref<80x128xf32, #tpu.memory_space<vmem>>) target(%dma_start3A_141 : memref<10240x128xf32, #tpu.memory_space<vmem_shared>>) offsets(%dma_start3A_138 : memref<80xi32, #tpu.memory_space<vmem>>) semaphore(%run_scoped3A : memref<!tpu.dma_semaphore, #tpu.memory_space<semaphore_mem>>) {add = true}
      %dma_wait3A_142 = arith.constant 0 : i32
      %dma_wait3A_143 = arith.constant 0 : i32
      %dma_wait3A_144 = tpu.memref_slice %arg11[%dma_wait3A_142, %dma_wait3A_143] : memref<160x128xf32, #tpu.memory_space<vmem>> -> memref<80x128xf32, #tpu.memory_space<vmem>>
      %dma_wait3A_145 = arith.constant 0 : i32
      %dma_wait3A_146 = tpu.memref_slice %arg9[%dma_wait3A_145] : memref<160xi32, #tpu.memory_space<vmem>> -> memref<80xi32, #tpu.memory_space<vmem>>
      %dma_wait3A_147 = arith.constant 0 : i32
      %dma_wait3A_148 = arith.constant 0 : i32
      %dma_wait3A_149 = tpu.memref_slice %arg14[%dma_wait3A_147, %dma_wait3A_148] : memref<10240x128xf32, #tpu.memory_space<vmem_shared>> -> memref<10240x128xf32, #tpu.memory_space<vmem_shared>>
      tpu.wait_indirect_dma semaphore(%run_scoped3A : memref<!tpu.dma_semaphore, #tpu.memory_space<semaphore_mem>>) src(%dma_wait3A_144 : memref<80x128xf32, #tpu.memory_space<vmem>>) dst(%dma_wait3A_149 : memref<10240x128xf32, #tpu.memory_space<vmem_shared>>)
      tpu.yield
    }) : () -> ()
    "tpu.region"() ({
      %run_scoped3A = tpu.sem_alloc : memref<!tpu.dma_semaphore, #tpu.memory_space<semaphore_mem>>
      %dma_start3A_134 = arith.constant 0 : i32
      %dma_start3A_135 = tpu.memref_slice %arg9[%dma_start3A_134] : memref<160xi32, #tpu.memory_space<vmem>> -> memref<80xi32, #tpu.memory_space<vmem>>
      %dma_start3A_136 = arith.constant 0 : i32
      %dma_start3A_137 = tpu.memref_slice %arg15[%dma_start3A_136] : memref<10240xf32, #tpu.memory_space<vmem_shared>> -> memref<10240xf32, #tpu.memory_space<vmem_shared>>
      tpu.enqueue_indirect_dma source(%arg13 : memref<80xf32, #tpu.memory_space<vmem>>) target(%dma_start3A_137 : memref<10240xf32, #tpu.memory_space<vmem_shared>>) offsets(%dma_start3A_135 : memref<80xi32, #tpu.memory_space<vmem>>) semaphore(%run_scoped3A : memref<!tpu.dma_semaphore, #tpu.memory_space<semaphore_mem>>) {add = true}
      %dma_wait3A_138 = arith.constant 0 : i32
      %dma_wait3A_139 = tpu.memref_slice %arg9[%dma_wait3A_138] : memref<160xi32, #tpu.memory_space<vmem>> -> memref<80xi32, #tpu.memory_space<vmem>>
      %dma_wait3A_140 = arith.constant 0 : i32
      %dma_wait3A_141 = tpu.memref_slice %arg15[%dma_wait3A_140] : memref<10240xf32, #tpu.memory_space<vmem_shared>> -> memref<10240xf32, #tpu.memory_space<vmem_shared>>
      tpu.wait_indirect_dma semaphore(%run_scoped3A : memref<!tpu.dma_semaphore, #tpu.memory_space<semaphore_mem>>) src(%arg13 : memref<80xf32, #tpu.memory_space<vmem>>) dst(%dma_wait3A_141 : memref<10240xf32, #tpu.memory_space<vmem_shared>>)
      tpu.yield
    }) : () -> ()
    "tpu.region"() ({
      %run_scoped3A = tpu.sem_alloc : memref<!tpu.dma_semaphore, #tpu.memory_space<semaphore_mem>>
      %dma_start3A_134 = arith.constant 80 : i32
      %dma_start3A_135 = arith.constant 0 : i32
      %dma_start3A_136 = tpu.memref_slice %arg11[%dma_start3A_134, %dma_start3A_135] : memref<160x128xf32, #tpu.memory_space<vmem>> -> memref<80x128xf32, #tpu.memory_space<vmem>>
      %dma_start3A_137 = arith.constant 80 : i32
      %dma_start3A_138 = tpu.memref_slice %arg9[%dma_start3A_137] : memref<160xi32, #tpu.memory_space<vmem>> -> memref<80xi32, #tpu.memory_space<vmem>>
      %dma_start3A_139 = arith.constant 0 : i32
      %dma_start3A_140 = arith.constant 0 : i32
      %dma_start3A_141 = tpu.memref_slice %arg14[%dma_start3A_139, %dma_start3A_140] : memref<10240x128xf32, #tpu.memory_space<vmem_shared>> -> memref<10240x128xf32, #tpu.memory_space<vmem_shared>>
      tpu.enqueue_indirect_dma source(%dma_start3A_136 : memref<80x128xf32, #tpu.memory_space<vmem>>) target(%dma_start3A_141 : memref<10240x128xf32, #tpu.memory_space<vmem_shared>>) offsets(%dma_start3A_138 : memref<80xi32, #tpu.memory_space<vmem>>) semaphore(%run_scoped3A : memref<!tpu.dma_semaphore, #tpu.memory_space<semaphore_mem>>) {add = true}
      %dma_wait3A_142 = arith.constant 80 : i32
      %dma_wait3A_143 = arith.constant 0 : i32
      %dma_wait3A_144 = tpu.memref_slice %arg11[%dma_wait3A_142, %dma_wait3A_143] : memref<160x128xf32, #tpu.memory_space<vmem>> -> memref<80x128xf32, #tpu.memory_space<vmem>>
      %dma_wait3A_145 = arith.constant 80 : i32
      %dma_wait3A_146 = tpu.memref_slice %arg9[%dma_wait3A_145] : memref<160xi32, #tpu.memory_space<vmem>> -> memref<80xi32, #tpu.memory_space<vmem>>
      %dma_wait3A_147 = arith.constant 0 : i32
      %dma_wait3A_148 = arith.constant 0 : i32
      %dma_wait3A_149 = tpu.memref_slice %arg14[%dma_wait3A_147, %dma_wait3A_148] : memref<10240x128xf32, #tpu.memory_space<vmem_shared>> -> memref<10240x128xf32, #tpu.memory_space<vmem_shared>>
      tpu.wait_indirect_dma semaphore(%run_scoped3A : memref<!tpu.dma_semaphore, #tpu.memory_space<semaphore_mem>>) src(%dma_wait3A_144 : memref<80x128xf32, #tpu.memory_space<vmem>>) dst(%dma_wait3A_149 : memref<10240x128xf32, #tpu.memory_space<vmem_shared>>)
      tpu.yield
    }) : () -> ()
    "tpu.region"() ({
      %run_scoped3A = tpu.sem_alloc : memref<!tpu.dma_semaphore, #tpu.memory_space<semaphore_mem>>
      %dma_start3A_134 = arith.constant 80 : i32
      %dma_start3A_135 = tpu.memref_slice %arg9[%dma_start3A_134] : memref<160xi32, #tpu.memory_space<vmem>> -> memref<80xi32, #tpu.memory_space<vmem>>
      %dma_start3A_136 = arith.constant 0 : i32
      %dma_start3A_137 = tpu.memref_slice %arg15[%dma_start3A_136] : memref<10240xf32, #tpu.memory_space<vmem_shared>> -> memref<10240xf32, #tpu.memory_space<vmem_shared>>
      tpu.enqueue_indirect_dma source(%arg13 : memref<80xf32, #tpu.memory_space<vmem>>) target(%dma_start3A_137 : memref<10240xf32, #tpu.memory_space<vmem_shared>>) offsets(%dma_start3A_135 : memref<80xi32, #tpu.memory_space<vmem>>) semaphore(%run_scoped3A : memref<!tpu.dma_semaphore, #tpu.memory_space<semaphore_mem>>) {add = true}
      %dma_wait3A_138 = arith.constant 80 : i32
      %dma_wait3A_139 = tpu.memref_slice %arg9[%dma_wait3A_138] : memref<160xi32, #tpu.memory_space<vmem>> -> memref<80xi32, #tpu.memory_space<vmem>>
      %dma_wait3A_140 = arith.constant 0 : i32
      %dma_wait3A_141 = tpu.memref_slice %arg15[%dma_wait3A_140] : memref<10240xf32, #tpu.memory_space<vmem_shared>> -> memref<10240xf32, #tpu.memory_space<vmem_shared>>
      tpu.wait_indirect_dma semaphore(%run_scoped3A : memref<!tpu.dma_semaphore, #tpu.memory_space<semaphore_mem>>) src(%arg13 : memref<80xf32, #tpu.memory_space<vmem>>) dst(%dma_wait3A_141 : memref<10240xf32, #tpu.memory_space<vmem_shared>>)
      tpu.yield
    }) : () -> ()
    %add3A_68 = arith.constant 9760 : i32
    %add3A_69 = arith.addi %mul3A_2, %add3A_68 : i32
    %dma_wait3A_70 = arith.constant 0 : i32
    %dma_wait3A_71 = arith.constant 0 : i32
    %dma_wait3A_72 = tpu.memref_slice %arg12[%dma_wait3A_70, %dma_wait3A_71] : memref<160x128xf32, #tpu.memory_space<vmem>> -> memref<160x128xf32, #tpu.memory_space<vmem>>
    %dma_wait3A_73 = arith.constant 0 : i32
    %dma_wait3A_74 = tpu.memref_slice %arg2[%add3A_69, %dma_wait3A_73] : memref<320000x128xf32, #tpu.memory_space<hbm>> -> memref<160x128xf32, #tpu.memory_space<hbm>>
    %dma_wait3A_75 = arith.constant 0 : i32
    %dma_wait3A_76 = arith.constant 0 : i32
    %dma_wait3A_77 = tpu.memref_slice %arg12[%dma_wait3A_75, %dma_wait3A_76] : memref<160x128xf32, #tpu.memory_space<vmem>> -> memref<160x128xf32, #tpu.memory_space<vmem>>
    %dma_wait3A_78 = arith.constant 0 : i32
    %dma_wait3A_79 = tpu.memref_slice %arg2[%add3A_69, %dma_wait3A_78] : memref<320000x128xf32, #tpu.memory_space<hbm>> -> memref<160x128xf32, #tpu.memory_space<hbm>>
    tpu.wait_dma2 semaphore(%arg17 : memref<!tpu.dma_semaphore, #tpu.memory_space<semaphore_mem>>) src(%dma_wait3A_79 : memref<160x128xf32, #tpu.memory_space<hbm>>) dst(%dma_wait3A_77 : memref<160x128xf32, #tpu.memory_space<vmem>>)
    %dma_wait3A_80 = arith.constant 0 : i32
    %dma_wait3A_81 = tpu.memref_slice %arg10[%dma_wait3A_80] : memref<160xi32, #tpu.memory_space<vmem>> -> memref<160xi32, #tpu.memory_space<vmem>>
    %dma_wait3A_82 = tpu.memref_slice %arg3[%add3A_69] : memref<320000xi32, #tpu.memory_space<hbm>> -> memref<160xi32, #tpu.memory_space<hbm>>
    %dma_wait3A_83 = arith.constant 0 : i32
    %dma_wait3A_84 = tpu.memref_slice %arg10[%dma_wait3A_83] : memref<160xi32, #tpu.memory_space<vmem>> -> memref<160xi32, #tpu.memory_space<vmem>>
    %dma_wait3A_85 = tpu.memref_slice %arg3[%add3A_69] : memref<320000xi32, #tpu.memory_space<hbm>> -> memref<160xi32, #tpu.memory_space<hbm>>
    tpu.wait_dma2 semaphore(%arg17 : memref<!tpu.dma_semaphore, #tpu.memory_space<semaphore_mem>>) src(%dma_wait3A_85 : memref<160xi32, #tpu.memory_space<hbm>>) dst(%dma_wait3A_84 : memref<160xi32, #tpu.memory_space<vmem>>)
    %add3A_86 = arith.constant 9920 : i32
    %add3A_87 = arith.addi %mul3A_2, %add3A_86 : i32
    %dma_start3A_88 = arith.constant 0 : i32
    %dma_start3A_89 = tpu.memref_slice %arg9[%dma_start3A_88] : memref<160xi32, #tpu.memory_space<vmem>> -> memref<80xi32, #tpu.memory_space<vmem>>
    %dma_start3A_90 = tpu.memref_slice %arg3[%add3A_87] : memref<320000xi32, #tpu.memory_space<hbm>> -> memref<80xi32, #tpu.memory_space<hbm>>
    %dma_start3A_91 = arith.constant 0 : i32
    %dma_start3A_92 = tpu.memref_slice %arg9[%dma_start3A_91] : memref<160xi32, #tpu.memory_space<vmem>> -> memref<80xi32, #tpu.memory_space<vmem>>
    %dma_start3A_93 = tpu.memref_slice %arg3[%add3A_87] : memref<320000xi32, #tpu.memory_space<hbm>> -> memref<80xi32, #tpu.memory_space<hbm>>
    tpu.enqueue_dma source(%dma_start3A_93 : memref<80xi32, #tpu.memory_space<hbm>>) target(%dma_start3A_92 : memref<80xi32, #tpu.memory_space<vmem>>) target_semaphore(%arg16 : memref<!tpu.dma_semaphore, #tpu.memory_space<semaphore_mem>>)
    %dma_start3A_94 = arith.constant 0 : i32
    %dma_start3A_95 = arith.constant 0 : i32
    %dma_start3A_96 = tpu.memref_slice %arg11[%dma_start3A_94, %dma_start3A_95] : memref<160x128xf32, #tpu.memory_space<vmem>> -> memref<80x128xf32, #tpu.memory_space<vmem>>
    %dma_start3A_97 = arith.constant 0 : i32
    %dma_start3A_98 = tpu.memref_slice %arg2[%add3A_87, %dma_start3A_97] : memref<320000x128xf32, #tpu.memory_space<hbm>> -> memref<80x128xf32, #tpu.memory_space<hbm>>
    %dma_start3A_99 = arith.constant 0 : i32
    %dma_start3A_100 = arith.constant 0 : i32
    %dma_start3A_101 = tpu.memref_slice %arg11[%dma_start3A_99, %dma_start3A_100] : memref<160x128xf32, #tpu.memory_space<vmem>> -> memref<80x128xf32, #tpu.memory_space<vmem>>
    %dma_start3A_102 = arith.constant 0 : i32
    %dma_start3A_103 = tpu.memref_slice %arg2[%add3A_87, %dma_start3A_102] : memref<320000x128xf32, #tpu.memory_space<hbm>> -> memref<80x128xf32, #tpu.memory_space<hbm>>
    tpu.enqueue_dma source(%dma_start3A_103 : memref<80x128xf32, #tpu.memory_space<hbm>>) target(%dma_start3A_101 : memref<80x128xf32, #tpu.memory_space<vmem>>) target_semaphore(%arg16 : memref<!tpu.dma_semaphore, #tpu.memory_space<semaphore_mem>>)
    "tpu.region"() ({
      %run_scoped3A = tpu.sem_alloc : memref<!tpu.dma_semaphore, #tpu.memory_space<semaphore_mem>>
      %dma_start3A_134 = arith.constant 0 : i32
      %dma_start3A_135 = arith.constant 0 : i32
      %dma_start3A_136 = tpu.memref_slice %arg12[%dma_start3A_134, %dma_start3A_135] : memref<160x128xf32, #tpu.memory_space<vmem>> -> memref<80x128xf32, #tpu.memory_space<vmem>>
      %dma_start3A_137 = arith.constant 0 : i32
      %dma_start3A_138 = tpu.memref_slice %arg10[%dma_start3A_137] : memref<160xi32, #tpu.memory_space<vmem>> -> memref<80xi32, #tpu.memory_space<vmem>>
      %dma_start3A_139 = arith.constant 0 : i32
      %dma_start3A_140 = arith.constant 0 : i32
      %dma_start3A_141 = tpu.memref_slice %arg14[%dma_start3A_139, %dma_start3A_140] : memref<10240x128xf32, #tpu.memory_space<vmem_shared>> -> memref<10240x128xf32, #tpu.memory_space<vmem_shared>>
      tpu.enqueue_indirect_dma source(%dma_start3A_136 : memref<80x128xf32, #tpu.memory_space<vmem>>) target(%dma_start3A_141 : memref<10240x128xf32, #tpu.memory_space<vmem_shared>>) offsets(%dma_start3A_138 : memref<80xi32, #tpu.memory_space<vmem>>) semaphore(%run_scoped3A : memref<!tpu.dma_semaphore, #tpu.memory_space<semaphore_mem>>) {add = true}
      %dma_wait3A_142 = arith.constant 0 : i32
      %dma_wait3A_143 = arith.constant 0 : i32
      %dma_wait3A_144 = tpu.memref_slice %arg12[%dma_wait3A_142, %dma_wait3A_143] : memref<160x128xf32, #tpu.memory_space<vmem>> -> memref<80x128xf32, #tpu.memory_space<vmem>>
      %dma_wait3A_145 = arith.constant 0 : i32
      %dma_wait3A_146 = tpu.memref_slice %arg10[%dma_wait3A_145] : memref<160xi32, #tpu.memory_space<vmem>> -> memref<80xi32, #tpu.memory_space<vmem>>
      %dma_wait3A_147 = arith.constant 0 : i32
      %dma_wait3A_148 = arith.constant 0 : i32
      %dma_wait3A_149 = tpu.memref_slice %arg14[%dma_wait3A_147, %dma_wait3A_148] : memref<10240x128xf32, #tpu.memory_space<vmem_shared>> -> memref<10240x128xf32, #tpu.memory_space<vmem_shared>>
      tpu.wait_indirect_dma semaphore(%run_scoped3A : memref<!tpu.dma_semaphore, #tpu.memory_space<semaphore_mem>>) src(%dma_wait3A_144 : memref<80x128xf32, #tpu.memory_space<vmem>>) dst(%dma_wait3A_149 : memref<10240x128xf32, #tpu.memory_space<vmem_shared>>)
      tpu.yield
    }) : () -> ()
    "tpu.region"() ({
      %run_scoped3A = tpu.sem_alloc : memref<!tpu.dma_semaphore, #tpu.memory_space<semaphore_mem>>
      %dma_start3A_134 = arith.constant 0 : i32
      %dma_start3A_135 = tpu.memref_slice %arg10[%dma_start3A_134] : memref<160xi32, #tpu.memory_space<vmem>> -> memref<80xi32, #tpu.memory_space<vmem>>
      %dma_start3A_136 = arith.constant 0 : i32
      %dma_start3A_137 = tpu.memref_slice %arg15[%dma_start3A_136] : memref<10240xf32, #tpu.memory_space<vmem_shared>> -> memref<10240xf32, #tpu.memory_space<vmem_shared>>
      tpu.enqueue_indirect_dma source(%arg13 : memref<80xf32, #tpu.memory_space<vmem>>) target(%dma_start3A_137 : memref<10240xf32, #tpu.memory_space<vmem_shared>>) offsets(%dma_start3A_135 : memref<80xi32, #tpu.memory_space<vmem>>) semaphore(%run_scoped3A : memref<!tpu.dma_semaphore, #tpu.memory_space<semaphore_mem>>) {add = true}
      %dma_wait3A_138 = arith.constant 0 : i32
      %dma_wait3A_139 = tpu.memref_slice %arg10[%dma_wait3A_138] : memref<160xi32, #tpu.memory_space<vmem>> -> memref<80xi32, #tpu.memory_space<vmem>>
      %dma_wait3A_140 = arith.constant 0 : i32
      %dma_wait3A_141 = tpu.memref_slice %arg15[%dma_wait3A_140] : memref<10240xf32, #tpu.memory_space<vmem_shared>> -> memref<10240xf32, #tpu.memory_space<vmem_shared>>
      tpu.wait_indirect_dma semaphore(%run_scoped3A : memref<!tpu.dma_semaphore, #tpu.memory_space<semaphore_mem>>) src(%arg13 : memref<80xf32, #tpu.memory_space<vmem>>) dst(%dma_wait3A_141 : memref<10240xf32, #tpu.memory_space<vmem_shared>>)
      tpu.yield
    }) : () -> ()
    "tpu.region"() ({
      %run_scoped3A = tpu.sem_alloc : memref<!tpu.dma_semaphore, #tpu.memory_space<semaphore_mem>>
      %dma_start3A_134 = arith.constant 80 : i32
      %dma_start3A_135 = arith.constant 0 : i32
      %dma_start3A_136 = tpu.memref_slice %arg12[%dma_start3A_134, %dma_start3A_135] : memref<160x128xf32, #tpu.memory_space<vmem>> -> memref<80x128xf32, #tpu.memory_space<vmem>>
      %dma_start3A_137 = arith.constant 80 : i32
      %dma_start3A_138 = tpu.memref_slice %arg10[%dma_start3A_137] : memref<160xi32, #tpu.memory_space<vmem>> -> memref<80xi32, #tpu.memory_space<vmem>>
      %dma_start3A_139 = arith.constant 0 : i32
      %dma_start3A_140 = arith.constant 0 : i32
      %dma_start3A_141 = tpu.memref_slice %arg14[%dma_start3A_139, %dma_start3A_140] : memref<10240x128xf32, #tpu.memory_space<vmem_shared>> -> memref<10240x128xf32, #tpu.memory_space<vmem_shared>>
      tpu.enqueue_indirect_dma source(%dma_start3A_136 : memref<80x128xf32, #tpu.memory_space<vmem>>) target(%dma_start3A_141 : memref<10240x128xf32, #tpu.memory_space<vmem_shared>>) offsets(%dma_start3A_138 : memref<80xi32, #tpu.memory_space<vmem>>) semaphore(%run_scoped3A : memref<!tpu.dma_semaphore, #tpu.memory_space<semaphore_mem>>) {add = true}
      %dma_wait3A_142 = arith.constant 80 : i32
      %dma_wait3A_143 = arith.constant 0 : i32
      %dma_wait3A_144 = tpu.memref_slice %arg12[%dma_wait3A_142, %dma_wait3A_143] : memref<160x128xf32, #tpu.memory_space<vmem>> -> memref<80x128xf32, #tpu.memory_space<vmem>>
      %dma_wait3A_145 = arith.constant 80 : i32
      %dma_wait3A_146 = tpu.memref_slice %arg10[%dma_wait3A_145] : memref<160xi32, #tpu.memory_space<vmem>> -> memref<80xi32, #tpu.memory_space<vmem>>
      %dma_wait3A_147 = arith.constant 0 : i32
      %dma_wait3A_148 = arith.constant 0 : i32
      %dma_wait3A_149 = tpu.memref_slice %arg14[%dma_wait3A_147, %dma_wait3A_148] : memref<10240x128xf32, #tpu.memory_space<vmem_shared>> -> memref<10240x128xf32, #tpu.memory_space<vmem_shared>>
      tpu.wait_indirect_dma semaphore(%run_scoped3A : memref<!tpu.dma_semaphore, #tpu.memory_space<semaphore_mem>>) src(%dma_wait3A_144 : memref<80x128xf32, #tpu.memory_space<vmem>>) dst(%dma_wait3A_149 : memref<10240x128xf32, #tpu.memory_space<vmem_shared>>)
      tpu.yield
    }) : () -> ()
    "tpu.region"() ({
      %run_scoped3A = tpu.sem_alloc : memref<!tpu.dma_semaphore, #tpu.memory_space<semaphore_mem>>
      %dma_start3A_134 = arith.constant 80 : i32
      %dma_start3A_135 = tpu.memref_slice %arg10[%dma_start3A_134] : memref<160xi32, #tpu.memory_space<vmem>> -> memref<80xi32, #tpu.memory_space<vmem>>
      %dma_start3A_136 = arith.constant 0 : i32
      %dma_start3A_137 = tpu.memref_slice %arg15[%dma_start3A_136] : memref<10240xf32, #tpu.memory_space<vmem_shared>> -> memref<10240xf32, #tpu.memory_space<vmem_shared>>
      tpu.enqueue_indirect_dma source(%arg13 : memref<80xf32, #tpu.memory_space<vmem>>) target(%dma_start3A_137 : memref<10240xf32, #tpu.memory_space<vmem_shared>>) offsets(%dma_start3A_135 : memref<80xi32, #tpu.memory_space<vmem>>) semaphore(%run_scoped3A : memref<!tpu.dma_semaphore, #tpu.memory_space<semaphore_mem>>) {add = true}
      %dma_wait3A_138 = arith.constant 80 : i32
      %dma_wait3A_139 = tpu.memref_slice %arg10[%dma_wait3A_138] : memref<160xi32, #tpu.memory_space<vmem>> -> memref<80xi32, #tpu.memory_space<vmem>>
      %dma_wait3A_140 = arith.constant 0 : i32
      %dma_wait3A_141 = tpu.memref_slice %arg15[%dma_wait3A_140] : memref<10240xf32, #tpu.memory_space<vmem_shared>> -> memref<10240xf32, #tpu.memory_space<vmem_shared>>
      tpu.wait_indirect_dma semaphore(%run_scoped3A : memref<!tpu.dma_semaphore, #tpu.memory_space<semaphore_mem>>) src(%arg13 : memref<80xf32, #tpu.memory_space<vmem>>) dst(%dma_wait3A_141 : memref<10240xf32, #tpu.memory_space<vmem_shared>>)
      tpu.yield
    }) : () -> ()
    %add3A_104 = arith.constant 9920 : i32
    %add3A_105 = arith.addi %mul3A_2, %add3A_104 : i32
    %dma_wait3A_106 = arith.constant 0 : i32
    %dma_wait3A_107 = arith.constant 0 : i32
    %dma_wait3A_108 = tpu.memref_slice %arg11[%dma_wait3A_106, %dma_wait3A_107] : memref<160x128xf32, #tpu.memory_space<vmem>> -> memref<80x128xf32, #tpu.memory_space<vmem>>
    %dma_wait3A_109 = arith.constant 0 : i32
    %dma_wait3A_110 = tpu.memref_slice %arg2[%add3A_105, %dma_wait3A_109] : memref<320000x128xf32, #tpu.memory_space<hbm>> -> memref<80x128xf32, #tpu.memory_space<hbm>>
    %dma_wait3A_111 = arith.constant 0 : i32
    %dma_wait3A_112 = arith.constant 0 : i32
    %dma_wait3A_113 = tpu.memref_slice %arg11[%dma_wait3A_111, %dma_wait3A_112] : memref<160x128xf32, #tpu.memory_space<vmem>> -> memref<80x128xf32, #tpu.memory_space<vmem>>
    %dma_wait3A_114 = arith.constant 0 : i32
    %dma_wait3A_115 = tpu.memref_slice %arg2[%add3A_105, %dma_wait3A_114] : memref<320000x128xf32, #tpu.memory_space<hbm>> -> memref<80x128xf32, #tpu.memory_space<hbm>>
    tpu.wait_dma2 semaphore(%arg16 : memref<!tpu.dma_semaphore, #tpu.memory_space<semaphore_mem>>) src(%dma_wait3A_115 : memref<80x128xf32, #tpu.memory_space<hbm>>) dst(%dma_wait3A_113 : memref<80x128xf32, #tpu.memory_space<vmem>>)
    %dma_wait3A_116 = arith.constant 0 : i32
    %dma_wait3A_117 = tpu.memref_slice %arg9[%dma_wait3A_116] : memref<160xi32, #tpu.memory_space<vmem>> -> memref<80xi32, #tpu.memory_space<vmem>>
    %dma_wait3A_118 = tpu.memref_slice %arg3[%add3A_105] : memref<320000xi32, #tpu.memory_space<hbm>> -> memref<80xi32, #tpu.memory_space<hbm>>
    %dma_wait3A_119 = arith.constant 0 : i32
    %dma_wait3A_120 = tpu.memref_slice %arg9[%dma_wait3A_119] : memref<160xi32, #tpu.memory_space<vmem>> -> memref<80xi32, #tpu.memory_space<vmem>>
    %dma_wait3A_121 = tpu.memref_slice %arg3[%add3A_105] : memref<320000xi32, #tpu.memory_space<hbm>> -> memref<80xi32, #tpu.memory_space<hbm>>
    tpu.wait_dma2 semaphore(%arg16 : memref<!tpu.dma_semaphore, #tpu.memory_space<semaphore_mem>>) src(%dma_wait3A_121 : memref<80xi32, #tpu.memory_space<hbm>>) dst(%dma_wait3A_120 : memref<80xi32, #tpu.memory_space<vmem>>)
    "tpu.region"() ({
      %run_scoped3A = tpu.sem_alloc : memref<!tpu.dma_semaphore, #tpu.memory_space<semaphore_mem>>
      %dma_start3A_134 = arith.constant 0 : i32
      %dma_start3A_135 = arith.constant 0 : i32
      %dma_start3A_136 = tpu.memref_slice %arg11[%dma_start3A_134, %dma_start3A_135] : memref<160x128xf32, #tpu.memory_space<vmem>> -> memref<80x128xf32, #tpu.memory_space<vmem>>
      %dma_start3A_137 = arith.constant 0 : i32
      %dma_start3A_138 = tpu.memref_slice %arg9[%dma_start3A_137] : memref<160xi32, #tpu.memory_space<vmem>> -> memref<80xi32, #tpu.memory_space<vmem>>
      %dma_start3A_139 = arith.constant 0 : i32
      %dma_start3A_140 = arith.constant 0 : i32
      %dma_start3A_141 = tpu.memref_slice %arg14[%dma_start3A_139, %dma_start3A_140] : memref<10240x128xf32, #tpu.memory_space<vmem_shared>> -> memref<10240x128xf32, #tpu.memory_space<vmem_shared>>
      tpu.enqueue_indirect_dma source(%dma_start3A_136 : memref<80x128xf32, #tpu.memory_space<vmem>>) target(%dma_start3A_141 : memref<10240x128xf32, #tpu.memory_space<vmem_shared>>) offsets(%dma_start3A_138 : memref<80xi32, #tpu.memory_space<vmem>>) semaphore(%run_scoped3A : memref<!tpu.dma_semaphore, #tpu.memory_space<semaphore_mem>>) {add = true}
      %dma_wait3A_142 = arith.constant 0 : i32
      %dma_wait3A_143 = arith.constant 0 : i32
      %dma_wait3A_144 = tpu.memref_slice %arg11[%dma_wait3A_142, %dma_wait3A_143] : memref<160x128xf32, #tpu.memory_space<vmem>> -> memref<80x128xf32, #tpu.memory_space<vmem>>
      %dma_wait3A_145 = arith.constant 0 : i32
      %dma_wait3A_146 = tpu.memref_slice %arg9[%dma_wait3A_145] : memref<160xi32, #tpu.memory_space<vmem>> -> memref<80xi32, #tpu.memory_space<vmem>>
      %dma_wait3A_147 = arith.constant 0 : i32
      %dma_wait3A_148 = arith.constant 0 : i32
      %dma_wait3A_149 = tpu.memref_slice %arg14[%dma_wait3A_147, %dma_wait3A_148] : memref<10240x128xf32, #tpu.memory_space<vmem_shared>> -> memref<10240x128xf32, #tpu.memory_space<vmem_shared>>
      tpu.wait_indirect_dma semaphore(%run_scoped3A : memref<!tpu.dma_semaphore, #tpu.memory_space<semaphore_mem>>) src(%dma_wait3A_144 : memref<80x128xf32, #tpu.memory_space<vmem>>) dst(%dma_wait3A_149 : memref<10240x128xf32, #tpu.memory_space<vmem_shared>>)
      tpu.yield
    }) : () -> ()
    "tpu.region"() ({
      %run_scoped3A = tpu.sem_alloc : memref<!tpu.dma_semaphore, #tpu.memory_space<semaphore_mem>>
      %dma_start3A_134 = arith.constant 0 : i32
      %dma_start3A_135 = tpu.memref_slice %arg9[%dma_start3A_134] : memref<160xi32, #tpu.memory_space<vmem>> -> memref<80xi32, #tpu.memory_space<vmem>>
      %dma_start3A_136 = arith.constant 0 : i32
      %dma_start3A_137 = tpu.memref_slice %arg15[%dma_start3A_136] : memref<10240xf32, #tpu.memory_space<vmem_shared>> -> memref<10240xf32, #tpu.memory_space<vmem_shared>>
      tpu.enqueue_indirect_dma source(%arg13 : memref<80xf32, #tpu.memory_space<vmem>>) target(%dma_start3A_137 : memref<10240xf32, #tpu.memory_space<vmem_shared>>) offsets(%dma_start3A_135 : memref<80xi32, #tpu.memory_space<vmem>>) semaphore(%run_scoped3A : memref<!tpu.dma_semaphore, #tpu.memory_space<semaphore_mem>>) {add = true}
      %dma_wait3A_138 = arith.constant 0 : i32
      %dma_wait3A_139 = tpu.memref_slice %arg9[%dma_wait3A_138] : memref<160xi32, #tpu.memory_space<vmem>> -> memref<80xi32, #tpu.memory_space<vmem>>
      %dma_wait3A_140 = arith.constant 0 : i32
      %dma_wait3A_141 = tpu.memref_slice %arg15[%dma_wait3A_140] : memref<10240xf32, #tpu.memory_space<vmem_shared>> -> memref<10240xf32, #tpu.memory_space<vmem_shared>>
      tpu.wait_indirect_dma semaphore(%run_scoped3A : memref<!tpu.dma_semaphore, #tpu.memory_space<semaphore_mem>>) src(%arg13 : memref<80xf32, #tpu.memory_space<vmem>>) dst(%dma_wait3A_141 : memref<10240xf32, #tpu.memory_space<vmem_shared>>)
      tpu.yield
    }) : () -> ()
    %barrier3A_122 = arith.constant 0 : index
    tpu.barrier barrier_id(%barrier3A_122)
    %mul3A_123 = arith.constant 640 : i32
    %mul3A_124 = arith.muli %arg1, %mul3A_123 : i32
    %mul3A_125 = arith.constant 640 : i32
    %mul3A_126 = arith.muli %arg1, %mul3A_125 : i32
    "tpu.region"() ({
      %run_scoped3A = tpu.sem_alloc : memref<!tpu.dma_semaphore, #tpu.memory_space<semaphore_mem>>
      %dma_start3A_134 = arith.constant 0 : i32
      %dma_start3A_135 = tpu.memref_slice %arg7[%arg0, %mul3A_126, %dma_start3A_134] : memref<2x10240x128xf32, #tpu.memory_space<hbm>> -> memref<1x640x128xf32, #tpu.memory_space<hbm>>
      %dma_start3A_136 = tpu.memref_squeeze %dma_start3A_135 : memref<1x640x128xf32, #tpu.memory_space<hbm>> -> memref<640x128xf32, #tpu.memory_space<hbm>>
      %dma_start3A_137 = arith.constant 0 : i32
      %dma_start3A_138 = tpu.memref_slice %arg14[%mul3A_124, %dma_start3A_137] : memref<10240x128xf32, #tpu.memory_space<vmem_shared>> -> memref<640x128xf32, #tpu.memory_space<vmem_shared>>
      tpu.enqueue_dma source(%dma_start3A_138 : memref<640x128xf32, #tpu.memory_space<vmem_shared>>) target(%dma_start3A_136 : memref<640x128xf32, #tpu.memory_space<hbm>>) target_semaphore(%run_scoped3A : memref<!tpu.dma_semaphore, #tpu.memory_space<semaphore_mem>>)
      %dma_wait3A_139 = arith.constant 0 : i32
      %dma_wait3A_140 = tpu.memref_slice %arg7[%arg0, %mul3A_126, %dma_wait3A_139] : memref<2x10240x128xf32, #tpu.memory_space<hbm>> -> memref<1x640x128xf32, #tpu.memory_space<hbm>>
      %dma_wait3A_141 = tpu.memref_squeeze %dma_wait3A_140 : memref<1x640x128xf32, #tpu.memory_space<hbm>> -> memref<640x128xf32, #tpu.memory_space<hbm>>
      %dma_wait3A_142 = arith.constant 0 : i32
      %dma_wait3A_143 = tpu.memref_slice %arg14[%mul3A_124, %dma_wait3A_142] : memref<10240x128xf32, #tpu.memory_space<vmem_shared>> -> memref<640x128xf32, #tpu.memory_space<vmem_shared>>
      tpu.wait_dma2 semaphore(%run_scoped3A : memref<!tpu.dma_semaphore, #tpu.memory_space<semaphore_mem>>) src(%dma_wait3A_143 : memref<640x128xf32, #tpu.memory_space<vmem_shared>>) dst(%dma_wait3A_141 : memref<640x128xf32, #tpu.memory_space<hbm>>)
      tpu.yield
    }) : () -> ()
    %mul3A_127 = arith.constant 640 : i32
    %mul3A_128 = arith.muli %arg1, %mul3A_127 : i32
    %mul3A_129 = arith.constant 10240 : i32
    %mul3A_130 = arith.muli %arg0, %mul3A_129 : i32
    %mul3A_131 = arith.constant 640 : i32
    %mul3A_132 = arith.muli %arg1, %mul3A_131 : i32
    %add3A_133 = arith.addi %mul3A_130, %mul3A_132 : i32
    "tpu.region"() ({
      %run_scoped3A = tpu.sem_alloc : memref<!tpu.dma_semaphore, #tpu.memory_space<semaphore_mem>>
      %dma_start3A_134 = tpu.memref_slice %arg8[%add3A_133] : memref<20480xf32, #tpu.memory_space<hbm>> -> memref<640xf32, #tpu.memory_space<hbm>>
      %dma_start3A_135 = tpu.memref_slice %arg15[%mul3A_128] : memref<10240xf32, #tpu.memory_space<vmem_shared>> -> memref<640xf32, #tpu.memory_space<vmem_shared>>
      tpu.enqueue_dma source(%dma_start3A_135 : memref<640xf32, #tpu.memory_space<vmem_shared>>) target(%dma_start3A_134 : memref<640xf32, #tpu.memory_space<hbm>>) target_semaphore(%run_scoped3A : memref<!tpu.dma_semaphore, #tpu.memory_space<semaphore_mem>>)
      %dma_wait3A_136 = tpu.memref_slice %arg8[%add3A_133] : memref<20480xf32, #tpu.memory_space<hbm>> -> memref<640xf32, #tpu.memory_space<hbm>>
      %dma_wait3A_137 = tpu.memref_slice %arg15[%mul3A_128] : memref<10240xf32, #tpu.memory_space<vmem_shared>> -> memref<640xf32, #tpu.memory_space<vmem_shared>>
      tpu.wait_dma2 semaphore(%run_scoped3A : memref<!tpu.dma_semaphore, #tpu.memory_space<semaphore_mem>>) src(%dma_wait3A_137 : memref<640xf32, #tpu.memory_space<vmem_shared>>) dst(%dma_wait3A_136 : memref<640xf32, #tpu.memory_space<hbm>>)
      tpu.yield
    }) : () -> ()
    return
  }
}

#map = affine_map<(d0, d1) -> (0, 0)>
#map1 = affine_map<(d0, d1) -> (0)>
module attributes {stable_mosaic.version = 14 : i64} {
  func.func @_sc_gather(%arg0: i32, %arg1: i32, %arg2: memref<320000x128xf32, #tpu.memory_space<hbm>>, %arg3: memref<320000xi32, #tpu.memory_space<hbm>>, %arg4: memref<10240x128xf32, #tpu.memory_space<hbm>>, %arg5: memref<320000x128xf32, #tpu.memory_space<hbm>>, %arg6: memref<200xi32, #tpu.memory_space<vmem>>, %arg7: memref<200xi32, #tpu.memory_space<vmem>>, %arg8: memref<200xi32, #tpu.memory_space<vmem>>, %arg9: memref<200x128xf32, #tpu.memory_space<vmem>>, %arg10: memref<200x128xf32, #tpu.memory_space<vmem>>, %arg11: memref<200x128xf32, #tpu.memory_space<vmem>>, %arg12: memref<200x128xf32, #tpu.memory_space<vmem>>, %arg13: memref<!tpu.dma_semaphore, #tpu.memory_space<semaphore_mem>>, %arg14: memref<!tpu.dma_semaphore, #tpu.memory_space<semaphore_mem>>, %arg15: memref<!tpu.dma_semaphore, #tpu.memory_space<semaphore_mem>>, %arg16: memref<!tpu.dma_semaphore, #tpu.memory_space<semaphore_mem>>, %arg17: memref<!tpu.dma_semaphore, #tpu.memory_space<semaphore_mem>>, %arg18: memref<!tpu.dma_semaphore, #tpu.memory_space<semaphore_mem>>, %arg19: memref<!tpu.dma_semaphore, #tpu.memory_space<semaphore_mem>>) attributes {dimension_semantics = [#tpu.dimension_semantics<core_parallel>, #tpu.dimension_semantics<subcore_parallel>], iteration_bounds = array<i64: 2, 16>, scalar_prefetch = 0 : i64, scratch_operands = 14 : i64, tpu.core_type = #tpu.core_type<sc_vector_subcore>, window_params = [{transform_indices = #map}, {transform_indices = #map1}, {transform_indices = #map}, {transform_indices = #map}]} {
    %mul3A = arith.constant 16 : i32
    %mul3A_0 = arith.muli %arg0, %mul3A : i32
    %add3A = arith.addi %mul3A_0, %arg1 : i32
    %mul3A_1 = arith.constant 10000 : i32
    %mul3A_2 = arith.muli %add3A, %mul3A_1 : i32
    %add3A_3 = arith.constant 0 : i32
    %add3A_4 = arith.addi %mul3A_2, %add3A_3 : i32
    %dma_start3A = tpu.memref_slice %arg3[%add3A_4] : memref<320000xi32, #tpu.memory_space<hbm>> -> memref<200xi32, #tpu.memory_space<hbm>>
    %dma_start3A_5 = tpu.memref_slice %arg3[%add3A_4] : memref<320000xi32, #tpu.memory_space<hbm>> -> memref<200xi32, #tpu.memory_space<hbm>>
    tpu.enqueue_dma source(%dma_start3A_5 : memref<200xi32, #tpu.memory_space<hbm>>) target(%arg6 : memref<200xi32, #tpu.memory_space<vmem>>) target_semaphore(%arg13 : memref<!tpu.dma_semaphore, #tpu.memory_space<semaphore_mem>>)
    %dma_start3A_6 = arith.constant 0 : i32
    %dma_start3A_7 = tpu.memref_slice %arg2[%add3A_4, %dma_start3A_6] : memref<320000x128xf32, #tpu.memory_space<hbm>> -> memref<200x128xf32, #tpu.memory_space<hbm>>
    %dma_start3A_8 = arith.constant 0 : i32
    %dma_start3A_9 = tpu.memref_slice %arg2[%add3A_4, %dma_start3A_8] : memref<320000x128xf32, #tpu.memory_space<hbm>> -> memref<200x128xf32, #tpu.memory_space<hbm>>
    tpu.enqueue_dma source(%dma_start3A_9 : memref<200x128xf32, #tpu.memory_space<hbm>>) target(%arg9 : memref<200x128xf32, #tpu.memory_space<vmem>>) target_semaphore(%arg13 : memref<!tpu.dma_semaphore, #tpu.memory_space<semaphore_mem>>)
    %add3A_10 = arith.constant 200 : i32
    %add3A_11 = arith.addi %mul3A_2, %add3A_10 : i32
    %dma_start3A_12 = tpu.memref_slice %arg3[%add3A_11] : memref<320000xi32, #tpu.memory_space<hbm>> -> memref<200xi32, #tpu.memory_space<hbm>>
    %dma_start3A_13 = tpu.memref_slice %arg3[%add3A_11] : memref<320000xi32, #tpu.memory_space<hbm>> -> memref<200xi32, #tpu.memory_space<hbm>>
    tpu.enqueue_dma source(%dma_start3A_13 : memref<200xi32, #tpu.memory_space<hbm>>) target(%arg7 : memref<200xi32, #tpu.memory_space<vmem>>) target_semaphore(%arg14 : memref<!tpu.dma_semaphore, #tpu.memory_space<semaphore_mem>>)
    %dma_start3A_14 = arith.constant 0 : i32
    %dma_start3A_15 = tpu.memref_slice %arg2[%add3A_11, %dma_start3A_14] : memref<320000x128xf32, #tpu.memory_space<hbm>> -> memref<200x128xf32, #tpu.memory_space<hbm>>
    %dma_start3A_16 = arith.constant 0 : i32
    %dma_start3A_17 = tpu.memref_slice %arg2[%add3A_11, %dma_start3A_16] : memref<320000x128xf32, #tpu.memory_space<hbm>> -> memref<200x128xf32, #tpu.memory_space<hbm>>
    tpu.enqueue_dma source(%dma_start3A_17 : memref<200x128xf32, #tpu.memory_space<hbm>>) target(%arg10 : memref<200x128xf32, #tpu.memory_space<vmem>>) target_semaphore(%arg14 : memref<!tpu.dma_semaphore, #tpu.memory_space<semaphore_mem>>)
    %add3A_18 = arith.constant 0 : i32
    %add3A_19 = arith.addi %mul3A_2, %add3A_18 : i32
    %dma_wait3A = arith.constant 0 : i32
    %dma_wait3A_20 = tpu.memref_slice %arg2[%add3A_19, %dma_wait3A] : memref<320000x128xf32, #tpu.memory_space<hbm>> -> memref<200x128xf32, #tpu.memory_space<hbm>>
    %dma_wait3A_21 = arith.constant 0 : i32
    %dma_wait3A_22 = tpu.memref_slice %arg2[%add3A_19, %dma_wait3A_21] : memref<320000x128xf32, #tpu.memory_space<hbm>> -> memref<200x128xf32, #tpu.memory_space<hbm>>
    tpu.wait_dma2 semaphore(%arg13 : memref<!tpu.dma_semaphore, #tpu.memory_space<semaphore_mem>>) src(%dma_wait3A_22 : memref<200x128xf32, #tpu.memory_space<hbm>>) dst(%arg9 : memref<200x128xf32, #tpu.memory_space<vmem>>)
    %dma_wait3A_23 = tpu.memref_slice %arg3[%add3A_19] : memref<320000xi32, #tpu.memory_space<hbm>> -> memref<200xi32, #tpu.memory_space<hbm>>
    %dma_wait3A_24 = tpu.memref_slice %arg3[%add3A_19] : memref<320000xi32, #tpu.memory_space<hbm>> -> memref<200xi32, #tpu.memory_space<hbm>>
    tpu.wait_dma2 semaphore(%arg13 : memref<!tpu.dma_semaphore, #tpu.memory_space<semaphore_mem>>) src(%dma_wait3A_24 : memref<200xi32, #tpu.memory_space<hbm>>) dst(%arg6 : memref<200xi32, #tpu.memory_space<vmem>>)
    %dma_start3A_25 = arith.constant 0 : i32
    %dma_start3A_26 = arith.constant 0 : i32
    %dma_start3A_27 = tpu.memref_slice %arg12[%dma_start3A_25, %dma_start3A_26] : memref<200x128xf32, #tpu.memory_space<vmem>> -> memref<104x128xf32, #tpu.memory_space<vmem>>
    %dma_start3A_28 = arith.constant 0 : i32
    %dma_start3A_29 = tpu.memref_slice %arg6[%dma_start3A_28] : memref<200xi32, #tpu.memory_space<vmem>> -> memref<104xi32, #tpu.memory_space<vmem>>
    %dma_start3A_30 = arith.constant 0 : i32
    %dma_start3A_31 = arith.constant 0 : i32
    %dma_start3A_32 = tpu.memref_slice %arg4[%dma_start3A_30, %dma_start3A_31] : memref<10240x128xf32, #tpu.memory_space<hbm>> -> memref<10240x128xf32, #tpu.memory_space<hbm>>
    tpu.enqueue_indirect_dma source(%dma_start3A_32 : memref<10240x128xf32, #tpu.memory_space<hbm>>) target(%dma_start3A_27 : memref<104x128xf32, #tpu.memory_space<vmem>>) offsets(%dma_start3A_29 : memref<104xi32, #tpu.memory_space<vmem>>) semaphore(%arg19 : memref<!tpu.dma_semaphore, #tpu.memory_space<semaphore_mem>>)
    %dma_start3A_33 = arith.constant 104 : i32
    %dma_start3A_34 = arith.constant 0 : i32
    %dma_start3A_35 = tpu.memref_slice %arg12[%dma_start3A_33, %dma_start3A_34] : memref<200x128xf32, #tpu.memory_space<vmem>> -> memref<96x128xf32, #tpu.memory_space<vmem>>
    %dma_start3A_36 = arith.constant 104 : i32
    %dma_start3A_37 = tpu.memref_slice %arg6[%dma_start3A_36] : memref<200xi32, #tpu.memory_space<vmem>> -> memref<96xi32, #tpu.memory_space<vmem>>
    %dma_start3A_38 = arith.constant 0 : i32
    %dma_start3A_39 = arith.constant 0 : i32
    %dma_start3A_40 = tpu.memref_slice %arg4[%dma_start3A_38, %dma_start3A_39] : memref<10240x128xf32, #tpu.memory_space<hbm>> -> memref<10240x128xf32, #tpu.memory_space<hbm>>
    tpu.enqueue_indirect_dma source(%dma_start3A_40 : memref<10240x128xf32, #tpu.memory_space<hbm>>) target(%dma_start3A_35 : memref<96x128xf32, #tpu.memory_space<vmem>>) offsets(%dma_start3A_37 : memref<96xi32, #tpu.memory_space<vmem>>) semaphore(%arg19 : memref<!tpu.dma_semaphore, #tpu.memory_space<semaphore_mem>>)
    %dma_wait3A_41 = arith.constant 0 : i32
    %dma_wait3A_42 = arith.constant 0 : i32
    %dma_wait3A_43 = tpu.memref_slice %arg12[%dma_wait3A_41, %dma_wait3A_42] : memref<200x128xf32, #tpu.memory_space<vmem>> -> memref<104x128xf32, #tpu.memory_space<vmem>>
    %dma_wait3A_44 = arith.constant 0 : i32
    %dma_wait3A_45 = tpu.memref_slice %arg6[%dma_wait3A_44] : memref<200xi32, #tpu.memory_space<vmem>> -> memref<104xi32, #tpu.memory_space<vmem>>
    %dma_wait3A_46 = arith.constant 0 : i32
    %dma_wait3A_47 = arith.constant 0 : i32
    %dma_wait3A_48 = tpu.memref_slice %arg4[%dma_wait3A_46, %dma_wait3A_47] : memref<10240x128xf32, #tpu.memory_space<hbm>> -> memref<10240x128xf32, #tpu.memory_space<hbm>>
    tpu.wait_indirect_dma semaphore(%arg19 : memref<!tpu.dma_semaphore, #tpu.memory_space<semaphore_mem>>) src(%dma_wait3A_48 : memref<10240x128xf32, #tpu.memory_space<hbm>>) dst(%dma_wait3A_43 : memref<104x128xf32, #tpu.memory_space<vmem>>)
    %dma_wait3A_49 = arith.constant 104 : i32
    %dma_wait3A_50 = arith.constant 0 : i32
    %dma_wait3A_51 = tpu.memref_slice %arg12[%dma_wait3A_49, %dma_wait3A_50] : memref<200x128xf32, #tpu.memory_space<vmem>> -> memref<96x128xf32, #tpu.memory_space<vmem>>
    %dma_wait3A_52 = arith.constant 104 : i32
    %dma_wait3A_53 = tpu.memref_slice %arg6[%dma_wait3A_52] : memref<200xi32, #tpu.memory_space<vmem>> -> memref<96xi32, #tpu.memory_space<vmem>>
    %dma_wait3A_54 = arith.constant 0 : i32
    %dma_wait3A_55 = arith.constant 0 : i32
    %dma_wait3A_56 = tpu.memref_slice %arg4[%dma_wait3A_54, %dma_wait3A_55] : memref<10240x128xf32, #tpu.memory_space<hbm>> -> memref<10240x128xf32, #tpu.memory_space<hbm>>
    tpu.wait_indirect_dma semaphore(%arg19 : memref<!tpu.dma_semaphore, #tpu.memory_space<semaphore_mem>>) src(%dma_wait3A_56 : memref<10240x128xf32, #tpu.memory_space<hbm>>) dst(%dma_wait3A_51 : memref<96x128xf32, #tpu.memory_space<vmem>>)
    %parallel_loop3A = arith.constant 0 : i32
    %parallel_loop3A_57 = arith.constant 200 : i32
    %parallel_loop3A_58 = arith.constant 1 : i32
    scf.for %parallel_loop3A_320 = %parallel_loop3A to %parallel_loop3A_57 step %parallel_loop3A_58  : i32 {
      %parallel_loop3A_321 = arith.index_cast %parallel_loop3A_320 : i32 to index
      %parallel_loop3A_322 = arith.constant 0 : index
      %parallel_loop3A_323 = tpu.vector_load %arg9[%parallel_loop3A_321, %parallel_loop3A_322] {strides = array<i32>} : memref<200x128xf32, #tpu.memory_space<vmem>>, vector<1x16xf32>,
      %parallel_loop3A_324 = vector.shape_cast %parallel_loop3A_323 : vector<1x16xf32> to vector<16xf32>
      %parallel_loop3A_325 = arith.index_cast %parallel_loop3A_320 : i32 to index
      %parallel_loop3A_326 = arith.constant 0 : index
      %parallel_loop3A_327 = tpu.vector_load %arg12[%parallel_loop3A_325, %parallel_loop3A_326] {strides = array<i32>} : memref<200x128xf32, #tpu.memory_space<vmem>>, vector<1x16xf32>,
      %parallel_loop3A_328 = vector.shape_cast %parallel_loop3A_327 : vector<1x16xf32> to vector<16xf32>
      %parallel_loop3A_329 = arith.addf %parallel_loop3A_324, %parallel_loop3A_328 : vector<16xf32>
      %parallel_loop3A_330 = arith.index_cast %parallel_loop3A_320 : i32 to index
      %parallel_loop3A_331 = arith.constant 0 : index
      %parallel_loop3A_332 = tpu.vector_load %arg9[%parallel_loop3A_330, %parallel_loop3A_331] {strides = array<i32>} : memref<200x128xf32, #tpu.memory_space<vmem>>, vector<1x16xf32>,
      %parallel_loop3A_333 = vector.shape_cast %parallel_loop3A_332 : vector<1x16xf32> to vector<16xf32>
      %parallel_loop3A_334 = vector.shape_cast %parallel_loop3A_329 : vector<16xf32> to vector<1x16xf32>
      tpu.vector_store %arg9[%parallel_loop3A_330, %parallel_loop3A_331], %parallel_loop3A_334 {strides = array<i32>} : memref<200x128xf32, #tpu.memory_space<vmem>>, vector<1x16xf32>,
      %parallel_loop3A_335 = arith.index_cast %parallel_loop3A_320 : i32 to index
      %parallel_loop3A_336 = arith.constant 16 : index
      %parallel_loop3A_337 = tpu.vector_load %arg9[%parallel_loop3A_335, %parallel_loop3A_336] {strides = array<i32>} : memref<200x128xf32, #tpu.memory_space<vmem>>, vector<1x16xf32>,
      %parallel_loop3A_338 = vector.shape_cast %parallel_loop3A_337 : vector<1x16xf32> to vector<16xf32>
      %parallel_loop3A_339 = arith.index_cast %parallel_loop3A_320 : i32 to index
      %parallel_loop3A_340 = arith.constant 16 : index
      %parallel_loop3A_341 = tpu.vector_load %arg12[%parallel_loop3A_339, %parallel_loop3A_340] {strides = array<i32>} : memref<200x128xf32, #tpu.memory_space<vmem>>, vector<1x16xf32>,
      %parallel_loop3A_342 = vector.shape_cast %parallel_loop3A_341 : vector<1x16xf32> to vector<16xf32>
      %parallel_loop3A_343 = arith.addf %parallel_loop3A_338, %parallel_loop3A_342 : vector<16xf32>
      %parallel_loop3A_344 = arith.index_cast %parallel_loop3A_320 : i32 to index
      %parallel_loop3A_345 = arith.constant 16 : index
      %parallel_loop3A_346 = tpu.vector_load %arg9[%parallel_loop3A_344, %parallel_loop3A_345] {strides = array<i32>} : memref<200x128xf32, #tpu.memory_space<vmem>>, vector<1x16xf32>,
      %parallel_loop3A_347 = vector.shape_cast %parallel_loop3A_346 : vector<1x16xf32> to vector<16xf32>
      %parallel_loop3A_348 = vector.shape_cast %parallel_loop3A_343 : vector<16xf32> to vector<1x16xf32>
      tpu.vector_store %arg9[%parallel_loop3A_344, %parallel_loop3A_345], %parallel_loop3A_348 {strides = array<i32>} : memref<200x128xf32, #tpu.memory_space<vmem>>, vector<1x16xf32>,
      %parallel_loop3A_349 = arith.index_cast %parallel_loop3A_320 : i32 to index
      %parallel_loop3A_350 = arith.constant 32 : index
      %parallel_loop3A_351 = tpu.vector_load %arg9[%parallel_loop3A_349, %parallel_loop3A_350] {strides = array<i32>} : memref<200x128xf32, #tpu.memory_space<vmem>>, vector<1x16xf32>,
      %parallel_loop3A_352 = vector.shape_cast %parallel_loop3A_351 : vector<1x16xf32> to vector<16xf32>
      %parallel_loop3A_353 = arith.index_cast %parallel_loop3A_320 : i32 to index
      %parallel_loop3A_354 = arith.constant 32 : index
      %parallel_loop3A_355 = tpu.vector_load %arg12[%parallel_loop3A_353, %parallel_loop3A_354] {strides = array<i32>} : memref<200x128xf32, #tpu.memory_space<vmem>>, vector<1x16xf32>,
      %parallel_loop3A_356 = vector.shape_cast %parallel_loop3A_355 : vector<1x16xf32> to vector<16xf32>
      %parallel_loop3A_357 = arith.addf %parallel_loop3A_352, %parallel_loop3A_356 : vector<16xf32>
      %parallel_loop3A_358 = arith.index_cast %parallel_loop3A_320 : i32 to index
      %parallel_loop3A_359 = arith.constant 32 : index
      %parallel_loop3A_360 = tpu.vector_load %arg9[%parallel_loop3A_358, %parallel_loop3A_359] {strides = array<i32>} : memref<200x128xf32, #tpu.memory_space<vmem>>, vector<1x16xf32>,
      %parallel_loop3A_361 = vector.shape_cast %parallel_loop3A_360 : vector<1x16xf32> to vector<16xf32>
      %parallel_loop3A_362 = vector.shape_cast %parallel_loop3A_357 : vector<16xf32> to vector<1x16xf32>
      tpu.vector_store %arg9[%parallel_loop3A_358, %parallel_loop3A_359], %parallel_loop3A_362 {strides = array<i32>} : memref<200x128xf32, #tpu.memory_space<vmem>>, vector<1x16xf32>,
      %parallel_loop3A_363 = arith.index_cast %parallel_loop3A_320 : i32 to index
      %parallel_loop3A_364 = arith.constant 48 : index
      %parallel_loop3A_365 = tpu.vector_load %arg9[%parallel_loop3A_363, %parallel_loop3A_364] {strides = array<i32>} : memref<200x128xf32, #tpu.memory_space<vmem>>, vector<1x16xf32>,
      %parallel_loop3A_366 = vector.shape_cast %parallel_loop3A_365 : vector<1x16xf32> to vector<16xf32>
      %parallel_loop3A_367 = arith.index_cast %parallel_loop3A_320 : i32 to index
      %parallel_loop3A_368 = arith.constant 48 : index
      %parallel_loop3A_369 = tpu.vector_load %arg12[%parallel_loop3A_367, %parallel_loop3A_368] {strides = array<i32>} : memref<200x128xf32, #tpu.memory_space<vmem>>, vector<1x16xf32>,
      %parallel_loop3A_370 = vector.shape_cast %parallel_loop3A_369 : vector<1x16xf32> to vector<16xf32>
      %parallel_loop3A_371 = arith.addf %parallel_loop3A_366, %parallel_loop3A_370 : vector<16xf32>
      %parallel_loop3A_372 = arith.index_cast %parallel_loop3A_320 : i32 to index
      %parallel_loop3A_373 = arith.constant 48 : index
      %parallel_loop3A_374 = tpu.vector_load %arg9[%parallel_loop3A_372, %parallel_loop3A_373] {strides = array<i32>} : memref<200x128xf32, #tpu.memory_space<vmem>>, vector<1x16xf32>,
      %parallel_loop3A_375 = vector.shape_cast %parallel_loop3A_374 : vector<1x16xf32> to vector<16xf32>
      %parallel_loop3A_376 = vector.shape_cast %parallel_loop3A_371 : vector<16xf32> to vector<1x16xf32>
      tpu.vector_store %arg9[%parallel_loop3A_372, %parallel_loop3A_373], %parallel_loop3A_376 {strides = array<i32>} : memref<200x128xf32, #tpu.memory_space<vmem>>, vector<1x16xf32>,
      %parallel_loop3A_377 = arith.index_cast %parallel_loop3A_320 : i32 to index
      %parallel_loop3A_378 = arith.constant 64 : index
      %parallel_loop3A_379 = tpu.vector_load %arg9[%parallel_loop3A_377, %parallel_loop3A_378] {strides = array<i32>} : memref<200x128xf32, #tpu.memory_space<vmem>>, vector<1x16xf32>,
      %parallel_loop3A_380 = vector.shape_cast %parallel_loop3A_379 : vector<1x16xf32> to vector<16xf32>
      %parallel_loop3A_381 = arith.index_cast %parallel_loop3A_320 : i32 to index
      %parallel_loop3A_382 = arith.constant 64 : index
      %parallel_loop3A_383 = tpu.vector_load %arg12[%parallel_loop3A_381, %parallel_loop3A_382] {strides = array<i32>} : memref<200x128xf32, #tpu.memory_space<vmem>>, vector<1x16xf32>,
      %parallel_loop3A_384 = vector.shape_cast %parallel_loop3A_383 : vector<1x16xf32> to vector<16xf32>
      %parallel_loop3A_385 = arith.addf %parallel_loop3A_380, %parallel_loop3A_384 : vector<16xf32>
      %parallel_loop3A_386 = arith.index_cast %parallel_loop3A_320 : i32 to index
      %parallel_loop3A_387 = arith.constant 64 : index
      %parallel_loop3A_388 = tpu.vector_load %arg9[%parallel_loop3A_386, %parallel_loop3A_387] {strides = array<i32>} : memref<200x128xf32, #tpu.memory_space<vmem>>, vector<1x16xf32>,
      %parallel_loop3A_389 = vector.shape_cast %parallel_loop3A_388 : vector<1x16xf32> to vector<16xf32>
      %parallel_loop3A_390 = vector.shape_cast %parallel_loop3A_385 : vector<16xf32> to vector<1x16xf32>
      tpu.vector_store %arg9[%parallel_loop3A_386, %parallel_loop3A_387], %parallel_loop3A_390 {strides = array<i32>} : memref<200x128xf32, #tpu.memory_space<vmem>>, vector<1x16xf32>,
      %parallel_loop3A_391 = arith.index_cast %parallel_loop3A_320 : i32 to index
      %parallel_loop3A_392 = arith.constant 80 : index
      %parallel_loop3A_393 = tpu.vector_load %arg9[%parallel_loop3A_391, %parallel_loop3A_392] {strides = array<i32>} : memref<200x128xf32, #tpu.memory_space<vmem>>, vector<1x16xf32>,
      %parallel_loop3A_394 = vector.shape_cast %parallel_loop3A_393 : vector<1x16xf32> to vector<16xf32>
      %parallel_loop3A_395 = arith.index_cast %parallel_loop3A_320 : i32 to index
      %parallel_loop3A_396 = arith.constant 80 : index
      %parallel_loop3A_397 = tpu.vector_load %arg12[%parallel_loop3A_395, %parallel_loop3A_396] {strides = array<i32>} : memref<200x128xf32, #tpu.memory_space<vmem>>, vector<1x16xf32>,
      %parallel_loop3A_398 = vector.shape_cast %parallel_loop3A_397 : vector<1x16xf32> to vector<16xf32>
      %parallel_loop3A_399 = arith.addf %parallel_loop3A_394, %parallel_loop3A_398 : vector<16xf32>
      %parallel_loop3A_400 = arith.index_cast %parallel_loop3A_320 : i32 to index
      %parallel_loop3A_401 = arith.constant 80 : index
      %parallel_loop3A_402 = tpu.vector_load %arg9[%parallel_loop3A_400, %parallel_loop3A_401] {strides = array<i32>} : memref<200x128xf32, #tpu.memory_space<vmem>>, vector<1x16xf32>,
      %parallel_loop3A_403 = vector.shape_cast %parallel_loop3A_402 : vector<1x16xf32> to vector<16xf32>
      %parallel_loop3A_404 = vector.shape_cast %parallel_loop3A_399 : vector<16xf32> to vector<1x16xf32>
      tpu.vector_store %arg9[%parallel_loop3A_400, %parallel_loop3A_401], %parallel_loop3A_404 {strides = array<i32>} : memref<200x128xf32, #tpu.memory_space<vmem>>, vector<1x16xf32>,
      %parallel_loop3A_405 = arith.index_cast %parallel_loop3A_320 : i32 to index
      %parallel_loop3A_406 = arith.constant 96 : index
      %parallel_loop3A_407 = tpu.vector_load %arg9[%parallel_loop3A_405, %parallel_loop3A_406] {strides = array<i32>} : memref<200x128xf32, #tpu.memory_space<vmem>>, vector<1x16xf32>,
      %parallel_loop3A_408 = vector.shape_cast %parallel_loop3A_407 : vector<1x16xf32> to vector<16xf32>
      %parallel_loop3A_409 = arith.index_cast %parallel_loop3A_320 : i32 to index
      %parallel_loop3A_410 = arith.constant 96 : index
      %parallel_loop3A_411 = tpu.vector_load %arg12[%parallel_loop3A_409, %parallel_loop3A_410] {strides = array<i32>} : memref<200x128xf32, #tpu.memory_space<vmem>>, vector<1x16xf32>,
      %parallel_loop3A_412 = vector.shape_cast %parallel_loop3A_411 : vector<1x16xf32> to vector<16xf32>
      %parallel_loop3A_413 = arith.addf %parallel_loop3A_408, %parallel_loop3A_412 : vector<16xf32>
      %parallel_loop3A_414 = arith.index_cast %parallel_loop3A_320 : i32 to index
      %parallel_loop3A_415 = arith.constant 96 : index
      %parallel_loop3A_416 = tpu.vector_load %arg9[%parallel_loop3A_414, %parallel_loop3A_415] {strides = array<i32>} : memref<200x128xf32, #tpu.memory_space<vmem>>, vector<1x16xf32>,
      %parallel_loop3A_417 = vector.shape_cast %parallel_loop3A_416 : vector<1x16xf32> to vector<16xf32>
      %parallel_loop3A_418 = vector.shape_cast %parallel_loop3A_413 : vector<16xf32> to vector<1x16xf32>
      tpu.vector_store %arg9[%parallel_loop3A_414, %parallel_loop3A_415], %parallel_loop3A_418 {strides = array<i32>} : memref<200x128xf32, #tpu.memory_space<vmem>>, vector<1x16xf32>,
      %parallel_loop3A_419 = arith.index_cast %parallel_loop3A_320 : i32 to index
      %parallel_loop3A_420 = arith.constant 112 : index
      %parallel_loop3A_421 = tpu.vector_load %arg9[%parallel_loop3A_419, %parallel_loop3A_420] {strides = array<i32>} : memref<200x128xf32, #tpu.memory_space<vmem>>, vector<1x16xf32>,
      %parallel_loop3A_422 = vector.shape_cast %parallel_loop3A_421 : vector<1x16xf32> to vector<16xf32>
      %parallel_loop3A_423 = arith.index_cast %parallel_loop3A_320 : i32 to index
      %parallel_loop3A_424 = arith.constant 112 : index
      %parallel_loop3A_425 = tpu.vector_load %arg12[%parallel_loop3A_423, %parallel_loop3A_424] {strides = array<i32>} : memref<200x128xf32, #tpu.memory_space<vmem>>, vector<1x16xf32>,
      %parallel_loop3A_426 = vector.shape_cast %parallel_loop3A_425 : vector<1x16xf32> to vector<16xf32>
      %parallel_loop3A_427 = arith.addf %parallel_loop3A_422, %parallel_loop3A_426 : vector<16xf32>
      %parallel_loop3A_428 = arith.index_cast %parallel_loop3A_320 : i32 to index
      %parallel_loop3A_429 = arith.constant 112 : index
      %parallel_loop3A_430 = tpu.vector_load %arg9[%parallel_loop3A_428, %parallel_loop3A_429] {strides = array<i32>} : memref<200x128xf32, #tpu.memory_space<vmem>>, vector<1x16xf32>,
      %parallel_loop3A_431 = vector.shape_cast %parallel_loop3A_430 : vector<1x16xf32> to vector<16xf32>
      %parallel_loop3A_432 = vector.shape_cast %parallel_loop3A_427 : vector<16xf32> to vector<1x16xf32>
      tpu.vector_store %arg9[%parallel_loop3A_428, %parallel_loop3A_429], %parallel_loop3A_432 {strides = array<i32>} : memref<200x128xf32, #tpu.memory_space<vmem>>, vector<1x16xf32>,
    } {sc.loop_unroll_factor = 4 : i64, sc.parallel_access}
    %add3A_59 = arith.constant 0 : i32
    %add3A_60 = arith.addi %mul3A_2, %add3A_59 : i32
    %dma_start3A_61 = arith.constant 0 : i32
    %dma_start3A_62 = tpu.memref_slice %arg5[%add3A_60, %dma_start3A_61] : memref<320000x128xf32, #tpu.memory_space<hbm>> -> memref<200x128xf32, #tpu.memory_space<hbm>>
    %dma_start3A_63 = arith.constant 0 : i32
    %dma_start3A_64 = tpu.memref_slice %arg5[%add3A_60, %dma_start3A_63] : memref<320000x128xf32, #tpu.memory_space<hbm>> -> memref<200x128xf32, #tpu.memory_space<hbm>>
    tpu.enqueue_dma source(%arg9 : memref<200x128xf32, #tpu.memory_space<vmem>>) target(%dma_start3A_64 : memref<200x128xf32, #tpu.memory_space<hbm>>) target_semaphore(%arg16 : memref<!tpu.dma_semaphore, #tpu.memory_space<semaphore_mem>>)
    %add3A_65 = arith.constant 400 : i32
    %add3A_66 = arith.addi %mul3A_2, %add3A_65 : i32
    %dma_start3A_67 = tpu.memref_slice %arg3[%add3A_66] : memref<320000xi32, #tpu.memory_space<hbm>> -> memref<200xi32, #tpu.memory_space<hbm>>
    %dma_start3A_68 = tpu.memref_slice %arg3[%add3A_66] : memref<320000xi32, #tpu.memory_space<hbm>> -> memref<200xi32, #tpu.memory_space<hbm>>
    tpu.enqueue_dma source(%dma_start3A_68 : memref<200xi32, #tpu.memory_space<hbm>>) target(%arg8 : memref<200xi32, #tpu.memory_space<vmem>>) target_semaphore(%arg15 : memref<!tpu.dma_semaphore, #tpu.memory_space<semaphore_mem>>)
    %dma_start3A_69 = arith.constant 0 : i32
    %dma_start3A_70 = tpu.memref_slice %arg2[%add3A_66, %dma_start3A_69] : memref<320000x128xf32, #tpu.memory_space<hbm>> -> memref<200x128xf32, #tpu.memory_space<hbm>>
    %dma_start3A_71 = arith.constant 0 : i32
    %dma_start3A_72 = tpu.memref_slice %arg2[%add3A_66, %dma_start3A_71] : memref<320000x128xf32, #tpu.memory_space<hbm>> -> memref<200x128xf32, #tpu.memory_space<hbm>>
    tpu.enqueue_dma source(%dma_start3A_72 : memref<200x128xf32, #tpu.memory_space<hbm>>) target(%arg11 : memref<200x128xf32, #tpu.memory_space<vmem>>) target_semaphore(%arg15 : memref<!tpu.dma_semaphore, #tpu.memory_space<semaphore_mem>>)
    %add3A_73 = arith.constant 200 : i32
    %add3A_74 = arith.addi %mul3A_2, %add3A_73 : i32
    %dma_wait3A_75 = arith.constant 0 : i32
    %dma_wait3A_76 = tpu.memref_slice %arg2[%add3A_74, %dma_wait3A_75] : memref<320000x128xf32, #tpu.memory_space<hbm>> -> memref<200x128xf32, #tpu.memory_space<hbm>>
    %dma_wait3A_77 = arith.constant 0 : i32
    %dma_wait3A_78 = tpu.memref_slice %arg2[%add3A_74, %dma_wait3A_77] : memref<320000x128xf32, #tpu.memory_space<hbm>> -> memref<200x128xf32, #tpu.memory_space<hbm>>
    tpu.wait_dma2 semaphore(%arg14 : memref<!tpu.dma_semaphore, #tpu.memory_space<semaphore_mem>>) src(%dma_wait3A_78 : memref<200x128xf32, #tpu.memory_space<hbm>>) dst(%arg10 : memref<200x128xf32, #tpu.memory_space<vmem>>)
    %dma_wait3A_79 = tpu.memref_slice %arg3[%add3A_74] : memref<320000xi32, #tpu.memory_space<hbm>> -> memref<200xi32, #tpu.memory_space<hbm>>
    %dma_wait3A_80 = tpu.memref_slice %arg3[%add3A_74] : memref<320000xi32, #tpu.memory_space<hbm>> -> memref<200xi32, #tpu.memory_space<hbm>>
    tpu.wait_dma2 semaphore(%arg14 : memref<!tpu.dma_semaphore, #tpu.memory_space<semaphore_mem>>) src(%dma_wait3A_80 : memref<200xi32, #tpu.memory_space<hbm>>) dst(%arg7 : memref<200xi32, #tpu.memory_space<vmem>>)
    %dma_start3A_81 = arith.constant 0 : i32
    %dma_start3A_82 = arith.constant 0 : i32
    %dma_start3A_83 = tpu.memref_slice %arg12[%dma_start3A_81, %dma_start3A_82] : memref<200x128xf32, #tpu.memory_space<vmem>> -> memref<104x128xf32, #tpu.memory_space<vmem>>
    %dma_start3A_84 = arith.constant 0 : i32
    %dma_start3A_85 = tpu.memref_slice %arg7[%dma_start3A_84] : memref<200xi32, #tpu.memory_space<vmem>> -> memref<104xi32, #tpu.memory_space<vmem>>
    %dma_start3A_86 = arith.constant 0 : i32
    %dma_start3A_87 = arith.constant 0 : i32
    %dma_start3A_88 = tpu.memref_slice %arg4[%dma_start3A_86, %dma_start3A_87] : memref<10240x128xf32, #tpu.memory_space<hbm>> -> memref<10240x128xf32, #tpu.memory_space<hbm>>
    tpu.enqueue_indirect_dma source(%dma_start3A_88 : memref<10240x128xf32, #tpu.memory_space<hbm>>) target(%dma_start3A_83 : memref<104x128xf32, #tpu.memory_space<vmem>>) offsets(%dma_start3A_85 : memref<104xi32, #tpu.memory_space<vmem>>) semaphore(%arg19 : memref<!tpu.dma_semaphore, #tpu.memory_space<semaphore_mem>>)
    %dma_start3A_89 = arith.constant 104 : i32
    %dma_start3A_90 = arith.constant 0 : i32
    %dma_start3A_91 = tpu.memref_slice %arg12[%dma_start3A_89, %dma_start3A_90] : memref<200x128xf32, #tpu.memory_space<vmem>> -> memref<96x128xf32, #tpu.memory_space<vmem>>
    %dma_start3A_92 = arith.constant 104 : i32
    %dma_start3A_93 = tpu.memref_slice %arg7[%dma_start3A_92] : memref<200xi32, #tpu.memory_space<vmem>> -> memref<96xi32, #tpu.memory_space<vmem>>
    %dma_start3A_94 = arith.constant 0 : i32
    %dma_start3A_95 = arith.constant 0 : i32
    %dma_start3A_96 = tpu.memref_slice %arg4[%dma_start3A_94, %dma_start3A_95] : memref<10240x128xf32, #tpu.memory_space<hbm>> -> memref<10240x128xf32, #tpu.memory_space<hbm>>
    tpu.enqueue_indirect_dma source(%dma_start3A_96 : memref<10240x128xf32, #tpu.memory_space<hbm>>) target(%dma_start3A_91 : memref<96x128xf32, #tpu.memory_space<vmem>>) offsets(%dma_start3A_93 : memref<96xi32, #tpu.memory_space<vmem>>) semaphore(%arg19 : memref<!tpu.dma_semaphore, #tpu.memory_space<semaphore_mem>>)
    %dma_wait3A_97 = arith.constant 0 : i32
    %dma_wait3A_98 = arith.constant 0 : i32
    %dma_wait3A_99 = tpu.memref_slice %arg12[%dma_wait3A_97, %dma_wait3A_98] : memref<200x128xf32, #tpu.memory_space<vmem>> -> memref<104x128xf32, #tpu.memory_space<vmem>>
    %dma_wait3A_100 = arith.constant 0 : i32
    %dma_wait3A_101 = tpu.memref_slice %arg7[%dma_wait3A_100] : memref<200xi32, #tpu.memory_space<vmem>> -> memref<104xi32, #tpu.memory_space<vmem>>
    %dma_wait3A_102 = arith.constant 0 : i32
    %dma_wait3A_103 = arith.constant 0 : i32
    %dma_wait3A_104 = tpu.memref_slice %arg4[%dma_wait3A_102, %dma_wait3A_103] : memref<10240x128xf32, #tpu.memory_space<hbm>> -> memref<10240x128xf32, #tpu.memory_space<hbm>>
    tpu.wait_indirect_dma semaphore(%arg19 : memref<!tpu.dma_semaphore, #tpu.memory_space<semaphore_mem>>) src(%dma_wait3A_104 : memref<10240x128xf32, #tpu.memory_space<hbm>>) dst(%dma_wait3A_99 : memref<104x128xf32, #tpu.memory_space<vmem>>)
    %dma_wait3A_105 = arith.constant 104 : i32
    %dma_wait3A_106 = arith.constant 0 : i32
    %dma_wait3A_107 = tpu.memref_slice %arg12[%dma_wait3A_105, %dma_wait3A_106] : memref<200x128xf32, #tpu.memory_space<vmem>> -> memref<96x128xf32, #tpu.memory_space<vmem>>
    %dma_wait3A_108 = arith.constant 104 : i32
    %dma_wait3A_109 = tpu.memref_slice %arg7[%dma_wait3A_108] : memref<200xi32, #tpu.memory_space<vmem>> -> memref<96xi32, #tpu.memory_space<vmem>>
    %dma_wait3A_110 = arith.constant 0 : i32
    %dma_wait3A_111 = arith.constant 0 : i32
    %dma_wait3A_112 = tpu.memref_slice %arg4[%dma_wait3A_110, %dma_wait3A_111] : memref<10240x128xf32, #tpu.memory_space<hbm>> -> memref<10240x128xf32, #tpu.memory_space<hbm>>
    tpu.wait_indirect_dma semaphore(%arg19 : memref<!tpu.dma_semaphore, #tpu.memory_space<semaphore_mem>>) src(%dma_wait3A_112 : memref<10240x128xf32, #tpu.memory_space<hbm>>) dst(%dma_wait3A_107 : memref<96x128xf32, #tpu.memory_space<vmem>>)
    %parallel_loop3A_113 = arith.constant 0 : i32
    %parallel_loop3A_114 = arith.constant 200 : i32
    %parallel_loop3A_115 = arith.constant 1 : i32
    scf.for %parallel_loop3A_320 = %parallel_loop3A_113 to %parallel_loop3A_114 step %parallel_loop3A_115  : i32 {
      %parallel_loop3A_321 = arith.index_cast %parallel_loop3A_320 : i32 to index
      %parallel_loop3A_322 = arith.constant 0 : index
      %parallel_loop3A_323 = tpu.vector_load %arg10[%parallel_loop3A_321, %parallel_loop3A_322] {strides = array<i32>} : memref<200x128xf32, #tpu.memory_space<vmem>>, vector<1x16xf32>,
      %parallel_loop3A_324 = vector.shape_cast %parallel_loop3A_323 : vector<1x16xf32> to vector<16xf32>
      %parallel_loop3A_325 = arith.index_cast %parallel_loop3A_320 : i32 to index
      %parallel_loop3A_326 = arith.constant 0 : index
      %parallel_loop3A_327 = tpu.vector_load %arg12[%parallel_loop3A_325, %parallel_loop3A_326] {strides = array<i32>} : memref<200x128xf32, #tpu.memory_space<vmem>>, vector<1x16xf32>,
      %parallel_loop3A_328 = vector.shape_cast %parallel_loop3A_327 : vector<1x16xf32> to vector<16xf32>
      %parallel_loop3A_329 = arith.addf %parallel_loop3A_324, %parallel_loop3A_328 : vector<16xf32>
      %parallel_loop3A_330 = arith.index_cast %parallel_loop3A_320 : i32 to index
      %parallel_loop3A_331 = arith.constant 0 : index
      %parallel_loop3A_332 = tpu.vector_load %arg10[%parallel_loop3A_330, %parallel_loop3A_331] {strides = array<i32>} : memref<200x128xf32, #tpu.memory_space<vmem>>, vector<1x16xf32>,
      %parallel_loop3A_333 = vector.shape_cast %parallel_loop3A_332 : vector<1x16xf32> to vector<16xf32>
      %parallel_loop3A_334 = vector.shape_cast %parallel_loop3A_329 : vector<16xf32> to vector<1x16xf32>
      tpu.vector_store %arg10[%parallel_loop3A_330, %parallel_loop3A_331], %parallel_loop3A_334 {strides = array<i32>} : memref<200x128xf32, #tpu.memory_space<vmem>>, vector<1x16xf32>,
      %parallel_loop3A_335 = arith.index_cast %parallel_loop3A_320 : i32 to index
      %parallel_loop3A_336 = arith.constant 16 : index
      %parallel_loop3A_337 = tpu.vector_load %arg10[%parallel_loop3A_335, %parallel_loop3A_336] {strides = array<i32>} : memref<200x128xf32, #tpu.memory_space<vmem>>, vector<1x16xf32>,
      %parallel_loop3A_338 = vector.shape_cast %parallel_loop3A_337 : vector<1x16xf32> to vector<16xf32>
      %parallel_loop3A_339 = arith.index_cast %parallel_loop3A_320 : i32 to index
      %parallel_loop3A_340 = arith.constant 16 : index
      %parallel_loop3A_341 = tpu.vector_load %arg12[%parallel_loop3A_339, %parallel_loop3A_340] {strides = array<i32>} : memref<200x128xf32, #tpu.memory_space<vmem>>, vector<1x16xf32>,
      %parallel_loop3A_342 = vector.shape_cast %parallel_loop3A_341 : vector<1x16xf32> to vector<16xf32>
      %parallel_loop3A_343 = arith.addf %parallel_loop3A_338, %parallel_loop3A_342 : vector<16xf32>
      %parallel_loop3A_344 = arith.index_cast %parallel_loop3A_320 : i32 to index
      %parallel_loop3A_345 = arith.constant 16 : index
      %parallel_loop3A_346 = tpu.vector_load %arg10[%parallel_loop3A_344, %parallel_loop3A_345] {strides = array<i32>} : memref<200x128xf32, #tpu.memory_space<vmem>>, vector<1x16xf32>,
      %parallel_loop3A_347 = vector.shape_cast %parallel_loop3A_346 : vector<1x16xf32> to vector<16xf32>
      %parallel_loop3A_348 = vector.shape_cast %parallel_loop3A_343 : vector<16xf32> to vector<1x16xf32>
      tpu.vector_store %arg10[%parallel_loop3A_344, %parallel_loop3A_345], %parallel_loop3A_348 {strides = array<i32>} : memref<200x128xf32, #tpu.memory_space<vmem>>, vector<1x16xf32>,
      %parallel_loop3A_349 = arith.index_cast %parallel_loop3A_320 : i32 to index
      %parallel_loop3A_350 = arith.constant 32 : index
      %parallel_loop3A_351 = tpu.vector_load %arg10[%parallel_loop3A_349, %parallel_loop3A_350] {strides = array<i32>} : memref<200x128xf32, #tpu.memory_space<vmem>>, vector<1x16xf32>,
      %parallel_loop3A_352 = vector.shape_cast %parallel_loop3A_351 : vector<1x16xf32> to vector<16xf32>
      %parallel_loop3A_353 = arith.index_cast %parallel_loop3A_320 : i32 to index
      %parallel_loop3A_354 = arith.constant 32 : index
      %parallel_loop3A_355 = tpu.vector_load %arg12[%parallel_loop3A_353, %parallel_loop3A_354] {strides = array<i32>} : memref<200x128xf32, #tpu.memory_space<vmem>>, vector<1x16xf32>,
      %parallel_loop3A_356 = vector.shape_cast %parallel_loop3A_355 : vector<1x16xf32> to vector<16xf32>
      %parallel_loop3A_357 = arith.addf %parallel_loop3A_352, %parallel_loop3A_356 : vector<16xf32>
      %parallel_loop3A_358 = arith.index_cast %parallel_loop3A_320 : i32 to index
      %parallel_loop3A_359 = arith.constant 32 : index
      %parallel_loop3A_360 = tpu.vector_load %arg10[%parallel_loop3A_358, %parallel_loop3A_359] {strides = array<i32>} : memref<200x128xf32, #tpu.memory_space<vmem>>, vector<1x16xf32>,
      %parallel_loop3A_361 = vector.shape_cast %parallel_loop3A_360 : vector<1x16xf32> to vector<16xf32>
      %parallel_loop3A_362 = vector.shape_cast %parallel_loop3A_357 : vector<16xf32> to vector<1x16xf32>
      tpu.vector_store %arg10[%parallel_loop3A_358, %parallel_loop3A_359], %parallel_loop3A_362 {strides = array<i32>} : memref<200x128xf32, #tpu.memory_space<vmem>>, vector<1x16xf32>,
      %parallel_loop3A_363 = arith.index_cast %parallel_loop3A_320 : i32 to index
      %parallel_loop3A_364 = arith.constant 48 : index
      %parallel_loop3A_365 = tpu.vector_load %arg10[%parallel_loop3A_363, %parallel_loop3A_364] {strides = array<i32>} : memref<200x128xf32, #tpu.memory_space<vmem>>, vector<1x16xf32>,
      %parallel_loop3A_366 = vector.shape_cast %parallel_loop3A_365 : vector<1x16xf32> to vector<16xf32>
      %parallel_loop3A_367 = arith.index_cast %parallel_loop3A_320 : i32 to index
      %parallel_loop3A_368 = arith.constant 48 : index
      %parallel_loop3A_369 = tpu.vector_load %arg12[%parallel_loop3A_367, %parallel_loop3A_368] {strides = array<i32>} : memref<200x128xf32, #tpu.memory_space<vmem>>, vector<1x16xf32>,
      %parallel_loop3A_370 = vector.shape_cast %parallel_loop3A_369 : vector<1x16xf32> to vector<16xf32>
      %parallel_loop3A_371 = arith.addf %parallel_loop3A_366, %parallel_loop3A_370 : vector<16xf32>
      %parallel_loop3A_372 = arith.index_cast %parallel_loop3A_320 : i32 to index
      %parallel_loop3A_373 = arith.constant 48 : index
      %parallel_loop3A_374 = tpu.vector_load %arg10[%parallel_loop3A_372, %parallel_loop3A_373] {strides = array<i32>} : memref<200x128xf32, #tpu.memory_space<vmem>>, vector<1x16xf32>,
      %parallel_loop3A_375 = vector.shape_cast %parallel_loop3A_374 : vector<1x16xf32> to vector<16xf32>
      %parallel_loop3A_376 = vector.shape_cast %parallel_loop3A_371 : vector<16xf32> to vector<1x16xf32>
      tpu.vector_store %arg10[%parallel_loop3A_372, %parallel_loop3A_373], %parallel_loop3A_376 {strides = array<i32>} : memref<200x128xf32, #tpu.memory_space<vmem>>, vector<1x16xf32>,
      %parallel_loop3A_377 = arith.index_cast %parallel_loop3A_320 : i32 to index
      %parallel_loop3A_378 = arith.constant 64 : index
      %parallel_loop3A_379 = tpu.vector_load %arg10[%parallel_loop3A_377, %parallel_loop3A_378] {strides = array<i32>} : memref<200x128xf32, #tpu.memory_space<vmem>>, vector<1x16xf32>,
      %parallel_loop3A_380 = vector.shape_cast %parallel_loop3A_379 : vector<1x16xf32> to vector<16xf32>
      %parallel_loop3A_381 = arith.index_cast %parallel_loop3A_320 : i32 to index
      %parallel_loop3A_382 = arith.constant 64 : index
      %parallel_loop3A_383 = tpu.vector_load %arg12[%parallel_loop3A_381, %parallel_loop3A_382] {strides = array<i32>} : memref<200x128xf32, #tpu.memory_space<vmem>>, vector<1x16xf32>,
      %parallel_loop3A_384 = vector.shape_cast %parallel_loop3A_383 : vector<1x16xf32> to vector<16xf32>
      %parallel_loop3A_385 = arith.addf %parallel_loop3A_380, %parallel_loop3A_384 : vector<16xf32>
      %parallel_loop3A_386 = arith.index_cast %parallel_loop3A_320 : i32 to index
      %parallel_loop3A_387 = arith.constant 64 : index
      %parallel_loop3A_388 = tpu.vector_load %arg10[%parallel_loop3A_386, %parallel_loop3A_387] {strides = array<i32>} : memref<200x128xf32, #tpu.memory_space<vmem>>, vector<1x16xf32>,
      %parallel_loop3A_389 = vector.shape_cast %parallel_loop3A_388 : vector<1x16xf32> to vector<16xf32>
      %parallel_loop3A_390 = vector.shape_cast %parallel_loop3A_385 : vector<16xf32> to vector<1x16xf32>
      tpu.vector_store %arg10[%parallel_loop3A_386, %parallel_loop3A_387], %parallel_loop3A_390 {strides = array<i32>} : memref<200x128xf32, #tpu.memory_space<vmem>>, vector<1x16xf32>,
      %parallel_loop3A_391 = arith.index_cast %parallel_loop3A_320 : i32 to index
      %parallel_loop3A_392 = arith.constant 80 : index
      %parallel_loop3A_393 = tpu.vector_load %arg10[%parallel_loop3A_391, %parallel_loop3A_392] {strides = array<i32>} : memref<200x128xf32, #tpu.memory_space<vmem>>, vector<1x16xf32>,
      %parallel_loop3A_394 = vector.shape_cast %parallel_loop3A_393 : vector<1x16xf32> to vector<16xf32>
      %parallel_loop3A_395 = arith.index_cast %parallel_loop3A_320 : i32 to index
      %parallel_loop3A_396 = arith.constant 80 : index
      %parallel_loop3A_397 = tpu.vector_load %arg12[%parallel_loop3A_395, %parallel_loop3A_396] {strides = array<i32>} : memref<200x128xf32, #tpu.memory_space<vmem>>, vector<1x16xf32>,
      %parallel_loop3A_398 = vector.shape_cast %parallel_loop3A_397 : vector<1x16xf32> to vector<16xf32>
      %parallel_loop3A_399 = arith.addf %parallel_loop3A_394, %parallel_loop3A_398 : vector<16xf32>
      %parallel_loop3A_400 = arith.index_cast %parallel_loop3A_320 : i32 to index
      %parallel_loop3A_401 = arith.constant 80 : index
      %parallel_loop3A_402 = tpu.vector_load %arg10[%parallel_loop3A_400, %parallel_loop3A_401] {strides = array<i32>} : memref<200x128xf32, #tpu.memory_space<vmem>>, vector<1x16xf32>,
      %parallel_loop3A_403 = vector.shape_cast %parallel_loop3A_402 : vector<1x16xf32> to vector<16xf32>
      %parallel_loop3A_404 = vector.shape_cast %parallel_loop3A_399 : vector<16xf32> to vector<1x16xf32>
      tpu.vector_store %arg10[%parallel_loop3A_400, %parallel_loop3A_401], %parallel_loop3A_404 {strides = array<i32>} : memref<200x128xf32, #tpu.memory_space<vmem>>, vector<1x16xf32>,
      %parallel_loop3A_405 = arith.index_cast %parallel_loop3A_320 : i32 to index
      %parallel_loop3A_406 = arith.constant 96 : index
      %parallel_loop3A_407 = tpu.vector_load %arg10[%parallel_loop3A_405, %parallel_loop3A_406] {strides = array<i32>} : memref<200x128xf32, #tpu.memory_space<vmem>>, vector<1x16xf32>,
      %parallel_loop3A_408 = vector.shape_cast %parallel_loop3A_407 : vector<1x16xf32> to vector<16xf32>
      %parallel_loop3A_409 = arith.index_cast %parallel_loop3A_320 : i32 to index
      %parallel_loop3A_410 = arith.constant 96 : index
      %parallel_loop3A_411 = tpu.vector_load %arg12[%parallel_loop3A_409, %parallel_loop3A_410] {strides = array<i32>} : memref<200x128xf32, #tpu.memory_space<vmem>>, vector<1x16xf32>,
      %parallel_loop3A_412 = vector.shape_cast %parallel_loop3A_411 : vector<1x16xf32> to vector<16xf32>
      %parallel_loop3A_413 = arith.addf %parallel_loop3A_408, %parallel_loop3A_412 : vector<16xf32>
      %parallel_loop3A_414 = arith.index_cast %parallel_loop3A_320 : i32 to index
      %parallel_loop3A_415 = arith.constant 96 : index
      %parallel_loop3A_416 = tpu.vector_load %arg10[%parallel_loop3A_414, %parallel_loop3A_415] {strides = array<i32>} : memref<200x128xf32, #tpu.memory_space<vmem>>, vector<1x16xf32>,
      %parallel_loop3A_417 = vector.shape_cast %parallel_loop3A_416 : vector<1x16xf32> to vector<16xf32>
      %parallel_loop3A_418 = vector.shape_cast %parallel_loop3A_413 : vector<16xf32> to vector<1x16xf32>
      tpu.vector_store %arg10[%parallel_loop3A_414, %parallel_loop3A_415], %parallel_loop3A_418 {strides = array<i32>} : memref<200x128xf32, #tpu.memory_space<vmem>>, vector<1x16xf32>,
      %parallel_loop3A_419 = arith.index_cast %parallel_loop3A_320 : i32 to index
      %parallel_loop3A_420 = arith.constant 112 : index
      %parallel_loop3A_421 = tpu.vector_load %arg10[%parallel_loop3A_419, %parallel_loop3A_420] {strides = array<i32>} : memref<200x128xf32, #tpu.memory_space<vmem>>, vector<1x16xf32>,
      %parallel_loop3A_422 = vector.shape_cast %parallel_loop3A_421 : vector<1x16xf32> to vector<16xf32>
      %parallel_loop3A_423 = arith.index_cast %parallel_loop3A_320 : i32 to index
      %parallel_loop3A_424 = arith.constant 112 : index
      %parallel_loop3A_425 = tpu.vector_load %arg12[%parallel_loop3A_423, %parallel_loop3A_424] {strides = array<i32>} : memref<200x128xf32, #tpu.memory_space<vmem>>, vector<1x16xf32>,
      %parallel_loop3A_426 = vector.shape_cast %parallel_loop3A_425 : vector<1x16xf32> to vector<16xf32>
      %parallel_loop3A_427 = arith.addf %parallel_loop3A_422, %parallel_loop3A_426 : vector<16xf32>
      %parallel_loop3A_428 = arith.index_cast %parallel_loop3A_320 : i32 to index
      %parallel_loop3A_429 = arith.constant 112 : index
      %parallel_loop3A_430 = tpu.vector_load %arg10[%parallel_loop3A_428, %parallel_loop3A_429] {strides = array<i32>} : memref<200x128xf32, #tpu.memory_space<vmem>>, vector<1x16xf32>,
      %parallel_loop3A_431 = vector.shape_cast %parallel_loop3A_430 : vector<1x16xf32> to vector<16xf32>
      %parallel_loop3A_432 = vector.shape_cast %parallel_loop3A_427 : vector<16xf32> to vector<1x16xf32>
      tpu.vector_store %arg10[%parallel_loop3A_428, %parallel_loop3A_429], %parallel_loop3A_432 {strides = array<i32>} : memref<200x128xf32, #tpu.memory_space<vmem>>, vector<1x16xf32>,
    } {sc.loop_unroll_factor = 4 : i64, sc.parallel_access}
    %add3A_116 = arith.constant 200 : i32
    %add3A_117 = arith.addi %mul3A_2, %add3A_116 : i32
    %dma_start3A_118 = arith.constant 0 : i32
    %dma_start3A_119 = tpu.memref_slice %arg5[%add3A_117, %dma_start3A_118] : memref<320000x128xf32, #tpu.memory_space<hbm>> -> memref<200x128xf32, #tpu.memory_space<hbm>>
    %dma_start3A_120 = arith.constant 0 : i32
    %dma_start3A_121 = tpu.memref_slice %arg5[%add3A_117, %dma_start3A_120] : memref<320000x128xf32, #tpu.memory_space<hbm>> -> memref<200x128xf32, #tpu.memory_space<hbm>>
    tpu.enqueue_dma source(%arg10 : memref<200x128xf32, #tpu.memory_space<vmem>>) target(%dma_start3A_121 : memref<200x128xf32, #tpu.memory_space<hbm>>) target_semaphore(%arg17 : memref<!tpu.dma_semaphore, #tpu.memory_space<semaphore_mem>>)
    %add3A_122 = arith.constant 0 : i32
    %add3A_123 = arith.addi %mul3A_2, %add3A_122 : i32
    %dma_wait3A_124 = arith.constant 0 : i32
    %dma_wait3A_125 = tpu.memref_slice %arg5[%add3A_123, %dma_wait3A_124] : memref<320000x128xf32, #tpu.memory_space<hbm>> -> memref<200x128xf32, #tpu.memory_space<hbm>>
    %dma_wait3A_126 = arith.constant 0 : i32
    %dma_wait3A_127 = tpu.memref_slice %arg5[%add3A_123, %dma_wait3A_126] : memref<320000x128xf32, #tpu.memory_space<hbm>> -> memref<200x128xf32, #tpu.memory_space<hbm>>
    tpu.wait_dma2 semaphore(%arg16 : memref<!tpu.dma_semaphore, #tpu.memory_space<semaphore_mem>>) src(%arg9 : memref<200x128xf32, #tpu.memory_space<vmem>>) dst(%dma_wait3A_127 : memref<200x128xf32, #tpu.memory_space<hbm>>)
    %add3A_128 = arith.constant 600 : i32
    %add3A_129 = arith.addi %mul3A_2, %add3A_128 : i32
    %dma_start3A_130 = tpu.memref_slice %arg3[%add3A_129] : memref<320000xi32, #tpu.memory_space<hbm>> -> memref<200xi32, #tpu.memory_space<hbm>>
    %dma_start3A_131 = tpu.memref_slice %arg3[%add3A_129] : memref<320000xi32, #tpu.memory_space<hbm>> -> memref<200xi32, #tpu.memory_space<hbm>>
    tpu.enqueue_dma source(%dma_start3A_131 : memref<200xi32, #tpu.memory_space<hbm>>) target(%arg6 : memref<200xi32, #tpu.memory_space<vmem>>) target_semaphore(%arg13 : memref<!tpu.dma_semaphore, #tpu.memory_space<semaphore_mem>>)
    %dma_start3A_132 = arith.constant 0 : i32
    %dma_start3A_133 = tpu.memref_slice %arg2[%add3A_129, %dma_start3A_132] : memref<320000x128xf32, #tpu.memory_space<hbm>> -> memref<200x128xf32, #tpu.memory_space<hbm>>
    %dma_start3A_134 = arith.constant 0 : i32
    %dma_start3A_135 = tpu.memref_slice %arg2[%add3A_129, %dma_start3A_134] : memref<320000x128xf32, #tpu.memory_space<hbm>> -> memref<200x128xf32, #tpu.memory_space<hbm>>
    tpu.enqueue_dma source(%dma_start3A_135 : memref<200x128xf32, #tpu.memory_space<hbm>>) target(%arg9 : memref<200x128xf32, #tpu.memory_space<vmem>>) target_semaphore(%arg13 : memref<!tpu.dma_semaphore, #tpu.memory_space<semaphore_mem>>)
    %add3A_136 = arith.constant 400 : i32
    %add3A_137 = arith.addi %mul3A_2, %add3A_136 : i32
    %dma_wait3A_138 = arith.constant 0 : i32
    %dma_wait3A_139 = tpu.memref_slice %arg2[%add3A_137, %dma_wait3A_138] : memref<320000x128xf32, #tpu.memory_space<hbm>> -> memref<200x128xf32, #tpu.memory_space<hbm>>
    %dma_wait3A_140 = arith.constant 0 : i32
    %dma_wait3A_141 = tpu.memref_slice %arg2[%add3A_137, %dma_wait3A_140] : memref<320000x128xf32, #tpu.memory_space<hbm>> -> memref<200x128xf32, #tpu.memory_space<hbm>>
    tpu.wait_dma2 semaphore(%arg15 : memref<!tpu.dma_semaphore, #tpu.memory_space<semaphore_mem>>) src(%dma_wait3A_141 : memref<200x128xf32, #tpu.memory_space<hbm>>) dst(%arg11 : memref<200x128xf32, #tpu.memory_space<vmem>>)
    %dma_wait3A_142 = tpu.memref_slice %arg3[%add3A_137] : memref<320000xi32, #tpu.memory_space<hbm>> -> memref<200xi32, #tpu.memory_space<hbm>>
    %dma_wait3A_143 = tpu.memref_slice %arg3[%add3A_137] : memref<320000xi32, #tpu.memory_space<hbm>> -> memref<200xi32, #tpu.memory_space<hbm>>
    tpu.wait_dma2 semaphore(%arg15 : memref<!tpu.dma_semaphore, #tpu.memory_space<semaphore_mem>>) src(%dma_wait3A_143 : memref<200xi32, #tpu.memory_space<hbm>>) dst(%arg8 : memref<200xi32, #tpu.memory_space<vmem>>)
    %dma_start3A_144 = arith.constant 0 : i32
    %dma_start3A_145 = arith.constant 0 : i32
    %dma_start3A_146 = tpu.memref_slice %arg12[%dma_start3A_144, %dma_start3A_145] : memref<200x128xf32, #tpu.memory_space<vmem>> -> memref<104x128xf32, #tpu.memory_space<vmem>>
    %dma_start3A_147 = arith.constant 0 : i32
    %dma_start3A_148 = tpu.memref_slice %arg8[%dma_start3A_147] : memref<200xi32, #tpu.memory_space<vmem>> -> memref<104xi32, #tpu.memory_space<vmem>>
    %dma_start3A_149 = arith.constant 0 : i32
    %dma_start3A_150 = arith.constant 0 : i32
    %dma_start3A_151 = tpu.memref_slice %arg4[%dma_start3A_149, %dma_start3A_150] : memref<10240x128xf32, #tpu.memory_space<hbm>> -> memref<10240x128xf32, #tpu.memory_space<hbm>>
    tpu.enqueue_indirect_dma source(%dma_start3A_151 : memref<10240x128xf32, #tpu.memory_space<hbm>>) target(%dma_start3A_146 : memref<104x128xf32, #tpu.memory_space<vmem>>) offsets(%dma_start3A_148 : memref<104xi32, #tpu.memory_space<vmem>>) semaphore(%arg19 : memref<!tpu.dma_semaphore, #tpu.memory_space<semaphore_mem>>)
    %dma_start3A_152 = arith.constant 104 : i32
    %dma_start3A_153 = arith.constant 0 : i32
    %dma_start3A_154 = tpu.memref_slice %arg12[%dma_start3A_152, %dma_start3A_153] : memref<200x128xf32, #tpu.memory_space<vmem>> -> memref<96x128xf32, #tpu.memory_space<vmem>>
    %dma_start3A_155 = arith.constant 104 : i32
    %dma_start3A_156 = tpu.memref_slice %arg8[%dma_start3A_155] : memref<200xi32, #tpu.memory_space<vmem>> -> memref<96xi32, #tpu.memory_space<vmem>>
    %dma_start3A_157 = arith.constant 0 : i32
    %dma_start3A_158 = arith.constant 0 : i32
    %dma_start3A_159 = tpu.memref_slice %arg4[%dma_start3A_157, %dma_start3A_158] : memref<10240x128xf32, #tpu.memory_space<hbm>> -> memref<10240x128xf32, #tpu.memory_space<hbm>>
    tpu.enqueue_indirect_dma source(%dma_start3A_159 : memref<10240x128xf32, #tpu.memory_space<hbm>>) target(%dma_start3A_154 : memref<96x128xf32, #tpu.memory_space<vmem>>) offsets(%dma_start3A_156 : memref<96xi32, #tpu.memory_space<vmem>>) semaphore(%arg19 : memref<!tpu.dma_semaphore, #tpu.memory_space<semaphore_mem>>)
    %dma_wait3A_160 = arith.constant 0 : i32
    %dma_wait3A_161 = arith.constant 0 : i32
    %dma_wait3A_162 = tpu.memref_slice %arg12[%dma_wait3A_160, %dma_wait3A_161] : memref<200x128xf32, #tpu.memory_space<vmem>> -> memref<104x128xf32, #tpu.memory_space<vmem>>
    %dma_wait3A_163 = arith.constant 0 : i32
    %dma_wait3A_164 = tpu.memref_slice %arg8[%dma_wait3A_163] : memref<200xi32, #tpu.memory_space<vmem>> -> memref<104xi32, #tpu.memory_space<vmem>>
    %dma_wait3A_165 = arith.constant 0 : i32
    %dma_wait3A_166 = arith.constant 0 : i32
    %dma_wait3A_167 = tpu.memref_slice %arg4[%dma_wait3A_165, %dma_wait3A_166] : memref<10240x128xf32, #tpu.memory_space<hbm>> -> memref<10240x128xf32, #tpu.memory_space<hbm>>
    tpu.wait_indirect_dma semaphore(%arg19 : memref<!tpu.dma_semaphore, #tpu.memory_space<semaphore_mem>>) src(%dma_wait3A_167 : memref<10240x128xf32, #tpu.memory_space<hbm>>) dst(%dma_wait3A_162 : memref<104x128xf32, #tpu.memory_space<vmem>>)
    %dma_wait3A_168 = arith.constant 104 : i32
    %dma_wait3A_169 = arith.constant 0 : i32
    %dma_wait3A_170 = tpu.memref_slice %arg12[%dma_wait3A_168, %dma_wait3A_169] : memref<200x128xf32, #tpu.memory_space<vmem>> -> memref<96x128xf32, #tpu.memory_space<vmem>>
    %dma_wait3A_171 = arith.constant 104 : i32
    %dma_wait3A_172 = tpu.memref_slice %arg8[%dma_wait3A_171] : memref<200xi32, #tpu.memory_space<vmem>> -> memref<96xi32, #tpu.memory_space<vmem>>
    %dma_wait3A_173 = arith.constant 0 : i32
    %dma_wait3A_174 = arith.constant 0 : i32
    %dma_wait3A_175 = tpu.memref_slice %arg4[%dma_wait3A_173, %dma_wait3A_174] : memref<10240x128xf32, #tpu.memory_space<hbm>> -> memref<10240x128xf32, #tpu.memory_space<hbm>>
    tpu.wait_indirect_dma semaphore(%arg19 : memref<!tpu.dma_semaphore, #tpu.memory_space<semaphore_mem>>) src(%dma_wait3A_175 : memref<10240x128xf32, #tpu.memory_space<hbm>>) dst(%dma_wait3A_170 : memref<96x128xf32, #tpu.memory_space<vmem>>)
    %parallel_loop3A_176 = arith.constant 0 : i32
    %parallel_loop3A_177 = arith.constant 200 : i32
    %parallel_loop3A_178 = arith.constant 1 : i32
    scf.for %parallel_loop3A_320 = %parallel_loop3A_176 to %parallel_loop3A_177 step %parallel_loop3A_178  : i32 {
      %parallel_loop3A_321 = arith.index_cast %parallel_loop3A_320 : i32 to index
      %parallel_loop3A_322 = arith.constant 0 : index
      %parallel_loop3A_323 = tpu.vector_load %arg11[%parallel_loop3A_321, %parallel_loop3A_322] {strides = array<i32>} : memref<200x128xf32, #tpu.memory_space<vmem>>, vector<1x16xf32>,
      %parallel_loop3A_324 = vector.shape_cast %parallel_loop3A_323 : vector<1x16xf32> to vector<16xf32>
      %parallel_loop3A_325 = arith.index_cast %parallel_loop3A_320 : i32 to index
      %parallel_loop3A_326 = arith.constant 0 : index
      %parallel_loop3A_327 = tpu.vector_load %arg12[%parallel_loop3A_325, %parallel_loop3A_326] {strides = array<i32>} : memref<200x128xf32, #tpu.memory_space<vmem>>, vector<1x16xf32>,
      %parallel_loop3A_328 = vector.shape_cast %parallel_loop3A_327 : vector<1x16xf32> to vector<16xf32>
      %parallel_loop3A_329 = arith.addf %parallel_loop3A_324, %parallel_loop3A_328 : vector<16xf32>
      %parallel_loop3A_330 = arith.index_cast %parallel_loop3A_320 : i32 to index
      %parallel_loop3A_331 = arith.constant 0 : index
      %parallel_loop3A_332 = tpu.vector_load %arg11[%parallel_loop3A_330, %parallel_loop3A_331] {strides = array<i32>} : memref<200x128xf32, #tpu.memory_space<vmem>>, vector<1x16xf32>,
      %parallel_loop3A_333 = vector.shape_cast %parallel_loop3A_332 : vector<1x16xf32> to vector<16xf32>
      %parallel_loop3A_334 = vector.shape_cast %parallel_loop3A_329 : vector<16xf32> to vector<1x16xf32>
      tpu.vector_store %arg11[%parallel_loop3A_330, %parallel_loop3A_331], %parallel_loop3A_334 {strides = array<i32>} : memref<200x128xf32, #tpu.memory_space<vmem>>, vector<1x16xf32>,
      %parallel_loop3A_335 = arith.index_cast %parallel_loop3A_320 : i32 to index
      %parallel_loop3A_336 = arith.constant 16 : index
      %parallel_loop3A_337 = tpu.vector_load %arg11[%parallel_loop3A_335, %parallel_loop3A_336] {strides = array<i32>} : memref<200x128xf32, #tpu.memory_space<vmem>>, vector<1x16xf32>,
      %parallel_loop3A_338 = vector.shape_cast %parallel_loop3A_337 : vector<1x16xf32> to vector<16xf32>
      %parallel_loop3A_339 = arith.index_cast %parallel_loop3A_320 : i32 to index
      %parallel_loop3A_340 = arith.constant 16 : index
      %parallel_loop3A_341 = tpu.vector_load %arg12[%parallel_loop3A_339, %parallel_loop3A_340] {strides = array<i32>} : memref<200x128xf32, #tpu.memory_space<vmem>>, vector<1x16xf32>,
      %parallel_loop3A_342 = vector.shape_cast %parallel_loop3A_341 : vector<1x16xf32> to vector<16xf32>
      %parallel_loop3A_343 = arith.addf %parallel_loop3A_338, %parallel_loop3A_342 : vector<16xf32>
      %parallel_loop3A_344 = arith.index_cast %parallel_loop3A_320 : i32 to index
      %parallel_loop3A_345 = arith.constant 16 : index
      %parallel_loop3A_346 = tpu.vector_load %arg11[%parallel_loop3A_344, %parallel_loop3A_345] {strides = array<i32>} : memref<200x128xf32, #tpu.memory_space<vmem>>, vector<1x16xf32>,
      %parallel_loop3A_347 = vector.shape_cast %parallel_loop3A_346 : vector<1x16xf32> to vector<16xf32>
      %parallel_loop3A_348 = vector.shape_cast %parallel_loop3A_343 : vector<16xf32> to vector<1x16xf32>
      tpu.vector_store %arg11[%parallel_loop3A_344, %parallel_loop3A_345], %parallel_loop3A_348 {strides = array<i32>} : memref<200x128xf32, #tpu.memory_space<vmem>>, vector<1x16xf32>,
      %parallel_loop3A_349 = arith.index_cast %parallel_loop3A_320 : i32 to index
      %parallel_loop3A_350 = arith.constant 32 : index
      %parallel_loop3A_351 = tpu.vector_load %arg11[%parallel_loop3A_349, %parallel_loop3A_350] {strides = array<i32>} : memref<200x128xf32, #tpu.memory_space<vmem>>, vector<1x16xf32>,
      %parallel_loop3A_352 = vector.shape_cast %parallel_loop3A_351 : vector<1x16xf32> to vector<16xf32>
      %parallel_loop3A_353 = arith.index_cast %parallel_loop3A_320 : i32 to index
      %parallel_loop3A_354 = arith.constant 32 : index
      %parallel_loop3A_355 = tpu.vector_load %arg12[%parallel_loop3A_353, %parallel_loop3A_354] {strides = array<i32>} : memref<200x128xf32, #tpu.memory_space<vmem>>, vector<1x16xf32>,
      %parallel_loop3A_356 = vector.shape_cast %parallel_loop3A_355 : vector<1x16xf32> to vector<16xf32>
      %parallel_loop3A_357 = arith.addf %parallel_loop3A_352, %parallel_loop3A_356 : vector<16xf32>
      %parallel_loop3A_358 = arith.index_cast %parallel_loop3A_320 : i32 to index
      %parallel_loop3A_359 = arith.constant 32 : index
      %parallel_loop3A_360 = tpu.vector_load %arg11[%parallel_loop3A_358, %parallel_loop3A_359] {strides = array<i32>} : memref<200x128xf32, #tpu.memory_space<vmem>>, vector<1x16xf32>,
      %parallel_loop3A_361 = vector.shape_cast %parallel_loop3A_360 : vector<1x16xf32> to vector<16xf32>
      %parallel_loop3A_362 = vector.shape_cast %parallel_loop3A_357 : vector<16xf32> to vector<1x16xf32>
      tpu.vector_store %arg11[%parallel_loop3A_358, %parallel_loop3A_359], %parallel_loop3A_362 {strides = array<i32>} : memref<200x128xf32, #tpu.memory_space<vmem>>, vector<1x16xf32>,
      %parallel_loop3A_363 = arith.index_cast %parallel_loop3A_320 : i32 to index
      %parallel_loop3A_364 = arith.constant 48 : index
      %parallel_loop3A_365 = tpu.vector_load %arg11[%parallel_loop3A_363, %parallel_loop3A_364] {strides = array<i32>} : memref<200x128xf32, #tpu.memory_space<vmem>>, vector<1x16xf32>,
      %parallel_loop3A_366 = vector.shape_cast %parallel_loop3A_365 : vector<1x16xf32> to vector<16xf32>
      %parallel_loop3A_367 = arith.index_cast %parallel_loop3A_320 : i32 to index
      %parallel_loop3A_368 = arith.constant 48 : index
      %parallel_loop3A_369 = tpu.vector_load %arg12[%parallel_loop3A_367, %parallel_loop3A_368] {strides = array<i32>} : memref<200x128xf32, #tpu.memory_space<vmem>>, vector<1x16xf32>,
      %parallel_loop3A_370 = vector.shape_cast %parallel_loop3A_369 : vector<1x16xf32> to vector<16xf32>
      %parallel_loop3A_371 = arith.addf %parallel_loop3A_366, %parallel_loop3A_370 : vector<16xf32>
      %parallel_loop3A_372 = arith.index_cast %parallel_loop3A_320 : i32 to index
      %parallel_loop3A_373 = arith.constant 48 : index
      %parallel_loop3A_374 = tpu.vector_load %arg11[%parallel_loop3A_372, %parallel_loop3A_373] {strides = array<i32>} : memref<200x128xf32, #tpu.memory_space<vmem>>, vector<1x16xf32>,
      %parallel_loop3A_375 = vector.shape_cast %parallel_loop3A_374 : vector<1x16xf32> to vector<16xf32>
      %parallel_loop3A_376 = vector.shape_cast %parallel_loop3A_371 : vector<16xf32> to vector<1x16xf32>
      tpu.vector_store %arg11[%parallel_loop3A_372, %parallel_loop3A_373], %parallel_loop3A_376 {strides = array<i32>} : memref<200x128xf32, #tpu.memory_space<vmem>>, vector<1x16xf32>,
      %parallel_loop3A_377 = arith.index_cast %parallel_loop3A_320 : i32 to index
      %parallel_loop3A_378 = arith.constant 64 : index
      %parallel_loop3A_379 = tpu.vector_load %arg11[%parallel_loop3A_377, %parallel_loop3A_378] {strides = array<i32>} : memref<200x128xf32, #tpu.memory_space<vmem>>, vector<1x16xf32>,
      %parallel_loop3A_380 = vector.shape_cast %parallel_loop3A_379 : vector<1x16xf32> to vector<16xf32>
      %parallel_loop3A_381 = arith.index_cast %parallel_loop3A_320 : i32 to index
      %parallel_loop3A_382 = arith.constant 64 : index
      %parallel_loop3A_383 = tpu.vector_load %arg12[%parallel_loop3A_381, %parallel_loop3A_382] {strides = array<i32>} : memref<200x128xf32, #tpu.memory_space<vmem>>, vector<1x16xf32>,
      %parallel_loop3A_384 = vector.shape_cast %parallel_loop3A_383 : vector<1x16xf32> to vector<16xf32>
      %parallel_loop3A_385 = arith.addf %parallel_loop3A_380, %parallel_loop3A_384 : vector<16xf32>
      %parallel_loop3A_386 = arith.index_cast %parallel_loop3A_320 : i32 to index
      %parallel_loop3A_387 = arith.constant 64 : index
      %parallel_loop3A_388 = tpu.vector_load %arg11[%parallel_loop3A_386, %parallel_loop3A_387] {strides = array<i32>} : memref<200x128xf32, #tpu.memory_space<vmem>>, vector<1x16xf32>,
      %parallel_loop3A_389 = vector.shape_cast %parallel_loop3A_388 : vector<1x16xf32> to vector<16xf32>
      %parallel_loop3A_390 = vector.shape_cast %parallel_loop3A_385 : vector<16xf32> to vector<1x16xf32>
      tpu.vector_store %arg11[%parallel_loop3A_386, %parallel_loop3A_387], %parallel_loop3A_390 {strides = array<i32>} : memref<200x128xf32, #tpu.memory_space<vmem>>, vector<1x16xf32>,
      %parallel_loop3A_391 = arith.index_cast %parallel_loop3A_320 : i32 to index
      %parallel_loop3A_392 = arith.constant 80 : index
      %parallel_loop3A_393 = tpu.vector_load %arg11[%parallel_loop3A_391, %parallel_loop3A_392] {strides = array<i32>} : memref<200x128xf32, #tpu.memory_space<vmem>>, vector<1x16xf32>,
      %parallel_loop3A_394 = vector.shape_cast %parallel_loop3A_393 : vector<1x16xf32> to vector<16xf32>
      %parallel_loop3A_395 = arith.index_cast %parallel_loop3A_320 : i32 to index
      %parallel_loop3A_396 = arith.constant 80 : index
      %parallel_loop3A_397 = tpu.vector_load %arg12[%parallel_loop3A_395, %parallel_loop3A_396] {strides = array<i32>} : memref<200x128xf32, #tpu.memory_space<vmem>>, vector<1x16xf32>,
      %parallel_loop3A_398 = vector.shape_cast %parallel_loop3A_397 : vector<1x16xf32> to vector<16xf32>
      %parallel_loop3A_399 = arith.addf %parallel_loop3A_394, %parallel_loop3A_398 : vector<16xf32>
      %parallel_loop3A_400 = arith.index_cast %parallel_loop3A_320 : i32 to index
      %parallel_loop3A_401 = arith.constant 80 : index
      %parallel_loop3A_402 = tpu.vector_load %arg11[%parallel_loop3A_400, %parallel_loop3A_401] {strides = array<i32>} : memref<200x128xf32, #tpu.memory_space<vmem>>, vector<1x16xf32>,
      %parallel_loop3A_403 = vector.shape_cast %parallel_loop3A_402 : vector<1x16xf32> to vector<16xf32>
      %parallel_loop3A_404 = vector.shape_cast %parallel_loop3A_399 : vector<16xf32> to vector<1x16xf32>
      tpu.vector_store %arg11[%parallel_loop3A_400, %parallel_loop3A_401], %parallel_loop3A_404 {strides = array<i32>} : memref<200x128xf32, #tpu.memory_space<vmem>>, vector<1x16xf32>,
      %parallel_loop3A_405 = arith.index_cast %parallel_loop3A_320 : i32 to index
      %parallel_loop3A_406 = arith.constant 96 : index
      %parallel_loop3A_407 = tpu.vector_load %arg11[%parallel_loop3A_405, %parallel_loop3A_406] {strides = array<i32>} : memref<200x128xf32, #tpu.memory_space<vmem>>, vector<1x16xf32>,
      %parallel_loop3A_408 = vector.shape_cast %parallel_loop3A_407 : vector<1x16xf32> to vector<16xf32>
      %parallel_loop3A_409 = arith.index_cast %parallel_loop3A_320 : i32 to index
      %parallel_loop3A_410 = arith.constant 96 : index
      %parallel_loop3A_411 = tpu.vector_load %arg12[%parallel_loop3A_409, %parallel_loop3A_410] {strides = array<i32>} : memref<200x128xf32, #tpu.memory_space<vmem>>, vector<1x16xf32>,
      %parallel_loop3A_412 = vector.shape_cast %parallel_loop3A_411 : vector<1x16xf32> to vector<16xf32>
      %parallel_loop3A_413 = arith.addf %parallel_loop3A_408, %parallel_loop3A_412 : vector<16xf32>
      %parallel_loop3A_414 = arith.index_cast %parallel_loop3A_320 : i32 to index
      %parallel_loop3A_415 = arith.constant 96 : index
      %parallel_loop3A_416 = tpu.vector_load %arg11[%parallel_loop3A_414, %parallel_loop3A_415] {strides = array<i32>} : memref<200x128xf32, #tpu.memory_space<vmem>>, vector<1x16xf32>,
      %parallel_loop3A_417 = vector.shape_cast %parallel_loop3A_416 : vector<1x16xf32> to vector<16xf32>
      %parallel_loop3A_418 = vector.shape_cast %parallel_loop3A_413 : vector<16xf32> to vector<1x16xf32>
      tpu.vector_store %arg11[%parallel_loop3A_414, %parallel_loop3A_415], %parallel_loop3A_418 {strides = array<i32>} : memref<200x128xf32, #tpu.memory_space<vmem>>, vector<1x16xf32>,
      %parallel_loop3A_419 = arith.index_cast %parallel_loop3A_320 : i32 to index
      %parallel_loop3A_420 = arith.constant 112 : index
      %parallel_loop3A_421 = tpu.vector_load %arg11[%parallel_loop3A_419, %parallel_loop3A_420] {strides = array<i32>} : memref<200x128xf32, #tpu.memory_space<vmem>>, vector<1x16xf32>,
      %parallel_loop3A_422 = vector.shape_cast %parallel_loop3A_421 : vector<1x16xf32> to vector<16xf32>
      %parallel_loop3A_423 = arith.index_cast %parallel_loop3A_320 : i32 to index
      %parallel_loop3A_424 = arith.constant 112 : index
      %parallel_loop3A_425 = tpu.vector_load %arg12[%parallel_loop3A_423, %parallel_loop3A_424] {strides = array<i32>} : memref<200x128xf32, #tpu.memory_space<vmem>>, vector<1x16xf32>,
      %parallel_loop3A_426 = vector.shape_cast %parallel_loop3A_425 : vector<1x16xf32> to vector<16xf32>
      %parallel_loop3A_427 = arith.addf %parallel_loop3A_422, %parallel_loop3A_426 : vector<16xf32>
      %parallel_loop3A_428 = arith.index_cast %parallel_loop3A_320 : i32 to index
      %parallel_loop3A_429 = arith.constant 112 : index
      %parallel_loop3A_430 = tpu.vector_load %arg11[%parallel_loop3A_428, %parallel_loop3A_429] {strides = array<i32>} : memref<200x128xf32, #tpu.memory_space<vmem>>, vector<1x16xf32>,
      %parallel_loop3A_431 = vector.shape_cast %parallel_loop3A_430 : vector<1x16xf32> to vector<16xf32>
      %parallel_loop3A_432 = vector.shape_cast %parallel_loop3A_427 : vector<16xf32> to vector<1x16xf32>
      tpu.vector_store %arg11[%parallel_loop3A_428, %parallel_loop3A_429], %parallel_loop3A_432 {strides = array<i32>} : memref<200x128xf32, #tpu.memory_space<vmem>>, vector<1x16xf32>,
    } {sc.loop_unroll_factor = 4 : i64, sc.parallel_access}
    %add3A_179 = arith.constant 400 : i32
    %add3A_180 = arith.addi %mul3A_2, %add3A_179 : i32
    %dma_start3A_181 = arith.constant 0 : i32
    %dma_start3A_182 = tpu.memref_slice %arg5[%add3A_180, %dma_start3A_181] : memref<320000x128xf32, #tpu.memory_space<hbm>> -> memref<200x128xf32, #tpu.memory_space<hbm>>
    %dma_start3A_183 = arith.constant 0 : i32
    %dma_start3A_184 = tpu.memref_slice %arg5[%add3A_180, %dma_start3A_183] : memref<320000x128xf32, #tpu.memory_space<hbm>> -> memref<200x128xf32, #tpu.memory_space<hbm>>
    tpu.enqueue_dma source(%arg11 : memref<200x128xf32, #tpu.memory_space<vmem>>) target(%dma_start3A_184 : memref<200x128xf32, #tpu.memory_space<hbm>>) target_semaphore(%arg18 : memref<!tpu.dma_semaphore, #tpu.memory_space<semaphore_mem>>)
    %add3A_185 = arith.constant 200 : i32
    %add3A_186 = arith.addi %mul3A_2, %add3A_185 : i32
    %dma_wait3A_187 = arith.constant 0 : i32
    %dma_wait3A_188 = tpu.memref_slice %arg5[%add3A_186, %dma_wait3A_187] : memref<320000x128xf32, #tpu.memory_space<hbm>> -> memref<200x128xf32, #tpu.memory_space<hbm>>
    %dma_wait3A_189 = arith.constant 0 : i32
    %dma_wait3A_190 = tpu.memref_slice %arg5[%add3A_186, %dma_wait3A_189] : memref<320000x128xf32, #tpu.memory_space<hbm>> -> memref<200x128xf32, #tpu.memory_space<hbm>>
    tpu.wait_dma2 semaphore(%arg17 : memref<!tpu.dma_semaphore, #tpu.memory_space<semaphore_mem>>) src(%arg10 : memref<200x128xf32, #tpu.memory_space<vmem>>) dst(%dma_wait3A_190 : memref<200x128xf32, #tpu.memory_space<hbm>>)
    %add3A_191 = arith.constant 800 : i32
    %add3A_192 = arith.addi %mul3A_2, %add3A_191 : i32
    %dma_start3A_193 = tpu.memref_slice %arg3[%add3A_192] : memref<320000xi32, #tpu.memory_space<hbm>> -> memref<200xi32, #tpu.memory_space<hbm>>
    %dma_start3A_194 = tpu.memref_slice %arg3[%add3A_192] : memref<320000xi32, #tpu.memory_space<hbm>> -> memref<200xi32, #tpu.memory_space<hbm>>
    tpu.enqueue_dma source(%dma_start3A_194 : memref<200xi32, #tpu.memory_space<hbm>>) target(%arg7 : memref<200xi32, #tpu.memory_space<vmem>>) target_semaphore(%arg14 : memref<!tpu.dma_semaphore, #tpu.memory_space<semaphore_mem>>)
    %dma_start3A_195 = arith.constant 0 : i32
    %dma_start3A_196 = tpu.memref_slice %arg2[%add3A_192, %dma_start3A_195] : memref<320000x128xf32, #tpu.memory_space<hbm>> -> memref<200x128xf32, #tpu.memory_space<hbm>>
    %dma_start3A_197 = arith.constant 0 : i32
    %dma_start3A_198 = tpu.memref_slice %arg2[%add3A_192, %dma_start3A_197] : memref<320000x128xf32, #tpu.memory_space<hbm>> -> memref<200x128xf32, #tpu.memory_space<hbm>>
    tpu.enqueue_dma source(%dma_start3A_198 : memref<200x128xf32, #tpu.memory_space<hbm>>) target(%arg10 : memref<200x128xf32, #tpu.memory_space<vmem>>) target_semaphore(%arg14 : memref<!tpu.dma_semaphore, #tpu.memory_space<semaphore_mem>>)
    %scan3A = arith.constant 0 : i32
    %scan3A_199 = arith.constant 1 : i32
    %scan3A_200 = arith.constant 15 : i32
    %scan3A_201 = arith.addi %scan3A_199, %scan3A_200 : i32
    %scan3A_202 = arith.constant 1 : i32
    scf.for %scan3A_320 = %scan3A_199 to %scan3A_201 step %scan3A_202  : i32 {
      %mul3A_321 = arith.constant 3 : i32
      %mul3A_322 = arith.muli %mul3A_321, %scan3A_320 : i32
      %mul3A_323 = arith.constant 200 : i32
      %mul3A_324 = arith.muli %mul3A_322, %mul3A_323 : i32
      %add3A_325 = arith.addi %mul3A_2, %mul3A_324 : i32
      %dma_wait3A_326 = arith.constant 0 : i32
      %dma_wait3A_327 = tpu.memref_slice %arg2[%add3A_325, %dma_wait3A_326] : memref<320000x128xf32, #tpu.memory_space<hbm>> -> memref<200x128xf32, #tpu.memory_space<hbm>>
      %dma_wait3A_328 = arith.constant 0 : i32
      %dma_wait3A_329 = tpu.memref_slice %arg2[%add3A_325, %dma_wait3A_328] : memref<320000x128xf32, #tpu.memory_space<hbm>> -> memref<200x128xf32, #tpu.memory_space<hbm>>
      tpu.wait_dma2 semaphore(%arg13 : memref<!tpu.dma_semaphore, #tpu.memory_space<semaphore_mem>>) src(%dma_wait3A_329 : memref<200x128xf32, #tpu.memory_space<hbm>>) dst(%arg9 : memref<200x128xf32, #tpu.memory_space<vmem>>)
      %dma_wait3A_330 = tpu.memref_slice %arg3[%add3A_325] : memref<320000xi32, #tpu.memory_space<hbm>> -> memref<200xi32, #tpu.memory_space<hbm>>
      %dma_wait3A_331 = tpu.memref_slice %arg3[%add3A_325] : memref<320000xi32, #tpu.memory_space<hbm>> -> memref<200xi32, #tpu.memory_space<hbm>>
      tpu.wait_dma2 semaphore(%arg13 : memref<!tpu.dma_semaphore, #tpu.memory_space<semaphore_mem>>) src(%dma_wait3A_331 : memref<200xi32, #tpu.memory_space<hbm>>) dst(%arg6 : memref<200xi32, #tpu.memory_space<vmem>>)
      %dma_start3A_332 = arith.constant 0 : i32
      %dma_start3A_333 = arith.constant 0 : i32
      %dma_start3A_334 = tpu.memref_slice %arg12[%dma_start3A_332, %dma_start3A_333] : memref<200x128xf32, #tpu.memory_space<vmem>> -> memref<104x128xf32, #tpu.memory_space<vmem>>
      %dma_start3A_335 = arith.constant 0 : i32
      %dma_start3A_336 = tpu.memref_slice %arg6[%dma_start3A_335] : memref<200xi32, #tpu.memory_space<vmem>> -> memref<104xi32, #tpu.memory_space<vmem>>
      %dma_start3A_337 = arith.constant 0 : i32
      %dma_start3A_338 = arith.constant 0 : i32
      %dma_start3A_339 = tpu.memref_slice %arg4[%dma_start3A_337, %dma_start3A_338] : memref<10240x128xf32, #tpu.memory_space<hbm>> -> memref<10240x128xf32, #tpu.memory_space<hbm>>
      tpu.enqueue_indirect_dma source(%dma_start3A_339 : memref<10240x128xf32, #tpu.memory_space<hbm>>) target(%dma_start3A_334 : memref<104x128xf32, #tpu.memory_space<vmem>>) offsets(%dma_start3A_336 : memref<104xi32, #tpu.memory_space<vmem>>) semaphore(%arg19 : memref<!tpu.dma_semaphore, #tpu.memory_space<semaphore_mem>>)
      %dma_start3A_340 = arith.constant 104 : i32
      %dma_start3A_341 = arith.constant 0 : i32
      %dma_start3A_342 = tpu.memref_slice %arg12[%dma_start3A_340, %dma_start3A_341] : memref<200x128xf32, #tpu.memory_space<vmem>> -> memref<96x128xf32, #tpu.memory_space<vmem>>
      %dma_start3A_343 = arith.constant 104 : i32
      %dma_start3A_344 = tpu.memref_slice %arg6[%dma_start3A_343] : memref<200xi32, #tpu.memory_space<vmem>> -> memref<96xi32, #tpu.memory_space<vmem>>
      %dma_start3A_345 = arith.constant 0 : i32
      %dma_start3A_346 = arith.constant 0 : i32
      %dma_start3A_347 = tpu.memref_slice %arg4[%dma_start3A_345, %dma_start3A_346] : memref<10240x128xf32, #tpu.memory_space<hbm>> -> memref<10240x128xf32, #tpu.memory_space<hbm>>
      tpu.enqueue_indirect_dma source(%dma_start3A_347 : memref<10240x128xf32, #tpu.memory_space<hbm>>) target(%dma_start3A_342 : memref<96x128xf32, #tpu.memory_space<vmem>>) offsets(%dma_start3A_344 : memref<96xi32, #tpu.memory_space<vmem>>) semaphore(%arg19 : memref<!tpu.dma_semaphore, #tpu.memory_space<semaphore_mem>>)
      %dma_wait3A_348 = arith.constant 0 : i32
      %dma_wait3A_349 = arith.constant 0 : i32
      %dma_wait3A_350 = tpu.memref_slice %arg12[%dma_wait3A_348, %dma_wait3A_349] : memref<200x128xf32, #tpu.memory_space<vmem>> -> memref<104x128xf32, #tpu.memory_space<vmem>>
      %dma_wait3A_351 = arith.constant 0 : i32
      %dma_wait3A_352 = tpu.memref_slice %arg6[%dma_wait3A_351] : memref<200xi32, #tpu.memory_space<vmem>> -> memref<104xi32, #tpu.memory_space<vmem>>
      %dma_wait3A_353 = arith.constant 0 : i32
      %dma_wait3A_354 = arith.constant 0 : i32
      %dma_wait3A_355 = tpu.memref_slice %arg4[%dma_wait3A_353, %dma_wait3A_354] : memref<10240x128xf32, #tpu.memory_space<hbm>> -> memref<10240x128xf32, #tpu.memory_space<hbm>>
      tpu.wait_indirect_dma semaphore(%arg19 : memref<!tpu.dma_semaphore, #tpu.memory_space<semaphore_mem>>) src(%dma_wait3A_355 : memref<10240x128xf32, #tpu.memory_space<hbm>>) dst(%dma_wait3A_350 : memref<104x128xf32, #tpu.memory_space<vmem>>)
      %dma_wait3A_356 = arith.constant 104 : i32
      %dma_wait3A_357 = arith.constant 0 : i32
      %dma_wait3A_358 = tpu.memref_slice %arg12[%dma_wait3A_356, %dma_wait3A_357] : memref<200x128xf32, #tpu.memory_space<vmem>> -> memref<96x128xf32, #tpu.memory_space<vmem>>
      %dma_wait3A_359 = arith.constant 104 : i32
      %dma_wait3A_360 = tpu.memref_slice %arg6[%dma_wait3A_359] : memref<200xi32, #tpu.memory_space<vmem>> -> memref<96xi32, #tpu.memory_space<vmem>>
      %dma_wait3A_361 = arith.constant 0 : i32
      %dma_wait3A_362 = arith.constant 0 : i32
      %dma_wait3A_363 = tpu.memref_slice %arg4[%dma_wait3A_361, %dma_wait3A_362] : memref<10240x128xf32, #tpu.memory_space<hbm>> -> memref<10240x128xf32, #tpu.memory_space<hbm>>
      tpu.wait_indirect_dma semaphore(%arg19 : memref<!tpu.dma_semaphore, #tpu.memory_space<semaphore_mem>>) src(%dma_wait3A_363 : memref<10240x128xf32, #tpu.memory_space<hbm>>) dst(%dma_wait3A_358 : memref<96x128xf32, #tpu.memory_space<vmem>>)
      %parallel_loop3A_364 = arith.constant 0 : i32
      %parallel_loop3A_365 = arith.constant 200 : i32
      %parallel_loop3A_366 = arith.constant 1 : i32
      scf.for %parallel_loop3A_539 = %parallel_loop3A_364 to %parallel_loop3A_365 step %parallel_loop3A_366  : i32 {
        %parallel_loop3A_540 = arith.index_cast %parallel_loop3A_539 : i32 to index
        %parallel_loop3A_541 = arith.constant 0 : index
        %parallel_loop3A_542 = tpu.vector_load %arg9[%parallel_loop3A_540, %parallel_loop3A_541] {strides = array<i32>} : memref<200x128xf32, #tpu.memory_space<vmem>>, vector<1x16xf32>,
        %parallel_loop3A_543 = vector.shape_cast %parallel_loop3A_542 : vector<1x16xf32> to vector<16xf32>
        %parallel_loop3A_544 = arith.index_cast %parallel_loop3A_539 : i32 to index
        %parallel_loop3A_545 = arith.constant 0 : index
        %parallel_loop3A_546 = tpu.vector_load %arg12[%parallel_loop3A_544, %parallel_loop3A_545] {strides = array<i32>} : memref<200x128xf32, #tpu.memory_space<vmem>>, vector<1x16xf32>,
        %parallel_loop3A_547 = vector.shape_cast %parallel_loop3A_546 : vector<1x16xf32> to vector<16xf32>
        %parallel_loop3A_548 = arith.addf %parallel_loop3A_543, %parallel_loop3A_547 : vector<16xf32>
        %parallel_loop3A_549 = arith.index_cast %parallel_loop3A_539 : i32 to index
        %parallel_loop3A_550 = arith.constant 0 : index
        %parallel_loop3A_551 = tpu.vector_load %arg9[%parallel_loop3A_549, %parallel_loop3A_550] {strides = array<i32>} : memref<200x128xf32, #tpu.memory_space<vmem>>, vector<1x16xf32>,
        %parallel_loop3A_552 = vector.shape_cast %parallel_loop3A_551 : vector<1x16xf32> to vector<16xf32>
        %parallel_loop3A_553 = vector.shape_cast %parallel_loop3A_548 : vector<16xf32> to vector<1x16xf32>
        tpu.vector_store %arg9[%parallel_loop3A_549, %parallel_loop3A_550], %parallel_loop3A_553 {strides = array<i32>} : memref<200x128xf32, #tpu.memory_space<vmem>>, vector<1x16xf32>,
        %parallel_loop3A_554 = arith.index_cast %parallel_loop3A_539 : i32 to index
        %parallel_loop3A_555 = arith.constant 16 : index
        %parallel_loop3A_556 = tpu.vector_load %arg9[%parallel_loop3A_554, %parallel_loop3A_555] {strides = array<i32>} : memref<200x128xf32, #tpu.memory_space<vmem>>, vector<1x16xf32>,
        %parallel_loop3A_557 = vector.shape_cast %parallel_loop3A_556 : vector<1x16xf32> to vector<16xf32>
        %parallel_loop3A_558 = arith.index_cast %parallel_loop3A_539 : i32 to index
        %parallel_loop3A_559 = arith.constant 16 : index
        %parallel_loop3A_560 = tpu.vector_load %arg12[%parallel_loop3A_558, %parallel_loop3A_559] {strides = array<i32>} : memref<200x128xf32, #tpu.memory_space<vmem>>, vector<1x16xf32>,
        %parallel_loop3A_561 = vector.shape_cast %parallel_loop3A_560 : vector<1x16xf32> to vector<16xf32>
        %parallel_loop3A_562 = arith.addf %parallel_loop3A_557, %parallel_loop3A_561 : vector<16xf32>
        %parallel_loop3A_563 = arith.index_cast %parallel_loop3A_539 : i32 to index
        %parallel_loop3A_564 = arith.constant 16 : index
        %parallel_loop3A_565 = tpu.vector_load %arg9[%parallel_loop3A_563, %parallel_loop3A_564] {strides = array<i32>} : memref<200x128xf32, #tpu.memory_space<vmem>>, vector<1x16xf32>,
        %parallel_loop3A_566 = vector.shape_cast %parallel_loop3A_565 : vector<1x16xf32> to vector<16xf32>
        %parallel_loop3A_567 = vector.shape_cast %parallel_loop3A_562 : vector<16xf32> to vector<1x16xf32>
        tpu.vector_store %arg9[%parallel_loop3A_563, %parallel_loop3A_564], %parallel_loop3A_567 {strides = array<i32>} : memref<200x128xf32, #tpu.memory_space<vmem>>, vector<1x16xf32>,
        %parallel_loop3A_568 = arith.index_cast %parallel_loop3A_539 : i32 to index
        %parallel_loop3A_569 = arith.constant 32 : index
        %parallel_loop3A_570 = tpu.vector_load %arg9[%parallel_loop3A_568, %parallel_loop3A_569] {strides = array<i32>} : memref<200x128xf32, #tpu.memory_space<vmem>>, vector<1x16xf32>,
        %parallel_loop3A_571 = vector.shape_cast %parallel_loop3A_570 : vector<1x16xf32> to vector<16xf32>
        %parallel_loop3A_572 = arith.index_cast %parallel_loop3A_539 : i32 to index
        %parallel_loop3A_573 = arith.constant 32 : index
        %parallel_loop3A_574 = tpu.vector_load %arg12[%parallel_loop3A_572, %parallel_loop3A_573] {strides = array<i32>} : memref<200x128xf32, #tpu.memory_space<vmem>>, vector<1x16xf32>,
        %parallel_loop3A_575 = vector.shape_cast %parallel_loop3A_574 : vector<1x16xf32> to vector<16xf32>
        %parallel_loop3A_576 = arith.addf %parallel_loop3A_571, %parallel_loop3A_575 : vector<16xf32>
        %parallel_loop3A_577 = arith.index_cast %parallel_loop3A_539 : i32 to index
        %parallel_loop3A_578 = arith.constant 32 : index
        %parallel_loop3A_579 = tpu.vector_load %arg9[%parallel_loop3A_577, %parallel_loop3A_578] {strides = array<i32>} : memref<200x128xf32, #tpu.memory_space<vmem>>, vector<1x16xf32>,
        %parallel_loop3A_580 = vector.shape_cast %parallel_loop3A_579 : vector<1x16xf32> to vector<16xf32>
        %parallel_loop3A_581 = vector.shape_cast %parallel_loop3A_576 : vector<16xf32> to vector<1x16xf32>
        tpu.vector_store %arg9[%parallel_loop3A_577, %parallel_loop3A_578], %parallel_loop3A_581 {strides = array<i32>} : memref<200x128xf32, #tpu.memory_space<vmem>>, vector<1x16xf32>,
        %parallel_loop3A_582 = arith.index_cast %parallel_loop3A_539 : i32 to index
        %parallel_loop3A_583 = arith.constant 48 : index
        %parallel_loop3A_584 = tpu.vector_load %arg9[%parallel_loop3A_582, %parallel_loop3A_583] {strides = array<i32>} : memref<200x128xf32, #tpu.memory_space<vmem>>, vector<1x16xf32>,
        %parallel_loop3A_585 = vector.shape_cast %parallel_loop3A_584 : vector<1x16xf32> to vector<16xf32>
        %parallel_loop3A_586 = arith.index_cast %parallel_loop3A_539 : i32 to index
        %parallel_loop3A_587 = arith.constant 48 : index
        %parallel_loop3A_588 = tpu.vector_load %arg12[%parallel_loop3A_586, %parallel_loop3A_587] {strides = array<i32>} : memref<200x128xf32, #tpu.memory_space<vmem>>, vector<1x16xf32>,
        %parallel_loop3A_589 = vector.shape_cast %parallel_loop3A_588 : vector<1x16xf32> to vector<16xf32>
        %parallel_loop3A_590 = arith.addf %parallel_loop3A_585, %parallel_loop3A_589 : vector<16xf32>
        %parallel_loop3A_591 = arith.index_cast %parallel_loop3A_539 : i32 to index
        %parallel_loop3A_592 = arith.constant 48 : index
        %parallel_loop3A_593 = tpu.vector_load %arg9[%parallel_loop3A_591, %parallel_loop3A_592] {strides = array<i32>} : memref<200x128xf32, #tpu.memory_space<vmem>>, vector<1x16xf32>,
        %parallel_loop3A_594 = vector.shape_cast %parallel_loop3A_593 : vector<1x16xf32> to vector<16xf32>
        %parallel_loop3A_595 = vector.shape_cast %parallel_loop3A_590 : vector<16xf32> to vector<1x16xf32>
        tpu.vector_store %arg9[%parallel_loop3A_591, %parallel_loop3A_592], %parallel_loop3A_595 {strides = array<i32>} : memref<200x128xf32, #tpu.memory_space<vmem>>, vector<1x16xf32>,
        %parallel_loop3A_596 = arith.index_cast %parallel_loop3A_539 : i32 to index
        %parallel_loop3A_597 = arith.constant 64 : index
        %parallel_loop3A_598 = tpu.vector_load %arg9[%parallel_loop3A_596, %parallel_loop3A_597] {strides = array<i32>} : memref<200x128xf32, #tpu.memory_space<vmem>>, vector<1x16xf32>,
        %parallel_loop3A_599 = vector.shape_cast %parallel_loop3A_598 : vector<1x16xf32> to vector<16xf32>
        %parallel_loop3A_600 = arith.index_cast %parallel_loop3A_539 : i32 to index
        %parallel_loop3A_601 = arith.constant 64 : index
        %parallel_loop3A_602 = tpu.vector_load %arg12[%parallel_loop3A_600, %parallel_loop3A_601] {strides = array<i32>} : memref<200x128xf32, #tpu.memory_space<vmem>>, vector<1x16xf32>,
        %parallel_loop3A_603 = vector.shape_cast %parallel_loop3A_602 : vector<1x16xf32> to vector<16xf32>
        %parallel_loop3A_604 = arith.addf %parallel_loop3A_599, %parallel_loop3A_603 : vector<16xf32>
        %parallel_loop3A_605 = arith.index_cast %parallel_loop3A_539 : i32 to index
        %parallel_loop3A_606 = arith.constant 64 : index
        %parallel_loop3A_607 = tpu.vector_load %arg9[%parallel_loop3A_605, %parallel_loop3A_606] {strides = array<i32>} : memref<200x128xf32, #tpu.memory_space<vmem>>, vector<1x16xf32>,
        %parallel_loop3A_608 = vector.shape_cast %parallel_loop3A_607 : vector<1x16xf32> to vector<16xf32>
        %parallel_loop3A_609 = vector.shape_cast %parallel_loop3A_604 : vector<16xf32> to vector<1x16xf32>
        tpu.vector_store %arg9[%parallel_loop3A_605, %parallel_loop3A_606], %parallel_loop3A_609 {strides = array<i32>} : memref<200x128xf32, #tpu.memory_space<vmem>>, vector<1x16xf32>,
        %parallel_loop3A_610 = arith.index_cast %parallel_loop3A_539 : i32 to index
        %parallel_loop3A_611 = arith.constant 80 : index
        %parallel_loop3A_612 = tpu.vector_load %arg9[%parallel_loop3A_610, %parallel_loop3A_611] {strides = array<i32>} : memref<200x128xf32, #tpu.memory_space<vmem>>, vector<1x16xf32>,
        %parallel_loop3A_613 = vector.shape_cast %parallel_loop3A_612 : vector<1x16xf32> to vector<16xf32>
        %parallel_loop3A_614 = arith.index_cast %parallel_loop3A_539 : i32 to index
        %parallel_loop3A_615 = arith.constant 80 : index
        %parallel_loop3A_616 = tpu.vector_load %arg12[%parallel_loop3A_614, %parallel_loop3A_615] {strides = array<i32>} : memref<200x128xf32, #tpu.memory_space<vmem>>, vector<1x16xf32>,
        %parallel_loop3A_617 = vector.shape_cast %parallel_loop3A_616 : vector<1x16xf32> to vector<16xf32>
        %parallel_loop3A_618 = arith.addf %parallel_loop3A_613, %parallel_loop3A_617 : vector<16xf32>
        %parallel_loop3A_619 = arith.index_cast %parallel_loop3A_539 : i32 to index
        %parallel_loop3A_620 = arith.constant 80 : index
        %parallel_loop3A_621 = tpu.vector_load %arg9[%parallel_loop3A_619, %parallel_loop3A_620] {strides = array<i32>} : memref<200x128xf32, #tpu.memory_space<vmem>>, vector<1x16xf32>,
        %parallel_loop3A_622 = vector.shape_cast %parallel_loop3A_621 : vector<1x16xf32> to vector<16xf32>
        %parallel_loop3A_623 = vector.shape_cast %parallel_loop3A_618 : vector<16xf32> to vector<1x16xf32>
        tpu.vector_store %arg9[%parallel_loop3A_619, %parallel_loop3A_620], %parallel_loop3A_623 {strides = array<i32>} : memref<200x128xf32, #tpu.memory_space<vmem>>, vector<1x16xf32>,
        %parallel_loop3A_624 = arith.index_cast %parallel_loop3A_539 : i32 to index
        %parallel_loop3A_625 = arith.constant 96 : index
        %parallel_loop3A_626 = tpu.vector_load %arg9[%parallel_loop3A_624, %parallel_loop3A_625] {strides = array<i32>} : memref<200x128xf32, #tpu.memory_space<vmem>>, vector<1x16xf32>,
        %parallel_loop3A_627 = vector.shape_cast %parallel_loop3A_626 : vector<1x16xf32> to vector<16xf32>
        %parallel_loop3A_628 = arith.index_cast %parallel_loop3A_539 : i32 to index
        %parallel_loop3A_629 = arith.constant 96 : index
        %parallel_loop3A_630 = tpu.vector_load %arg12[%parallel_loop3A_628, %parallel_loop3A_629] {strides = array<i32>} : memref<200x128xf32, #tpu.memory_space<vmem>>, vector<1x16xf32>,
        %parallel_loop3A_631 = vector.shape_cast %parallel_loop3A_630 : vector<1x16xf32> to vector<16xf32>
        %parallel_loop3A_632 = arith.addf %parallel_loop3A_627, %parallel_loop3A_631 : vector<16xf32>
        %parallel_loop3A_633 = arith.index_cast %parallel_loop3A_539 : i32 to index
        %parallel_loop3A_634 = arith.constant 96 : index
        %parallel_loop3A_635 = tpu.vector_load %arg9[%parallel_loop3A_633, %parallel_loop3A_634] {strides = array<i32>} : memref<200x128xf32, #tpu.memory_space<vmem>>, vector<1x16xf32>,
        %parallel_loop3A_636 = vector.shape_cast %parallel_loop3A_635 : vector<1x16xf32> to vector<16xf32>
        %parallel_loop3A_637 = vector.shape_cast %parallel_loop3A_632 : vector<16xf32> to vector<1x16xf32>
        tpu.vector_store %arg9[%parallel_loop3A_633, %parallel_loop3A_634], %parallel_loop3A_637 {strides = array<i32>} : memref<200x128xf32, #tpu.memory_space<vmem>>, vector<1x16xf32>,
        %parallel_loop3A_638 = arith.index_cast %parallel_loop3A_539 : i32 to index
        %parallel_loop3A_639 = arith.constant 112 : index
        %parallel_loop3A_640 = tpu.vector_load %arg9[%parallel_loop3A_638, %parallel_loop3A_639] {strides = array<i32>} : memref<200x128xf32, #tpu.memory_space<vmem>>, vector<1x16xf32>,
        %parallel_loop3A_641 = vector.shape_cast %parallel_loop3A_640 : vector<1x16xf32> to vector<16xf32>
        %parallel_loop3A_642 = arith.index_cast %parallel_loop3A_539 : i32 to index
        %parallel_loop3A_643 = arith.constant 112 : index
        %parallel_loop3A_644 = tpu.vector_load %arg12[%parallel_loop3A_642, %parallel_loop3A_643] {strides = array<i32>} : memref<200x128xf32, #tpu.memory_space<vmem>>, vector<1x16xf32>,
        %parallel_loop3A_645 = vector.shape_cast %parallel_loop3A_644 : vector<1x16xf32> to vector<16xf32>
        %parallel_loop3A_646 = arith.addf %parallel_loop3A_641, %parallel_loop3A_645 : vector<16xf32>
        %parallel_loop3A_647 = arith.index_cast %parallel_loop3A_539 : i32 to index
        %parallel_loop3A_648 = arith.constant 112 : index
        %parallel_loop3A_649 = tpu.vector_load %arg9[%parallel_loop3A_647, %parallel_loop3A_648] {strides = array<i32>} : memref<200x128xf32, #tpu.memory_space<vmem>>, vector<1x16xf32>,
        %parallel_loop3A_650 = vector.shape_cast %parallel_loop3A_649 : vector<1x16xf32> to vector<16xf32>
        %parallel_loop3A_651 = vector.shape_cast %parallel_loop3A_646 : vector<16xf32> to vector<1x16xf32>
        tpu.vector_store %arg9[%parallel_loop3A_647, %parallel_loop3A_648], %parallel_loop3A_651 {strides = array<i32>} : memref<200x128xf32, #tpu.memory_space<vmem>>, vector<1x16xf32>,
      } {sc.loop_unroll_factor = 4 : i64, sc.parallel_access}
      %mul3A_367 = arith.constant 200 : i32
      %mul3A_368 = arith.muli %mul3A_322, %mul3A_367 : i32
      %add3A_369 = arith.addi %mul3A_2, %mul3A_368 : i32
      %dma_start3A_370 = arith.constant 0 : i32
      %dma_start3A_371 = tpu.memref_slice %arg5[%add3A_369, %dma_start3A_370] : memref<320000x128xf32, #tpu.memory_space<hbm>> -> memref<200x128xf32, #tpu.memory_space<hbm>>
      %dma_start3A_372 = arith.constant 0 : i32
      %dma_start3A_373 = tpu.memref_slice %arg5[%add3A_369, %dma_start3A_372] : memref<320000x128xf32, #tpu.memory_space<hbm>> -> memref<200x128xf32, #tpu.memory_space<hbm>>
      tpu.enqueue_dma source(%arg9 : memref<200x128xf32, #tpu.memory_space<vmem>>) target(%dma_start3A_373 : memref<200x128xf32, #tpu.memory_space<hbm>>) target_semaphore(%arg16 : memref<!tpu.dma_semaphore, #tpu.memory_space<semaphore_mem>>)
      %sub3A = arith.constant 1 : i32
      %sub3A_374 = arith.subi %mul3A_322, %sub3A : i32
      %mul3A_375 = arith.constant 200 : i32
      %mul3A_376 = arith.muli %sub3A_374, %mul3A_375 : i32
      %add3A_377 = arith.addi %mul3A_2, %mul3A_376 : i32
      %dma_wait3A_378 = arith.constant 0 : i32
      %dma_wait3A_379 = tpu.memref_slice %arg5[%add3A_377, %dma_wait3A_378] : memref<320000x128xf32, #tpu.memory_space<hbm>> -> memref<200x128xf32, #tpu.memory_space<hbm>>
      %dma_wait3A_380 = arith.constant 0 : i32
      %dma_wait3A_381 = tpu.memref_slice %arg5[%add3A_377, %dma_wait3A_380] : memref<320000x128xf32, #tpu.memory_space<hbm>> -> memref<200x128xf32, #tpu.memory_space<hbm>>
      tpu.wait_dma2 semaphore(%arg18 : memref<!tpu.dma_semaphore, #tpu.memory_space<semaphore_mem>>) src(%arg11 : memref<200x128xf32, #tpu.memory_space<vmem>>) dst(%dma_wait3A_381 : memref<200x128xf32, #tpu.memory_space<hbm>>)
      %add3A_382 = arith.constant 2 : i32
      %add3A_383 = arith.addi %mul3A_322, %add3A_382 : i32
      %mul3A_384 = arith.constant 200 : i32
      %mul3A_385 = arith.muli %add3A_383, %mul3A_384 : i32
      %add3A_386 = arith.addi %mul3A_2, %mul3A_385 : i32
      %dma_start3A_387 = tpu.memref_slice %arg3[%add3A_386] : memref<320000xi32, #tpu.memory_space<hbm>> -> memref<200xi32, #tpu.memory_space<hbm>>
      %dma_start3A_388 = tpu.memref_slice %arg3[%add3A_386] : memref<320000xi32, #tpu.memory_space<hbm>> -> memref<200xi32, #tpu.memory_space<hbm>>
      tpu.enqueue_dma source(%dma_start3A_388 : memref<200xi32, #tpu.memory_space<hbm>>) target(%arg8 : memref<200xi32, #tpu.memory_space<vmem>>) target_semaphore(%arg15 : memref<!tpu.dma_semaphore, #tpu.memory_space<semaphore_mem>>)
      %dma_start3A_389 = arith.constant 0 : i32
      %dma_start3A_390 = tpu.memref_slice %arg2[%add3A_386, %dma_start3A_389] : memref<320000x128xf32, #tpu.memory_space<hbm>> -> memref<200x128xf32, #tpu.memory_space<hbm>>
      %dma_start3A_391 = arith.constant 0 : i32
      %dma_start3A_392 = tpu.memref_slice %arg2[%add3A_386, %dma_start3A_391] : memref<320000x128xf32, #tpu.memory_space<hbm>> -> memref<200x128xf32, #tpu.memory_space<hbm>>
      tpu.enqueue_dma source(%dma_start3A_392 : memref<200x128xf32, #tpu.memory_space<hbm>>) target(%arg11 : memref<200x128xf32, #tpu.memory_space<vmem>>) target_semaphore(%arg15 : memref<!tpu.dma_semaphore, #tpu.memory_space<semaphore_mem>>)
      %add3A_393 = arith.constant 1 : i32
      %add3A_394 = arith.addi %mul3A_322, %add3A_393 : i32
      %mul3A_395 = arith.constant 200 : i32
      %mul3A_396 = arith.muli %add3A_394, %mul3A_395 : i32
      %add3A_397 = arith.addi %mul3A_2, %mul3A_396 : i32
      %dma_wait3A_398 = arith.constant 0 : i32
      %dma_wait3A_399 = tpu.memref_slice %arg2[%add3A_397, %dma_wait3A_398] : memref<320000x128xf32, #tpu.memory_space<hbm>> -> memref<200x128xf32, #tpu.memory_space<hbm>>
      %dma_wait3A_400 = arith.constant 0 : i32
      %dma_wait3A_401 = tpu.memref_slice %arg2[%add3A_397, %dma_wait3A_400] : memref<320000x128xf32, #tpu.memory_space<hbm>> -> memref<200x128xf32, #tpu.memory_space<hbm>>
      tpu.wait_dma2 semaphore(%arg14 : memref<!tpu.dma_semaphore, #tpu.memory_space<semaphore_mem>>) src(%dma_wait3A_401 : memref<200x128xf32, #tpu.memory_space<hbm>>) dst(%arg10 : memref<200x128xf32, #tpu.memory_space<vmem>>)
      %dma_wait3A_402 = tpu.memref_slice %arg3[%add3A_397] : memref<320000xi32, #tpu.memory_space<hbm>> -> memref<200xi32, #tpu.memory_space<hbm>>
      %dma_wait3A_403 = tpu.memref_slice %arg3[%add3A_397] : memref<320000xi32, #tpu.memory_space<hbm>> -> memref<200xi32, #tpu.memory_space<hbm>>
      tpu.wait_dma2 semaphore(%arg14 : memref<!tpu.dma_semaphore, #tpu.memory_space<semaphore_mem>>) src(%dma_wait3A_403 : memref<200xi32, #tpu.memory_space<hbm>>) dst(%arg7 : memref<200xi32, #tpu.memory_space<vmem>>)
      %dma_start3A_404 = arith.constant 0 : i32
      %dma_start3A_405 = arith.constant 0 : i32
      %dma_start3A_406 = tpu.memref_slice %arg12[%dma_start3A_404, %dma_start3A_405] : memref<200x128xf32, #tpu.memory_space<vmem>> -> memref<104x128xf32, #tpu.memory_space<vmem>>
      %dma_start3A_407 = arith.constant 0 : i32
      %dma_start3A_408 = tpu.memref_slice %arg7[%dma_start3A_407] : memref<200xi32, #tpu.memory_space<vmem>> -> memref<104xi32, #tpu.memory_space<vmem>>
      %dma_start3A_409 = arith.constant 0 : i32
      %dma_start3A_410 = arith.constant 0 : i32
      %dma_start3A_411 = tpu.memref_slice %arg4[%dma_start3A_409, %dma_start3A_410] : memref<10240x128xf32, #tpu.memory_space<hbm>> -> memref<10240x128xf32, #tpu.memory_space<hbm>>
      tpu.enqueue_indirect_dma source(%dma_start3A_411 : memref<10240x128xf32, #tpu.memory_space<hbm>>) target(%dma_start3A_406 : memref<104x128xf32, #tpu.memory_space<vmem>>) offsets(%dma_start3A_408 : memref<104xi32, #tpu.memory_space<vmem>>) semaphore(%arg19 : memref<!tpu.dma_semaphore, #tpu.memory_space<semaphore_mem>>)
      %dma_start3A_412 = arith.constant 104 : i32
      %dma_start3A_413 = arith.constant 0 : i32
      %dma_start3A_414 = tpu.memref_slice %arg12[%dma_start3A_412, %dma_start3A_413] : memref<200x128xf32, #tpu.memory_space<vmem>> -> memref<96x128xf32, #tpu.memory_space<vmem>>
      %dma_start3A_415 = arith.constant 104 : i32
      %dma_start3A_416 = tpu.memref_slice %arg7[%dma_start3A_415] : memref<200xi32, #tpu.memory_space<vmem>> -> memref<96xi32, #tpu.memory_space<vmem>>
      %dma_start3A_417 = arith.constant 0 : i32
      %dma_start3A_418 = arith.constant 0 : i32
      %dma_start3A_419 = tpu.memref_slice %arg4[%dma_start3A_417, %dma_start3A_418] : memref<10240x128xf32, #tpu.memory_space<hbm>> -> memref<10240x128xf32, #tpu.memory_space<hbm>>
      tpu.enqueue_indirect_dma source(%dma_start3A_419 : memref<10240x128xf32, #tpu.memory_space<hbm>>) target(%dma_start3A_414 : memref<96x128xf32, #tpu.memory_space<vmem>>) offsets(%dma_start3A_416 : memref<96xi32, #tpu.memory_space<vmem>>) semaphore(%arg19 : memref<!tpu.dma_semaphore, #tpu.memory_space<semaphore_mem>>)
      %dma_wait3A_420 = arith.constant 0 : i32
      %dma_wait3A_421 = arith.constant 0 : i32
      %dma_wait3A_422 = tpu.memref_slice %arg12[%dma_wait3A_420, %dma_wait3A_421] : memref<200x128xf32, #tpu.memory_space<vmem>> -> memref<104x128xf32, #tpu.memory_space<vmem>>
      %dma_wait3A_423 = arith.constant 0 : i32
      %dma_wait3A_424 = tpu.memref_slice %arg7[%dma_wait3A_423] : memref<200xi32, #tpu.memory_space<vmem>> -> memref<104xi32, #tpu.memory_space<vmem>>
      %dma_wait3A_425 = arith.constant 0 : i32
      %dma_wait3A_426 = arith.constant 0 : i32
      %dma_wait3A_427 = tpu.memref_slice %arg4[%dma_wait3A_425, %dma_wait3A_426] : memref<10240x128xf32, #tpu.memory_space<hbm>> -> memref<10240x128xf32, #tpu.memory_space<hbm>>
      tpu.wait_indirect_dma semaphore(%arg19 : memref<!tpu.dma_semaphore, #tpu.memory_space<semaphore_mem>>) src(%dma_wait3A_427 : memref<10240x128xf32, #tpu.memory_space<hbm>>) dst(%dma_wait3A_422 : memref<104x128xf32, #tpu.memory_space<vmem>>)
      %dma_wait3A_428 = arith.constant 104 : i32
      %dma_wait3A_429 = arith.constant 0 : i32
      %dma_wait3A_430 = tpu.memref_slice %arg12[%dma_wait3A_428, %dma_wait3A_429] : memref<200x128xf32, #tpu.memory_space<vmem>> -> memref<96x128xf32, #tpu.memory_space<vmem>>
      %dma_wait3A_431 = arith.constant 104 : i32
      %dma_wait3A_432 = tpu.memref_slice %arg7[%dma_wait3A_431] : memref<200xi32, #tpu.memory_space<vmem>> -> memref<96xi32, #tpu.memory_space<vmem>>
      %dma_wait3A_433 = arith.constant 0 : i32
      %dma_wait3A_434 = arith.constant 0 : i32
      %dma_wait3A_435 = tpu.memref_slice %arg4[%dma_wait3A_433, %dma_wait3A_434] : memref<10240x128xf32, #tpu.memory_space<hbm>> -> memref<10240x128xf32, #tpu.memory_space<hbm>>
      tpu.wait_indirect_dma semaphore(%arg19 : memref<!tpu.dma_semaphore, #tpu.memory_space<semaphore_mem>>) src(%dma_wait3A_435 : memref<10240x128xf32, #tpu.memory_space<hbm>>) dst(%dma_wait3A_430 : memref<96x128xf32, #tpu.memory_space<vmem>>)
      %parallel_loop3A_436 = arith.constant 0 : i32
      %parallel_loop3A_437 = arith.constant 200 : i32
      %parallel_loop3A_438 = arith.constant 1 : i32
      scf.for %parallel_loop3A_539 = %parallel_loop3A_436 to %parallel_loop3A_437 step %parallel_loop3A_438  : i32 {
        %parallel_loop3A_540 = arith.index_cast %parallel_loop3A_539 : i32 to index
        %parallel_loop3A_541 = arith.constant 0 : index
        %parallel_loop3A_542 = tpu.vector_load %arg10[%parallel_loop3A_540, %parallel_loop3A_541] {strides = array<i32>} : memref<200x128xf32, #tpu.memory_space<vmem>>, vector<1x16xf32>,
        %parallel_loop3A_543 = vector.shape_cast %parallel_loop3A_542 : vector<1x16xf32> to vector<16xf32>
        %parallel_loop3A_544 = arith.index_cast %parallel_loop3A_539 : i32 to index
        %parallel_loop3A_545 = arith.constant 0 : index
        %parallel_loop3A_546 = tpu.vector_load %arg12[%parallel_loop3A_544, %parallel_loop3A_545] {strides = array<i32>} : memref<200x128xf32, #tpu.memory_space<vmem>>, vector<1x16xf32>,
        %parallel_loop3A_547 = vector.shape_cast %parallel_loop3A_546 : vector<1x16xf32> to vector<16xf32>
        %parallel_loop3A_548 = arith.addf %parallel_loop3A_543, %parallel_loop3A_547 : vector<16xf32>
        %parallel_loop3A_549 = arith.index_cast %parallel_loop3A_539 : i32 to index
        %parallel_loop3A_550 = arith.constant 0 : index
        %parallel_loop3A_551 = tpu.vector_load %arg10[%parallel_loop3A_549, %parallel_loop3A_550] {strides = array<i32>} : memref<200x128xf32, #tpu.memory_space<vmem>>, vector<1x16xf32>,
        %parallel_loop3A_552 = vector.shape_cast %parallel_loop3A_551 : vector<1x16xf32> to vector<16xf32>
        %parallel_loop3A_553 = vector.shape_cast %parallel_loop3A_548 : vector<16xf32> to vector<1x16xf32>
        tpu.vector_store %arg10[%parallel_loop3A_549, %parallel_loop3A_550], %parallel_loop3A_553 {strides = array<i32>} : memref<200x128xf32, #tpu.memory_space<vmem>>, vector<1x16xf32>,
        %parallel_loop3A_554 = arith.index_cast %parallel_loop3A_539 : i32 to index
        %parallel_loop3A_555 = arith.constant 16 : index
        %parallel_loop3A_556 = tpu.vector_load %arg10[%parallel_loop3A_554, %parallel_loop3A_555] {strides = array<i32>} : memref<200x128xf32, #tpu.memory_space<vmem>>, vector<1x16xf32>,
        %parallel_loop3A_557 = vector.shape_cast %parallel_loop3A_556 : vector<1x16xf32> to vector<16xf32>
        %parallel_loop3A_558 = arith.index_cast %parallel_loop3A_539 : i32 to index
        %parallel_loop3A_559 = arith.constant 16 : index
        %parallel_loop3A_560 = tpu.vector_load %arg12[%parallel_loop3A_558, %parallel_loop3A_559] {strides = array<i32>} : memref<200x128xf32, #tpu.memory_space<vmem>>, vector<1x16xf32>,
        %parallel_loop3A_561 = vector.shape_cast %parallel_loop3A_560 : vector<1x16xf32> to vector<16xf32>
        %parallel_loop3A_562 = arith.addf %parallel_loop3A_557, %parallel_loop3A_561 : vector<16xf32>
        %parallel_loop3A_563 = arith.index_cast %parallel_loop3A_539 : i32 to index
        %parallel_loop3A_564 = arith.constant 16 : index
        %parallel_loop3A_565 = tpu.vector_load %arg10[%parallel_loop3A_563, %parallel_loop3A_564] {strides = array<i32>} : memref<200x128xf32, #tpu.memory_space<vmem>>, vector<1x16xf32>,
        %parallel_loop3A_566 = vector.shape_cast %parallel_loop3A_565 : vector<1x16xf32> to vector<16xf32>
        %parallel_loop3A_567 = vector.shape_cast %parallel_loop3A_562 : vector<16xf32> to vector<1x16xf32>
        tpu.vector_store %arg10[%parallel_loop3A_563, %parallel_loop3A_564], %parallel_loop3A_567 {strides = array<i32>} : memref<200x128xf32, #tpu.memory_space<vmem>>, vector<1x16xf32>,
        %parallel_loop3A_568 = arith.index_cast %parallel_loop3A_539 : i32 to index
        %parallel_loop3A_569 = arith.constant 32 : index
        %parallel_loop3A_570 = tpu.vector_load %arg10[%parallel_loop3A_568, %parallel_loop3A_569] {strides = array<i32>} : memref<200x128xf32, #tpu.memory_space<vmem>>, vector<1x16xf32>,
        %parallel_loop3A_571 = vector.shape_cast %parallel_loop3A_570 : vector<1x16xf32> to vector<16xf32>
        %parallel_loop3A_572 = arith.index_cast %parallel_loop3A_539 : i32 to index
        %parallel_loop3A_573 = arith.constant 32 : index
        %parallel_loop3A_574 = tpu.vector_load %arg12[%parallel_loop3A_572, %parallel_loop3A_573] {strides = array<i32>} : memref<200x128xf32, #tpu.memory_space<vmem>>, vector<1x16xf32>,
        %parallel_loop3A_575 = vector.shape_cast %parallel_loop3A_574 : vector<1x16xf32> to vector<16xf32>
        %parallel_loop3A_576 = arith.addf %parallel_loop3A_571, %parallel_loop3A_575 : vector<16xf32>
        %parallel_loop3A_577 = arith.index_cast %parallel_loop3A_539 : i32 to index
        %parallel_loop3A_578 = arith.constant 32 : index
        %parallel_loop3A_579 = tpu.vector_load %arg10[%parallel_loop3A_577, %parallel_loop3A_578] {strides = array<i32>} : memref<200x128xf32, #tpu.memory_space<vmem>>, vector<1x16xf32>,
        %parallel_loop3A_580 = vector.shape_cast %parallel_loop3A_579 : vector<1x16xf32> to vector<16xf32>
        %parallel_loop3A_581 = vector.shape_cast %parallel_loop3A_576 : vector<16xf32> to vector<1x16xf32>
        tpu.vector_store %arg10[%parallel_loop3A_577, %parallel_loop3A_578], %parallel_loop3A_581 {strides = array<i32>} : memref<200x128xf32, #tpu.memory_space<vmem>>, vector<1x16xf32>,
        %parallel_loop3A_582 = arith.index_cast %parallel_loop3A_539 : i32 to index
        %parallel_loop3A_583 = arith.constant 48 : index
        %parallel_loop3A_584 = tpu.vector_load %arg10[%parallel_loop3A_582, %parallel_loop3A_583] {strides = array<i32>} : memref<200x128xf32, #tpu.memory_space<vmem>>, vector<1x16xf32>,
        %parallel_loop3A_585 = vector.shape_cast %parallel_loop3A_584 : vector<1x16xf32> to vector<16xf32>
        %parallel_loop3A_586 = arith.index_cast %parallel_loop3A_539 : i32 to index
        %parallel_loop3A_587 = arith.constant 48 : index
        %parallel_loop3A_588 = tpu.vector_load %arg12[%parallel_loop3A_586, %parallel_loop3A_587] {strides = array<i32>} : memref<200x128xf32, #tpu.memory_space<vmem>>, vector<1x16xf32>,
        %parallel_loop3A_589 = vector.shape_cast %parallel_loop3A_588 : vector<1x16xf32> to vector<16xf32>
        %parallel_loop3A_590 = arith.addf %parallel_loop3A_585, %parallel_loop3A_589 : vector<16xf32>
        %parallel_loop3A_591 = arith.index_cast %parallel_loop3A_539 : i32 to index
        %parallel_loop3A_592 = arith.constant 48 : index
        %parallel_loop3A_593 = tpu.vector_load %arg10[%parallel_loop3A_591, %parallel_loop3A_592] {strides = array<i32>} : memref<200x128xf32, #tpu.memory_space<vmem>>, vector<1x16xf32>,
        %parallel_loop3A_594 = vector.shape_cast %parallel_loop3A_593 : vector<1x16xf32> to vector<16xf32>
        %parallel_loop3A_595 = vector.shape_cast %parallel_loop3A_590 : vector<16xf32> to vector<1x16xf32>
        tpu.vector_store %arg10[%parallel_loop3A_591, %parallel_loop3A_592], %parallel_loop3A_595 {strides = array<i32>} : memref<200x128xf32, #tpu.memory_space<vmem>>, vector<1x16xf32>,
        %parallel_loop3A_596 = arith.index_cast %parallel_loop3A_539 : i32 to index
        %parallel_loop3A_597 = arith.constant 64 : index
        %parallel_loop3A_598 = tpu.vector_load %arg10[%parallel_loop3A_596, %parallel_loop3A_597] {strides = array<i32>} : memref<200x128xf32, #tpu.memory_space<vmem>>, vector<1x16xf32>,
        %parallel_loop3A_599 = vector.shape_cast %parallel_loop3A_598 : vector<1x16xf32> to vector<16xf32>
        %parallel_loop3A_600 = arith.index_cast %parallel_loop3A_539 : i32 to index
        %parallel_loop3A_601 = arith.constant 64 : index
        %parallel_loop3A_602 = tpu.vector_load %arg12[%parallel_loop3A_600, %parallel_loop3A_601] {strides = array<i32>} : memref<200x128xf32, #tpu.memory_space<vmem>>, vector<1x16xf32>,
        %parallel_loop3A_603 = vector.shape_cast %parallel_loop3A_602 : vector<1x16xf32> to vector<16xf32>
        %parallel_loop3A_604 = arith.addf %parallel_loop3A_599, %parallel_loop3A_603 : vector<16xf32>
        %parallel_loop3A_605 = arith.index_cast %parallel_loop3A_539 : i32 to index
        %parallel_loop3A_606 = arith.constant 64 : index
        %parallel_loop3A_607 = tpu.vector_load %arg10[%parallel_loop3A_605, %parallel_loop3A_606] {strides = array<i32>} : memref<200x128xf32, #tpu.memory_space<vmem>>, vector<1x16xf32>,
        %parallel_loop3A_608 = vector.shape_cast %parallel_loop3A_607 : vector<1x16xf32> to vector<16xf32>
        %parallel_loop3A_609 = vector.shape_cast %parallel_loop3A_604 : vector<16xf32> to vector<1x16xf32>
        tpu.vector_store %arg10[%parallel_loop3A_605, %parallel_loop3A_606], %parallel_loop3A_609 {strides = array<i32>} : memref<200x128xf32, #tpu.memory_space<vmem>>, vector<1x16xf32>,
        %parallel_loop3A_610 = arith.index_cast %parallel_loop3A_539 : i32 to index
        %parallel_loop3A_611 = arith.constant 80 : index
        %parallel_loop3A_612 = tpu.vector_load %arg10[%parallel_loop3A_610, %parallel_loop3A_611] {strides = array<i32>} : memref<200x128xf32, #tpu.memory_space<vmem>>, vector<1x16xf32>,
        %parallel_loop3A_613 = vector.shape_cast %parallel_loop3A_612 : vector<1x16xf32> to vector<16xf32>
        %parallel_loop3A_614 = arith.index_cast %parallel_loop3A_539 : i32 to index
        %parallel_loop3A_615 = arith.constant 80 : index
        %parallel_loop3A_616 = tpu.vector_load %arg12[%parallel_loop3A_614, %parallel_loop3A_615] {strides = array<i32>} : memref<200x128xf32, #tpu.memory_space<vmem>>, vector<1x16xf32>,
        %parallel_loop3A_617 = vector.shape_cast %parallel_loop3A_616 : vector<1x16xf32> to vector<16xf32>
        %parallel_loop3A_618 = arith.addf %parallel_loop3A_613, %parallel_loop3A_617 : vector<16xf32>
        %parallel_loop3A_619 = arith.index_cast %parallel_loop3A_539 : i32 to index
        %parallel_loop3A_620 = arith.constant 80 : index
        %parallel_loop3A_621 = tpu.vector_load %arg10[%parallel_loop3A_619, %parallel_loop3A_620] {strides = array<i32>} : memref<200x128xf32, #tpu.memory_space<vmem>>, vector<1x16xf32>,
        %parallel_loop3A_622 = vector.shape_cast %parallel_loop3A_621 : vector<1x16xf32> to vector<16xf32>
        %parallel_loop3A_623 = vector.shape_cast %parallel_loop3A_618 : vector<16xf32> to vector<1x16xf32>
        tpu.vector_store %arg10[%parallel_loop3A_619, %parallel_loop3A_620], %parallel_loop3A_623 {strides = array<i32>} : memref<200x128xf32, #tpu.memory_space<vmem>>, vector<1x16xf32>,
        %parallel_loop3A_624 = arith.index_cast %parallel_loop3A_539 : i32 to index
        %parallel_loop3A_625 = arith.constant 96 : index
        %parallel_loop3A_626 = tpu.vector_load %arg10[%parallel_loop3A_624, %parallel_loop3A_625] {strides = array<i32>} : memref<200x128xf32, #tpu.memory_space<vmem>>, vector<1x16xf32>,
        %parallel_loop3A_627 = vector.shape_cast %parallel_loop3A_626 : vector<1x16xf32> to vector<16xf32>
        %parallel_loop3A_628 = arith.index_cast %parallel_loop3A_539 : i32 to index
        %parallel_loop3A_629 = arith.constant 96 : index
        %parallel_loop3A_630 = tpu.vector_load %arg12[%parallel_loop3A_628, %parallel_loop3A_629] {strides = array<i32>} : memref<200x128xf32, #tpu.memory_space<vmem>>, vector<1x16xf32>,
        %parallel_loop3A_631 = vector.shape_cast %parallel_loop3A_630 : vector<1x16xf32> to vector<16xf32>
        %parallel_loop3A_632 = arith.addf %parallel_loop3A_627, %parallel_loop3A_631 : vector<16xf32>
        %parallel_loop3A_633 = arith.index_cast %parallel_loop3A_539 : i32 to index
        %parallel_loop3A_634 = arith.constant 96 : index
        %parallel_loop3A_635 = tpu.vector_load %arg10[%parallel_loop3A_633, %parallel_loop3A_634] {strides = array<i32>} : memref<200x128xf32, #tpu.memory_space<vmem>>, vector<1x16xf32>,
        %parallel_loop3A_636 = vector.shape_cast %parallel_loop3A_635 : vector<1x16xf32> to vector<16xf32>
        %parallel_loop3A_637 = vector.shape_cast %parallel_loop3A_632 : vector<16xf32> to vector<1x16xf32>
        tpu.vector_store %arg10[%parallel_loop3A_633, %parallel_loop3A_634], %parallel_loop3A_637 {strides = array<i32>} : memref<200x128xf32, #tpu.memory_space<vmem>>, vector<1x16xf32>,
        %parallel_loop3A_638 = arith.index_cast %parallel_loop3A_539 : i32 to index
        %parallel_loop3A_639 = arith.constant 112 : index
        %parallel_loop3A_640 = tpu.vector_load %arg10[%parallel_loop3A_638, %parallel_loop3A_639] {strides = array<i32>} : memref<200x128xf32, #tpu.memory_space<vmem>>, vector<1x16xf32>,
        %parallel_loop3A_641 = vector.shape_cast %parallel_loop3A_640 : vector<1x16xf32> to vector<16xf32>
        %parallel_loop3A_642 = arith.index_cast %parallel_loop3A_539 : i32 to index
        %parallel_loop3A_643 = arith.constant 112 : index
        %parallel_loop3A_644 = tpu.vector_load %arg12[%parallel_loop3A_642, %parallel_loop3A_643] {strides = array<i32>} : memref<200x128xf32, #tpu.memory_space<vmem>>, vector<1x16xf32>,
        %parallel_loop3A_645 = vector.shape_cast %parallel_loop3A_644 : vector<1x16xf32> to vector<16xf32>
        %parallel_loop3A_646 = arith.addf %parallel_loop3A_641, %parallel_loop3A_645 : vector<16xf32>
        %parallel_loop3A_647 = arith.index_cast %parallel_loop3A_539 : i32 to index
        %parallel_loop3A_648 = arith.constant 112 : index
        %parallel_loop3A_649 = tpu.vector_load %arg10[%parallel_loop3A_647, %parallel_loop3A_648] {strides = array<i32>} : memref<200x128xf32, #tpu.memory_space<vmem>>, vector<1x16xf32>,
        %parallel_loop3A_650 = vector.shape_cast %parallel_loop3A_649 : vector<1x16xf32> to vector<16xf32>
        %parallel_loop3A_651 = vector.shape_cast %parallel_loop3A_646 : vector<16xf32> to vector<1x16xf32>
        tpu.vector_store %arg10[%parallel_loop3A_647, %parallel_loop3A_648], %parallel_loop3A_651 {strides = array<i32>} : memref<200x128xf32, #tpu.memory_space<vmem>>, vector<1x16xf32>,
      } {sc.loop_unroll_factor = 4 : i64, sc.parallel_access}
      %mul3A_439 = arith.constant 200 : i32
      %mul3A_440 = arith.muli %add3A_394, %mul3A_439 : i32
      %add3A_441 = arith.addi %mul3A_2, %mul3A_440 : i32
      %dma_start3A_442 = arith.constant 0 : i32
      %dma_start3A_443 = tpu.memref_slice %arg5[%add3A_441, %dma_start3A_442] : memref<320000x128xf32, #tpu.memory_space<hbm>> -> memref<200x128xf32, #tpu.memory_space<hbm>>
      %dma_start3A_444 = arith.constant 0 : i32
      %dma_start3A_445 = tpu.memref_slice %arg5[%add3A_441, %dma_start3A_444] : memref<320000x128xf32, #tpu.memory_space<hbm>> -> memref<200x128xf32, #tpu.memory_space<hbm>>
      tpu.enqueue_dma source(%arg10 : memref<200x128xf32, #tpu.memory_space<vmem>>) target(%dma_start3A_445 : memref<200x128xf32, #tpu.memory_space<hbm>>) target_semaphore(%arg17 : memref<!tpu.dma_semaphore, #tpu.memory_space<semaphore_mem>>)
      %sub3A_446 = arith.constant 1 : i32
      %sub3A_447 = arith.subi %add3A_394, %sub3A_446 : i32
      %mul3A_448 = arith.constant 200 : i32
      %mul3A_449 = arith.muli %sub3A_447, %mul3A_448 : i32
      %add3A_450 = arith.addi %mul3A_2, %mul3A_449 : i32
      %dma_wait3A_451 = arith.constant 0 : i32
      %dma_wait3A_452 = tpu.memref_slice %arg5[%add3A_450, %dma_wait3A_451] : memref<320000x128xf32, #tpu.memory_space<hbm>> -> memref<200x128xf32, #tpu.memory_space<hbm>>
      %dma_wait3A_453 = arith.constant 0 : i32
      %dma_wait3A_454 = tpu.memref_slice %arg5[%add3A_450, %dma_wait3A_453] : memref<320000x128xf32, #tpu.memory_space<hbm>> -> memref<200x128xf32, #tpu.memory_space<hbm>>
      tpu.wait_dma2 semaphore(%arg16 : memref<!tpu.dma_semaphore, #tpu.memory_space<semaphore_mem>>) src(%arg9 : memref<200x128xf32, #tpu.memory_space<vmem>>) dst(%dma_wait3A_454 : memref<200x128xf32, #tpu.memory_space<hbm>>)
      %add3A_455 = arith.constant 2 : i32
      %add3A_456 = arith.addi %add3A_394, %add3A_455 : i32
      %mul3A_457 = arith.constant 200 : i32
      %mul3A_458 = arith.muli %add3A_456, %mul3A_457 : i32
      %add3A_459 = arith.addi %mul3A_2, %mul3A_458 : i32
      %dma_start3A_460 = tpu.memref_slice %arg3[%add3A_459] : memref<320000xi32, #tpu.memory_space<hbm>> -> memref<200xi32, #tpu.memory_space<hbm>>
      %dma_start3A_461 = tpu.memref_slice %arg3[%add3A_459] : memref<320000xi32, #tpu.memory_space<hbm>> -> memref<200xi32, #tpu.memory_space<hbm>>
      tpu.enqueue_dma source(%dma_start3A_461 : memref<200xi32, #tpu.memory_space<hbm>>) target(%arg6 : memref<200xi32, #tpu.memory_space<vmem>>) target_semaphore(%arg13 : memref<!tpu.dma_semaphore, #tpu.memory_space<semaphore_mem>>)
      %dma_start3A_462 = arith.constant 0 : i32
      %dma_start3A_463 = tpu.memref_slice %arg2[%add3A_459, %dma_start3A_462] : memref<320000x128xf32, #tpu.memory_space<hbm>> -> memref<200x128xf32, #tpu.memory_space<hbm>>
      %dma_start3A_464 = arith.constant 0 : i32
      %dma_start3A_465 = tpu.memref_slice %arg2[%add3A_459, %dma_start3A_464] : memref<320000x128xf32, #tpu.memory_space<hbm>> -> memref<200x128xf32, #tpu.memory_space<hbm>>
      tpu.enqueue_dma source(%dma_start3A_465 : memref<200x128xf32, #tpu.memory_space<hbm>>) target(%arg9 : memref<200x128xf32, #tpu.memory_space<vmem>>) target_semaphore(%arg13 : memref<!tpu.dma_semaphore, #tpu.memory_space<semaphore_mem>>)
      %add3A_466 = arith.constant 2 : i32
      %add3A_467 = arith.addi %mul3A_322, %add3A_466 : i32
      %mul3A_468 = arith.constant 200 : i32
      %mul3A_469 = arith.muli %add3A_467, %mul3A_468 : i32
      %add3A_470 = arith.addi %mul3A_2, %mul3A_469 : i32
      %dma_wait3A_471 = arith.constant 0 : i32
      %dma_wait3A_472 = tpu.memref_slice %arg2[%add3A_470, %dma_wait3A_471] : memref<320000x128xf32, #tpu.memory_space<hbm>> -> memref<200x128xf32, #tpu.memory_space<hbm>>
      %dma_wait3A_473 = arith.constant 0 : i32
      %dma_wait3A_474 = tpu.memref_slice %arg2[%add3A_470, %dma_wait3A_473] : memref<320000x128xf32, #tpu.memory_space<hbm>> -> memref<200x128xf32, #tpu.memory_space<hbm>>
      tpu.wait_dma2 semaphore(%arg15 : memref<!tpu.dma_semaphore, #tpu.memory_space<semaphore_mem>>) src(%dma_wait3A_474 : memref<200x128xf32, #tpu.memory_space<hbm>>) dst(%arg11 : memref<200x128xf32, #tpu.memory_space<vmem>>)
      %dma_wait3A_475 = tpu.memref_slice %arg3[%add3A_470] : memref<320000xi32, #tpu.memory_space<hbm>> -> memref<200xi32, #tpu.memory_space<hbm>>
      %dma_wait3A_476 = tpu.memref_slice %arg3[%add3A_470] : memref<320000xi32, #tpu.memory_space<hbm>> -> memref<200xi32, #tpu.memory_space<hbm>>
      tpu.wait_dma2 semaphore(%arg15 : memref<!tpu.dma_semaphore, #tpu.memory_space<semaphore_mem>>) src(%dma_wait3A_476 : memref<200xi32, #tpu.memory_space<hbm>>) dst(%arg8 : memref<200xi32, #tpu.memory_space<vmem>>)
      %dma_start3A_477 = arith.constant 0 : i32
      %dma_start3A_478 = arith.constant 0 : i32
      %dma_start3A_479 = tpu.memref_slice %arg12[%dma_start3A_477, %dma_start3A_478] : memref<200x128xf32, #tpu.memory_space<vmem>> -> memref<104x128xf32, #tpu.memory_space<vmem>>
      %dma_start3A_480 = arith.constant 0 : i32
      %dma_start3A_481 = tpu.memref_slice %arg8[%dma_start3A_480] : memref<200xi32, #tpu.memory_space<vmem>> -> memref<104xi32, #tpu.memory_space<vmem>>
      %dma_start3A_482 = arith.constant 0 : i32
      %dma_start3A_483 = arith.constant 0 : i32
      %dma_start3A_484 = tpu.memref_slice %arg4[%dma_start3A_482, %dma_start3A_483] : memref<10240x128xf32, #tpu.memory_space<hbm>> -> memref<10240x128xf32, #tpu.memory_space<hbm>>
      tpu.enqueue_indirect_dma source(%dma_start3A_484 : memref<10240x128xf32, #tpu.memory_space<hbm>>) target(%dma_start3A_479 : memref<104x128xf32, #tpu.memory_space<vmem>>) offsets(%dma_start3A_481 : memref<104xi32, #tpu.memory_space<vmem>>) semaphore(%arg19 : memref<!tpu.dma_semaphore, #tpu.memory_space<semaphore_mem>>)
      %dma_start3A_485 = arith.constant 104 : i32
      %dma_start3A_486 = arith.constant 0 : i32
      %dma_start3A_487 = tpu.memref_slice %arg12[%dma_start3A_485, %dma_start3A_486] : memref<200x128xf32, #tpu.memory_space<vmem>> -> memref<96x128xf32, #tpu.memory_space<vmem>>
      %dma_start3A_488 = arith.constant 104 : i32
      %dma_start3A_489 = tpu.memref_slice %arg8[%dma_start3A_488] : memref<200xi32, #tpu.memory_space<vmem>> -> memref<96xi32, #tpu.memory_space<vmem>>
      %dma_start3A_490 = arith.constant 0 : i32
      %dma_start3A_491 = arith.constant 0 : i32
      %dma_start3A_492 = tpu.memref_slice %arg4[%dma_start3A_490, %dma_start3A_491] : memref<10240x128xf32, #tpu.memory_space<hbm>> -> memref<10240x128xf32, #tpu.memory_space<hbm>>
      tpu.enqueue_indirect_dma source(%dma_start3A_492 : memref<10240x128xf32, #tpu.memory_space<hbm>>) target(%dma_start3A_487 : memref<96x128xf32, #tpu.memory_space<vmem>>) offsets(%dma_start3A_489 : memref<96xi32, #tpu.memory_space<vmem>>) semaphore(%arg19 : memref<!tpu.dma_semaphore, #tpu.memory_space<semaphore_mem>>)
      %dma_wait3A_493 = arith.constant 0 : i32
      %dma_wait3A_494 = arith.constant 0 : i32
      %dma_wait3A_495 = tpu.memref_slice %arg12[%dma_wait3A_493, %dma_wait3A_494] : memref<200x128xf32, #tpu.memory_space<vmem>> -> memref<104x128xf32, #tpu.memory_space<vmem>>
      %dma_wait3A_496 = arith.constant 0 : i32
      %dma_wait3A_497 = tpu.memref_slice %arg8[%dma_wait3A_496] : memref<200xi32, #tpu.memory_space<vmem>> -> memref<104xi32, #tpu.memory_space<vmem>>
      %dma_wait3A_498 = arith.constant 0 : i32
      %dma_wait3A_499 = arith.constant 0 : i32
      %dma_wait3A_500 = tpu.memref_slice %arg4[%dma_wait3A_498, %dma_wait3A_499] : memref<10240x128xf32, #tpu.memory_space<hbm>> -> memref<10240x128xf32, #tpu.memory_space<hbm>>
      tpu.wait_indirect_dma semaphore(%arg19 : memref<!tpu.dma_semaphore, #tpu.memory_space<semaphore_mem>>) src(%dma_wait3A_500 : memref<10240x128xf32, #tpu.memory_space<hbm>>) dst(%dma_wait3A_495 : memref<104x128xf32, #tpu.memory_space<vmem>>)
      %dma_wait3A_501 = arith.constant 104 : i32
      %dma_wait3A_502 = arith.constant 0 : i32
      %dma_wait3A_503 = tpu.memref_slice %arg12[%dma_wait3A_501, %dma_wait3A_502] : memref<200x128xf32, #tpu.memory_space<vmem>> -> memref<96x128xf32, #tpu.memory_space<vmem>>
      %dma_wait3A_504 = arith.constant 104 : i32
      %dma_wait3A_505 = tpu.memref_slice %arg8[%dma_wait3A_504] : memref<200xi32, #tpu.memory_space<vmem>> -> memref<96xi32, #tpu.memory_space<vmem>>
      %dma_wait3A_506 = arith.constant 0 : i32
      %dma_wait3A_507 = arith.constant 0 : i32
      %dma_wait3A_508 = tpu.memref_slice %arg4[%dma_wait3A_506, %dma_wait3A_507] : memref<10240x128xf32, #tpu.memory_space<hbm>> -> memref<10240x128xf32, #tpu.memory_space<hbm>>
      tpu.wait_indirect_dma semaphore(%arg19 : memref<!tpu.dma_semaphore, #tpu.memory_space<semaphore_mem>>) src(%dma_wait3A_508 : memref<10240x128xf32, #tpu.memory_space<hbm>>) dst(%dma_wait3A_503 : memref<96x128xf32, #tpu.memory_space<vmem>>)
      %parallel_loop3A_509 = arith.constant 0 : i32
      %parallel_loop3A_510 = arith.constant 200 : i32
      %parallel_loop3A_511 = arith.constant 1 : i32
      scf.for %parallel_loop3A_539 = %parallel_loop3A_509 to %parallel_loop3A_510 step %parallel_loop3A_511  : i32 {
        %parallel_loop3A_540 = arith.index_cast %parallel_loop3A_539 : i32 to index
        %parallel_loop3A_541 = arith.constant 0 : index
        %parallel_loop3A_542 = tpu.vector_load %arg11[%parallel_loop3A_540, %parallel_loop3A_541] {strides = array<i32>} : memref<200x128xf32, #tpu.memory_space<vmem>>, vector<1x16xf32>,
        %parallel_loop3A_543 = vector.shape_cast %parallel_loop3A_542 : vector<1x16xf32> to vector<16xf32>
        %parallel_loop3A_544 = arith.index_cast %parallel_loop3A_539 : i32 to index
        %parallel_loop3A_545 = arith.constant 0 : index
        %parallel_loop3A_546 = tpu.vector_load %arg12[%parallel_loop3A_544, %parallel_loop3A_545] {strides = array<i32>} : memref<200x128xf32, #tpu.memory_space<vmem>>, vector<1x16xf32>,
        %parallel_loop3A_547 = vector.shape_cast %parallel_loop3A_546 : vector<1x16xf32> to vector<16xf32>
        %parallel_loop3A_548 = arith.addf %parallel_loop3A_543, %parallel_loop3A_547 : vector<16xf32>
        %parallel_loop3A_549 = arith.index_cast %parallel_loop3A_539 : i32 to index
        %parallel_loop3A_550 = arith.constant 0 : index
        %parallel_loop3A_551 = tpu.vector_load %arg11[%parallel_loop3A_549, %parallel_loop3A_550] {strides = array<i32>} : memref<200x128xf32, #tpu.memory_space<vmem>>, vector<1x16xf32>,
        %parallel_loop3A_552 = vector.shape_cast %parallel_loop3A_551 : vector<1x16xf32> to vector<16xf32>
        %parallel_loop3A_553 = vector.shape_cast %parallel_loop3A_548 : vector<16xf32> to vector<1x16xf32>
        tpu.vector_store %arg11[%parallel_loop3A_549, %parallel_loop3A_550], %parallel_loop3A_553 {strides = array<i32>} : memref<200x128xf32, #tpu.memory_space<vmem>>, vector<1x16xf32>,
        %parallel_loop3A_554 = arith.index_cast %parallel_loop3A_539 : i32 to index
        %parallel_loop3A_555 = arith.constant 16 : index
        %parallel_loop3A_556 = tpu.vector_load %arg11[%parallel_loop3A_554, %parallel_loop3A_555] {strides = array<i32>} : memref<200x128xf32, #tpu.memory_space<vmem>>, vector<1x16xf32>,
        %parallel_loop3A_557 = vector.shape_cast %parallel_loop3A_556 : vector<1x16xf32> to vector<16xf32>
        %parallel_loop3A_558 = arith.index_cast %parallel_loop3A_539 : i32 to index
        %parallel_loop3A_559 = arith.constant 16 : index
        %parallel_loop3A_560 = tpu.vector_load %arg12[%parallel_loop3A_558, %parallel_loop3A_559] {strides = array<i32>} : memref<200x128xf32, #tpu.memory_space<vmem>>, vector<1x16xf32>,
        %parallel_loop3A_561 = vector.shape_cast %parallel_loop3A_560 : vector<1x16xf32> to vector<16xf32>
        %parallel_loop3A_562 = arith.addf %parallel_loop3A_557, %parallel_loop3A_561 : vector<16xf32>
        %parallel_loop3A_563 = arith.index_cast %parallel_loop3A_539 : i32 to index
        %parallel_loop3A_564 = arith.constant 16 : index
        %parallel_loop3A_565 = tpu.vector_load %arg11[%parallel_loop3A_563, %parallel_loop3A_564] {strides = array<i32>} : memref<200x128xf32, #tpu.memory_space<vmem>>, vector<1x16xf32>,
        %parallel_loop3A_566 = vector.shape_cast %parallel_loop3A_565 : vector<1x16xf32> to vector<16xf32>
        %parallel_loop3A_567 = vector.shape_cast %parallel_loop3A_562 : vector<16xf32> to vector<1x16xf32>
        tpu.vector_store %arg11[%parallel_loop3A_563, %parallel_loop3A_564], %parallel_loop3A_567 {strides = array<i32>} : memref<200x128xf32, #tpu.memory_space<vmem>>, vector<1x16xf32>,
        %parallel_loop3A_568 = arith.index_cast %parallel_loop3A_539 : i32 to index
        %parallel_loop3A_569 = arith.constant 32 : index
        %parallel_loop3A_570 = tpu.vector_load %arg11[%parallel_loop3A_568, %parallel_loop3A_569] {strides = array<i32>} : memref<200x128xf32, #tpu.memory_space<vmem>>, vector<1x16xf32>,
        %parallel_loop3A_571 = vector.shape_cast %parallel_loop3A_570 : vector<1x16xf32> to vector<16xf32>
        %parallel_loop3A_572 = arith.index_cast %parallel_loop3A_539 : i32 to index
        %parallel_loop3A_573 = arith.constant 32 : index
        %parallel_loop3A_574 = tpu.vector_load %arg12[%parallel_loop3A_572, %parallel_loop3A_573] {strides = array<i32>} : memref<200x128xf32, #tpu.memory_space<vmem>>, vector<1x16xf32>,
        %parallel_loop3A_575 = vector.shape_cast %parallel_loop3A_574 : vector<1x16xf32> to vector<16xf32>
        %parallel_loop3A_576 = arith.addf %parallel_loop3A_571, %parallel_loop3A_575 : vector<16xf32>
        %parallel_loop3A_577 = arith.index_cast %parallel_loop3A_539 : i32 to index
        %parallel_loop3A_578 = arith.constant 32 : index
        %parallel_loop3A_579 = tpu.vector_load %arg11[%parallel_loop3A_577, %parallel_loop3A_578] {strides = array<i32>} : memref<200x128xf32, #tpu.memory_space<vmem>>, vector<1x16xf32>,
        %parallel_loop3A_580 = vector.shape_cast %parallel_loop3A_579 : vector<1x16xf32> to vector<16xf32>
        %parallel_loop3A_581 = vector.shape_cast %parallel_loop3A_576 : vector<16xf32> to vector<1x16xf32>
        tpu.vector_store %arg11[%parallel_loop3A_577, %parallel_loop3A_578], %parallel_loop3A_581 {strides = array<i32>} : memref<200x128xf32, #tpu.memory_space<vmem>>, vector<1x16xf32>,
        %parallel_loop3A_582 = arith.index_cast %parallel_loop3A_539 : i32 to index
        %parallel_loop3A_583 = arith.constant 48 : index
        %parallel_loop3A_584 = tpu.vector_load %arg11[%parallel_loop3A_582, %parallel_loop3A_583] {strides = array<i32>} : memref<200x128xf32, #tpu.memory_space<vmem>>, vector<1x16xf32>,
        %parallel_loop3A_585 = vector.shape_cast %parallel_loop3A_584 : vector<1x16xf32> to vector<16xf32>
        %parallel_loop3A_586 = arith.index_cast %parallel_loop3A_539 : i32 to index
        %parallel_loop3A_587 = arith.constant 48 : index
        %parallel_loop3A_588 = tpu.vector_load %arg12[%parallel_loop3A_586, %parallel_loop3A_587] {strides = array<i32>} : memref<200x128xf32, #tpu.memory_space<vmem>>, vector<1x16xf32>,
        %parallel_loop3A_589 = vector.shape_cast %parallel_loop3A_588 : vector<1x16xf32> to vector<16xf32>
        %parallel_loop3A_590 = arith.addf %parallel_loop3A_585, %parallel_loop3A_589 : vector<16xf32>
        %parallel_loop3A_591 = arith.index_cast %parallel_loop3A_539 : i32 to index
        %parallel_loop3A_592 = arith.constant 48 : index
        %parallel_loop3A_593 = tpu.vector_load %arg11[%parallel_loop3A_591, %parallel_loop3A_592] {strides = array<i32>} : memref<200x128xf32, #tpu.memory_space<vmem>>, vector<1x16xf32>,
        %parallel_loop3A_594 = vector.shape_cast %parallel_loop3A_593 : vector<1x16xf32> to vector<16xf32>
        %parallel_loop3A_595 = vector.shape_cast %parallel_loop3A_590 : vector<16xf32> to vector<1x16xf32>
        tpu.vector_store %arg11[%parallel_loop3A_591, %parallel_loop3A_592], %parallel_loop3A_595 {strides = array<i32>} : memref<200x128xf32, #tpu.memory_space<vmem>>, vector<1x16xf32>,
        %parallel_loop3A_596 = arith.index_cast %parallel_loop3A_539 : i32 to index
        %parallel_loop3A_597 = arith.constant 64 : index
        %parallel_loop3A_598 = tpu.vector_load %arg11[%parallel_loop3A_596, %parallel_loop3A_597] {strides = array<i32>} : memref<200x128xf32, #tpu.memory_space<vmem>>, vector<1x16xf32>,
        %parallel_loop3A_599 = vector.shape_cast %parallel_loop3A_598 : vector<1x16xf32> to vector<16xf32>
        %parallel_loop3A_600 = arith.index_cast %parallel_loop3A_539 : i32 to index
        %parallel_loop3A_601 = arith.constant 64 : index
        %parallel_loop3A_602 = tpu.vector_load %arg12[%parallel_loop3A_600, %parallel_loop3A_601] {strides = array<i32>} : memref<200x128xf32, #tpu.memory_space<vmem>>, vector<1x16xf32>,
        %parallel_loop3A_603 = vector.shape_cast %parallel_loop3A_602 : vector<1x16xf32> to vector<16xf32>
        %parallel_loop3A_604 = arith.addf %parallel_loop3A_599, %parallel_loop3A_603 : vector<16xf32>
        %parallel_loop3A_605 = arith.index_cast %parallel_loop3A_539 : i32 to index
        %parallel_loop3A_606 = arith.constant 64 : index
        %parallel_loop3A_607 = tpu.vector_load %arg11[%parallel_loop3A_605, %parallel_loop3A_606] {strides = array<i32>} : memref<200x128xf32, #tpu.memory_space<vmem>>, vector<1x16xf32>,
        %parallel_loop3A_608 = vector.shape_cast %parallel_loop3A_607 : vector<1x16xf32> to vector<16xf32>
        %parallel_loop3A_609 = vector.shape_cast %parallel_loop3A_604 : vector<16xf32> to vector<1x16xf32>
        tpu.vector_store %arg11[%parallel_loop3A_605, %parallel_loop3A_606], %parallel_loop3A_609 {strides = array<i32>} : memref<200x128xf32, #tpu.memory_space<vmem>>, vector<1x16xf32>,
        %parallel_loop3A_610 = arith.index_cast %parallel_loop3A_539 : i32 to index
        %parallel_loop3A_611 = arith.constant 80 : index
        %parallel_loop3A_612 = tpu.vector_load %arg11[%parallel_loop3A_610, %parallel_loop3A_611] {strides = array<i32>} : memref<200x128xf32, #tpu.memory_space<vmem>>, vector<1x16xf32>,
        %parallel_loop3A_613 = vector.shape_cast %parallel_loop3A_612 : vector<1x16xf32> to vector<16xf32>
        %parallel_loop3A_614 = arith.index_cast %parallel_loop3A_539 : i32 to index
        %parallel_loop3A_615 = arith.constant 80 : index
        %parallel_loop3A_616 = tpu.vector_load %arg12[%parallel_loop3A_614, %parallel_loop3A_615] {strides = array<i32>} : memref<200x128xf32, #tpu.memory_space<vmem>>, vector<1x16xf32>,
        %parallel_loop3A_617 = vector.shape_cast %parallel_loop3A_616 : vector<1x16xf32> to vector<16xf32>
        %parallel_loop3A_618 = arith.addf %parallel_loop3A_613, %parallel_loop3A_617 : vector<16xf32>
        %parallel_loop3A_619 = arith.index_cast %parallel_loop3A_539 : i32 to index
        %parallel_loop3A_620 = arith.constant 80 : index
        %parallel_loop3A_621 = tpu.vector_load %arg11[%parallel_loop3A_619, %parallel_loop3A_620] {strides = array<i32>} : memref<200x128xf32, #tpu.memory_space<vmem>>, vector<1x16xf32>,
        %parallel_loop3A_622 = vector.shape_cast %parallel_loop3A_621 : vector<1x16xf32> to vector<16xf32>
        %parallel_loop3A_623 = vector.shape_cast %parallel_loop3A_618 : vector<16xf32> to vector<1x16xf32>
        tpu.vector_store %arg11[%parallel_loop3A_619, %parallel_loop3A_620], %parallel_loop3A_623 {strides = array<i32>} : memref<200x128xf32, #tpu.memory_space<vmem>>, vector<1x16xf32>,
        %parallel_loop3A_624 = arith.index_cast %parallel_loop3A_539 : i32 to index
        %parallel_loop3A_625 = arith.constant 96 : index
        %parallel_loop3A_626 = tpu.vector_load %arg11[%parallel_loop3A_624, %parallel_loop3A_625] {strides = array<i32>} : memref<200x128xf32, #tpu.memory_space<vmem>>, vector<1x16xf32>,
        %parallel_loop3A_627 = vector.shape_cast %parallel_loop3A_626 : vector<1x16xf32> to vector<16xf32>
        %parallel_loop3A_628 = arith.index_cast %parallel_loop3A_539 : i32 to index
        %parallel_loop3A_629 = arith.constant 96 : index
        %parallel_loop3A_630 = tpu.vector_load %arg12[%parallel_loop3A_628, %parallel_loop3A_629] {strides = array<i32>} : memref<200x128xf32, #tpu.memory_space<vmem>>, vector<1x16xf32>,
        %parallel_loop3A_631 = vector.shape_cast %parallel_loop3A_630 : vector<1x16xf32> to vector<16xf32>
        %parallel_loop3A_632 = arith.addf %parallel_loop3A_627, %parallel_loop3A_631 : vector<16xf32>
        %parallel_loop3A_633 = arith.index_cast %parallel_loop3A_539 : i32 to index
        %parallel_loop3A_634 = arith.constant 96 : index
        %parallel_loop3A_635 = tpu.vector_load %arg11[%parallel_loop3A_633, %parallel_loop3A_634] {strides = array<i32>} : memref<200x128xf32, #tpu.memory_space<vmem>>, vector<1x16xf32>,
        %parallel_loop3A_636 = vector.shape_cast %parallel_loop3A_635 : vector<1x16xf32> to vector<16xf32>
        %parallel_loop3A_637 = vector.shape_cast %parallel_loop3A_632 : vector<16xf32> to vector<1x16xf32>
        tpu.vector_store %arg11[%parallel_loop3A_633, %parallel_loop3A_634], %parallel_loop3A_637 {strides = array<i32>} : memref<200x128xf32, #tpu.memory_space<vmem>>, vector<1x16xf32>,
        %parallel_loop3A_638 = arith.index_cast %parallel_loop3A_539 : i32 to index
        %parallel_loop3A_639 = arith.constant 112 : index
        %parallel_loop3A_640 = tpu.vector_load %arg11[%parallel_loop3A_638, %parallel_loop3A_639] {strides = array<i32>} : memref<200x128xf32, #tpu.memory_space<vmem>>, vector<1x16xf32>,
        %parallel_loop3A_641 = vector.shape_cast %parallel_loop3A_640 : vector<1x16xf32> to vector<16xf32>
        %parallel_loop3A_642 = arith.index_cast %parallel_loop3A_539 : i32 to index
        %parallel_loop3A_643 = arith.constant 112 : index
        %parallel_loop3A_644 = tpu.vector_load %arg12[%parallel_loop3A_642, %parallel_loop3A_643] {strides = array<i32>} : memref<200x128xf32, #tpu.memory_space<vmem>>, vector<1x16xf32>,
        %parallel_loop3A_645 = vector.shape_cast %parallel_loop3A_644 : vector<1x16xf32> to vector<16xf32>
        %parallel_loop3A_646 = arith.addf %parallel_loop3A_641, %parallel_loop3A_645 : vector<16xf32>
        %parallel_loop3A_647 = arith.index_cast %parallel_loop3A_539 : i32 to index
        %parallel_loop3A_648 = arith.constant 112 : index
        %parallel_loop3A_649 = tpu.vector_load %arg11[%parallel_loop3A_647, %parallel_loop3A_648] {strides = array<i32>} : memref<200x128xf32, #tpu.memory_space<vmem>>, vector<1x16xf32>,
        %parallel_loop3A_650 = vector.shape_cast %parallel_loop3A_649 : vector<1x16xf32> to vector<16xf32>
        %parallel_loop3A_651 = vector.shape_cast %parallel_loop3A_646 : vector<16xf32> to vector<1x16xf32>
        tpu.vector_store %arg11[%parallel_loop3A_647, %parallel_loop3A_648], %parallel_loop3A_651 {strides = array<i32>} : memref<200x128xf32, #tpu.memory_space<vmem>>, vector<1x16xf32>,
      } {sc.loop_unroll_factor = 4 : i64, sc.parallel_access}
      %mul3A_512 = arith.constant 200 : i32
      %mul3A_513 = arith.muli %add3A_467, %mul3A_512 : i32
      %add3A_514 = arith.addi %mul3A_2, %mul3A_513 : i32
      %dma_start3A_515 = arith.constant 0 : i32
      %dma_start3A_516 = tpu.memref_slice %arg5[%add3A_514, %dma_start3A_515] : memref<320000x128xf32, #tpu.memory_space<hbm>> -> memref<200x128xf32, #tpu.memory_space<hbm>>
      %dma_start3A_517 = arith.constant 0 : i32
      %dma_start3A_518 = tpu.memref_slice %arg5[%add3A_514, %dma_start3A_517] : memref<320000x128xf32, #tpu.memory_space<hbm>> -> memref<200x128xf32, #tpu.memory_space<hbm>>
      tpu.enqueue_dma source(%arg11 : memref<200x128xf32, #tpu.memory_space<vmem>>) target(%dma_start3A_518 : memref<200x128xf32, #tpu.memory_space<hbm>>) target_semaphore(%arg18 : memref<!tpu.dma_semaphore, #tpu.memory_space<semaphore_mem>>)
      %sub3A_519 = arith.constant 1 : i32
      %sub3A_520 = arith.subi %add3A_467, %sub3A_519 : i32
      %mul3A_521 = arith.constant 200 : i32
      %mul3A_522 = arith.muli %sub3A_520, %mul3A_521 : i32
      %add3A_523 = arith.addi %mul3A_2, %mul3A_522 : i32
      %dma_wait3A_524 = arith.constant 0 : i32
      %dma_wait3A_525 = tpu.memref_slice %arg5[%add3A_523, %dma_wait3A_524] : memref<320000x128xf32, #tpu.memory_space<hbm>> -> memref<200x128xf32, #tpu.memory_space<hbm>>
      %dma_wait3A_526 = arith.constant 0 : i32
      %dma_wait3A_527 = tpu.memref_slice %arg5[%add3A_523, %dma_wait3A_526] : memref<320000x128xf32, #tpu.memory_space<hbm>> -> memref<200x128xf32, #tpu.memory_space<hbm>>
      tpu.wait_dma2 semaphore(%arg17 : memref<!tpu.dma_semaphore, #tpu.memory_space<semaphore_mem>>) src(%arg10 : memref<200x128xf32, #tpu.memory_space<vmem>>) dst(%dma_wait3A_527 : memref<200x128xf32, #tpu.memory_space<hbm>>)
      %add3A_528 = arith.constant 2 : i32
      %add3A_529 = arith.addi %add3A_467, %add3A_528 : i32
      %mul3A_530 = arith.constant 200 : i32
      %mul3A_531 = arith.muli %add3A_529, %mul3A_530 : i32
      %add3A_532 = arith.addi %mul3A_2, %mul3A_531 : i32
      %dma_start3A_533 = tpu.memref_slice %arg3[%add3A_532] : memref<320000xi32, #tpu.memory_space<hbm>> -> memref<200xi32, #tpu.memory_space<hbm>>
      %dma_start3A_534 = tpu.memref_slice %arg3[%add3A_532] : memref<320000xi32, #tpu.memory_space<hbm>> -> memref<200xi32, #tpu.memory_space<hbm>>
      tpu.enqueue_dma source(%dma_start3A_534 : memref<200xi32, #tpu.memory_space<hbm>>) target(%arg7 : memref<200xi32, #tpu.memory_space<vmem>>) target_semaphore(%arg14 : memref<!tpu.dma_semaphore, #tpu.memory_space<semaphore_mem>>)
      %dma_start3A_535 = arith.constant 0 : i32
      %dma_start3A_536 = tpu.memref_slice %arg2[%add3A_532, %dma_start3A_535] : memref<320000x128xf32, #tpu.memory_space<hbm>> -> memref<200x128xf32, #tpu.memory_space<hbm>>
      %dma_start3A_537 = arith.constant 0 : i32
      %dma_start3A_538 = tpu.memref_slice %arg2[%add3A_532, %dma_start3A_537] : memref<320000x128xf32, #tpu.memory_space<hbm>> -> memref<200x128xf32, #tpu.memory_space<hbm>>
      tpu.enqueue_dma source(%dma_start3A_538 : memref<200x128xf32, #tpu.memory_space<hbm>>) target(%arg10 : memref<200x128xf32, #tpu.memory_space<vmem>>) target_semaphore(%arg14 : memref<!tpu.dma_semaphore, #tpu.memory_space<semaphore_mem>>)
    }
    %scan3A_203 = arith.constant 15 : i32
    %add3A_204 = arith.constant 9600 : i32
    %add3A_205 = arith.addi %mul3A_2, %add3A_204 : i32
    %dma_wait3A_206 = arith.constant 0 : i32
    %dma_wait3A_207 = tpu.memref_slice %arg2[%add3A_205, %dma_wait3A_206] : memref<320000x128xf32, #tpu.memory_space<hbm>> -> memref<200x128xf32, #tpu.memory_space<hbm>>
    %dma_wait3A_208 = arith.constant 0 : i32
    %dma_wait3A_209 = tpu.memref_slice %arg2[%add3A_205, %dma_wait3A_208] : memref<320000x128xf32, #tpu.memory_space<hbm>> -> memref<200x128xf32, #tpu.memory_space<hbm>>
    tpu.wait_dma2 semaphore(%arg13 : memref<!tpu.dma_semaphore, #tpu.memory_space<semaphore_mem>>) src(%dma_wait3A_209 : memref<200x128xf32, #tpu.memory_space<hbm>>) dst(%arg9 : memref<200x128xf32, #tpu.memory_space<vmem>>)
    %dma_wait3A_210 = tpu.memref_slice %arg3[%add3A_205] : memref<320000xi32, #tpu.memory_space<hbm>> -> memref<200xi32, #tpu.memory_space<hbm>>
    %dma_wait3A_211 = tpu.memref_slice %arg3[%add3A_205] : memref<320000xi32, #tpu.memory_space<hbm>> -> memref<200xi32, #tpu.memory_space<hbm>>
    tpu.wait_dma2 semaphore(%arg13 : memref<!tpu.dma_semaphore, #tpu.memory_space<semaphore_mem>>) src(%dma_wait3A_211 : memref<200xi32, #tpu.memory_space<hbm>>) dst(%arg6 : memref<200xi32, #tpu.memory_space<vmem>>)
    %dma_start3A_212 = arith.constant 0 : i32
    %dma_start3A_213 = arith.constant 0 : i32
    %dma_start3A_214 = tpu.memref_slice %arg12[%dma_start3A_212, %dma_start3A_213] : memref<200x128xf32, #tpu.memory_space<vmem>> -> memref<104x128xf32, #tpu.memory_space<vmem>>
    %dma_start3A_215 = arith.constant 0 : i32
    %dma_start3A_216 = tpu.memref_slice %arg6[%dma_start3A_215] : memref<200xi32, #tpu.memory_space<vmem>> -> memref<104xi32, #tpu.memory_space<vmem>>
    %dma_start3A_217 = arith.constant 0 : i32
    %dma_start3A_218 = arith.constant 0 : i32
    %dma_start3A_219 = tpu.memref_slice %arg4[%dma_start3A_217, %dma_start3A_218] : memref<10240x128xf32, #tpu.memory_space<hbm>> -> memref<10240x128xf32, #tpu.memory_space<hbm>>
    tpu.enqueue_indirect_dma source(%dma_start3A_219 : memref<10240x128xf32, #tpu.memory_space<hbm>>) target(%dma_start3A_214 : memref<104x128xf32, #tpu.memory_space<vmem>>) offsets(%dma_start3A_216 : memref<104xi32, #tpu.memory_space<vmem>>) semaphore(%arg19 : memref<!tpu.dma_semaphore, #tpu.memory_space<semaphore_mem>>)
    %dma_start3A_220 = arith.constant 104 : i32
    %dma_start3A_221 = arith.constant 0 : i32
    %dma_start3A_222 = tpu.memref_slice %arg12[%dma_start3A_220, %dma_start3A_221] : memref<200x128xf32, #tpu.memory_space<vmem>> -> memref<96x128xf32, #tpu.memory_space<vmem>>
    %dma_start3A_223 = arith.constant 104 : i32
    %dma_start3A_224 = tpu.memref_slice %arg6[%dma_start3A_223] : memref<200xi32, #tpu.memory_space<vmem>> -> memref<96xi32, #tpu.memory_space<vmem>>
    %dma_start3A_225 = arith.constant 0 : i32
    %dma_start3A_226 = arith.constant 0 : i32
    %dma_start3A_227 = tpu.memref_slice %arg4[%dma_start3A_225, %dma_start3A_226] : memref<10240x128xf32, #tpu.memory_space<hbm>> -> memref<10240x128xf32, #tpu.memory_space<hbm>>
    tpu.enqueue_indirect_dma source(%dma_start3A_227 : memref<10240x128xf32, #tpu.memory_space<hbm>>) target(%dma_start3A_222 : memref<96x128xf32, #tpu.memory_space<vmem>>) offsets(%dma_start3A_224 : memref<96xi32, #tpu.memory_space<vmem>>) semaphore(%arg19 : memref<!tpu.dma_semaphore, #tpu.memory_space<semaphore_mem>>)
    %dma_wait3A_228 = arith.constant 0 : i32
    %dma_wait3A_229 = arith.constant 0 : i32
    %dma_wait3A_230 = tpu.memref_slice %arg12[%dma_wait3A_228, %dma_wait3A_229] : memref<200x128xf32, #tpu.memory_space<vmem>> -> memref<104x128xf32, #tpu.memory_space<vmem>>
    %dma_wait3A_231 = arith.constant 0 : i32
    %dma_wait3A_232 = tpu.memref_slice %arg6[%dma_wait3A_231] : memref<200xi32, #tpu.memory_space<vmem>> -> memref<104xi32, #tpu.memory_space<vmem>>
    %dma_wait3A_233 = arith.constant 0 : i32
    %dma_wait3A_234 = arith.constant 0 : i32
    %dma_wait3A_235 = tpu.memref_slice %arg4[%dma_wait3A_233, %dma_wait3A_234] : memref<10240x128xf32, #tpu.memory_space<hbm>> -> memref<10240x128xf32, #tpu.memory_space<hbm>>
    tpu.wait_indirect_dma semaphore(%arg19 : memref<!tpu.dma_semaphore, #tpu.memory_space<semaphore_mem>>) src(%dma_wait3A_235 : memref<10240x128xf32, #tpu.memory_space<hbm>>) dst(%dma_wait3A_230 : memref<104x128xf32, #tpu.memory_space<vmem>>)
    %dma_wait3A_236 = arith.constant 104 : i32
    %dma_wait3A_237 = arith.constant 0 : i32
    %dma_wait3A_238 = tpu.memref_slice %arg12[%dma_wait3A_236, %dma_wait3A_237] : memref<200x128xf32, #tpu.memory_space<vmem>> -> memref<96x128xf32, #tpu.memory_space<vmem>>
    %dma_wait3A_239 = arith.constant 104 : i32
    %dma_wait3A_240 = tpu.memref_slice %arg6[%dma_wait3A_239] : memref<200xi32, #tpu.memory_space<vmem>> -> memref<96xi32, #tpu.memory_space<vmem>>
    %dma_wait3A_241 = arith.constant 0 : i32
    %dma_wait3A_242 = arith.constant 0 : i32
    %dma_wait3A_243 = tpu.memref_slice %arg4[%dma_wait3A_241, %dma_wait3A_242] : memref<10240x128xf32, #tpu.memory_space<hbm>> -> memref<10240x128xf32, #tpu.memory_space<hbm>>
    tpu.wait_indirect_dma semaphore(%arg19 : memref<!tpu.dma_semaphore, #tpu.memory_space<semaphore_mem>>) src(%dma_wait3A_243 : memref<10240x128xf32, #tpu.memory_space<hbm>>) dst(%dma_wait3A_238 : memref<96x128xf32, #tpu.memory_space<vmem>>)
    %parallel_loop3A_244 = arith.constant 0 : i32
    %parallel_loop3A_245 = arith.constant 200 : i32
    %parallel_loop3A_246 = arith.constant 1 : i32
    scf.for %parallel_loop3A_320 = %parallel_loop3A_244 to %parallel_loop3A_245 step %parallel_loop3A_246  : i32 {
      %parallel_loop3A_321 = arith.index_cast %parallel_loop3A_320 : i32 to index
      %parallel_loop3A_322 = arith.constant 0 : index
      %parallel_loop3A_323 = tpu.vector_load %arg9[%parallel_loop3A_321, %parallel_loop3A_322] {strides = array<i32>} : memref<200x128xf32, #tpu.memory_space<vmem>>, vector<1x16xf32>,
      %parallel_loop3A_324 = vector.shape_cast %parallel_loop3A_323 : vector<1x16xf32> to vector<16xf32>
      %parallel_loop3A_325 = arith.index_cast %parallel_loop3A_320 : i32 to index
      %parallel_loop3A_326 = arith.constant 0 : index
      %parallel_loop3A_327 = tpu.vector_load %arg12[%parallel_loop3A_325, %parallel_loop3A_326] {strides = array<i32>} : memref<200x128xf32, #tpu.memory_space<vmem>>, vector<1x16xf32>,
      %parallel_loop3A_328 = vector.shape_cast %parallel_loop3A_327 : vector<1x16xf32> to vector<16xf32>
      %parallel_loop3A_329 = arith.addf %parallel_loop3A_324, %parallel_loop3A_328 : vector<16xf32>
      %parallel_loop3A_330 = arith.index_cast %parallel_loop3A_320 : i32 to index
      %parallel_loop3A_331 = arith.constant 0 : index
      %parallel_loop3A_332 = tpu.vector_load %arg9[%parallel_loop3A_330, %parallel_loop3A_331] {strides = array<i32>} : memref<200x128xf32, #tpu.memory_space<vmem>>, vector<1x16xf32>,
      %parallel_loop3A_333 = vector.shape_cast %parallel_loop3A_332 : vector<1x16xf32> to vector<16xf32>
      %parallel_loop3A_334 = vector.shape_cast %parallel_loop3A_329 : vector<16xf32> to vector<1x16xf32>
      tpu.vector_store %arg9[%parallel_loop3A_330, %parallel_loop3A_331], %parallel_loop3A_334 {strides = array<i32>} : memref<200x128xf32, #tpu.memory_space<vmem>>, vector<1x16xf32>,
      %parallel_loop3A_335 = arith.index_cast %parallel_loop3A_320 : i32 to index
      %parallel_loop3A_336 = arith.constant 16 : index
      %parallel_loop3A_337 = tpu.vector_load %arg9[%parallel_loop3A_335, %parallel_loop3A_336] {strides = array<i32>} : memref<200x128xf32, #tpu.memory_space<vmem>>, vector<1x16xf32>,
      %parallel_loop3A_338 = vector.shape_cast %parallel_loop3A_337 : vector<1x16xf32> to vector<16xf32>
      %parallel_loop3A_339 = arith.index_cast %parallel_loop3A_320 : i32 to index
      %parallel_loop3A_340 = arith.constant 16 : index
      %parallel_loop3A_341 = tpu.vector_load %arg12[%parallel_loop3A_339, %parallel_loop3A_340] {strides = array<i32>} : memref<200x128xf32, #tpu.memory_space<vmem>>, vector<1x16xf32>,
      %parallel_loop3A_342 = vector.shape_cast %parallel_loop3A_341 : vector<1x16xf32> to vector<16xf32>
      %parallel_loop3A_343 = arith.addf %parallel_loop3A_338, %parallel_loop3A_342 : vector<16xf32>
      %parallel_loop3A_344 = arith.index_cast %parallel_loop3A_320 : i32 to index
      %parallel_loop3A_345 = arith.constant 16 : index
      %parallel_loop3A_346 = tpu.vector_load %arg9[%parallel_loop3A_344, %parallel_loop3A_345] {strides = array<i32>} : memref<200x128xf32, #tpu.memory_space<vmem>>, vector<1x16xf32>,
      %parallel_loop3A_347 = vector.shape_cast %parallel_loop3A_346 : vector<1x16xf32> to vector<16xf32>
      %parallel_loop3A_348 = vector.shape_cast %parallel_loop3A_343 : vector<16xf32> to vector<1x16xf32>
      tpu.vector_store %arg9[%parallel_loop3A_344, %parallel_loop3A_345], %parallel_loop3A_348 {strides = array<i32>} : memref<200x128xf32, #tpu.memory_space<vmem>>, vector<1x16xf32>,
      %parallel_loop3A_349 = arith.index_cast %parallel_loop3A_320 : i32 to index
      %parallel_loop3A_350 = arith.constant 32 : index
      %parallel_loop3A_351 = tpu.vector_load %arg9[%parallel_loop3A_349, %parallel_loop3A_350] {strides = array<i32>} : memref<200x128xf32, #tpu.memory_space<vmem>>, vector<1x16xf32>,
      %parallel_loop3A_352 = vector.shape_cast %parallel_loop3A_351 : vector<1x16xf32> to vector<16xf32>
      %parallel_loop3A_353 = arith.index_cast %parallel_loop3A_320 : i32 to index
      %parallel_loop3A_354 = arith.constant 32 : index
      %parallel_loop3A_355 = tpu.vector_load %arg12[%parallel_loop3A_353, %parallel_loop3A_354] {strides = array<i32>} : memref<200x128xf32, #tpu.memory_space<vmem>>, vector<1x16xf32>,
      %parallel_loop3A_356 = vector.shape_cast %parallel_loop3A_355 : vector<1x16xf32> to vector<16xf32>
      %parallel_loop3A_357 = arith.addf %parallel_loop3A_352, %parallel_loop3A_356 : vector<16xf32>
      %parallel_loop3A_358 = arith.index_cast %parallel_loop3A_320 : i32 to index
      %parallel_loop3A_359 = arith.constant 32 : index
      %parallel_loop3A_360 = tpu.vector_load %arg9[%parallel_loop3A_358, %parallel_loop3A_359] {strides = array<i32>} : memref<200x128xf32, #tpu.memory_space<vmem>>, vector<1x16xf32>,
      %parallel_loop3A_361 = vector.shape_cast %parallel_loop3A_360 : vector<1x16xf32> to vector<16xf32>
      %parallel_loop3A_362 = vector.shape_cast %parallel_loop3A_357 : vector<16xf32> to vector<1x16xf32>
      tpu.vector_store %arg9[%parallel_loop3A_358, %parallel_loop3A_359], %parallel_loop3A_362 {strides = array<i32>} : memref<200x128xf32, #tpu.memory_space<vmem>>, vector<1x16xf32>,
      %parallel_loop3A_363 = arith.index_cast %parallel_loop3A_320 : i32 to index
      %parallel_loop3A_364 = arith.constant 48 : index
      %parallel_loop3A_365 = tpu.vector_load %arg9[%parallel_loop3A_363, %parallel_loop3A_364] {strides = array<i32>} : memref<200x128xf32, #tpu.memory_space<vmem>>, vector<1x16xf32>,
      %parallel_loop3A_366 = vector.shape_cast %parallel_loop3A_365 : vector<1x16xf32> to vector<16xf32>
      %parallel_loop3A_367 = arith.index_cast %parallel_loop3A_320 : i32 to index
      %parallel_loop3A_368 = arith.constant 48 : index
      %parallel_loop3A_369 = tpu.vector_load %arg12[%parallel_loop3A_367, %parallel_loop3A_368] {strides = array<i32>} : memref<200x128xf32, #tpu.memory_space<vmem>>, vector<1x16xf32>,
      %parallel_loop3A_370 = vector.shape_cast %parallel_loop3A_369 : vector<1x16xf32> to vector<16xf32>
      %parallel_loop3A_371 = arith.addf %parallel_loop3A_366, %parallel_loop3A_370 : vector<16xf32>
      %parallel_loop3A_372 = arith.index_cast %parallel_loop3A_320 : i32 to index
      %parallel_loop3A_373 = arith.constant 48 : index
      %parallel_loop3A_374 = tpu.vector_load %arg9[%parallel_loop3A_372, %parallel_loop3A_373] {strides = array<i32>} : memref<200x128xf32, #tpu.memory_space<vmem>>, vector<1x16xf32>,
      %parallel_loop3A_375 = vector.shape_cast %parallel_loop3A_374 : vector<1x16xf32> to vector<16xf32>
      %parallel_loop3A_376 = vector.shape_cast %parallel_loop3A_371 : vector<16xf32> to vector<1x16xf32>
      tpu.vector_store %arg9[%parallel_loop3A_372, %parallel_loop3A_373], %parallel_loop3A_376 {strides = array<i32>} : memref<200x128xf32, #tpu.memory_space<vmem>>, vector<1x16xf32>,
      %parallel_loop3A_377 = arith.index_cast %parallel_loop3A_320 : i32 to index
      %parallel_loop3A_378 = arith.constant 64 : index
      %parallel_loop3A_379 = tpu.vector_load %arg9[%parallel_loop3A_377, %parallel_loop3A_378] {strides = array<i32>} : memref<200x128xf32, #tpu.memory_space<vmem>>, vector<1x16xf32>,
      %parallel_loop3A_380 = vector.shape_cast %parallel_loop3A_379 : vector<1x16xf32> to vector<16xf32>
      %parallel_loop3A_381 = arith.index_cast %parallel_loop3A_320 : i32 to index
      %parallel_loop3A_382 = arith.constant 64 : index
      %parallel_loop3A_383 = tpu.vector_load %arg12[%parallel_loop3A_381, %parallel_loop3A_382] {strides = array<i32>} : memref<200x128xf32, #tpu.memory_space<vmem>>, vector<1x16xf32>,
      %parallel_loop3A_384 = vector.shape_cast %parallel_loop3A_383 : vector<1x16xf32> to vector<16xf32>
      %parallel_loop3A_385 = arith.addf %parallel_loop3A_380, %parallel_loop3A_384 : vector<16xf32>
      %parallel_loop3A_386 = arith.index_cast %parallel_loop3A_320 : i32 to index
      %parallel_loop3A_387 = arith.constant 64 : index
      %parallel_loop3A_388 = tpu.vector_load %arg9[%parallel_loop3A_386, %parallel_loop3A_387] {strides = array<i32>} : memref<200x128xf32, #tpu.memory_space<vmem>>, vector<1x16xf32>,
      %parallel_loop3A_389 = vector.shape_cast %parallel_loop3A_388 : vector<1x16xf32> to vector<16xf32>
      %parallel_loop3A_390 = vector.shape_cast %parallel_loop3A_385 : vector<16xf32> to vector<1x16xf32>
      tpu.vector_store %arg9[%parallel_loop3A_386, %parallel_loop3A_387], %parallel_loop3A_390 {strides = array<i32>} : memref<200x128xf32, #tpu.memory_space<vmem>>, vector<1x16xf32>,
      %parallel_loop3A_391 = arith.index_cast %parallel_loop3A_320 : i32 to index
      %parallel_loop3A_392 = arith.constant 80 : index
      %parallel_loop3A_393 = tpu.vector_load %arg9[%parallel_loop3A_391, %parallel_loop3A_392] {strides = array<i32>} : memref<200x128xf32, #tpu.memory_space<vmem>>, vector<1x16xf32>,
      %parallel_loop3A_394 = vector.shape_cast %parallel_loop3A_393 : vector<1x16xf32> to vector<16xf32>
      %parallel_loop3A_395 = arith.index_cast %parallel_loop3A_320 : i32 to index
      %parallel_loop3A_396 = arith.constant 80 : index
      %parallel_loop3A_397 = tpu.vector_load %arg12[%parallel_loop3A_395, %parallel_loop3A_396] {strides = array<i32>} : memref<200x128xf32, #tpu.memory_space<vmem>>, vector<1x16xf32>,
      %parallel_loop3A_398 = vector.shape_cast %parallel_loop3A_397 : vector<1x16xf32> to vector<16xf32>
      %parallel_loop3A_399 = arith.addf %parallel_loop3A_394, %parallel_loop3A_398 : vector<16xf32>
      %parallel_loop3A_400 = arith.index_cast %parallel_loop3A_320 : i32 to index
      %parallel_loop3A_401 = arith.constant 80 : index
      %parallel_loop3A_402 = tpu.vector_load %arg9[%parallel_loop3A_400, %parallel_loop3A_401] {strides = array<i32>} : memref<200x128xf32, #tpu.memory_space<vmem>>, vector<1x16xf32>,
      %parallel_loop3A_403 = vector.shape_cast %parallel_loop3A_402 : vector<1x16xf32> to vector<16xf32>
      %parallel_loop3A_404 = vector.shape_cast %parallel_loop3A_399 : vector<16xf32> to vector<1x16xf32>
      tpu.vector_store %arg9[%parallel_loop3A_400, %parallel_loop3A_401], %parallel_loop3A_404 {strides = array<i32>} : memref<200x128xf32, #tpu.memory_space<vmem>>, vector<1x16xf32>,
      %parallel_loop3A_405 = arith.index_cast %parallel_loop3A_320 : i32 to index
      %parallel_loop3A_406 = arith.constant 96 : index
      %parallel_loop3A_407 = tpu.vector_load %arg9[%parallel_loop3A_405, %parallel_loop3A_406] {strides = array<i32>} : memref<200x128xf32, #tpu.memory_space<vmem>>, vector<1x16xf32>,
      %parallel_loop3A_408 = vector.shape_cast %parallel_loop3A_407 : vector<1x16xf32> to vector<16xf32>
      %parallel_loop3A_409 = arith.index_cast %parallel_loop3A_320 : i32 to index
      %parallel_loop3A_410 = arith.constant 96 : index
      %parallel_loop3A_411 = tpu.vector_load %arg12[%parallel_loop3A_409, %parallel_loop3A_410] {strides = array<i32>} : memref<200x128xf32, #tpu.memory_space<vmem>>, vector<1x16xf32>,
      %parallel_loop3A_412 = vector.shape_cast %parallel_loop3A_411 : vector<1x16xf32> to vector<16xf32>
      %parallel_loop3A_413 = arith.addf %parallel_loop3A_408, %parallel_loop3A_412 : vector<16xf32>
      %parallel_loop3A_414 = arith.index_cast %parallel_loop3A_320 : i32 to index
      %parallel_loop3A_415 = arith.constant 96 : index
      %parallel_loop3A_416 = tpu.vector_load %arg9[%parallel_loop3A_414, %parallel_loop3A_415] {strides = array<i32>} : memref<200x128xf32, #tpu.memory_space<vmem>>, vector<1x16xf32>,
      %parallel_loop3A_417 = vector.shape_cast %parallel_loop3A_416 : vector<1x16xf32> to vector<16xf32>
      %parallel_loop3A_418 = vector.shape_cast %parallel_loop3A_413 : vector<16xf32> to vector<1x16xf32>
      tpu.vector_store %arg9[%parallel_loop3A_414, %parallel_loop3A_415], %parallel_loop3A_418 {strides = array<i32>} : memref<200x128xf32, #tpu.memory_space<vmem>>, vector<1x16xf32>,
      %parallel_loop3A_419 = arith.index_cast %parallel_loop3A_320 : i32 to index
      %parallel_loop3A_420 = arith.constant 112 : index
      %parallel_loop3A_421 = tpu.vector_load %arg9[%parallel_loop3A_419, %parallel_loop3A_420] {strides = array<i32>} : memref<200x128xf32, #tpu.memory_space<vmem>>, vector<1x16xf32>,
      %parallel_loop3A_422 = vector.shape_cast %parallel_loop3A_421 : vector<1x16xf32> to vector<16xf32>
      %parallel_loop3A_423 = arith.index_cast %parallel_loop3A_320 : i32 to index
      %parallel_loop3A_424 = arith.constant 112 : index
      %parallel_loop3A_425 = tpu.vector_load %arg12[%parallel_loop3A_423, %parallel_loop3A_424] {strides = array<i32>} : memref<200x128xf32, #tpu.memory_space<vmem>>, vector<1x16xf32>,
      %parallel_loop3A_426 = vector.shape_cast %parallel_loop3A_425 : vector<1x16xf32> to vector<16xf32>
      %parallel_loop3A_427 = arith.addf %parallel_loop3A_422, %parallel_loop3A_426 : vector<16xf32>
      %parallel_loop3A_428 = arith.index_cast %parallel_loop3A_320 : i32 to index
      %parallel_loop3A_429 = arith.constant 112 : index
      %parallel_loop3A_430 = tpu.vector_load %arg9[%parallel_loop3A_428, %parallel_loop3A_429] {strides = array<i32>} : memref<200x128xf32, #tpu.memory_space<vmem>>, vector<1x16xf32>,
      %parallel_loop3A_431 = vector.shape_cast %parallel_loop3A_430 : vector<1x16xf32> to vector<16xf32>
      %parallel_loop3A_432 = vector.shape_cast %parallel_loop3A_427 : vector<16xf32> to vector<1x16xf32>
      tpu.vector_store %arg9[%parallel_loop3A_428, %parallel_loop3A_429], %parallel_loop3A_432 {strides = array<i32>} : memref<200x128xf32, #tpu.memory_space<vmem>>, vector<1x16xf32>,
    } {sc.loop_unroll_factor = 4 : i64, sc.parallel_access}
    %add3A_247 = arith.constant 9600 : i32
    %add3A_248 = arith.addi %mul3A_2, %add3A_247 : i32
    %dma_start3A_249 = arith.constant 0 : i32
    %dma_start3A_250 = tpu.memref_slice %arg5[%add3A_248, %dma_start3A_249] : memref<320000x128xf32, #tpu.memory_space<hbm>> -> memref<200x128xf32, #tpu.memory_space<hbm>>
    %dma_start3A_251 = arith.constant 0 : i32
    %dma_start3A_252 = tpu.memref_slice %arg5[%add3A_248, %dma_start3A_251] : memref<320000x128xf32, #tpu.memory_space<hbm>> -> memref<200x128xf32, #tpu.memory_space<hbm>>
    tpu.enqueue_dma source(%arg9 : memref<200x128xf32, #tpu.memory_space<vmem>>) target(%dma_start3A_252 : memref<200x128xf32, #tpu.memory_space<hbm>>) target_semaphore(%arg16 : memref<!tpu.dma_semaphore, #tpu.memory_space<semaphore_mem>>)
    %add3A_253 = arith.constant 9400 : i32
    %add3A_254 = arith.addi %mul3A_2, %add3A_253 : i32
    %dma_wait3A_255 = arith.constant 0 : i32
    %dma_wait3A_256 = tpu.memref_slice %arg5[%add3A_254, %dma_wait3A_255] : memref<320000x128xf32, #tpu.memory_space<hbm>> -> memref<200x128xf32, #tpu.memory_space<hbm>>
    %dma_wait3A_257 = arith.constant 0 : i32
    %dma_wait3A_258 = tpu.memref_slice %arg5[%add3A_254, %dma_wait3A_257] : memref<320000x128xf32, #tpu.memory_space<hbm>> -> memref<200x128xf32, #tpu.memory_space<hbm>>
    tpu.wait_dma2 semaphore(%arg18 : memref<!tpu.dma_semaphore, #tpu.memory_space<semaphore_mem>>) src(%arg11 : memref<200x128xf32, #tpu.memory_space<vmem>>) dst(%dma_wait3A_258 : memref<200x128xf32, #tpu.memory_space<hbm>>)
    %add3A_259 = arith.constant 9800 : i32
    %add3A_260 = arith.addi %mul3A_2, %add3A_259 : i32
    %dma_wait3A_261 = arith.constant 0 : i32
    %dma_wait3A_262 = tpu.memref_slice %arg2[%add3A_260, %dma_wait3A_261] : memref<320000x128xf32, #tpu.memory_space<hbm>> -> memref<200x128xf32, #tpu.memory_space<hbm>>
    %dma_wait3A_263 = arith.constant 0 : i32
    %dma_wait3A_264 = tpu.memref_slice %arg2[%add3A_260, %dma_wait3A_263] : memref<320000x128xf32, #tpu.memory_space<hbm>> -> memref<200x128xf32, #tpu.memory_space<hbm>>
    tpu.wait_dma2 semaphore(%arg14 : memref<!tpu.dma_semaphore, #tpu.memory_space<semaphore_mem>>) src(%dma_wait3A_264 : memref<200x128xf32, #tpu.memory_space<hbm>>) dst(%arg10 : memref<200x128xf32, #tpu.memory_space<vmem>>)
    %dma_wait3A_265 = tpu.memref_slice %arg3[%add3A_260] : memref<320000xi32, #tpu.memory_space<hbm>> -> memref<200xi32, #tpu.memory_space<hbm>>
    %dma_wait3A_266 = tpu.memref_slice %arg3[%add3A_260] : memref<320000xi32, #tpu.memory_space<hbm>> -> memref<200xi32, #tpu.memory_space<hbm>>
    tpu.wait_dma2 semaphore(%arg14 : memref<!tpu.dma_semaphore, #tpu.memory_space<semaphore_mem>>) src(%dma_wait3A_266 : memref<200xi32, #tpu.memory_space<hbm>>) dst(%arg7 : memref<200xi32, #tpu.memory_space<vmem>>)
    %dma_start3A_267 = arith.constant 0 : i32
    %dma_start3A_268 = arith.constant 0 : i32
    %dma_start3A_269 = tpu.memref_slice %arg12[%dma_start3A_267, %dma_start3A_268] : memref<200x128xf32, #tpu.memory_space<vmem>> -> memref<104x128xf32, #tpu.memory_space<vmem>>
    %dma_start3A_270 = arith.constant 0 : i32
    %dma_start3A_271 = tpu.memref_slice %arg7[%dma_start3A_270] : memref<200xi32, #tpu.memory_space<vmem>> -> memref<104xi32, #tpu.memory_space<vmem>>
    %dma_start3A_272 = arith.constant 0 : i32
    %dma_start3A_273 = arith.constant 0 : i32
    %dma_start3A_274 = tpu.memref_slice %arg4[%dma_start3A_272, %dma_start3A_273] : memref<10240x128xf32, #tpu.memory_space<hbm>> -> memref<10240x128xf32, #tpu.memory_space<hbm>>
    tpu.enqueue_indirect_dma source(%dma_start3A_274 : memref<10240x128xf32, #tpu.memory_space<hbm>>) target(%dma_start3A_269 : memref<104x128xf32, #tpu.memory_space<vmem>>) offsets(%dma_start3A_271 : memref<104xi32, #tpu.memory_space<vmem>>) semaphore(%arg19 : memref<!tpu.dma_semaphore, #tpu.memory_space<semaphore_mem>>)
    %dma_start3A_275 = arith.constant 104 : i32
    %dma_start3A_276 = arith.constant 0 : i32
    %dma_start3A_277 = tpu.memref_slice %arg12[%dma_start3A_275, %dma_start3A_276] : memref<200x128xf32, #tpu.memory_space<vmem>> -> memref<96x128xf32, #tpu.memory_space<vmem>>
    %dma_start3A_278 = arith.constant 104 : i32
    %dma_start3A_279 = tpu.memref_slice %arg7[%dma_start3A_278] : memref<200xi32, #tpu.memory_space<vmem>> -> memref<96xi32, #tpu.memory_space<vmem>>
    %dma_start3A_280 = arith.constant 0 : i32
    %dma_start3A_281 = arith.constant 0 : i32
    %dma_start3A_282 = tpu.memref_slice %arg4[%dma_start3A_280, %dma_start3A_281] : memref<10240x128xf32, #tpu.memory_space<hbm>> -> memref<10240x128xf32, #tpu.memory_space<hbm>>
    tpu.enqueue_indirect_dma source(%dma_start3A_282 : memref<10240x128xf32, #tpu.memory_space<hbm>>) target(%dma_start3A_277 : memref<96x128xf32, #tpu.memory_space<vmem>>) offsets(%dma_start3A_279 : memref<96xi32, #tpu.memory_space<vmem>>) semaphore(%arg19 : memref<!tpu.dma_semaphore, #tpu.memory_space<semaphore_mem>>)
    %dma_wait3A_283 = arith.constant 0 : i32
    %dma_wait3A_284 = arith.constant 0 : i32
    %dma_wait3A_285 = tpu.memref_slice %arg12[%dma_wait3A_283, %dma_wait3A_284] : memref<200x128xf32, #tpu.memory_space<vmem>> -> memref<104x128xf32, #tpu.memory_space<vmem>>
    %dma_wait3A_286 = arith.constant 0 : i32
    %dma_wait3A_287 = tpu.memref_slice %arg7[%dma_wait3A_286] : memref<200xi32, #tpu.memory_space<vmem>> -> memref<104xi32, #tpu.memory_space<vmem>>
    %dma_wait3A_288 = arith.constant 0 : i32
    %dma_wait3A_289 = arith.constant 0 : i32
    %dma_wait3A_290 = tpu.memref_slice %arg4[%dma_wait3A_288, %dma_wait3A_289] : memref<10240x128xf32, #tpu.memory_space<hbm>> -> memref<10240x128xf32, #tpu.memory_space<hbm>>
    tpu.wait_indirect_dma semaphore(%arg19 : memref<!tpu.dma_semaphore, #tpu.memory_space<semaphore_mem>>) src(%dma_wait3A_290 : memref<10240x128xf32, #tpu.memory_space<hbm>>) dst(%dma_wait3A_285 : memref<104x128xf32, #tpu.memory_space<vmem>>)
    %dma_wait3A_291 = arith.constant 104 : i32
    %dma_wait3A_292 = arith.constant 0 : i32
    %dma_wait3A_293 = tpu.memref_slice %arg12[%dma_wait3A_291, %dma_wait3A_292] : memref<200x128xf32, #tpu.memory_space<vmem>> -> memref<96x128xf32, #tpu.memory_space<vmem>>
    %dma_wait3A_294 = arith.constant 104 : i32
    %dma_wait3A_295 = tpu.memref_slice %arg7[%dma_wait3A_294] : memref<200xi32, #tpu.memory_space<vmem>> -> memref<96xi32, #tpu.memory_space<vmem>>
    %dma_wait3A_296 = arith.constant 0 : i32
    %dma_wait3A_297 = arith.constant 0 : i32
    %dma_wait3A_298 = tpu.memref_slice %arg4[%dma_wait3A_296, %dma_wait3A_297] : memref<10240x128xf32, #tpu.memory_space<hbm>> -> memref<10240x128xf32, #tpu.memory_space<hbm>>
    tpu.wait_indirect_dma semaphore(%arg19 : memref<!tpu.dma_semaphore, #tpu.memory_space<semaphore_mem>>) src(%dma_wait3A_298 : memref<10240x128xf32, #tpu.memory_space<hbm>>) dst(%dma_wait3A_293 : memref<96x128xf32, #tpu.memory_space<vmem>>)
    %parallel_loop3A_299 = arith.constant 0 : i32
    %parallel_loop3A_300 = arith.constant 200 : i32
    %parallel_loop3A_301 = arith.constant 1 : i32
    scf.for %parallel_loop3A_320 = %parallel_loop3A_299 to %parallel_loop3A_300 step %parallel_loop3A_301  : i32 {
      %parallel_loop3A_321 = arith.index_cast %parallel_loop3A_320 : i32 to index
      %parallel_loop3A_322 = arith.constant 0 : index
      %parallel_loop3A_323 = tpu.vector_load %arg10[%parallel_loop3A_321, %parallel_loop3A_322] {strides = array<i32>} : memref<200x128xf32, #tpu.memory_space<vmem>>, vector<1x16xf32>,
      %parallel_loop3A_324 = vector.shape_cast %parallel_loop3A_323 : vector<1x16xf32> to vector<16xf32>
      %parallel_loop3A_325 = arith.index_cast %parallel_loop3A_320 : i32 to index
      %parallel_loop3A_326 = arith.constant 0 : index
      %parallel_loop3A_327 = tpu.vector_load %arg12[%parallel_loop3A_325, %parallel_loop3A_326] {strides = array<i32>} : memref<200x128xf32, #tpu.memory_space<vmem>>, vector<1x16xf32>,
      %parallel_loop3A_328 = vector.shape_cast %parallel_loop3A_327 : vector<1x16xf32> to vector<16xf32>
      %parallel_loop3A_329 = arith.addf %parallel_loop3A_324, %parallel_loop3A_328 : vector<16xf32>
      %parallel_loop3A_330 = arith.index_cast %parallel_loop3A_320 : i32 to index
      %parallel_loop3A_331 = arith.constant 0 : index
      %parallel_loop3A_332 = tpu.vector_load %arg10[%parallel_loop3A_330, %parallel_loop3A_331] {strides = array<i32>} : memref<200x128xf32, #tpu.memory_space<vmem>>, vector<1x16xf32>,
      %parallel_loop3A_333 = vector.shape_cast %parallel_loop3A_332 : vector<1x16xf32> to vector<16xf32>
      %parallel_loop3A_334 = vector.shape_cast %parallel_loop3A_329 : vector<16xf32> to vector<1x16xf32>
      tpu.vector_store %arg10[%parallel_loop3A_330, %parallel_loop3A_331], %parallel_loop3A_334 {strides = array<i32>} : memref<200x128xf32, #tpu.memory_space<vmem>>, vector<1x16xf32>,
      %parallel_loop3A_335 = arith.index_cast %parallel_loop3A_320 : i32 to index
      %parallel_loop3A_336 = arith.constant 16 : index
      %parallel_loop3A_337 = tpu.vector_load %arg10[%parallel_loop3A_335, %parallel_loop3A_336] {strides = array<i32>} : memref<200x128xf32, #tpu.memory_space<vmem>>, vector<1x16xf32>,
      %parallel_loop3A_338 = vector.shape_cast %parallel_loop3A_337 : vector<1x16xf32> to vector<16xf32>
      %parallel_loop3A_339 = arith.index_cast %parallel_loop3A_320 : i32 to index
      %parallel_loop3A_340 = arith.constant 16 : index
      %parallel_loop3A_341 = tpu.vector_load %arg12[%parallel_loop3A_339, %parallel_loop3A_340] {strides = array<i32>} : memref<200x128xf32, #tpu.memory_space<vmem>>, vector<1x16xf32>,
      %parallel_loop3A_342 = vector.shape_cast %parallel_loop3A_341 : vector<1x16xf32> to vector<16xf32>
      %parallel_loop3A_343 = arith.addf %parallel_loop3A_338, %parallel_loop3A_342 : vector<16xf32>
      %parallel_loop3A_344 = arith.index_cast %parallel_loop3A_320 : i32 to index
      %parallel_loop3A_345 = arith.constant 16 : index
      %parallel_loop3A_346 = tpu.vector_load %arg10[%parallel_loop3A_344, %parallel_loop3A_345] {strides = array<i32>} : memref<200x128xf32, #tpu.memory_space<vmem>>, vector<1x16xf32>,
      %parallel_loop3A_347 = vector.shape_cast %parallel_loop3A_346 : vector<1x16xf32> to vector<16xf32>
      %parallel_loop3A_348 = vector.shape_cast %parallel_loop3A_343 : vector<16xf32> to vector<1x16xf32>
      tpu.vector_store %arg10[%parallel_loop3A_344, %parallel_loop3A_345], %parallel_loop3A_348 {strides = array<i32>} : memref<200x128xf32, #tpu.memory_space<vmem>>, vector<1x16xf32>,
      %parallel_loop3A_349 = arith.index_cast %parallel_loop3A_320 : i32 to index
      %parallel_loop3A_350 = arith.constant 32 : index
      %parallel_loop3A_351 = tpu.vector_load %arg10[%parallel_loop3A_349, %parallel_loop3A_350] {strides = array<i32>} : memref<200x128xf32, #tpu.memory_space<vmem>>, vector<1x16xf32>,
      %parallel_loop3A_352 = vector.shape_cast %parallel_loop3A_351 : vector<1x16xf32> to vector<16xf32>
      %parallel_loop3A_353 = arith.index_cast %parallel_loop3A_320 : i32 to index
      %parallel_loop3A_354 = arith.constant 32 : index
      %parallel_loop3A_355 = tpu.vector_load %arg12[%parallel_loop3A_353, %parallel_loop3A_354] {strides = array<i32>} : memref<200x128xf32, #tpu.memory_space<vmem>>, vector<1x16xf32>,
      %parallel_loop3A_356 = vector.shape_cast %parallel_loop3A_355 : vector<1x16xf32> to vector<16xf32>
      %parallel_loop3A_357 = arith.addf %parallel_loop3A_352, %parallel_loop3A_356 : vector<16xf32>
      %parallel_loop3A_358 = arith.index_cast %parallel_loop3A_320 : i32 to index
      %parallel_loop3A_359 = arith.constant 32 : index
      %parallel_loop3A_360 = tpu.vector_load %arg10[%parallel_loop3A_358, %parallel_loop3A_359] {strides = array<i32>} : memref<200x128xf32, #tpu.memory_space<vmem>>, vector<1x16xf32>,
      %parallel_loop3A_361 = vector.shape_cast %parallel_loop3A_360 : vector<1x16xf32> to vector<16xf32>
      %parallel_loop3A_362 = vector.shape_cast %parallel_loop3A_357 : vector<16xf32> to vector<1x16xf32>
      tpu.vector_store %arg10[%parallel_loop3A_358, %parallel_loop3A_359], %parallel_loop3A_362 {strides = array<i32>} : memref<200x128xf32, #tpu.memory_space<vmem>>, vector<1x16xf32>,
      %parallel_loop3A_363 = arith.index_cast %parallel_loop3A_320 : i32 to index
      %parallel_loop3A_364 = arith.constant 48 : index
      %parallel_loop3A_365 = tpu.vector_load %arg10[%parallel_loop3A_363, %parallel_loop3A_364] {strides = array<i32>} : memref<200x128xf32, #tpu.memory_space<vmem>>, vector<1x16xf32>,
      %parallel_loop3A_366 = vector.shape_cast %parallel_loop3A_365 : vector<1x16xf32> to vector<16xf32>
      %parallel_loop3A_367 = arith.index_cast %parallel_loop3A_320 : i32 to index
      %parallel_loop3A_368 = arith.constant 48 : index
      %parallel_loop3A_369 = tpu.vector_load %arg12[%parallel_loop3A_367, %parallel_loop3A_368] {strides = array<i32>} : memref<200x128xf32, #tpu.memory_space<vmem>>, vector<1x16xf32>,
      %parallel_loop3A_370 = vector.shape_cast %parallel_loop3A_369 : vector<1x16xf32> to vector<16xf32>
      %parallel_loop3A_371 = arith.addf %parallel_loop3A_366, %parallel_loop3A_370 : vector<16xf32>
      %parallel_loop3A_372 = arith.index_cast %parallel_loop3A_320 : i32 to index
      %parallel_loop3A_373 = arith.constant 48 : index
      %parallel_loop3A_374 = tpu.vector_load %arg10[%parallel_loop3A_372, %parallel_loop3A_373] {strides = array<i32>} : memref<200x128xf32, #tpu.memory_space<vmem>>, vector<1x16xf32>,
      %parallel_loop3A_375 = vector.shape_cast %parallel_loop3A_374 : vector<1x16xf32> to vector<16xf32>
      %parallel_loop3A_376 = vector.shape_cast %parallel_loop3A_371 : vector<16xf32> to vector<1x16xf32>
      tpu.vector_store %arg10[%parallel_loop3A_372, %parallel_loop3A_373], %parallel_loop3A_376 {strides = array<i32>} : memref<200x128xf32, #tpu.memory_space<vmem>>, vector<1x16xf32>,
      %parallel_loop3A_377 = arith.index_cast %parallel_loop3A_320 : i32 to index
      %parallel_loop3A_378 = arith.constant 64 : index
      %parallel_loop3A_379 = tpu.vector_load %arg10[%parallel_loop3A_377, %parallel_loop3A_378] {strides = array<i32>} : memref<200x128xf32, #tpu.memory_space<vmem>>, vector<1x16xf32>,
      %parallel_loop3A_380 = vector.shape_cast %parallel_loop3A_379 : vector<1x16xf32> to vector<16xf32>
      %parallel_loop3A_381 = arith.index_cast %parallel_loop3A_320 : i32 to index
      %parallel_loop3A_382 = arith.constant 64 : index
      %parallel_loop3A_383 = tpu.vector_load %arg12[%parallel_loop3A_381, %parallel_loop3A_382] {strides = array<i32>} : memref<200x128xf32, #tpu.memory_space<vmem>>, vector<1x16xf32>,
      %parallel_loop3A_384 = vector.shape_cast %parallel_loop3A_383 : vector<1x16xf32> to vector<16xf32>
      %parallel_loop3A_385 = arith.addf %parallel_loop3A_380, %parallel_loop3A_384 : vector<16xf32>
      %parallel_loop3A_386 = arith.index_cast %parallel_loop3A_320 : i32 to index
      %parallel_loop3A_387 = arith.constant 64 : index
      %parallel_loop3A_388 = tpu.vector_load %arg10[%parallel_loop3A_386, %parallel_loop3A_387] {strides = array<i32>} : memref<200x128xf32, #tpu.memory_space<vmem>>, vector<1x16xf32>,
      %parallel_loop3A_389 = vector.shape_cast %parallel_loop3A_388 : vector<1x16xf32> to vector<16xf32>
      %parallel_loop3A_390 = vector.shape_cast %parallel_loop3A_385 : vector<16xf32> to vector<1x16xf32>
      tpu.vector_store %arg10[%parallel_loop3A_386, %parallel_loop3A_387], %parallel_loop3A_390 {strides = array<i32>} : memref<200x128xf32, #tpu.memory_space<vmem>>, vector<1x16xf32>,
      %parallel_loop3A_391 = arith.index_cast %parallel_loop3A_320 : i32 to index
      %parallel_loop3A_392 = arith.constant 80 : index
      %parallel_loop3A_393 = tpu.vector_load %arg10[%parallel_loop3A_391, %parallel_loop3A_392] {strides = array<i32>} : memref<200x128xf32, #tpu.memory_space<vmem>>, vector<1x16xf32>,
      %parallel_loop3A_394 = vector.shape_cast %parallel_loop3A_393 : vector<1x16xf32> to vector<16xf32>
      %parallel_loop3A_395 = arith.index_cast %parallel_loop3A_320 : i32 to index
      %parallel_loop3A_396 = arith.constant 80 : index
      %parallel_loop3A_397 = tpu.vector_load %arg12[%parallel_loop3A_395, %parallel_loop3A_396] {strides = array<i32>} : memref<200x128xf32, #tpu.memory_space<vmem>>, vector<1x16xf32>,
      %parallel_loop3A_398 = vector.shape_cast %parallel_loop3A_397 : vector<1x16xf32> to vector<16xf32>
      %parallel_loop3A_399 = arith.addf %parallel_loop3A_394, %parallel_loop3A_398 : vector<16xf32>
      %parallel_loop3A_400 = arith.index_cast %parallel_loop3A_320 : i32 to index
      %parallel_loop3A_401 = arith.constant 80 : index
      %parallel_loop3A_402 = tpu.vector_load %arg10[%parallel_loop3A_400, %parallel_loop3A_401] {strides = array<i32>} : memref<200x128xf32, #tpu.memory_space<vmem>>, vector<1x16xf32>,
      %parallel_loop3A_403 = vector.shape_cast %parallel_loop3A_402 : vector<1x16xf32> to vector<16xf32>
      %parallel_loop3A_404 = vector.shape_cast %parallel_loop3A_399 : vector<16xf32> to vector<1x16xf32>
      tpu.vector_store %arg10[%parallel_loop3A_400, %parallel_loop3A_401], %parallel_loop3A_404 {strides = array<i32>} : memref<200x128xf32, #tpu.memory_space<vmem>>, vector<1x16xf32>,
      %parallel_loop3A_405 = arith.index_cast %parallel_loop3A_320 : i32 to index
      %parallel_loop3A_406 = arith.constant 96 : index
      %parallel_loop3A_407 = tpu.vector_load %arg10[%parallel_loop3A_405, %parallel_loop3A_406] {strides = array<i32>} : memref<200x128xf32, #tpu.memory_space<vmem>>, vector<1x16xf32>,
      %parallel_loop3A_408 = vector.shape_cast %parallel_loop3A_407 : vector<1x16xf32> to vector<16xf32>
      %parallel_loop3A_409 = arith.index_cast %parallel_loop3A_320 : i32 to index
      %parallel_loop3A_410 = arith.constant 96 : index
      %parallel_loop3A_411 = tpu.vector_load %arg12[%parallel_loop3A_409, %parallel_loop3A_410] {strides = array<i32>} : memref<200x128xf32, #tpu.memory_space<vmem>>, vector<1x16xf32>,
      %parallel_loop3A_412 = vector.shape_cast %parallel_loop3A_411 : vector<1x16xf32> to vector<16xf32>
      %parallel_loop3A_413 = arith.addf %parallel_loop3A_408, %parallel_loop3A_412 : vector<16xf32>
      %parallel_loop3A_414 = arith.index_cast %parallel_loop3A_320 : i32 to index
      %parallel_loop3A_415 = arith.constant 96 : index
      %parallel_loop3A_416 = tpu.vector_load %arg10[%parallel_loop3A_414, %parallel_loop3A_415] {strides = array<i32>} : memref<200x128xf32, #tpu.memory_space<vmem>>, vector<1x16xf32>,
      %parallel_loop3A_417 = vector.shape_cast %parallel_loop3A_416 : vector<1x16xf32> to vector<16xf32>
      %parallel_loop3A_418 = vector.shape_cast %parallel_loop3A_413 : vector<16xf32> to vector<1x16xf32>
      tpu.vector_store %arg10[%parallel_loop3A_414, %parallel_loop3A_415], %parallel_loop3A_418 {strides = array<i32>} : memref<200x128xf32, #tpu.memory_space<vmem>>, vector<1x16xf32>,
      %parallel_loop3A_419 = arith.index_cast %parallel_loop3A_320 : i32 to index
      %parallel_loop3A_420 = arith.constant 112 : index
      %parallel_loop3A_421 = tpu.vector_load %arg10[%parallel_loop3A_419, %parallel_loop3A_420] {strides = array<i32>} : memref<200x128xf32, #tpu.memory_space<vmem>>, vector<1x16xf32>,
      %parallel_loop3A_422 = vector.shape_cast %parallel_loop3A_421 : vector<1x16xf32> to vector<16xf32>
      %parallel_loop3A_423 = arith.index_cast %parallel_loop3A_320 : i32 to index
      %parallel_loop3A_424 = arith.constant 112 : index
      %parallel_loop3A_425 = tpu.vector_load %arg12[%parallel_loop3A_423, %parallel_loop3A_424] {strides = array<i32>} : memref<200x128xf32, #tpu.memory_space<vmem>>, vector<1x16xf32>,
      %parallel_loop3A_426 = vector.shape_cast %parallel_loop3A_425 : vector<1x16xf32> to vector<16xf32>
      %parallel_loop3A_427 = arith.addf %parallel_loop3A_422, %parallel_loop3A_426 : vector<16xf32>
      %parallel_loop3A_428 = arith.index_cast %parallel_loop3A_320 : i32 to index
      %parallel_loop3A_429 = arith.constant 112 : index
      %parallel_loop3A_430 = tpu.vector_load %arg10[%parallel_loop3A_428, %parallel_loop3A_429] {strides = array<i32>} : memref<200x128xf32, #tpu.memory_space<vmem>>, vector<1x16xf32>,
      %parallel_loop3A_431 = vector.shape_cast %parallel_loop3A_430 : vector<1x16xf32> to vector<16xf32>
      %parallel_loop3A_432 = vector.shape_cast %parallel_loop3A_427 : vector<16xf32> to vector<1x16xf32>
      tpu.vector_store %arg10[%parallel_loop3A_428, %parallel_loop3A_429], %parallel_loop3A_432 {strides = array<i32>} : memref<200x128xf32, #tpu.memory_space<vmem>>, vector<1x16xf32>,
    } {sc.loop_unroll_factor = 4 : i64, sc.parallel_access}
    %add3A_302 = arith.constant 9800 : i32
    %add3A_303 = arith.addi %mul3A_2, %add3A_302 : i32
    %dma_start3A_304 = arith.constant 0 : i32
    %dma_start3A_305 = tpu.memref_slice %arg5[%add3A_303, %dma_start3A_304] : memref<320000x128xf32, #tpu.memory_space<hbm>> -> memref<200x128xf32, #tpu.memory_space<hbm>>
    %dma_start3A_306 = arith.constant 0 : i32
    %dma_start3A_307 = tpu.memref_slice %arg5[%add3A_303, %dma_start3A_306] : memref<320000x128xf32, #tpu.memory_space<hbm>> -> memref<200x128xf32, #tpu.memory_space<hbm>>
    tpu.enqueue_dma source(%arg10 : memref<200x128xf32, #tpu.memory_space<vmem>>) target(%dma_start3A_307 : memref<200x128xf32, #tpu.memory_space<hbm>>) target_semaphore(%arg17 : memref<!tpu.dma_semaphore, #tpu.memory_space<semaphore_mem>>)
    %add3A_308 = arith.constant 9600 : i32
    %add3A_309 = arith.addi %mul3A_2, %add3A_308 : i32
    %dma_wait3A_310 = arith.constant 0 : i32
    %dma_wait3A_311 = tpu.memref_slice %arg5[%add3A_309, %dma_wait3A_310] : memref<320000x128xf32, #tpu.memory_space<hbm>> -> memref<200x128xf32, #tpu.memory_space<hbm>>
    %dma_wait3A_312 = arith.constant 0 : i32
    %dma_wait3A_313 = tpu.memref_slice %arg5[%add3A_309, %dma_wait3A_312] : memref<320000x128xf32, #tpu.memory_space<hbm>> -> memref<200x128xf32, #tpu.memory_space<hbm>>
    tpu.wait_dma2 semaphore(%arg16 : memref<!tpu.dma_semaphore, #tpu.memory_space<semaphore_mem>>) src(%arg9 : memref<200x128xf32, #tpu.memory_space<vmem>>) dst(%dma_wait3A_313 : memref<200x128xf32, #tpu.memory_space<hbm>>)
    %add3A_314 = arith.constant 9800 : i32
    %add3A_315 = arith.addi %mul3A_2, %add3A_314 : i32
    %dma_wait3A_316 = arith.constant 0 : i32
    %dma_wait3A_317 = tpu.memref_slice %arg5[%add3A_315, %dma_wait3A_316] : memref<320000x128xf32, #tpu.memory_space<hbm>> -> memref<200x128xf32, #tpu.memory_space<hbm>>
    %dma_wait3A_318 = arith.constant 0 : i32
    %dma_wait3A_319 = tpu.memref_slice %arg5[%add3A_315, %dma_wait3A_318] : memref<320000x128xf32, #tpu.memory_space<hbm>> -> memref<200x128xf32, #tpu.memory_space<hbm>>
    tpu.wait_dma2 semaphore(%arg17 : memref<!tpu.dma_semaphore, #tpu.memory_space<semaphore_mem>>) src(%arg10 : memref<200x128xf32, #tpu.memory_space<vmem>>) dst(%dma_wait3A_319 : memref<200x128xf32, #tpu.memory_space<hbm>>)
    return
  }
}

module attributes {stable_mosaic.version = 14 : i64} {
  func.func @_mlp_body(%arg0: i32, %arg1: memref<2x512x128xf32, #tpu.memory_space<vmem>>, %arg2: memref<2x512xf32, #tpu.memory_space<vmem>>, %arg3: memref<128x128xf32, #tpu.memory_space<vmem>>, %arg4: memref<1x128xf32, #tpu.memory_space<vmem>>, %arg5: memref<128x128xf32, #tpu.memory_space<vmem>>, %arg6: memref<1x128xf32, #tpu.memory_space<vmem>>, %arg7: memref<1x128xf32, #tpu.memory_space<vmem>>, %arg8: memref<512x128xf32, #tpu.memory_space<vmem>>) attributes {dimension_semantics = [#tpu.dimension_semantics<arbitrary>], iteration_bounds = array<i64: 20>, scalar_prefetch = 0 : i64, scratch_operands = 0 : i64, tpu.core_type = #tpu.core_type<tc>, window_params = [{transform_indices = @transform_0, window_bounds = array<i64: 2, 512, 128>}, {transform_indices = @transform_1, window_bounds = array<i64: 2, 512>}, {pipeline_mode = #tpu.pipeline_mode<synchronous>, transform_indices = @transform_2, window_bounds = array<i64: 128, 128>}, {pipeline_mode = #tpu.pipeline_mode<synchronous>, transform_indices = @transform_3, window_bounds = array<i64: 1, 128>}, {pipeline_mode = #tpu.pipeline_mode<synchronous>, transform_indices = @transform_4, window_bounds = array<i64: 128, 128>}, {pipeline_mode = #tpu.pipeline_mode<synchronous>, transform_indices = @transform_5, window_bounds = array<i64: 1, 128>}, {pipeline_mode = #tpu.pipeline_mode<synchronous>, transform_indices = @transform_6, window_bounds = array<i64: 1, 128>}, {transform_indices = @transform_7, window_bounds = array<i64: 512, 128>}]} {
    %get3A = arith.constant 0 : index
    %get3A_0 = arith.constant 0 : index
    %get3A_1 = arith.constant 0 : index
    %get3A_2 = vector.load %arg1[%get3A, %get3A_0, %get3A_1] : memref<2x512x128xf32, #tpu.memory_space<vmem>>, vector<1x512x128xf32>
    %get3A_3 = vector.shape_cast %get3A_2 : vector<1x512x128xf32> to vector<512x128xf32>
    %get3A_4 = arith.constant 1 : index
    %get3A_5 = arith.constant 0 : index
    %get3A_6 = arith.constant 0 : index
    %get3A_7 = vector.load %arg1[%get3A_4, %get3A_5, %get3A_6] : memref<2x512x128xf32, #tpu.memory_space<vmem>>, vector<1x512x128xf32>
    %get3A_8 = vector.shape_cast %get3A_7 : vector<1x512x128xf32> to vector<512x128xf32>
    %add3A = arith.addf %get3A_3, %get3A_8 : vector<512x128xf32>
    %get3A_9 = arith.constant 0 : index
    %get3A_10 = arith.constant 0 : index
    %get3A_11 = vector.load %arg2[%get3A_9, %get3A_10] : memref<2x512xf32, #tpu.memory_space<vmem>>, vector<1x512xf32>
    %get3A_12 = vector.shape_cast %get3A_11 : vector<1x512xf32> to vector<512xf32>
    %get3A_13 = arith.constant 1 : index
    %get3A_14 = arith.constant 0 : index
    %get3A_15 = vector.load %arg2[%get3A_13, %get3A_14] : memref<2x512xf32, #tpu.memory_space<vmem>>, vector<1x512xf32>
    %get3A_16 = vector.shape_cast %get3A_15 : vector<1x512xf32> to vector<512xf32>
    %add3A_17 = arith.addf %get3A_12, %get3A_16 : vector<512xf32>
    %reshape3A = vector.shape_cast %add3A_17 : vector<512xf32> to vector<512x1xf32>
    %jit3A = arith.constant 1.000000e+00 : f32
    %max3A = vector.broadcast %jit3A : f32 to vector<512x1xf32>
    %max3A_18 = arith.maximumf %max3A, %reshape3A : vector<512x1xf32>
    %div3A = vector.broadcast %max3A_18 : vector<512x1xf32> to vector<512x128xf32>
    %div3A_19 = arith.divf %add3A, %div3A : vector<512x128xf32>
    %get3A_20 = arith.constant 0 : index
    %get3A_21 = arith.constant 0 : index
    %get3A_22 = vector.load %arg3[%get3A_20, %get3A_21] : memref<128x128xf32, #tpu.memory_space<vmem>>, vector<128x128xf32>
    %dot_general3A = arith.constant dense<0.000000e+00> : vector<512x128xf32>
    %dot_general3A_23 = tpu.matmul %div3A_19, %get3A_22, %dot_general3A {dimension_numbers = #tpu.dot_dimension_numbers<[1], [0], [0], [1], [0, 0, 1, 1], [], []>, precision = #tpu.contract_precision<fp32>, transpose_lhs_hint = false} : vector<512x128xf32>, vector<128x128xf32>, vector<512x128xf32> -> vector<512x128xf32>
    %get3A_24 = arith.constant 0 : index
    %get3A_25 = arith.constant 0 : index
    %get3A_26 = vector.load %arg4[%get3A_24, %get3A_25] : memref<1x128xf32, #tpu.memory_space<vmem>>, vector<1x128xf32>
    %add3A_27 = vector.broadcast %get3A_26 : vector<1x128xf32> to vector<512x128xf32>
    %add3A_28 = arith.addf %dot_general3A_23, %add3A_27 : vector<512x128xf32>
    %max3A_29 = arith.constant 0.000000e+00 : f32
    %max3A_30 = vector.broadcast %max3A_29 : f32 to vector<512x128xf32>
    %max3A_31 = arith.maximumf %add3A_28, %max3A_30 : vector<512x128xf32>
    %get3A_32 = arith.constant 0 : index
    %get3A_33 = arith.constant 0 : index
    %get3A_34 = vector.load %arg5[%get3A_32, %get3A_33] : memref<128x128xf32, #tpu.memory_space<vmem>>, vector<128x128xf32>
    %dot_general3A_35 = arith.constant dense<0.000000e+00> : vector<512x128xf32>
    %dot_general3A_36 = tpu.matmul %max3A_31, %get3A_34, %dot_general3A_35 {dimension_numbers = #tpu.dot_dimension_numbers<[1], [0], [0], [1], [0, 0, 1, 1], [], []>, precision = #tpu.contract_precision<fp32>, transpose_lhs_hint = false} : vector<512x128xf32>, vector<128x128xf32>, vector<512x128xf32> -> vector<512x128xf32>
    %reduce_sum3A = arith.constant dense<0.000000e+00> : vector<512xf32>
    %reduce_sum3A_37 = vector.multi_reduction <add>, %dot_general3A_36, %reduce_sum3A [1] : vector<512x128xf32> to vector<512xf32>
    %broadcast_in_dim3A = vector.shape_cast %reduce_sum3A_37 : vector<512xf32> to vector<512x1xf32>
    %div3A_38 = arith.constant 1.280000e+02 : f32
    %div3A_39 = vector.broadcast %div3A_38 : f32 to vector<512x1xf32>
    %div3A_40 = arith.divf %broadcast_in_dim3A, %div3A_39 : vector<512x1xf32>
    %sub3A = vector.broadcast %div3A_40 : vector<512x1xf32> to vector<512x128xf32>
    %sub3A_41 = arith.subf %dot_general3A_36, %sub3A : vector<512x128xf32>
    %integer_pow3A = arith.mulf %sub3A_41, %sub3A_41 : vector<512x128xf32>
    %reduce_sum3A_42 = arith.constant dense<0.000000e+00> : vector<512xf32>
    %reduce_sum3A_43 = vector.multi_reduction <add>, %integer_pow3A, %reduce_sum3A_42 [1] : vector<512x128xf32> to vector<512xf32>
    %broadcast_in_dim3A_44 = vector.shape_cast %reduce_sum3A_43 : vector<512xf32> to vector<512x1xf32>
    %div3A_45 = arith.constant 1.280000e+02 : f32
    %div3A_46 = vector.broadcast %div3A_45 : f32 to vector<512x1xf32>
    %div3A_47 = arith.divf %broadcast_in_dim3A_44, %div3A_46 : vector<512x1xf32>
    %sub3A_48 = vector.broadcast %div3A_40 : vector<512x1xf32> to vector<512x128xf32>
    %sub3A_49 = arith.subf %dot_general3A_36, %sub3A_48 : vector<512x128xf32>
    %add3A_50 = arith.constant 9.99999974E-6 : f32
    %add3A_51 = vector.broadcast %add3A_50 : f32 to vector<512x1xf32>
    %add3A_52 = arith.addf %div3A_47, %add3A_51 : vector<512x1xf32>
    %rsqrt3A = math.rsqrt %add3A_52 : vector<512x1xf32>
    %mul3A = vector.broadcast %rsqrt3A : vector<512x1xf32> to vector<512x128xf32>
    %mul3A_53 = arith.mulf %sub3A_49, %mul3A : vector<512x128xf32>
    %get3A_54 = arith.constant 0 : index
    %get3A_55 = arith.constant 0 : index
    %get3A_56 = vector.load %arg6[%get3A_54, %get3A_55] : memref<1x128xf32, #tpu.memory_space<vmem>>, vector<1x128xf32>
    %mul3A_57 = vector.broadcast %get3A_56 : vector<1x128xf32> to vector<512x128xf32>
    %mul3A_58 = arith.mulf %mul3A_53, %mul3A_57 : vector<512x128xf32>
    %get3A_59 = arith.constant 0 : index
    %get3A_60 = arith.constant 0 : index
    %get3A_61 = vector.load %arg7[%get3A_59, %get3A_60] : memref<1x128xf32, #tpu.memory_space<vmem>>, vector<1x128xf32>
    %add3A_62 = vector.broadcast %get3A_61 : vector<1x128xf32> to vector<512x128xf32>
    %add3A_63 = arith.addf %mul3A_58, %add3A_62 : vector<512x128xf32>
    %swap3A = arith.constant 0 : index
    %swap3A_64 = arith.constant 0 : index
    %swap3A_65 = vector.load %arg8[%swap3A, %swap3A_64] : memref<512x128xf32, #tpu.memory_space<vmem>>, vector<512x128xf32>
    tpu.vector_store %arg8[%swap3A, %swap3A_64], %add3A_63 {strides = array<i32>} : memref<512x128xf32, #tpu.memory_space<vmem>>, vector<512x128xf32>,
    return
  }
  func.func @transform_0(%arg0: i32) -> (i32, i32, i32) {
    %c0_i32 = arith.constant 0 : i32
    %c0_i32_0 = arith.constant 0 : i32
    %c0_i32_1 = arith.constant 0 : i32
    return %c0_i32, %arg0, %c0_i32_0 : i32, i32, i32
  }
  func.func @transform_1(%arg0: i32) -> (i32, i32) {
    %c0_i32 = arith.constant 0 : i32
    %c0_i32_0 = arith.constant 0 : i32
    return %c0_i32, %arg0 : i32, i32
  }
  func.func @transform_2(%arg0: i32) -> (i32, i32) {
    %c0_i32 = arith.constant 0 : i32
    %c0_i32_0 = arith.constant 0 : i32
    %c0_i32_1 = arith.constant 0 : i32
    return %c0_i32, %c0_i32_0 : i32, i32
  }
  func.func @transform_3(%arg0: i32) -> (i32, i32) {
    %c0_i32 = arith.constant 0 : i32
    %c0_i32_0 = arith.constant 0 : i32
    %c0_i32_1 = arith.constant 0 : i32
    return %c0_i32, %c0_i32_0 : i32, i32
  }
  func.func @transform_4(%arg0: i32) -> (i32, i32) {
    %c0_i32 = arith.constant 0 : i32
    %c0_i32_0 = arith.constant 0 : i32
    %c0_i32_1 = arith.constant 0 : i32
    return %c0_i32, %c0_i32_0 : i32, i32
  }
  func.func @transform_5(%arg0: i32) -> (i32, i32) {
    %c0_i32 = arith.constant 0 : i32
    %c0_i32_0 = arith.constant 0 : i32
    %c0_i32_1 = arith.constant 0 : i32
    return %c0_i32, %c0_i32_0 : i32, i32
  }
  func.func @transform_6(%arg0: i32) -> (i32, i32) {
    %c0_i32 = arith.constant 0 : i32
    %c0_i32_0 = arith.constant 0 : i32
    %c0_i32_1 = arith.constant 0 : i32
    return %c0_i32, %c0_i32_0 : i32, i32
  }
  func.func @transform_7(%arg0: i32) -> (i32, i32) {
    %c0_i32 = arith.constant 0 : i32
    %c0_i32_0 = arith.constant 0 : i32
    return %arg0, %c0_i32 : i32, i32
  }
}

</mosaic_0001>

<sc_bundles>
// kernel: kernel.5.cloned.1.call-start
scs
__scs_entry_jumppad:
0x0: {  	(pc) =	sbr.rel $0x88, $3  }
0x1: {  	(tag) =	ssettag $0x0;
	lr =	simm.s32 $0x1  }
0x2: {  	[smem:$0x3F9A] =	sst lr;
	_ =	strace $0xD0000000  }
0x3: {  	_ = 	snop  }
0x4: {  	_ = 	snop  }
0x5: {  	_ = 	snop  }
0x6: {  	_ = 	snop  }
0x7: {  	_ = 	snop  }
__scs_overlays_trampoline_lowered:
0x8: {  	[smem:$0x3FA9] =	sst s0  }
0x9: {  	[smem:$0x3FAA] =	sst s1  }
0xa: {  	[smem:$0x3FAB] =	sst s2  }
0xb: {  	[smem:$0x3FAC] =	sst s3  }
0xc: {  	[smem:$0x3FAD] =	sst s4  }
0xd: {  	[smem:$0x3FAE] =	sst s5  }
0xe: {  	[smem:$0x3FAF] =	sst s6  }
0xf: {  	[smem:$0x3FB0] =	sst s7  }
0x10: {  	[smem:$0x3FB1] =	sst s8  }
0x11: {  	[smem:$0x3FB2] =	sst s9;
	s0 =	simm.s32 @!p0 $0x0  }
0x12: {  	s1 =	sld [smem:$0x3F98];
	s0 =	simm.s32 @p0 $0x1  }
0x13: {  	[smem:$0x3FB3] =	sst s0;
	s0 =	simm.s32 @!p1 $0x0  }
0x14: {  	s2 =	sld [smem:$0x3F97];
	s0 =	simm.s32 @p1 $0x1  }
0x15: {  	[smem:$0x3FB4] =	sst s0;
	s0 =	simm.s32 @!p2 $0x0  }
0x16: {  	s3 =	sld [smem:$0x3FDB];
	s0 =	simm.s32 @p2 $0x1  }
0x17: {  	s4 =	simm.s32 $0x1BF5;
	[smem:$0x3FB6] =	sst s0  }
0x18: {  	s0 =	sld [smem:$0x3F99];
	_ =	swait.ge [sflag:s4], $0x0  }
0x19: {  	s7 =	sld [smem:$0x3F9A]  }
0x1a: {  	s8 =	sadd.s32 $0xFFFFE003, lr  }
0x1b: {  	s9 =	sadd.s32 $0xFFFFFEF7, lr;
	s5 =	simm.s32 $0xFFFFFFFF;
	p2 =	slt.u32 s8, $0xFFFFF086  }
0x1c: {  	p1 =	slt.u32 s9, $0xF7A;
	s5 =	simm.s32 @!p2 $0x0  }
0x1d: {  	s5 =	simm.s32 @p1 $0x1;
	p0 =	seq.s32 s7, s2  }
0x1e: {  	s7 =	smul.u32 @!p0 $0xF7A, s2;
	p2 =	seq.s32 @!p0 s5, $0x0  }
0x1f: {  	s9 =	smul.u32 $0xF7A, s1;
	s8 =	simm.s32 @!p0 $0x1BF5;
	p2 =	por !p2, p0  }
0x20: {  	[sflag:s8] =	ssyncset.s32 @!p0 $0xFFFFF086;
	s6 =	sadd.s32 @!p0 s3, s7;
	s7 =	simm.s32 @!p0 $0x108  }
0x21: {  	s3 =	sadd.s32 s3, s9;
	s6 =	sadd.s32 @!p0 $0x88, s6;
	s7 =	simm.s32 @p2 $0x1082  }
0x22: {  	[simem:s7], [sflag:s8] =	dma.local @!p0 [hbm:s6], $0xF7A  }
0x23: {  	s9 =	sor.u32 $0xD0000000, s2;
	s6 =	simm.s32 $0x108;
	_ =	swait.ge @!p0 [sflag:s8], $0x0  }
0x24: {  	s3 =	sadd.s32 $0x88, s3;
	s6 =	simm.s32 @!p1 $0x1082;
	[sflag:s4] =	ssyncset.s32 $0xFFFFF086  }
0x25: {  	[simem:s6], [sflag:s4] =	dma.local [hbm:s3], $0xF7A  }
0x26: {  	[smem:$0x3F9A] =	sst s1;
	(tag) =	ssettag s2;
	_ =	strace s9  }
0x27: {  	s1 =	sld [smem:$0x3FAA]  }
0x28: {  	s2 =	sld [smem:$0x3FAB]  }
0x29: {  	s4 =	sld [smem:$0x3FAD]  }
0x2a: {  	p0 =	seq.s32 s5, $0x0;
	s5 =	sld [smem:$0x3FAE]  }
0x2b: {  	s6 =	sld [smem:$0x3FAF]  }
0x2c: {  	s7 =	sld [smem:$0x3FB0]  }
0x2d: {  	s3 =	simm.s32 $0x108;
	s8 =	sld [smem:$0x3FB1]  }
0x2e: {  	s3 =	simm.s32 @!p0 $0x1082;
	s9 =	sld [smem:$0x3FB2]  }
0x2f: {  	lr =	sadd.s32 s0, s3;
	s0 =	sld [smem:$0x3FA9]  }
0x30: {  	s3 =	sld [smem:$0x3FAC]  }
0x31: {  	[smem:$0x3FB5] =	sst s10  }
0x32: {  	s10 =	sld [smem:$0x3FB3];
	_ =	sdelay $0x3  }
0x33: {  	p0 =	seq.s32 s10, $0x1;
	s10 =	sld [smem:$0x3FB5];
	_ =	sdelay $0x3  }
0x34: {  	[smem:$0x3FB5] =	sst s10  }
0x35: {  	s10 =	sld [smem:$0x3FB4];
	_ =	sdelay $0x3  }
0x36: {  	p1 =	seq.s32 s10, $0x1;
	s10 =	sld [smem:$0x3FB5];
	_ =	sdelay $0x3  }
0x37: {  	[smem:$0x3FB5] =	sst s10  }
0x38: {  	s10 =	sld [smem:$0x3FB6]  }
0x39: {  	_ = 	snop;
	(pc) =	sbr.ind lr, $3  }
0x3a: {  	_ = 	snop  }
0x3b: {  	_ = 	snop  }
0x3c: {  	p2 =	seq.s32 s10, $0x1;
	s10 =	sld [smem:$0x3FB5]  }
0x3d: {  	_ =	shalt  }
0x3e: {  	_ =	shalt  }
0x3f: {  	_ =	shalt  }
0x40: {  	_ =	shalt  }
0x41: {  	_ =	shalt  }
0x42: {  	_ =	shalt  }
0x43: {  	_ =	shalt  }
0x44: {  	_ =	shalt  }
0x45: {  	_ =	shalt  }
0x46: {  	_ =	shalt  }
0x47: {  	_ =	shalt  }
0x48: {  	_ =	shalt  }
0x49: {  	_ =	shalt  }
0x4a: {  	_ =	shalt  }
0x4b: {  	_ =	shalt  }
0x4c: {  	_ =	shalt  }
0x4d: {  	_ =	shalt  }
0x4e: {  	_ =	shalt  }
0x4f: {  	_ =	shalt  }
0x50: {  	_ =	shalt  }
0x51: {  	_ =	shalt  }
0x52: {  	_ =	shalt  }
0x53: {  	_ =	shalt  }
0x54: {  	_ =	shalt  }
0x55: {  	_ =	shalt  }
0x56: {  	_ =	shalt  }
0x57: {  	_ =	shalt  }
0x58: {  	_ =	shalt  }
0x59: {  	_ =	shalt  }
0x5a: {  	_ =	shalt  }
0x5b: {  	_ =	shalt  }
0x5c: {  	_ =	shalt  }
0x5d: {  	_ =	shalt  }
0x5e: {  	_ =	shalt  }
0x5f: {  	_ =	shalt  }
0x60: {  	_ =	shalt  }
0x61: {  	_ =	shalt  }
0x62: {  	_ =	shalt  }
0x63: {  	_ =	shalt  }
0x64: {  	_ =	shalt  }
0x65: {  	_ =	shalt  }
0x66: {  	_ =	shalt  }
0x67: {  	_ =	shalt  }
0x68: {  	_ =	shalt  }
0x69: {  	_ =	shalt  }
0x6a: {  	_ =	shalt  }
0x6b: {  	_ =	shalt  }
0x6c: {  	_ =	shalt  }
0x6d: {  	_ =	shalt  }
0x6e: {  	_ =	shalt  }
0x6f: {  	_ =	shalt  }
0x70: {  	_ =	shalt  }
0x71: {  	_ =	shalt  }
0x72: {  	_ =	shalt  }
0x73: {  	_ =	shalt  }
0x74: {  	_ =	shalt  }
0x75: {  	_ =	shalt  }
0x76: {  	_ =	shalt  }
0x77: {  	_ =	shalt  }
0x78: {  	_ =	shalt  }
0x79: {  	_ =	shalt  }
0x7a: {  	_ =	shalt  }
0x7b: {  	_ =	shalt  }
0x7c: {  	_ =	shalt  }
0x7d: {  	_ =	shalt  }
0x7e: {  	_ =	shalt  }
0x7f: {  	_ =	shalt  }
0x80: {  	_ =	shalt  }
0x81: {  	_ =	shalt  }
0x82: {  	_ =	shalt  }
0x83: {  	_ =	shalt  }
0x84: {  	_ =	shalt  }
0x85: {  	_ =	shalt  }
0x86: {  	_ =	shalt  }
0x87: {  	_ =	shalt  }
.Lfunc_end0:
.L_simem_size_0:
called_computation_lowered:
.L_overlay_start_0:
0x88: {  	s2 =	sld [smem:$0x3FD9]  }
0x89: {  	s3 =	sld [smem:$0x3FFE];
	_ =	sdelay $0x1  }
0x8a: {  	s1 =	srdreg.scid  }
0x8b: {  	s0 =	sand.u32 $0x1, s1  }
0x8c: {  	s17 =	sshll.u32 s0, $0xA;
	s2 =	sadd.s32 s3, s2  }
0x8d: {  	s2 =	sadd.s32 s2, s17  }
0x8e: {  	[smem:$0x3FC1] =	sst s2  }
0x8f: {  	_ = 	snop  }
0x90: {  	s2 =	sld [smem:$0x3FC9]  }
0x91: {  	s18 =	sld [smem:$0x3FC3]  }
0x92: {  	s4 =	sld [smem:$0x3FD0];
	(tm) =	ssettm $0x1  }
0x93: {  	s5 =	sld [smem:$0x3FFB];
	_ =	sdelay $0x3  }
0x94: {  	_ =	strace s5  }
0x95: {  	s5 =	sld [smem:$0x3FFC];
	_ =	sdelay $0x3  }
0x96: {  	_ =	strace s5  }
0x97: {  	s5 =	sld [smem:$0x3FFD];
	_ =	sdelay $0x3  }
0x98: {  	_ =	strace s5  }
0x99: {  	_ =	strace $0x8FFFFFFF  }
0x9a: {  	s19 =	sld [smem:$0x3FDB];
	_ =	sdelay $0x1  }
0x9b: {  	s6 =	simm.s32 $_scs_section_size  }
0x9c: {  	s7 =	simm.s32 $_size__tile_overlayer_lowered;
	s8 =	simm.s32 $_tile_overlayer_lowered  }
0x9d: {  	s22 =	simm.s32 $0x1BFF;
	s21 =	sshll.u32 s8, $0x1;
	s5 =	sadd.s32 s6, s19  }
0x9e: {  	s9 =	simm.s32 $0x0;
	s20 =	sshll.u32 s7, $0x1;
	s7 =	sadd.s32 s21, s5  }
0x9f: {  	[timem:s9], [sflag:s22] =	dma.local [hbm:s7], s20  }
0xa0: {  	_ =	swait.ge [sflag:s22], s20  }
0xa1: {  	s6 =	ssub.s32 $0x0, s20;
	[sflag:s22] =	ssyncset.done $0x0  }
0xa2: {  	[sflag:s22] =	ssyncadd.s32 s6;
	_ =	sdelay $0x1  }
0xa3: {  	s23 =	simm.s32 $0x1B8B  }
0xa4: {  	_ =	swait.ge [sflag:s23], $0x1  }
0xa5: {  	[sflag:s23] =	ssyncset.done $0x0  }
0xa6: {  	s25 =	simm.s32 $0x1B8E;
	s24 =	sld [smem:$0x3FFE];
	[sflag:s23] =	ssyncadd.s32 $0xFFFFFFFF  }
0xa7: {  	s26 =	simm.s32 $execute0_lowered;
	[smem:$0x3FD2] =	sst s25  }
0xa8: {  	s7 =	sshll.u32 s26, $0x1;
	_ =	strace $0x80000046;
	[dreg:$0x1] =	wrdreg $0xFFFFFFFF  }
0xa9: {  	s28 =	simm.s32 $_size_execute0_lowered;
	s5 =	sadd.s32 s5, s7;
	[dreg:$0x0] =	wrdreg $0x0  }
0xaa: {  	s7 =	sshll.u32 s28, $0x1;
	[dreg:$0x2] =	wrdreg s5  }
0xab: {  	[dreg:$0x3] =	wrdreg s7  }
0xac: {  	[dreg:$0x4] =	wrdreg $0xC0  }
0xad: {  	_ =	task [dreg:s9], $0x5FFFF  }
0xae: {  	[dreg:$0x1] =	wrdreg $0xFFFFFFFF  }
0xaf: {  	[dreg:$0x0] =	wrdreg $0x60  }
0xb0: {  	[dreg:$0x2] =	wrdreg s2  }
0xb1: {  	[dreg:$0x3] =	wrdreg s18  }
0xb2: {  	[dreg:$0x4] =	wrdreg s24  }
0xb3: {  	[dreg:$0x5] =	wrdreg s4  }
0xb4: {  	[dreg:$0x6] =	wrdreg $0xA2800  }
0xb5: {  	[dreg:$0x7] =	wrdreg $0x1E2800  }
0xb6: {  	[dreg:$0x8] =	wrdreg $0x9  }
0xb7: {  	_ =	task.clear_ibuf [dreg:s9], $0x9FFFF;
	_ =	strace $0x90000046  }
0xb8: {  	s29 =	simm.s32 $0x9;
	_ =	strace $0x80000048  }
0xb9: {  	_ =	swait.ge [sflag:s29], $0x1  }
0xba: {  	[sflag:s29] =	ssyncadd.s32 $0xFFFFFFFF  }
0xbb: {  	_ =	strace $0x90000048  }
0xbc: {  	_ =	sfence  }
0xbd: {  	s30 =	sld [smem:$0x0];
	_ =	sdelay $0x2  }
0xbe: {  	s31 =	sshll.u32 s1, $0xD;
	s1 =	sshrl.u32 s1, $0x2  }
0xbf: {  	s3 =	sand.u32 $0x4000, s31;
	s1 =	sadd.s32 s1, s30  }
0xc0: {  	s0 =	sor.u32 s3, s0;
	s1 =	sshll.u32 s1, $0x11  }
0xc1: {  	s0 =	sor.u32 s1, s0  }
0xc2: {  	s0 =	sadd.s32 $0x8F2B, s0  }
0xc3: {  	[sflag:s0] =	ssyncadd.remote.s32 $0x1  }
0xc4: {  	_ =	sfence.sel $0xFFFF  }
0xc5: {  	[dreg:$0x0] =	wrdreg $0xFFFFFFFF;
	(pc) =	sbr.abs _section_cstart, $3  }
0xc6: {  	[dreg:$0x1] =	wrdreg $0xFFFFFFFF  }
0xc7: {  	_ =	task.clear_ibuf [dreg:s9], $0x2FFFF;
	_ =	strace $0x9FFFFFFF  }
0xc8: {  	(tm) =	ssettm $0x7FFFFFFF  }
0xc9: {  	_ =	shalt  }
tec
execute0_lowered:
.L_overlay_start_1:
0x0: {  	(tag) =	ssettag $0x1  }
0x1: {  	s0 =	rddreg [dreg:$0x0]  }
0x2: {  	s1 =	rddreg [dreg:$0x1]  }
0x3: {  	s2 =	rddreg [dreg:$0x2]  }
0x4: {  	s6 =	rddreg [dreg:$0x3]  }
0x5: {  	s3 =	rddreg [dreg:$0x4]  }
0x6: {  	s4 =	rddreg [dreg:$0x5]  }
0x7: {  	s19 =	stileid.u32;
	s8 =	srdreg.scid;
	s5 =	simm.s32 $0x0  }
0x8: {  	s28 =	simm.s32 $0x1;
	s29 =	simm.s32 $0x100;
	s7 =	smul.u32 $0x14000, s19  }
0x9: {  	s30 =	simm.s32 $0x5200;
	s31 =	simm.s32 $0x50;
	s10 =	smul.u32 $0x280, s19  }
0xa: {  	s8 =	sand.u32 $0x1, s8;
	[smem:$0x7FF] =	sst s5;
	s14 =	smul.u32 $0x50000, s19  }
0xb: {  	s13 =	sadd.s32 $0x1A00, s2;
	s23 =	sshll.u32 s19, $0x6;
	s11 =	smul.u32 $0x2800, s8  }
0xc: {  	_ =	strace $0x80000047;
	[dreg:$0x7] =	wrdreg s13;
	s20 =	ssub.s32 $0x2, s8  }
0xd: {  	s15 =	sshll.u32 s8, $0x4;
	s9 =	sshrl.u32 s7, $0x3;
	s12 =	sshrl.u32 s10, $0x3  }
0xe: {  	s21 =	sshrl.u32 s20, $0x1;
	s22 =	sor.u32 s19, s15;
	s14 =	sshrl.u32 s14, $0x2  }
0xf: {  	s9 =	sadd.s32 s9, s2;
	s12 =	sadd.s32 s12, s2;
	s15 =	smul.u32 $0x2710, s22  }
0x10: {  	s11 =	sadd.s32 s10, s11;
	s14 =	sadd.s32 s14, s3;
	s13 =	smul.u32 $0x27100, s22  }
0x11: {  	s10 =	sadd.s32 s10, s4;
	s22 =	smul.u32 $0x27100, s8;
	[dreg:$0x8] =	wrdreg s14  }
0x12: {  	s11 =	sshrl.u32 s11, $0x3;
	s9 =	sadd.s32 $0x2200, s9;
	[dreg:$0xa] =	wrdreg s10  }
0x13: {  	s12 =	sadd.s32 $0x1C00, s12;
	s2 =	sadd.s32 s11, s2;
	s11 =	ssub.s32 s20, s21  }
0x14: {  	[dreg:$0x9] =	wrdreg s9;
	s9 =	sor.u32 $0x1C03, s23;
	s24 =	sshrl.u32 s15, $0x3  }
0x15: {  	s25 =	sadd.s32 $0x2620, s15;
	[dreg:$0xb] =	wrdreg s12;
	s21 =	smul.u32 $0x140000, s8  }
0x16: {  	s16 =	sadd.s32 s0, s13;
	s17 =	sadd.s32 $0x26C0, s15;
	s23 =	smul.u32 $0x2710, s19  }
0x17: {  	s8 =	smul.u32 $0x271000, s8;
	s10 =	sadd.s32 s1, s24;
	s26 =	sshrl.u32 s25, $0x3  }
0x18: {  	[dreg:$0xd] =	wrdreg s16;
	s18 =	sshll.u32 s25, $0x4;
	s20 =	sshrl.u32 s17, $0x3  }
0x19: {  	s24 =	smul.u32 $0x27100, s19;
	s19 =	sadd.s32 $0x2A200, s2;
	[dreg:$0xc] =	wrdreg s10  }
0x1a: {  	s10 =	sadd.s32 s1, s26;
	s12 =	sadd.s32 s0, s18;
	s16 =	sadd.s32 s1, s20  }
0x1b: {  	s7 =	sadd.s32 s7, s21;
	s25 =	sadd.s32 s23, s22;
	[dreg:$0xe] =	wrdreg s10  }
0x1c: {  	s20 =	smax.u32 s11, $0x1;
	[dreg:$0xf] =	wrdreg s12;
	s10 =	sshll.u32 s17, $0x4  }
0x1d: {  	s7 =	sshrl.u32 s7, $0x3;
	s26 =	sadd.s32 $0xA0, s25;
	s14 =	sadd.s32 $0x140, s25  }
0x1e: {  	s25 =	simm.s32 $0xA200;
	s17 =	sadd.s32 s0, s10;
	s18 =	sadd.s32 s6, s7  }
0x1f: {  	s0 =	sadd.s32 s8, s0;
	s2 =	sshrl.u32 s26, $0x3;
	s26 =	simm.s32 $0x200  }
0x20: {  	s6 =	simm.s32 $0x150;
	s7 =	simm.s32 $0x7A00;
	s8 =	simm.s32 $0x0  }
0x21: {  	s0 =	sadd.s32 s24, s0;
	s23 =	sadd.s32 s2, s1;
	s24 =	simm.s32 $0x3  }
0x22: {  	s2 =	simm.s32 $0x2;
	s13 =	sadd.s32 $0x1400, s0;
	s0 =	simm.s32 $0x2A00  }
.LBB2_1:
0x23: {  	s10 =	rddreg [dreg:$0x8]  }
0x24: {  	s11 =	rddreg [dreg:$0x9];
	s10 =	sshrl.u32 s10, $0x3  }
0x25: {  	[spmem:s10], [sflag:s9] =	dma.local [hbm:s11], $0x2800  }
0x26: {  	_ =	swait.ge [sflag:s24], $0x2800  }
0x27: {  	[sflag:s24] =	ssyncset.done $0x0;
	s12 =	rddreg [dreg:$0xa]  }
0x28: {  	[sflag:s24] =	ssyncadd.s32 $0xFFFFD800;
	s11 =	sshrl.u32 s12, $0x3;
	s12 =	rddreg [dreg:$0xb]  }
0x29: {  	[spmem:s11], [sflag:s9] =	dma.local [hbm:s12], $0x50  }
0x2a: {  	_ =	swait.ge [sflag:s24], $0x50  }
0x2b: {  	[sflag:s24] =	ssyncset.done $0x0  }
0x2c: {  	s15 =	rddreg [dreg:$0x7];
	[sflag:s24] =	ssyncadd.s32 $0xFFFFFFB0  }
0x2d: {  	[tilespmem:s25], [sflag:$0x3] =	stream.linear.gather [hbm4b:s15+s5], $0x80, $0x38;
	[tilespmem:$0x1E500] =	vst v63  }
0x2e: {  	_ =	swait.ge [sflag:s24], $0x80  }
0x2f: {  	[sflag:s24] =	ssyncset.done $0x0  }
0x30: {  	[sflag:s24] =	ssyncadd.s32 $0xFFFFFF80  }
0x31: {  	[bflag:$0x0] =	sbarrier.arrive $0xFFFF  }
0x32: {  	s21 =	rddreg [dreg:$0xc]  }
0x33: {  	[tilespmem:s5], [sflag:$0x1] =	stream.linear.gather [hbm4b:s21+s5], $0xA0, $0x38;
	[tilespmem:$0x1E500] =	vst v63  }
0x34: {  	s22 =	rddreg [dreg:$0xd]  }
0x35: {  	[tilespmem:s26], [sflag:$0x1] =	stream.linear.gather [hbm4b:s22+s5], $0x5000, $0x38;
	[tilespmem:$0x1E500] =	vst v63  }
0x36: {  	_ =	swait.ge [sflag:s28], $0x5000  }
0x37: {  	[sflag:s28] =	ssyncset.done $0x0  }
0x38: {  	[sflag:s28] =	ssyncadd.s32 $0xFFFFB000  }
0x39: {  	_ =	swait.ge [sflag:s28], $0xA0  }
0x3a: {  	[sflag:s28] =	ssyncset.done $0x0  }
0x3b: {  	s15 =	sadd.s32 $0x0, s23;
	[sflag:s28] =	ssyncadd.s32 $0xFFFFFF60  }
0x3c: {  	[tilespmem:s29], [sflag:$0x2] =	stream.linear.gather [hbm4b:s15+s5], $0xA0, $0x38;
	[tilespmem:$0x1E500] =	vst v63  }
0x3d: {  	s21 =	sadd.s32 $0xFFFFF600, s13  }
0x3e: {  	[tilespmem:s30], [sflag:$0x2] =	stream.linear.gather [hbm4b:s21+s5], $0x5000, $0x38;
	[tilespmem:$0x1E500] =	vst v63  }
0x3f: {  	_ = 	snop  }
0x40: {  	[spmem:s3] =	stream.indirect.scatter.add.f32 [tilespmem:s26], [sflag:$0x3], $0x80, s5, s31, $0xb8;
	[tilespmem:$0x1E500] =	vst v63  }
0x41: {  	_ =	swait.ge [sflag:s24], $0x2800  }
0x42: {  	[sflag:s24] =	ssyncset.done $0x0  }
0x43: {  	[sflag:s24] =	ssyncadd.s32 $0xFFFFD800  }
0x44: {  	[spmem:s4] =	stream.indirect.scatter.add.f32 [tilespmem:s25], [sflag:$0x3], $0x1, s5, s31, $0xb8;
	[tilespmem:$0x1E500] =	vst v63  }
0x45: {  	_ =	swait.ge [sflag:s24], $0x50  }
0x46: {  	[sflag:s24] =	ssyncset.done $0x0  }
0x47: {  	[sflag:s24] =	ssyncadd.s32 $0xFFFFFFB0  }
0x48: {  	[spmem:s3] =	stream.indirect.scatter.add.f32 [tilespmem:s0], [sflag:$0x3], $0x80, s31, s31, $0xb8;
	[tilespmem:$0x1E500] =	vst v63  }
0x49: {  	_ =	swait.ge [sflag:s24], $0x2800  }
0x4a: {  	[sflag:s24] =	ssyncset.done $0x0  }
0x4b: {  	[sflag:s24] =	ssyncadd.s32 $0xFFFFD800  }
0x4c: {  	[spmem:s4] =	stream.indirect.scatter.add.f32 [tilespmem:s25], [sflag:$0x3], $0x1, s31, s31, $0xb8;
	[tilespmem:$0x1E500] =	vst v63  }
0x4d: {  	_ =	swait.ge [sflag:s24], $0x50  }
0x4e: {  	[sflag:s24] =	ssyncset.done $0x0  }
0x4f: {  	[sflag:s24] =	ssyncadd.s32 $0xFFFFFFB0  }
0x50: {  	_ =	swait.ge [sflag:s2], $0x5000  }
0x51: {  	[sflag:s2] =	ssyncset.done $0x0  }
0x52: {  	[sflag:s2] =	ssyncadd.s32 $0xFFFFB000  }
0x53: {  	_ =	swait.ge [sflag:s2], $0xA0  }
0x54: {  	s22 =	sshrl.u32 s14, $0x3;
	[sflag:s2] =	ssyncset.done $0x0  }
0x55: {  	s12 =	sadd.s32 s1, s22;
	[sflag:s2] =	ssyncadd.s32 $0xFFFFFF60  }
0x56: {  	[tilespmem:s5], [sflag:$0x1] =	stream.linear.gather [hbm4b:s12+s5], $0xA0, $0x38;
	[tilespmem:$0x1E500] =	vst v63  }
0x57: {  	_ = 	snop  }
0x58: {  	[tilespmem:s26], [sflag:$0x1] =	stream.linear.gather [hbm4b:s13+s5], $0x5000, $0x38;
	[tilespmem:$0x1E500] =	vst v63  }
0x59: {  	_ = 	snop  }
0x5a: {  	[spmem:s3] =	stream.indirect.scatter.add.f32 [tilespmem:s30], [sflag:$0x3], $0x80, s29, s31, $0xb8;
	[tilespmem:$0x1E500] =	vst v63  }
0x5b: {  	_ =	swait.ge [sflag:s24], $0x2800  }
0x5c: {  	[sflag:s24] =	ssyncset.done $0x0  }
0x5d: {  	[sflag:s24] =	ssyncadd.s32 $0xFFFFD800  }
0x5e: {  	[spmem:s4] =	stream.indirect.scatter.add.f32 [tilespmem:s25], [sflag:$0x3], $0x1, s29, s31, $0xb8;
	[tilespmem:$0x1E500] =	vst v63  }
0x5f: {  	_ =	swait.ge [sflag:s24], $0x50  }
0x60: {  	[sflag:s24] =	ssyncset.done $0x0  }
0x61: {  	[sflag:s24] =	ssyncadd.s32 $0xFFFFFFB0  }
0x62: {  	[spmem:s3] =	stream.indirect.scatter.add.f32 [tilespmem:s7], [sflag:$0x3], $0x80, s6, s31, $0xb8;
	[tilespmem:$0x1E500] =	vst v63  }
0x63: {  	_ =	swait.ge [sflag:s24], $0x2800  }
0x64: {  	[sflag:s24] =	ssyncset.done $0x0  }
0x65: {  	[sflag:s24] =	ssyncadd.s32 $0xFFFFD800  }
0x66: {  	[spmem:s4] =	stream.indirect.scatter.add.f32 [tilespmem:s25], [sflag:$0x3], $0x1, s6, s31, $0xb8;
	[tilespmem:$0x1E500] =	vst v63  }
0x67: {  	s22 =	smov.u32 s14;
	_ =	swait.ge [sflag:s24], $0x50  }
0x68: {  	s21 =	smov.u32 s13;
	s12 =	simm.s32 $0x28;
	[sflag:s24] =	ssyncset.done $0x0  }
.LBB2_2:
0x69: {  	[sflag:s24] =	ssyncadd.s32 $0xFFFFFFB0  }
0x6a: {  	s21 =	sadd.s32 $0x1400, s21;
	s22 =	sadd.s32 $0x140, s22;
	s15 =	smov.u32 s12  }
0x6b: {  	p0 =	sne.s32 s12, $0x488;
	s12 =	sadd.s32 $0x28, s12;
	_ =	swait.ge [sflag:s28], $0x5000  }
0x6c: {  	[sflag:s28] =	ssyncset.done $0x0  }
0x6d: {  	[sflag:s28] =	ssyncadd.s32 $0xFFFFB000  }
0x6e: {  	_ =	swait.ge [sflag:s28], $0xA0  }
0x6f: {  	[sflag:s28] =	ssyncset.done $0x0  }
0x70: {  	s15 =	sadd.s32 s15, s23;
	[sflag:s28] =	ssyncadd.s32 $0xFFFFFF60  }
0x71: {  	[tilespmem:s29], [sflag:$0x2] =	stream.linear.gather [hbm4b:s15+s5], $0xA0, $0x38;
	[tilespmem:$0x1E500] =	vst v63  }
0x72: {  	s15 =	sadd.s32 $0xFFFFF600, s21  }
0x73: {  	[tilespmem:s30], [sflag:$0x2] =	stream.linear.gather [hbm4b:s15+s5], $0x5000, $0x38;
	[tilespmem:$0x1E500] =	vst v63  }
0x74: {  	_ = 	snop  }
0x75: {  	[spmem:s3] =	stream.indirect.scatter.add.f32 [tilespmem:s26], [sflag:$0x3], $0x80, s5, s31, $0xb8;
	[tilespmem:$0x1E500] =	vst v63  }
0x76: {  	_ =	swait.ge [sflag:s24], $0x2800  }
0x77: {  	[sflag:s24] =	ssyncset.done $0x0  }
0x78: {  	[sflag:s24] =	ssyncadd.s32 $0xFFFFD800  }
0x79: {  	[spmem:s4] =	stream.indirect.scatter.add.f32 [tilespmem:s25], [sflag:$0x3], $0x1, s5, s31, $0xb8;
	[tilespmem:$0x1E500] =	vst v63  }
0x7a: {  	_ =	swait.ge [sflag:s24], $0x50  }
0x7b: {  	[sflag:s24] =	ssyncset.done $0x0  }
0x7c: {  	[sflag:s24] =	ssyncadd.s32 $0xFFFFFFB0  }
0x7d: {  	[spmem:s3] =	stream.indirect.scatter.add.f32 [tilespmem:s0], [sflag:$0x3], $0x80, s31, s31, $0xb8;
	[tilespmem:$0x1E500] =	vst v63  }
0x7e: {  	_ =	swait.ge [sflag:s24], $0x2800  }
0x7f: {  	[sflag:s24] =	ssyncset.done $0x0  }
0x80: {  	[sflag:s24] =	ssyncadd.s32 $0xFFFFD800  }
0x81: {  	[spmem:s4] =	stream.indirect.scatter.add.f32 [tilespmem:s25], [sflag:$0x3], $0x1, s31, s31, $0xb8;
	[tilespmem:$0x1E500] =	vst v63  }
0x82: {  	_ =	swait.ge [sflag:s24], $0x50  }
0x83: {  	[sflag:s24] =	ssyncset.done $0x0  }
0x84: {  	[sflag:s24] =	ssyncadd.s32 $0xFFFFFFB0  }
0x85: {  	_ =	swait.ge [sflag:s2], $0x5000  }
0x86: {  	[sflag:s2] =	ssyncset.done $0x0  }
0x87: {  	[sflag:s2] =	ssyncadd.s32 $0xFFFFB000  }
0x88: {  	_ =	swait.ge [sflag:s2], $0xA0  }
0x89: {  	s15 =	sshrl.u32 s22, $0x3;
	[sflag:s2] =	ssyncset.done $0x0  }
0x8a: {  	s15 =	sadd.s32 s1, s15;
	[sflag:s2] =	ssyncadd.s32 $0xFFFFFF60  }
0x8b: {  	[tilespmem:s5], [sflag:$0x1] =	stream.linear.gather [hbm4b:s15+s5], $0xA0, $0x38;
	[tilespmem:$0x1E500] =	vst v63  }
0x8c: {  	_ = 	snop  }
0x8d: {  	[tilespmem:s26], [sflag:$0x1] =	stream.linear.gather [hbm4b:s21+s5], $0x5000, $0x38;
	[tilespmem:$0x1E500] =	vst v63  }
0x8e: {  	_ = 	snop  }
0x8f: {  	[spmem:s3] =	stream.indirect.scatter.add.f32 [tilespmem:s30], [sflag:$0x3], $0x80, s29, s31, $0xb8;
	[tilespmem:$0x1E500] =	vst v63  }
0x90: {  	_ =	swait.ge [sflag:s24], $0x2800  }
0x91: {  	[sflag:s24] =	ssyncset.done $0x0  }
0x92: {  	[sflag:s24] =	ssyncadd.s32 $0xFFFFD800  }
0x93: {  	[spmem:s4] =	stream.indirect.scatter.add.f32 [tilespmem:s25], [sflag:$0x3], $0x1, s29, s31, $0xb8;
	[tilespmem:$0x1E500] =	vst v63  }
0x94: {  	_ =	swait.ge [sflag:s24], $0x50  }
0x95: {  	[sflag:s24] =	ssyncset.done $0x0  }
0x96: {  	[sflag:s24] =	ssyncadd.s32 $0xFFFFFFB0  }
0x97: {  	[spmem:s3] =	stream.indirect.scatter.add.f32 [tilespmem:s7], [sflag:$0x3], $0x80, s6, s31, $0xb8;
	[tilespmem:$0x1E500] =	vst v63  }
0x98: {  	_ =	swait.ge [sflag:s24], $0x2800  }
.Ltmp0:
0x99: {  	[sflag:s24] =	ssyncset.done $0x0;
	(pc) =	sbr.rel @p0 .LBB2_2-.Ltmp0, $4  }
0x9a: {  	[sflag:s24] =	ssyncadd.s32 $0xFFFFD800  }
0x9b: {  	[spmem:s4] =	stream.indirect.scatter.add.f32 [tilespmem:s25], [sflag:$0x3], $0x1, s6, s31, $0xb8;
	[tilespmem:$0x1E500] =	vst v63  }
0x9c: {  	_ =	swait.ge [sflag:s24], $0x50  }
0x9d: {  	[sflag:s24] =	ssyncset.done $0x0  }
0x9e: {  	[sflag:s24] =	ssyncadd.s32 $0xFFFFFFB0  }
0x9f: {  	_ =	swait.ge [sflag:s28], $0x5000  }
0xa0: {  	[sflag:s28] =	ssyncset.done $0x0  }
0xa1: {  	[sflag:s28] =	ssyncadd.s32 $0xFFFFB000  }
0xa2: {  	_ =	swait.ge [sflag:s28], $0xA0  }
0xa3: {  	[sflag:s28] =	ssyncset.done $0x0  }
0xa4: {  	s12 =	rddreg [dreg:$0xe];
	[sflag:s28] =	ssyncadd.s32 $0xFFFFFF60  }
0xa5: {  	[tilespmem:s29], [sflag:$0x2] =	stream.linear.gather [hbm4b:s12+s5], $0xA0, $0x38;
	[tilespmem:$0x1E500] =	vst v63  }
0xa6: {  	s22 =	rddreg [dreg:$0xf]  }
0xa7: {  	[tilespmem:s30], [sflag:$0x2] =	stream.linear.gather [hbm4b:s22+s5], $0x5000, $0x38;
	[tilespmem:$0x1E500] =	vst v63  }
0xa8: {  	_ = 	snop  }
0xa9: {  	[spmem:s3] =	stream.indirect.scatter.add.f32 [tilespmem:s26], [sflag:$0x3], $0x80, s5, s31, $0xb8;
	[tilespmem:$0x1E500] =	vst v63  }
0xaa: {  	_ =	swait.ge [sflag:s24], $0x2800  }
0xab: {  	[sflag:s24] =	ssyncset.done $0x0  }
0xac: {  	[sflag:s24] =	ssyncadd.s32 $0xFFFFD800  }
0xad: {  	[spmem:s4] =	stream.indirect.scatter.add.f32 [tilespmem:s25], [sflag:$0x3], $0x1, s5, s31, $0xb8;
	[tilespmem:$0x1E500] =	vst v63  }
0xae: {  	_ =	swait.ge [sflag:s24], $0x50  }
0xaf: {  	[sflag:s24] =	ssyncset.done $0x0  }
0xb0: {  	[sflag:s24] =	ssyncadd.s32 $0xFFFFFFB0  }
0xb1: {  	[spmem:s3] =	stream.indirect.scatter.add.f32 [tilespmem:s0], [sflag:$0x3], $0x80, s31, s31, $0xb8;
	[tilespmem:$0x1E500] =	vst v63  }
0xb2: {  	_ =	swait.ge [sflag:s24], $0x2800  }
0xb3: {  	[sflag:s24] =	ssyncset.done $0x0  }
0xb4: {  	[sflag:s24] =	ssyncadd.s32 $0xFFFFD800  }
0xb5: {  	[spmem:s4] =	stream.indirect.scatter.add.f32 [tilespmem:s25], [sflag:$0x3], $0x1, s31, s31, $0xb8;
	[tilespmem:$0x1E500] =	vst v63  }
0xb6: {  	_ =	swait.ge [sflag:s24], $0x50  }
0xb7: {  	[sflag:s24] =	ssyncset.done $0x0  }
0xb8: {  	[sflag:s24] =	ssyncadd.s32 $0xFFFFFFB0  }
0xb9: {  	_ =	swait.ge [sflag:s2], $0x5000  }
0xba: {  	[sflag:s2] =	ssyncset.done $0x0  }
0xbb: {  	[sflag:s2] =	ssyncadd.s32 $0xFFFFB000  }
0xbc: {  	_ =	swait.ge [sflag:s2], $0xA0  }
0xbd: {  	[sflag:s2] =	ssyncset.done $0x0  }
0xbe: {  	[sflag:s2] =	ssyncadd.s32 $0xFFFFFF60  }
0xbf: {  	[tilespmem:s5], [sflag:$0x1] =	stream.linear.gather [hbm4b:s16+s5], $0x50, $0x38;
	[tilespmem:$0x1E500] =	vst v63  }
0xc0: {  	_ = 	snop  }
0xc1: {  	[tilespmem:s26], [sflag:$0x1] =	stream.linear.gather [hbm4b:s17+s5], $0x2800, $0x38;
	[tilespmem:$0x1E500] =	vst v63  }
0xc2: {  	_ = 	snop  }
0xc3: {  	[spmem:s3] =	stream.indirect.scatter.add.f32 [tilespmem:s30], [sflag:$0x3], $0x80, s29, s31, $0xb8;
	[tilespmem:$0x1E500] =	vst v63  }
0xc4: {  	_ =	swait.ge [sflag:s24], $0x2800  }
0xc5: {  	[sflag:s24] =	ssyncset.done $0x0  }
0xc6: {  	[sflag:s24] =	ssyncadd.s32 $0xFFFFD800  }
0xc7: {  	[spmem:s4] =	stream.indirect.scatter.add.f32 [tilespmem:s25], [sflag:$0x3], $0x1, s29, s31, $0xb8;
	[tilespmem:$0x1E500] =	vst v63  }
0xc8: {  	_ =	swait.ge [sflag:s24], $0x50  }
0xc9: {  	[sflag:s24] =	ssyncset.done $0x0  }
0xca: {  	[sflag:s24] =	ssyncadd.s32 $0xFFFFFFB0  }
0xcb: {  	[spmem:s3] =	stream.indirect.scatter.add.f32 [tilespmem:s7], [sflag:$0x3], $0x80, s6, s31, $0xb8;
	[tilespmem:$0x1E500] =	vst v63  }
0xcc: {  	_ =	swait.ge [sflag:s24], $0x2800  }
0xcd: {  	[sflag:s24] =	ssyncset.done $0x0  }
0xce: {  	[sflag:s24] =	ssyncadd.s32 $0xFFFFD800  }
0xcf: {  	[spmem:s4] =	stream.indirect.scatter.add.f32 [tilespmem:s25], [sflag:$0x3], $0x1, s6, s31, $0xb8;
	[tilespmem:$0x1E500] =	vst v63  }
0xd0: {  	_ =	swait.ge [sflag:s24], $0x50  }
0xd1: {  	[sflag:s24] =	ssyncset.done $0x0  }
0xd2: {  	[sflag:s24] =	ssyncadd.s32 $0xFFFFFFB0  }
0xd3: {  	_ =	swait.ge [sflag:s28], $0x2800  }
0xd4: {  	[sflag:s28] =	ssyncset.done $0x0  }
0xd5: {  	[sflag:s28] =	ssyncadd.s32 $0xFFFFD800  }
0xd6: {  	_ =	swait.ge [sflag:s28], $0x50  }
0xd7: {  	[sflag:s28] =	ssyncset.done $0x0  }
0xd8: {  	[sflag:s28] =	ssyncadd.s32 $0xFFFFFFB0  }
0xd9: {  	[spmem:s3] =	stream.indirect.scatter.add.f32 [tilespmem:s26], [sflag:$0x3], $0x80, s5, s31, $0xb8;
	[tilespmem:$0x1E500] =	vst v63  }
0xda: {  	_ =	swait.ge [sflag:s24], $0x2800  }
0xdb: {  	[sflag:s24] =	ssyncset.done $0x0  }
0xdc: {  	[sflag:s24] =	ssyncadd.s32 $0xFFFFD800  }
0xdd: {  	[spmem:s4] =	stream.indirect.scatter.add.f32 [tilespmem:s25], [sflag:$0x3], $0x1, s5, s31, $0xb8;
	[tilespmem:$0x1E500] =	vst v63  }
0xde: {  	_ =	swait.ge [sflag:s24], $0x50  }
0xdf: {  	[sflag:s24] =	ssyncset.done $0x0  }
0xe0: {  	[sflag:s24] =	ssyncadd.s32 $0xFFFFFFB0  }
0xe1: {  	[bflag:$0x0] =	sbarrier.arrive $0xFFFF  }
0xe2: {  	[hbm:s18], [sflag:s9] =	dma.local [spmem:s10], $0x2800  }
0xe3: {  	s8 =	sadd.s32 $0x1, s8;
	_ =	swait.ge [sflag:s24], $0x2800  }
0xe4: {  	p0 =	sne.s32 s8, s20;
	[sflag:s24] =	ssyncset.done $0x0  }
.Ltmp1:
0xe5: {  	[sflag:s24] =	ssyncadd.s32 $0xFFFFD800;
	(pc) =	sbr.rel @p0 .LBB2_1-.Ltmp1, $4  }
0xe6: {  	[hbm:s19], [sflag:s9] =	dma.local [spmem:s11], $0x50  }
0xe7: {  	_ =	swait.ge [sflag:s24], $0x50  }
0xe8: {  	[sflag:s24] =	ssyncset.done $0x0  }
0xe9: {  	[sflag:s24] =	ssyncadd.s32 $0xFFFFFFB0  }
0xea: {  	_ =	sfence.sel $0x180000  }
0xeb: {  	[bflag:$0x0] =	sbarrier.arrive $0xFFFF  }
0xec: {  	_ =	strace $0x90000047  }
0xed: {  	s0 =	stileid.u32;
	[bflag:$0x2] =	sbarrier.arrive $0xFFFF  }
0xee: {  	p0 =	sne.s32 s0, $0x0;
	s0 =	rddreg [dreg:$0x6]  }
0xef: {  	s0 =	sadd.s32 @!p0 $0x100000, s0  }
0xf0: {  	[sflag:s0] =	ssyncadd.tile.s32 @!p0 $0x1;
	_ =	shalt  }
.Lfunc_end2:
_tile_overlayer_lowered:
.L_overlay_start_2:
0xf1: {  	(tag) =	ssettag $0x2  }
0xf2: {  	s0 =	rddreg [dreg:$0x0];
	s2 =	stileid.u32  }
0xf3: {  	s1 =	rddreg [dreg:$0x1];
	p0 =	sne.s32 s2, $0x0  }
0xf4: {  	s3 =	rddreg [dreg:$0x2];
	[bflag:$0x3] =	sbarrier.arrive $0xFFFF;
	s2 =	simm.s32 @!p0 $0x1C03  }
0xf5: {  	[timem:s3], [sflag:s2] =	dma.local @!p0 [hbm:s0], s1  }
0xf6: {  	s0 =	simm.s32 @!p0 $0x3  }
0xf7: {  	_ =	swait.ge @!p0 [sflag:s0], s1  }
0xf8: {  	s1 =	ssub.s32 @!p0 $0x0, s1;
	[sflag:s0] =	ssyncset.done @!p0 $0x0  }
0xf9: {  	[sflag:s0] =	ssyncadd.s32 @!p0 s1  }
0xfa: {  	[bflag:$0x3] =	sbarrier.arrive $0xFFFF  }
0xfb: {  	_ =	shalt  }

// kernel: kernel.8.cloned.1.call-start
scs
__scs_entry_jumppad:
0x0: {  	(pc) =	sbr.rel $0x88, $3  }
0x1: {  	(tag) =	ssettag $0x0;
	lr =	simm.s32 $0x1  }
0x2: {  	[smem:$0x3F9A] =	sst lr;
	_ =	strace $0xD0000000  }
0x3: {  	_ = 	snop  }
0x4: {  	_ = 	snop  }
0x5: {  	_ = 	snop  }
0x6: {  	_ = 	snop  }
0x7: {  	_ = 	snop  }
__scs_overlays_trampoline_lowered:
0x8: {  	[smem:$0x3FA9] =	sst s0  }
0x9: {  	[smem:$0x3FAA] =	sst s1  }
0xa: {  	[smem:$0x3FAB] =	sst s2  }
0xb: {  	[smem:$0x3FAC] =	sst s3  }
0xc: {  	[smem:$0x3FAD] =	sst s4  }
0xd: {  	[smem:$0x3FAE] =	sst s5  }
0xe: {  	[smem:$0x3FAF] =	sst s6  }
0xf: {  	[smem:$0x3FB0] =	sst s7  }
0x10: {  	[smem:$0x3FB1] =	sst s8  }
0x11: {  	[smem:$0x3FB2] =	sst s9;
	s0 =	simm.s32 @!p0 $0x0  }
0x12: {  	s1 =	sld [smem:$0x3F98];
	s0 =	simm.s32 @p0 $0x1  }
0x13: {  	[smem:$0x3FB3] =	sst s0;
	s0 =	simm.s32 @!p1 $0x0  }
0x14: {  	s2 =	sld [smem:$0x3F97];
	s0 =	simm.s32 @p1 $0x1  }
0x15: {  	[smem:$0x3FB4] =	sst s0;
	s0 =	simm.s32 @!p2 $0x0  }
0x16: {  	s3 =	sld [smem:$0x3FDB];
	s0 =	simm.s32 @p2 $0x1  }
0x17: {  	s4 =	simm.s32 $0x1BF5;
	[smem:$0x3FB6] =	sst s0  }
0x18: {  	s0 =	sld [smem:$0x3F99];
	_ =	swait.ge [sflag:s4], $0x0  }
0x19: {  	s7 =	sld [smem:$0x3F9A]  }
0x1a: {  	s8 =	sadd.s32 $0xFFFFE003, lr  }
0x1b: {  	s9 =	sadd.s32 $0xFFFFFEF7, lr;
	s5 =	simm.s32 $0xFFFFFFFF;
	p2 =	slt.u32 s8, $0xFFFFF086  }
0x1c: {  	p1 =	slt.u32 s9, $0xF7A;
	s5 =	simm.s32 @!p2 $0x0  }
0x1d: {  	s5 =	simm.s32 @p1 $0x1;
	p0 =	seq.s32 s7, s2  }
0x1e: {  	s7 =	smul.u32 @!p0 $0xF7A, s2;
	p2 =	seq.s32 @!p0 s5, $0x0  }
0x1f: {  	s9 =	smul.u32 $0xF7A, s1;
	s8 =	simm.s32 @!p0 $0x1BF5;
	p2 =	por !p2, p0  }
0x20: {  	[sflag:s8] =	ssyncset.s32 @!p0 $0xFFFFF086;
	s6 =	sadd.s32 @!p0 s3, s7;
	s7 =	simm.s32 @!p0 $0x108  }
0x21: {  	s3 =	sadd.s32 s3, s9;
	s6 =	sadd.s32 @!p0 $0x88, s6;
	s7 =	simm.s32 @p2 $0x1082  }
0x22: {  	[simem:s7], [sflag:s8] =	dma.local @!p0 [hbm:s6], $0xF7A  }
0x23: {  	s9 =	sor.u32 $0xD0000000, s2;
	s6 =	simm.s32 $0x108;
	_ =	swait.ge @!p0 [sflag:s8], $0x0  }
0x24: {  	s3 =	sadd.s32 $0x88, s3;
	s6 =	simm.s32 @!p1 $0x1082;
	[sflag:s4] =	ssyncset.s32 $0xFFFFF086  }
0x25: {  	[simem:s6], [sflag:s4] =	dma.local [hbm:s3], $0xF7A  }
0x26: {  	[smem:$0x3F9A] =	sst s1;
	(tag) =	ssettag s2;
	_ =	strace s9  }
0x27: {  	s1 =	sld [smem:$0x3FAA]  }
0x28: {  	s2 =	sld [smem:$0x3FAB]  }
0x29: {  	s4 =	sld [smem:$0x3FAD]  }
0x2a: {  	p0 =	seq.s32 s5, $0x0;
	s5 =	sld [smem:$0x3FAE]  }
0x2b: {  	s6 =	sld [smem:$0x3FAF]  }
0x2c: {  	s7 =	sld [smem:$0x3FB0]  }
0x2d: {  	s3 =	simm.s32 $0x108;
	s8 =	sld [smem:$0x3FB1]  }
0x2e: {  	s3 =	simm.s32 @!p0 $0x1082;
	s9 =	sld [smem:$0x3FB2]  }
0x2f: {  	lr =	sadd.s32 s0, s3;
	s0 =	sld [smem:$0x3FA9]  }
0x30: {  	s3 =	sld [smem:$0x3FAC]  }
0x31: {  	[smem:$0x3FB5] =	sst s10  }
0x32: {  	s10 =	sld [smem:$0x3FB3];
	_ =	sdelay $0x3  }
0x33: {  	p0 =	seq.s32 s10, $0x1;
	s10 =	sld [smem:$0x3FB5];
	_ =	sdelay $0x3  }
0x34: {  	[smem:$0x3FB5] =	sst s10  }
0x35: {  	s10 =	sld [smem:$0x3FB4];
	_ =	sdelay $0x3  }
0x36: {  	p1 =	seq.s32 s10, $0x1;
	s10 =	sld [smem:$0x3FB5];
	_ =	sdelay $0x3  }
0x37: {  	[smem:$0x3FB5] =	sst s10  }
0x38: {  	s10 =	sld [smem:$0x3FB6]  }
0x39: {  	_ = 	snop;
	(pc) =	sbr.ind lr, $3  }
0x3a: {  	_ = 	snop  }
0x3b: {  	_ = 	snop  }
0x3c: {  	p2 =	seq.s32 s10, $0x1;
	s10 =	sld [smem:$0x3FB5]  }
0x3d: {  	_ =	shalt  }
0x3e: {  	_ =	shalt  }
0x3f: {  	_ =	shalt  }
0x40: {  	_ =	shalt  }
0x41: {  	_ =	shalt  }
0x42: {  	_ =	shalt  }
0x43: {  	_ =	shalt  }
0x44: {  	_ =	shalt  }
0x45: {  	_ =	shalt  }
0x46: {  	_ =	shalt  }
0x47: {  	_ =	shalt  }
0x48: {  	_ =	shalt  }
0x49: {  	_ =	shalt  }
0x4a: {  	_ =	shalt  }
0x4b: {  	_ =	shalt  }
0x4c: {  	_ =	shalt  }
0x4d: {  	_ =	shalt  }
0x4e: {  	_ =	shalt  }
0x4f: {  	_ =	shalt  }
0x50: {  	_ =	shalt  }
0x51: {  	_ =	shalt  }
0x52: {  	_ =	shalt  }
0x53: {  	_ =	shalt  }
0x54: {  	_ =	shalt  }
0x55: {  	_ =	shalt  }
0x56: {  	_ =	shalt  }
0x57: {  	_ =	shalt  }
0x58: {  	_ =	shalt  }
0x59: {  	_ =	shalt  }
0x5a: {  	_ =	shalt  }
0x5b: {  	_ =	shalt  }
0x5c: {  	_ =	shalt  }
0x5d: {  	_ =	shalt  }
0x5e: {  	_ =	shalt  }
0x5f: {  	_ =	shalt  }
0x60: {  	_ =	shalt  }
0x61: {  	_ =	shalt  }
0x62: {  	_ =	shalt  }
0x63: {  	_ =	shalt  }
0x64: {  	_ =	shalt  }
0x65: {  	_ =	shalt  }
0x66: {  	_ =	shalt  }
0x67: {  	_ =	shalt  }
0x68: {  	_ =	shalt  }
0x69: {  	_ =	shalt  }
0x6a: {  	_ =	shalt  }
0x6b: {  	_ =	shalt  }
0x6c: {  	_ =	shalt  }
0x6d: {  	_ =	shalt  }
0x6e: {  	_ =	shalt  }
0x6f: {  	_ =	shalt  }
0x70: {  	_ =	shalt  }
0x71: {  	_ =	shalt  }
0x72: {  	_ =	shalt  }
0x73: {  	_ =	shalt  }
0x74: {  	_ =	shalt  }
0x75: {  	_ =	shalt  }
0x76: {  	_ =	shalt  }
0x77: {  	_ =	shalt  }
0x78: {  	_ =	shalt  }
0x79: {  	_ =	shalt  }
0x7a: {  	_ =	shalt  }
0x7b: {  	_ =	shalt  }
0x7c: {  	_ =	shalt  }
0x7d: {  	_ =	shalt  }
0x7e: {  	_ =	shalt  }
0x7f: {  	_ =	shalt  }
0x80: {  	_ =	shalt  }
0x81: {  	_ =	shalt  }
0x82: {  	_ =	shalt  }
0x83: {  	_ =	shalt  }
0x84: {  	_ =	shalt  }
0x85: {  	_ =	shalt  }
0x86: {  	_ =	shalt  }
0x87: {  	_ =	shalt  }
.Lfunc_end0:
.L_simem_size_0:
called_computation.1_lowered:
.L_overlay_start_0:
0x88: {  	s2 =	sld [smem:$0x3FD9]  }
0x89: {  	s3 =	sld [smem:$0x3FFE];
	_ =	sdelay $0x1  }
0x8a: {  	s1 =	srdreg.scid  }
0x8b: {  	s0 =	sand.u32 $0x1, s1  }
0x8c: {  	s17 =	sshll.u32 s0, $0xA;
	s2 =	sadd.s32 s3, s2  }
0x8d: {  	s2 =	sadd.s32 s2, s17  }
0x8e: {  	[smem:$0x3FC1] =	sst s2  }
0x8f: {  	_ = 	snop  }
0x90: {  	s2 =	sld [smem:$0x3FC9]  }
0x91: {  	s18 =	sld [smem:$0x3FC3]  }
0x92: {  	s4 =	sld [smem:$0x3FD0];
	(tm) =	ssettm $0x1  }
0x93: {  	s5 =	sld [smem:$0x3FFB];
	_ =	sdelay $0x3  }
0x94: {  	_ =	strace s5  }
0x95: {  	s5 =	sld [smem:$0x3FFC];
	_ =	sdelay $0x3  }
0x96: {  	_ =	strace s5  }
0x97: {  	s5 =	sld [smem:$0x3FFD];
	_ =	sdelay $0x3  }
0x98: {  	_ =	strace s5  }
0x99: {  	_ =	strace $0x8FFFFFFF  }
0x9a: {  	s19 =	sld [smem:$0x3FDB];
	_ =	sdelay $0x1  }
0x9b: {  	s6 =	simm.s32 $_scs_section_size  }
0x9c: {  	s7 =	simm.s32 $_size__tile_overlayer_lowered;
	s8 =	simm.s32 $_tile_overlayer_lowered  }
0x9d: {  	s22 =	simm.s32 $0x1BFF;
	s21 =	sshll.u32 s8, $0x1;
	s5 =	sadd.s32 s6, s19  }
0x9e: {  	s9 =	simm.s32 $0x0;
	s20 =	sshll.u32 s7, $0x1;
	s7 =	sadd.s32 s21, s5  }
0x9f: {  	[timem:s9], [sflag:s22] =	dma.local [hbm:s7], s20  }
0xa0: {  	_ =	swait.ge [sflag:s22], s20  }
0xa1: {  	s6 =	ssub.s32 $0x0, s20;
	[sflag:s22] =	ssyncset.done $0x0  }
0xa2: {  	[sflag:s22] =	ssyncadd.s32 s6;
	_ =	sdelay $0x1  }
0xa3: {  	s23 =	simm.s32 $0x1B8B  }
0xa4: {  	_ =	swait.ge [sflag:s23], $0x1  }
0xa5: {  	[sflag:s23] =	ssyncset.done $0x0  }
0xa6: {  	s25 =	simm.s32 $0x1B8E;
	s24 =	sld [smem:$0x3FFE];
	[sflag:s23] =	ssyncadd.s32 $0xFFFFFFFF  }
0xa7: {  	s26 =	simm.s32 $execute0_lowered;
	[smem:$0x3FD2] =	sst s25  }
0xa8: {  	s7 =	sshll.u32 s26, $0x1;
	_ =	strace $0x80000049;
	[dreg:$0x1] =	wrdreg $0xFFFFFFFF  }
0xa9: {  	s28 =	simm.s32 $_size_execute0_lowered;
	s5 =	sadd.s32 s5, s7;
	[dreg:$0x0] =	wrdreg $0x0  }
0xaa: {  	s7 =	sshll.u32 s28, $0x1;
	[dreg:$0x2] =	wrdreg s5  }
0xab: {  	[dreg:$0x3] =	wrdreg s7  }
0xac: {  	[dreg:$0x4] =	wrdreg $0xC0  }
0xad: {  	_ =	task [dreg:s9], $0x5FFFF  }
0xae: {  	[dreg:$0x1] =	wrdreg $0xFFFFFFFF  }
0xaf: {  	[dreg:$0x0] =	wrdreg $0x60  }
0xb0: {  	[dreg:$0x2] =	wrdreg s2  }
0xb1: {  	[dreg:$0x3] =	wrdreg s18  }
0xb2: {  	[dreg:$0x4] =	wrdreg s24  }
0xb3: {  	[dreg:$0x5] =	wrdreg s4  }
0xb4: {  	[dreg:$0x6] =	wrdreg $0x9  }
0xb5: {  	_ =	task.clear_ibuf [dreg:s9], $0x7FFFF;
	_ =	strace $0x90000049  }
0xb6: {  	s29 =	simm.s32 $0x9;
	_ =	strace $0x8000004B  }
0xb7: {  	_ =	swait.ge [sflag:s29], $0x1  }
0xb8: {  	[sflag:s29] =	ssyncadd.s32 $0xFFFFFFFF  }
0xb9: {  	_ =	strace $0x9000004B  }
0xba: {  	_ =	sfence  }
0xbb: {  	s30 =	sld [smem:$0x0];
	_ =	sdelay $0x2  }
0xbc: {  	s31 =	sshll.u32 s1, $0xD;
	s1 =	sshrl.u32 s1, $0x2  }
0xbd: {  	s3 =	sand.u32 $0x4000, s31;
	s1 =	sadd.s32 s1, s30  }
0xbe: {  	s0 =	sor.u32 s3, s0;
	s1 =	sshll.u32 s1, $0x11  }
0xbf: {  	s0 =	sor.u32 s1, s0  }
0xc0: {  	s0 =	sadd.s32 $0x8F2B, s0  }
0xc1: {  	[sflag:s0] =	ssyncadd.remote.s32 $0x1  }
0xc2: {  	_ =	sfence.sel $0xFFFF  }
0xc3: {  	[dreg:$0x0] =	wrdreg $0xFFFFFFFF;
	(pc) =	sbr.abs _section_cstart, $3  }
0xc4: {  	[dreg:$0x1] =	wrdreg $0xFFFFFFFF  }
0xc5: {  	_ =	task.clear_ibuf [dreg:s9], $0x2FFFF;
	_ =	strace $0x9FFFFFFF  }
0xc6: {  	(tm) =	ssettm $0x7FFFFFFF  }
0xc7: {  	_ =	shalt  }
tec
execute0_lowered:
.L_overlay_start_1:
0x0: {  	(tag) =	ssettag $0x1  }
0x1: {  	s0 =	rddreg [dreg:$0x0]  }
0x2: {  	s1 =	rddreg [dreg:$0x1]  }
0x3: {  	s2 =	srdreg.scid;
	s3 =	rddreg [dreg:$0x2]  }
0x4: {  	s4 =	rddreg [dreg:$0x3];
	s7 =	stileid.u32;
	s2 =	sand.u32 $0x1, s2  }
0x5: {  	s5 =	simm.s32 $0x0;
	s29 =	simm.s32 $0x300;
	s6 =	sshll.u32 s2, $0x4  }
0x6: {  	s30 =	simm.s32 $0x100;
	s31 =	simm.s32 $0x6700;
	s6 =	sor.u32 s7, s6  }
0x7: {  	[smem:$0x7FF] =	sst s5;
	s2 =	ssub.s32 $0x2, s2;
	s11 =	smul.u32 $0x2710, s6  }
0x8: {  	_ =	strace $0x8000004A;
	s25 =	sshrl.u32 s2, $0x1;
	s9 =	smul.u32 $0x27100, s6  }
0x9: {  	s7 =	sadd.s32 $0x1A00, s3;
	s2 =	ssub.s32 s2, s25;
	s6 =	smul.u32 $0x138800, s6  }
0xa: {  	s2 =	smax.u32 s2, $0x1;
	s8 =	sshrl.u32 s11, $0x3;
	s28 =	sadd.s32 $0xC8, s11  }
0xb: {  	s10 =	sadd.s32 s0, s9;
	s14 =	sadd.s32 s4, s9;
	s19 =	sadd.s32 $0x258, s11  }
0xc: {  	s23 =	sadd.s32 $0x320, s11;
	s24 =	sshrl.u32 s6, $0x3;
	[dreg:$0x16] =	wrdreg s2  }
0xd: {  	s2 =	simm.s32 $0x1;
	s9 =	simm.s32 $0x0;
	[dreg:$0x6] =	wrdreg s10  }
0xe: {  	s26 =	sadd.s32 s1, s8;
	s12 =	sshrl.u32 s28, $0x3;
	[dreg:$0xc] =	wrdreg s28  }
0xf: {  	s8 =	sshll.u32 s28, $0x4;
	s10 =	sadd.s32 $0x190, s11;
	[dreg:$0x9] =	wrdreg s14  }
0x10: {  	s20 =	sshrl.u32 s19, $0x3;
	s17 =	smov.u32 s19;
	s25 =	sshrl.u32 s23, $0x3  }
0x11: {  	s14 =	simm.s32 $0x200;
	[dreg:$0x5] =	wrdreg s26;
	s3 =	sadd.s32 s1, s12  }
0x12: {  	s13 =	sadd.s32 s0, s8;
	s15 =	sshrl.u32 s10, $0x3;
	[dreg:$0x11] =	wrdreg s10  }
0x13: {  	s16 =	sshll.u32 s10, $0x4;
	s10 =	sshll.u32 s19, $0x4;
	s8 =	sadd.s32 s4, s8  }
0x14: {  	s6 =	sadd.s32 s1, s25;
	s12 =	simm.s32 $0x7;
	[dreg:$0x7] =	wrdreg s3  }
0x15: {  	s19 =	simm.s32 $0x4;
	[dreg:$0x8] =	wrdreg s13;
	s3 =	sadd.s32 s1, s15  }
0x16: {  	s18 =	sadd.s32 s0, s16;
	[dreg:$0xd] =	wrdreg s8;
	s21 =	sadd.s32 s0, s10  }
0x17: {  	s22 =	sadd.s32 s4, s16;
	s13 =	smov.u32 s11;
	[dreg:$0x12] =	wrdreg s6  }
0x18: {  	s8 =	sshll.u32 s23, $0x4;
	s10 =	simm.s32 $0x60;
	[dreg:$0xa] =	wrdreg s3  }
0x19: {  	s11 =	simm.s32 $0x16300;
	s15 =	simm.s32 $0xCB00;
	[dreg:$0xb] =	wrdreg s18  }
0x1a: {  	s16 =	simm.s32 $0x2;
	s3 =	sadd.s32 s1, s20;
	[dreg:$0xf] =	wrdreg s21  }
0x1b: {  	[dreg:$0x10] =	wrdreg s22;
	s22 =	smov.u32 s23;
	s26 =	sadd.s32 s0, s8  }
0x1c: {  	s8 =	simm.s32 $0x12F00;
	[dreg:$0xe] =	wrdreg s3;
	s3 =	sadd.s32 s4, s24  }
0x1d: {  	s20 =	simm.s32 $0x3;
	[dreg:$0x13] =	wrdreg s26;
	s28 =	sadd.s32 $0x25800, s3  }
0x1e: {  	s23 =	simm.s32 $0x5;
	s3 =	sadd.s32 $0x26480, s3;
	[dreg:$0x14] =	wrdreg s28  }
0x1f: {  	s24 =	simm.s32 $0x6;
	[dreg:$0x15] =	wrdreg s3;
	s3 =	simm.s32 $0x68  }
.LBB2_1:
0x20: {  	s6 =	rddreg [dreg:$0x5]  }
0x21: {  	[tilespmem:s5], [sflag:$0x1] =	stream.linear.gather [hbm4b:s6+s5], $0xC8, $0x38;
	[tilespmem:$0x19300] =	vst v63  }
0x22: {  	s25 =	rddreg [dreg:$0x6]  }
0x23: {  	[tilespmem:s29], [sflag:$0x1] =	stream.linear.gather [hbm4b:s25+s5], $0x6400, $0x38;
	[tilespmem:$0x19300] =	vst v63  }
0x24: {  	s26 =	rddreg [dreg:$0x7]  }
0x25: {  	[tilespmem:s30], [sflag:$0x2] =	stream.linear.gather [hbm4b:s26+s5], $0xC8, $0x38;
	[tilespmem:$0x19300] =	vst v63  }
0x26: {  	s28 =	rddreg [dreg:$0x8]  }
0x27: {  	[tilespmem:s31], [sflag:$0x2] =	stream.linear.gather [hbm4b:s28+s5], $0x6400, $0x38;
	[tilespmem:$0x19300] =	vst v63  }
0x28: {  	_ =	swait.ge [sflag:s2], $0x6400  }
0x29: {  	[sflag:s2] =	ssyncset.done $0x0  }
0x2a: {  	[sflag:s2] =	ssyncadd.s32 $0xFFFF9C00  }
0x2b: {  	_ =	swait.ge [sflag:s2], $0xC8  }
0x2c: {  	[sflag:s2] =	ssyncset.done $0x0  }
0x2d: {  	[sflag:s2] =	ssyncadd.s32 $0xFFFFFF38  }
0x2e: {  	[tilespmem:s8], [sflag:$0x7] =	stream.indirect.gather [hbm4b:s7+s3], $0x80, s5, s3, $0xb8;
	[tilespmem:$0x19300] =	vst v63  }
0x2f: {  	_ = 	snop  }
0x30: {  	[tilespmem:s11], [sflag:$0x7] =	stream.indirect.gather [hbm4b:s7+s10], $0x80, s3, s10, $0xb8;
	[tilespmem:$0x19300] =	vst v63  }
0x31: {  	_ =	swait.ge [sflag:s12], $0x3400  }
0x32: {  	[sflag:s12] =	ssyncset.done $0x0  }
0x33: {  	[sflag:s12] =	ssyncadd.s32 $0xFFFFCC00  }
0x34: {  	_ =	swait.ge [sflag:s12], $0x3000  }
0x35: {  	[sflag:s12] =	ssyncset.done $0x0  }
0x36: {  	s21 =	simm.s32 $0x400;
	[sflag:s12] =	ssyncadd.s32 $0xFFFFD000  }
0x37: {  	s25 =	simm.s32 $0x13000;
	v0 =	vld [tilespmem:s21+$0x80]  }
0x38: {  	v1 =	vld [tilespmem:s25+$0x80]  }
0x39: {  	v2 =	vld [tilespmem:s21+$0xFFFFFF80]  }
0x3a: {  	v3 =	vld [tilespmem:s25+$0xFFFFFF80]  }
0x3b: {  	v4 =	vld [tilespmem:s21+$0x0]  }
0x3c: {  	v5 =	vld [tilespmem:s25+$0x0]  }
0x3d: {  	v6 =	vld [tilespmem:s21+$0xFFFFFF00];
	v0 =	vadd.f32 v1, v0  }
0x3e: {  	v1 =	vld [tilespmem:s25+$0xFFFFFF00]  }
0x3f: {  	[tilespmem:s21+$0x80] =	vst v0;
	v0 =	vld [tilespmem:s21+$0x90]  }
0x40: {  	v2 =	vadd.f32 v3, v2;
	v3 =	vld [tilespmem:s25+$0x90]  }
0x41: {  	v7 =	vld [tilespmem:s21+$0xFFFFFF10]  }
0x42: {  	[tilespmem:s21+$0xFFFFFF80] =	vst v2;
	v2 =	vadd.f32 v5, v4;
	v4 =	vld [tilespmem:s21+$0xFFFFFF90]  }
0x43: {  	v5 =	vld [tilespmem:s25+$0xFFFFFF90];
	v1 =	vadd.f32 v1, v6  }
0x44: {  	[tilespmem:s21+$0x0] =	vst v2;
	v2 =	vld [tilespmem:s21+$0x10]  }
0x45: {  	v6 =	vld [tilespmem:s25+$0x10];
	[tilespmem:s21+$0xFFFFFF00] =	vst v1;
	v0 =	vadd.f32 v3, v0  }
0x46: {  	v1 =	vld [tilespmem:s25+$0xFFFFFF10]  }
0x47: {  	[tilespmem:s21+$0x90] =	vst v0;
	v0 =	vld [tilespmem:s21+$0xA0]  }
0x48: {  	v3 =	vadd.f32 v5, v4;
	v4 =	vld [tilespmem:s25+$0xA0]  }
0x49: {  	v5 =	vld [tilespmem:s21+$0xFFFFFF20]  }
0x4a: {  	[tilespmem:s21+$0xFFFFFF90] =	vst v3;
	v2 =	vadd.f32 v6, v2;
	v3 =	vld [tilespmem:s21+$0xFFFFFFA0]  }
0x4b: {  	v6 =	vld [tilespmem:s25+$0xFFFFFFA0];
	v1 =	vadd.f32 v1, v7  }
0x4c: {  	[tilespmem:s21+$0x10] =	vst v2;
	v2 =	vld [tilespmem:s21+$0x20]  }
0x4d: {  	v7 =	vld [tilespmem:s25+$0x20];
	[tilespmem:s21+$0xFFFFFF10] =	vst v1;
	v0 =	vadd.f32 v4, v0  }
0x4e: {  	v1 =	vld [tilespmem:s25+$0xFFFFFF20]  }
0x4f: {  	[tilespmem:s21+$0xA0] =	vst v0;
	v0 =	vld [tilespmem:s21+$0xB0]  }
0x50: {  	v3 =	vadd.f32 v6, v3;
	v4 =	vld [tilespmem:s25+$0xB0]  }
0x51: {  	v6 =	vld [tilespmem:s21+$0xFFFFFF30]  }
0x52: {  	[tilespmem:s21+$0xFFFFFFA0] =	vst v3;
	v2 =	vadd.f32 v7, v2;
	v3 =	vld [tilespmem:s21+$0xFFFFFFB0]  }
0x53: {  	v7 =	vld [tilespmem:s25+$0xFFFFFFB0];
	v1 =	vadd.f32 v1, v5  }
0x54: {  	[tilespmem:s21+$0x20] =	vst v2;
	v2 =	vld [tilespmem:s21+$0x30]  }
0x55: {  	v5 =	vld [tilespmem:s25+$0x30];
	[tilespmem:s21+$0xFFFFFF20] =	vst v1;
	v0 =	vadd.f32 v4, v0  }
0x56: {  	v1 =	vld [tilespmem:s25+$0xFFFFFF30]  }
0x57: {  	[tilespmem:s21+$0xB0] =	vst v0;
	v0 =	vld [tilespmem:s21+$0xC0]  }
0x58: {  	v3 =	vadd.f32 v7, v3;
	v4 =	vld [tilespmem:s25+$0xC0]  }
0x59: {  	v7 =	vld [tilespmem:s21+$0xFFFFFF40]  }
0x5a: {  	[tilespmem:s21+$0xFFFFFFB0] =	vst v3;
	v2 =	vadd.f32 v5, v2;
	v3 =	vld [tilespmem:s21+$0xFFFFFFC0]  }
0x5b: {  	v5 =	vld [tilespmem:s25+$0xFFFFFFC0];
	v1 =	vadd.f32 v1, v6  }
0x5c: {  	[tilespmem:s21+$0x30] =	vst v2;
	v2 =	vld [tilespmem:s21+$0x40]  }
0x5d: {  	v6 =	vld [tilespmem:s25+$0x40];
	[tilespmem:s21+$0xFFFFFF30] =	vst v1;
	v0 =	vadd.f32 v4, v0  }
0x5e: {  	v1 =	vld [tilespmem:s25+$0xFFFFFF40]  }
0x5f: {  	[tilespmem:s21+$0xC0] =	vst v0;
	v0 =	vld [tilespmem:s21+$0xD0]  }
0x60: {  	v3 =	vadd.f32 v5, v3;
	v4 =	vld [tilespmem:s25+$0xD0]  }
0x61: {  	v5 =	vld [tilespmem:s21+$0xFFFFFF50]  }
0x62: {  	[tilespmem:s21+$0xFFFFFFC0] =	vst v3;
	v2 =	vadd.f32 v6, v2;
	v3 =	vld [tilespmem:s21+$0xFFFFFFD0]  }
0x63: {  	v6 =	vld [tilespmem:s25+$0xFFFFFFD0];
	v1 =	vadd.f32 v1, v7  }
0x64: {  	[tilespmem:s21+$0x40] =	vst v2;
	v2 =	vld [tilespmem:s21+$0x50]  }
0x65: {  	v7 =	vld [tilespmem:s25+$0x50];
	[tilespmem:s21+$0xFFFFFF40] =	vst v1;
	v0 =	vadd.f32 v4, v0  }
0x66: {  	v1 =	vld [tilespmem:s25+$0xFFFFFF50]  }
0x67: {  	[tilespmem:s21+$0xD0] =	vst v0;
	v0 =	vld [tilespmem:s21+$0xE0]  }
0x68: {  	v3 =	vadd.f32 v6, v3;
	v4 =	vld [tilespmem:s25+$0xE0]  }
0x69: {  	v6 =	vld [tilespmem:s21+$0xFFFFFF60]  }
0x6a: {  	[tilespmem:s21+$0xFFFFFFD0] =	vst v3;
	v2 =	vadd.f32 v7, v2;
	v3 =	vld [tilespmem:s21+$0xFFFFFFE0]  }
0x6b: {  	v7 =	vld [tilespmem:s25+$0xFFFFFFE0];
	v1 =	vadd.f32 v1, v5  }
0x6c: {  	[tilespmem:s21+$0x50] =	vst v2;
	v2 =	vld [tilespmem:s21+$0x60]  }
0x6d: {  	v5 =	vld [tilespmem:s25+$0x60];
	[tilespmem:s21+$0xFFFFFF50] =	vst v1;
	v0 =	vadd.f32 v4, v0  }
0x6e: {  	v4 =	vld [tilespmem:s25+$0xFFFFFF60]  }
0x6f: {  	v8 =	vld [tilespmem:s21+$0xF0];
	[tilespmem:s21+$0xE0] =	vst v0  }
0x70: {  	v1 =	vadd.f32 v7, v3;
	v7 =	vld [tilespmem:s25+$0xF0]  }
0x71: {  	v0 =	vld [tilespmem:s21+$0xFFFFFF70]  }
0x72: {  	[tilespmem:s21+$0xFFFFFFE0] =	vst v1;
	v2 =	vadd.f32 v5, v2;
	v1 =	vld [tilespmem:s21+$0xFFFFFFF0]  }
0x73: {  	v3 =	vld [tilespmem:s25+$0xFFFFFFF0];
	v4 =	vadd.f32 v4, v6  }
0x74: {  	[tilespmem:s21+$0x60] =	vst v2;
	v2 =	vld [tilespmem:s21+$0x70]  }
0x75: {  	[tilespmem:s21+$0xFFFFFF60] =	vst v4;
	v4 =	vld [tilespmem:s25+$0x70];
	v6 =	vadd.f32 v7, v8  }
0x76: {  	s18 =	simm.s32 $0x0;
	s6 =	simm.s32 $0x600;
	v5 =	vld [tilespmem:s25+$0xFFFFFF70]  }
.LBB2_2:
0x77: {  	v7 =	vld [tilespmem:s6+$0x80];
	[tilespmem:s21+$0xF0] =	vst v6;
	s25 =	sadd.s32 $0x200, s25  }
0x78: {  	s18 =	sadd.s32 $0x4, s18;
	v6 =	vld [tilespmem:s25+$0x80];
	v1 =	vadd.f32 v3, v1  }
0x79: {  	p0 =	slt.u32 s18, $0xC4;
	v3 =	vld [tilespmem:s25+$0xFFFFFF00]  }
0x7a: {  	v8 =	vld [tilespmem:s6+$0xFFFFFF80];
	[tilespmem:s21+$0xFFFFFFF0] =	vst v1;
	v1 =	vadd.f32 v4, v2  }
0x7b: {  	v2 =	vld [tilespmem:s25+$0xFFFFFF80];
	v0 =	vadd.f32 v5, v0  }
0x7c: {  	v4 =	vld [tilespmem:s6+$0x0];
	[tilespmem:s21+$0x70] =	vst v1  }
0x7d: {  	v1 =	vld [tilespmem:s25+$0x0];
	v5 =	vadd.f32 v6, v7;
	[tilespmem:s21+$0xFFFFFF70] =	vst v0;
	s21 =	smov.u32 s6  }
0x7e: {  	v0 =	vld [tilespmem:s6+$0xFFFFFF00]  }
0x7f: {  	[tilespmem:s6+$0x80] =	vst v5;
	v5 =	vld [tilespmem:s6+$0x90]  }
0x80: {  	v2 =	vadd.f32 v2, v8;
	v6 =	vld [tilespmem:s25+$0x90]  }
0x81: {  	v7 =	vld [tilespmem:s6+$0xFFFFFF10]  }
0x82: {  	[tilespmem:s6+$0xFFFFFF80] =	vst v2;
	v2 =	vld [tilespmem:s6+$0xFFFFFF90];
	v1 =	vadd.f32 v1, v4  }
0x83: {  	v0 =	vadd.f32 v3, v0;
	v3 =	vld [tilespmem:s25+$0xFFFFFF90]  }
0x84: {  	[tilespmem:s6+$0x0] =	vst v1;
	v1 =	vld [tilespmem:s6+$0x10]  }
0x85: {  	[tilespmem:s6+$0xFFFFFF00] =	vst v0;
	v0 =	vld [tilespmem:s25+$0x10];
	v4 =	vadd.f32 v6, v5  }
0x86: {  	v5 =	vld [tilespmem:s25+$0xFFFFFF10]  }
0x87: {  	[tilespmem:s6+$0x90] =	vst v4;
	v4 =	vld [tilespmem:s6+$0xA0]  }
0x88: {  	v2 =	vadd.f32 v3, v2;
	v3 =	vld [tilespmem:s25+$0xA0]  }
0x89: {  	v6 =	vld [tilespmem:s6+$0xFFFFFF20]  }
0x8a: {  	[tilespmem:s6+$0xFFFFFF90] =	vst v2;
	v2 =	vld [tilespmem:s6+$0xFFFFFFA0];
	v0 =	vadd.f32 v0, v1  }
0x8b: {  	v1 =	vadd.f32 v5, v7;
	v5 =	vld [tilespmem:s25+$0xFFFFFFA0]  }
0x8c: {  	[tilespmem:s6+$0x10] =	vst v0;
	v0 =	vld [tilespmem:s6+$0x20]  }
0x8d: {  	[tilespmem:s6+$0xFFFFFF10] =	vst v1;
	v1 =	vld [tilespmem:s25+$0x20];
	v3 =	vadd.f32 v3, v4  }
0x8e: {  	v4 =	vld [tilespmem:s25+$0xFFFFFF20]  }
0x8f: {  	[tilespmem:s6+$0xA0] =	vst v3;
	v3 =	vld [tilespmem:s6+$0xB0]  }
0x90: {  	v2 =	vadd.f32 v5, v2;
	v5 =	vld [tilespmem:s25+$0xB0]  }
0x91: {  	v7 =	vld [tilespmem:s6+$0xFFFFFF30]  }
0x92: {  	[tilespmem:s6+$0xFFFFFFA0] =	vst v2;
	v2 =	vld [tilespmem:s6+$0xFFFFFFB0];
	v0 =	vadd.f32 v1, v0  }
0x93: {  	v1 =	vadd.f32 v4, v6;
	v4 =	vld [tilespmem:s25+$0xFFFFFFB0]  }
0x94: {  	[tilespmem:s6+$0x20] =	vst v0;
	v0 =	vld [tilespmem:s6+$0x30]  }
0x95: {  	[tilespmem:s6+$0xFFFFFF20] =	vst v1;
	v1 =	vld [tilespmem:s25+$0x30];
	v3 =	vadd.f32 v5, v3  }
0x96: {  	v5 =	vld [tilespmem:s25+$0xFFFFFF30]  }
0x97: {  	[tilespmem:s6+$0xB0] =	vst v3;
	v3 =	vld [tilespmem:s6+$0xC0]  }
0x98: {  	v2 =	vadd.f32 v4, v2;
	v4 =	vld [tilespmem:s25+$0xC0]  }
0x99: {  	v6 =	vld [tilespmem:s6+$0xFFFFFF40]  }
0x9a: {  	[tilespmem:s6+$0xFFFFFFB0] =	vst v2;
	v2 =	vld [tilespmem:s6+$0xFFFFFFC0];
	v0 =	vadd.f32 v1, v0  }
0x9b: {  	v1 =	vadd.f32 v5, v7;
	v5 =	vld [tilespmem:s25+$0xFFFFFFC0]  }
0x9c: {  	[tilespmem:s6+$0x30] =	vst v0;
	v0 =	vld [tilespmem:s6+$0x40]  }
0x9d: {  	[tilespmem:s6+$0xFFFFFF30] =	vst v1;
	v1 =	vld [tilespmem:s25+$0x40];
	v3 =	vadd.f32 v4, v3  }
0x9e: {  	v4 =	vld [tilespmem:s25+$0xFFFFFF40]  }
0x9f: {  	[tilespmem:s6+$0xC0] =	vst v3;
	v3 =	vld [tilespmem:s6+$0xD0]  }
0xa0: {  	v2 =	vadd.f32 v5, v2;
	v5 =	vld [tilespmem:s25+$0xD0]  }
0xa1: {  	v7 =	vld [tilespmem:s6+$0xFFFFFF50]  }
0xa2: {  	[tilespmem:s6+$0xFFFFFFC0] =	vst v2;
	v2 =	vld [tilespmem:s6+$0xFFFFFFD0];
	v0 =	vadd.f32 v1, v0  }
0xa3: {  	v1 =	vadd.f32 v4, v6;
	v4 =	vld [tilespmem:s25+$0xFFFFFFD0]  }
0xa4: {  	[tilespmem:s6+$0x40] =	vst v0;
	v0 =	vld [tilespmem:s6+$0x50]  }
0xa5: {  	[tilespmem:s6+$0xFFFFFF40] =	vst v1;
	v1 =	vld [tilespmem:s25+$0x50];
	v3 =	vadd.f32 v5, v3  }
0xa6: {  	v5 =	vld [tilespmem:s25+$0xFFFFFF50]  }
0xa7: {  	[tilespmem:s6+$0xD0] =	vst v3;
	v3 =	vld [tilespmem:s6+$0xE0]  }
0xa8: {  	v2 =	vadd.f32 v4, v2;
	v4 =	vld [tilespmem:s25+$0xE0]  }
0xa9: {  	v6 =	vld [tilespmem:s6+$0xFFFFFF60]  }
0xaa: {  	[tilespmem:s6+$0xFFFFFFD0] =	vst v2;
	v2 =	vld [tilespmem:s6+$0xFFFFFFE0];
	v0 =	vadd.f32 v1, v0  }
0xab: {  	v1 =	vadd.f32 v5, v7;
	v5 =	vld [tilespmem:s25+$0xFFFFFFE0]  }
0xac: {  	[tilespmem:s6+$0x50] =	vst v0;
	v7 =	vld [tilespmem:s6+$0x60]  }
0xad: {  	[tilespmem:s6+$0xFFFFFF50] =	vst v1;
	v8 =	vld [tilespmem:s25+$0x60];
	v0 =	vadd.f32 v4, v3  }
0xae: {  	v3 =	vld [tilespmem:s25+$0xFFFFFF60]  }
0xaf: {  	[tilespmem:s6+$0xE0] =	vst v0;
	v9 =	vld [tilespmem:s6+$0xF0]  }
0xb0: {  	v1 =	vadd.f32 v5, v2;
	v5 =	vld [tilespmem:s25+$0xF0]  }
0xb1: {  	v0 =	vld [tilespmem:s6+$0xFFFFFF70]  }
.Ltmp0:
0xb2: {  	[tilespmem:s6+$0xFFFFFFE0] =	vst v1;
	v1 =	vld [tilespmem:s6+$0xFFFFFFF0];
	v2 =	vadd.f32 v8, v7;
	(pc) =	sbr.rel @p0 .LBB2_2-.Ltmp0, $4  }
0xb3: {  	v4 =	vadd.f32 v3, v6;
	v3 =	vld [tilespmem:s25+$0xFFFFFFF0]  }
0xb4: {  	[tilespmem:s6+$0x60] =	vst v2;
	v2 =	vld [tilespmem:s6+$0x70]  }
0xb5: {  	[tilespmem:s6+$0xFFFFFF60] =	vst v4;
	v4 =	vld [tilespmem:s25+$0x70];
	v6 =	vadd.f32 v5, v9  }
0xb6: {  	s6 =	sadd.s32 $0x200, s6;
	v5 =	vld [tilespmem:s25+$0xFFFFFF70]  }
0xb7: {  	_ =	sdelay $0x1  }
0xb8: {  	v1 =	vadd.f32 v3, v1  }
0xb9: {  	[tilespmem:s21+$0xF0] =	vst v6;
	v2 =	vadd.f32 v4, v2  }
0xba: {  	[tilespmem:s21+$0xFFFFFFF0] =	vst v1;
	v0 =	vadd.f32 v5, v0  }
0xbb: {  	[tilespmem:s21+$0x70] =	vst v2  }
0xbc: {  	[tilespmem:s21+$0xFFFFFF70] =	vst v0  }
0xbd: {  	s6 =	rddreg [dreg:$0x9]  }
0xbe: {  	[hbm4b:s6+s5] =	stream.linear.scatter [tilespmem:s29], [sflag:$0x4], $0x6400, $0x38;
	[tilespmem:$0x19300] =	vst v63  }
0xbf: {  	s25 =	rddreg [dreg:$0xa]  }
0xc0: {  	[tilespmem:s14], [sflag:$0x3] =	stream.linear.gather [hbm4b:s25+s5], $0xC8, $0x38;
	[tilespmem:$0x19300] =	vst v63  }
0xc1: {  	s26 =	rddreg [dreg:$0xb]  }
0xc2: {  	[tilespmem:s15], [sflag:$0x3] =	stream.linear.gather [hbm4b:s26+s5], $0x6400, $0x38;
	[tilespmem:$0x19300] =	vst v63  }
0xc3: {  	_ =	swait.ge [sflag:s16], $0x6400  }
0xc4: {  	[sflag:s16] =	ssyncset.done $0x0  }
0xc5: {  	[sflag:s16] =	ssyncadd.s32 $0xFFFF9C00  }
0xc6: {  	_ =	swait.ge [sflag:s16], $0xC8  }
0xc7: {  	[sflag:s16] =	ssyncset.done $0x0  }
0xc8: {  	[sflag:s16] =	ssyncadd.s32 $0xFFFFFF38  }
0xc9: {  	[tilespmem:s8], [sflag:$0x7] =	stream.indirect.gather [hbm4b:s7+s3], $0x80, s30, s3, $0xb8;
	[tilespmem:$0x19300] =	vst v63  }
0xca: {  	s28 =	simm.s32 $0x168  }
0xcb: {  	[tilespmem:s11], [sflag:$0x7] =	stream.indirect.gather [hbm4b:s7+s10], $0x80, s28, s10, $0xb8;
	[tilespmem:$0x19300] =	vst v63  }
0xcc: {  	_ =	swait.ge [sflag:s12], $0x3400  }
0xcd: {  	[sflag:s12] =	ssyncset.done $0x0  }
0xce: {  	[sflag:s12] =	ssyncadd.s32 $0xFFFFCC00  }
0xcf: {  	_ =	swait.ge [sflag:s12], $0x3000  }
0xd0: {  	[sflag:s12] =	ssyncset.done $0x0  }
0xd1: {  	s21 =	simm.s32 $0x6800;
	[sflag:s12] =	ssyncadd.s32 $0xFFFFD000  }
0xd2: {  	s25 =	simm.s32 $0x13000;
	v0 =	vld [tilespmem:s21+$0x80]  }
0xd3: {  	v1 =	vld [tilespmem:s25+$0x80]  }
0xd4: {  	v2 =	vld [tilespmem:s21+$0xFFFFFF80]  }
0xd5: {  	v3 =	vld [tilespmem:s25+$0xFFFFFF80]  }
0xd6: {  	v4 =	vld [tilespmem:s21+$0x0]  }
0xd7: {  	v5 =	vld [tilespmem:s25+$0x0]  }
0xd8: {  	v6 =	vld [tilespmem:s21+$0xFFFFFF00];
	v0 =	vadd.f32 v1, v0  }
0xd9: {  	v1 =	vld [tilespmem:s25+$0xFFFFFF00]  }
0xda: {  	[tilespmem:s21+$0x80] =	vst v0;
	v0 =	vld [tilespmem:s21+$0x90]  }
0xdb: {  	v2 =	vadd.f32 v3, v2;
	v3 =	vld [tilespmem:s25+$0x90]  }
0xdc: {  	v7 =	vld [tilespmem:s21+$0xFFFFFF10]  }
0xdd: {  	[tilespmem:s21+$0xFFFFFF80] =	vst v2;
	v2 =	vadd.f32 v5, v4;
	v4 =	vld [tilespmem:s21+$0xFFFFFF90]  }
0xde: {  	v5 =	vld [tilespmem:s25+$0xFFFFFF90];
	v1 =	vadd.f32 v1, v6  }
0xdf: {  	[tilespmem:s21+$0x0] =	vst v2;
	v2 =	vld [tilespmem:s21+$0x10]  }
0xe0: {  	v6 =	vld [tilespmem:s25+$0x10];
	[tilespmem:s21+$0xFFFFFF00] =	vst v1;
	v0 =	vadd.f32 v3, v0  }
0xe1: {  	v1 =	vld [tilespmem:s25+$0xFFFFFF10]  }
0xe2: {  	[tilespmem:s21+$0x90] =	vst v0;
	v0 =	vld [tilespmem:s21+$0xA0]  }
0xe3: {  	v3 =	vadd.f32 v5, v4;
	v4 =	vld [tilespmem:s25+$0xA0]  }
0xe4: {  	v5 =	vld [tilespmem:s21+$0xFFFFFF20]  }
0xe5: {  	[tilespmem:s21+$0xFFFFFF90] =	vst v3;
	v2 =	vadd.f32 v6, v2;
	v3 =	vld [tilespmem:s21+$0xFFFFFFA0]  }
0xe6: {  	v6 =	vld [tilespmem:s25+$0xFFFFFFA0];
	v1 =	vadd.f32 v1, v7  }
0xe7: {  	[tilespmem:s21+$0x10] =	vst v2;
	v2 =	vld [tilespmem:s21+$0x20]  }
0xe8: {  	v7 =	vld [tilespmem:s25+$0x20];
	[tilespmem:s21+$0xFFFFFF10] =	vst v1;
	v0 =	vadd.f32 v4, v0  }
0xe9: {  	v1 =	vld [tilespmem:s25+$0xFFFFFF20]  }
0xea: {  	[tilespmem:s21+$0xA0] =	vst v0;
	v0 =	vld [tilespmem:s21+$0xB0]  }
0xeb: {  	v3 =	vadd.f32 v6, v3;
	v4 =	vld [tilespmem:s25+$0xB0]  }
0xec: {  	v6 =	vld [tilespmem:s21+$0xFFFFFF30]  }
0xed: {  	[tilespmem:s21+$0xFFFFFFA0] =	vst v3;
	v2 =	vadd.f32 v7, v2;
	v3 =	vld [tilespmem:s21+$0xFFFFFFB0]  }
0xee: {  	v7 =	vld [tilespmem:s25+$0xFFFFFFB0];
	v1 =	vadd.f32 v1, v5  }
0xef: {  	[tilespmem:s21+$0x20] =	vst v2;
	v2 =	vld [tilespmem:s21+$0x30]  }
0xf0: {  	v5 =	vld [tilespmem:s25+$0x30];
	[tilespmem:s21+$0xFFFFFF20] =	vst v1;
	v0 =	vadd.f32 v4, v0  }
0xf1: {  	v1 =	vld [tilespmem:s25+$0xFFFFFF30]  }
0xf2: {  	[tilespmem:s21+$0xB0] =	vst v0;
	v0 =	vld [tilespmem:s21+$0xC0]  }
0xf3: {  	v3 =	vadd.f32 v7, v3;
	v4 =	vld [tilespmem:s25+$0xC0]  }
0xf4: {  	v7 =	vld [tilespmem:s21+$0xFFFFFF40]  }
0xf5: {  	[tilespmem:s21+$0xFFFFFFB0] =	vst v3;
	v2 =	vadd.f32 v5, v2;
	v3 =	vld [tilespmem:s21+$0xFFFFFFC0]  }
0xf6: {  	v5 =	vld [tilespmem:s25+$0xFFFFFFC0];
	v1 =	vadd.f32 v1, v6  }
0xf7: {  	[tilespmem:s21+$0x30] =	vst v2;
	v2 =	vld [tilespmem:s21+$0x40]  }
0xf8: {  	v6 =	vld [tilespmem:s25+$0x40];
	[tilespmem:s21+$0xFFFFFF30] =	vst v1;
	v0 =	vadd.f32 v4, v0  }
0xf9: {  	v1 =	vld [tilespmem:s25+$0xFFFFFF40]  }
0xfa: {  	[tilespmem:s21+$0xC0] =	vst v0;
	v0 =	vld [tilespmem:s21+$0xD0]  }
0xfb: {  	v3 =	vadd.f32 v5, v3;
	v4 =	vld [tilespmem:s25+$0xD0]  }
0xfc: {  	v5 =	vld [tilespmem:s21+$0xFFFFFF50]  }
0xfd: {  	[tilespmem:s21+$0xFFFFFFC0] =	vst v3;
	v2 =	vadd.f32 v6, v2;
	v3 =	vld [tilespmem:s21+$0xFFFFFFD0]  }
0xfe: {  	v6 =	vld [tilespmem:s25+$0xFFFFFFD0];
	v1 =	vadd.f32 v1, v7  }
0xff: {  	[tilespmem:s21+$0x40] =	vst v2;
	v2 =	vld [tilespmem:s21+$0x50]  }
0x100: {  	v7 =	vld [tilespmem:s25+$0x50];
	[tilespmem:s21+$0xFFFFFF40] =	vst v1;
	v0 =	vadd.f32 v4, v0  }
0x101: {  	v1 =	vld [tilespmem:s25+$0xFFFFFF50]  }
0x102: {  	[tilespmem:s21+$0xD0] =	vst v0;
	v0 =	vld [tilespmem:s21+$0xE0]  }
0x103: {  	v3 =	vadd.f32 v6, v3;
	v4 =	vld [tilespmem:s25+$0xE0]  }
0x104: {  	v6 =	vld [tilespmem:s21+$0xFFFFFF60]  }
0x105: {  	[tilespmem:s21+$0xFFFFFFD0] =	vst v3;
	v2 =	vadd.f32 v7, v2;
	v3 =	vld [tilespmem:s21+$0xFFFFFFE0]  }
0x106: {  	v7 =	vld [tilespmem:s25+$0xFFFFFFE0];
	v1 =	vadd.f32 v1, v5  }
0x107: {  	[tilespmem:s21+$0x50] =	vst v2;
	v2 =	vld [tilespmem:s21+$0x60]  }
0x108: {  	v5 =	vld [tilespmem:s25+$0x60];
	[tilespmem:s21+$0xFFFFFF50] =	vst v1;
	v0 =	vadd.f32 v4, v0  }
0x109: {  	v4 =	vld [tilespmem:s25+$0xFFFFFF60]  }
0x10a: {  	v8 =	vld [tilespmem:s21+$0xF0];
	[tilespmem:s21+$0xE0] =	vst v0  }
0x10b: {  	v1 =	vadd.f32 v7, v3;
	v7 =	vld [tilespmem:s25+$0xF0]  }
0x10c: {  	v0 =	vld [tilespmem:s21+$0xFFFFFF70]  }
0x10d: {  	[tilespmem:s21+$0xFFFFFFE0] =	vst v1;
	v2 =	vadd.f32 v5, v2;
	v1 =	vld [tilespmem:s21+$0xFFFFFFF0]  }
0x10e: {  	v3 =	vld [tilespmem:s25+$0xFFFFFFF0];
	v4 =	vadd.f32 v4, v6  }
0x10f: {  	[tilespmem:s21+$0x60] =	vst v2;
	v2 =	vld [tilespmem:s21+$0x70]  }
0x110: {  	[tilespmem:s21+$0xFFFFFF60] =	vst v4;
	v4 =	vld [tilespmem:s25+$0x70];
	v6 =	vadd.f32 v7, v8  }
0x111: {  	s18 =	simm.s32 $0x0;
	s6 =	simm.s32 $0x6A00;
	v5 =	vld [tilespmem:s25+$0xFFFFFF70]  }
.LBB2_4:
0x112: {  	v7 =	vld [tilespmem:s6+$0x80];
	[tilespmem:s21+$0xF0] =	vst v6;
	s25 =	sadd.s32 $0x200, s25  }
0x113: {  	s18 =	sadd.s32 $0x4, s18;
	v6 =	vld [tilespmem:s25+$0x80];
	v1 =	vadd.f32 v3, v1  }
0x114: {  	p0 =	slt.u32 s18, $0xC4;
	v3 =	vld [tilespmem:s25+$0xFFFFFF00]  }
0x115: {  	v8 =	vld [tilespmem:s6+$0xFFFFFF80];
	[tilespmem:s21+$0xFFFFFFF0] =	vst v1;
	v1 =	vadd.f32 v4, v2  }
0x116: {  	v2 =	vld [tilespmem:s25+$0xFFFFFF80];
	v0 =	vadd.f32 v5, v0  }
0x117: {  	v4 =	vld [tilespmem:s6+$0x0];
	[tilespmem:s21+$0x70] =	vst v1  }
0x118: {  	v1 =	vld [tilespmem:s25+$0x0];
	v5 =	vadd.f32 v6, v7;
	[tilespmem:s21+$0xFFFFFF70] =	vst v0;
	s21 =	smov.u32 s6  }
0x119: {  	v0 =	vld [tilespmem:s6+$0xFFFFFF00]  }
0x11a: {  	[tilespmem:s6+$0x80] =	vst v5;
	v5 =	vld [tilespmem:s6+$0x90]  }
0x11b: {  	v2 =	vadd.f32 v2, v8;
	v6 =	vld [tilespmem:s25+$0x90]  }
0x11c: {  	v7 =	vld [tilespmem:s6+$0xFFFFFF10]  }
0x11d: {  	[tilespmem:s6+$0xFFFFFF80] =	vst v2;
	v2 =	vld [tilespmem:s6+$0xFFFFFF90];
	v1 =	vadd.f32 v1, v4  }
0x11e: {  	v0 =	vadd.f32 v3, v0;
	v3 =	vld [tilespmem:s25+$0xFFFFFF90]  }
0x11f: {  	[tilespmem:s6+$0x0] =	vst v1;
	v1 =	vld [tilespmem:s6+$0x10]  }
0x120: {  	[tilespmem:s6+$0xFFFFFF00] =	vst v0;
	v0 =	vld [tilespmem:s25+$0x10];
	v4 =	vadd.f32 v6, v5  }
0x121: {  	v5 =	vld [tilespmem:s25+$0xFFFFFF10]  }
0x122: {  	[tilespmem:s6+$0x90] =	vst v4;
	v4 =	vld [tilespmem:s6+$0xA0]  }
0x123: {  	v2 =	vadd.f32 v3, v2;
	v3 =	vld [tilespmem:s25+$0xA0]  }
0x124: {  	v6 =	vld [tilespmem:s6+$0xFFFFFF20]  }
0x125: {  	[tilespmem:s6+$0xFFFFFF90] =	vst v2;
	v2 =	vld [tilespmem:s6+$0xFFFFFFA0];
	v0 =	vadd.f32 v0, v1  }
0x126: {  	v1 =	vadd.f32 v5, v7;
	v5 =	vld [tilespmem:s25+$0xFFFFFFA0]  }
0x127: {  	[tilespmem:s6+$0x10] =	vst v0;
	v0 =	vld [tilespmem:s6+$0x20]  }
0x128: {  	[tilespmem:s6+$0xFFFFFF10] =	vst v1;
	v1 =	vld [tilespmem:s25+$0x20];
	v3 =	vadd.f32 v3, v4  }
0x129: {  	v4 =	vld [tilespmem:s25+$0xFFFFFF20]  }
0x12a: {  	[tilespmem:s6+$0xA0] =	vst v3;
	v3 =	vld [tilespmem:s6+$0xB0]  }
0x12b: {  	v2 =	vadd.f32 v5, v2;
	v5 =	vld [tilespmem:s25+$0xB0]  }
0x12c: {  	v7 =	vld [tilespmem:s6+$0xFFFFFF30]  }
0x12d: {  	[tilespmem:s6+$0xFFFFFFA0] =	vst v2;
	v2 =	vld [tilespmem:s6+$0xFFFFFFB0];
	v0 =	vadd.f32 v1, v0  }
0x12e: {  	v1 =	vadd.f32 v4, v6;
	v4 =	vld [tilespmem:s25+$0xFFFFFFB0]  }
0x12f: {  	[tilespmem:s6+$0x20] =	vst v0;
	v0 =	vld [tilespmem:s6+$0x30]  }
0x130: {  	[tilespmem:s6+$0xFFFFFF20] =	vst v1;
	v1 =	vld [tilespmem:s25+$0x30];
	v3 =	vadd.f32 v5, v3  }
0x131: {  	v5 =	vld [tilespmem:s25+$0xFFFFFF30]  }
0x132: {  	[tilespmem:s6+$0xB0] =	vst v3;
	v3 =	vld [tilespmem:s6+$0xC0]  }
0x133: {  	v2 =	vadd.f32 v4, v2;
	v4 =	vld [tilespmem:s25+$0xC0]  }
0x134: {  	v6 =	vld [tilespmem:s6+$0xFFFFFF40]  }
0x135: {  	[tilespmem:s6+$0xFFFFFFB0] =	vst v2;
	v2 =	vld [tilespmem:s6+$0xFFFFFFC0];
	v0 =	vadd.f32 v1, v0  }
0x136: {  	v1 =	vadd.f32 v5, v7;
	v5 =	vld [tilespmem:s25+$0xFFFFFFC0]  }
0x137: {  	[tilespmem:s6+$0x30] =	vst v0;
	v0 =	vld [tilespmem:s6+$0x40]  }
0x138: {  	[tilespmem:s6+$0xFFFFFF30] =	vst v1;
	v1 =	vld [tilespmem:s25+$0x40];
	v3 =	vadd.f32 v4, v3  }
0x139: {  	v4 =	vld [tilespmem:s25+$0xFFFFFF40]  }
0x13a: {  	[tilespmem:s6+$0xC0] =	vst v3;
	v3 =	vld [tilespmem:s6+$0xD0]  }
0x13b: {  	v2 =	vadd.f32 v5, v2;
	v5 =	vld [tilespmem:s25+$0xD0]  }
0x13c: {  	v7 =	vld [tilespmem:s6+$0xFFFFFF50]  }
0x13d: {  	[tilespmem:s6+$0xFFFFFFC0] =	vst v2;
	v2 =	vld [tilespmem:s6+$0xFFFFFFD0];
	v0 =	vadd.f32 v1, v0  }
0x13e: {  	v1 =	vadd.f32 v4, v6;
	v4 =	vld [tilespmem:s25+$0xFFFFFFD0]  }
0x13f: {  	[tilespmem:s6+$0x40] =	vst v0;
	v0 =	vld [tilespmem:s6+$0x50]  }
0x140: {  	[tilespmem:s6+$0xFFFFFF40] =	vst v1;
	v1 =	vld [tilespmem:s25+$0x50];
	v3 =	vadd.f32 v5, v3  }
0x141: {  	v5 =	vld [tilespmem:s25+$0xFFFFFF50]  }
0x142: {  	[tilespmem:s6+$0xD0] =	vst v3;
	v3 =	vld [tilespmem:s6+$0xE0]  }
0x143: {  	v2 =	vadd.f32 v4, v2;
	v4 =	vld [tilespmem:s25+$0xE0]  }
0x144: {  	v6 =	vld [tilespmem:s6+$0xFFFFFF60]  }
0x145: {  	[tilespmem:s6+$0xFFFFFFD0] =	vst v2;
	v2 =	vld [tilespmem:s6+$0xFFFFFFE0];
	v0 =	vadd.f32 v1, v0  }
0x146: {  	v1 =	vadd.f32 v5, v7;
	v5 =	vld [tilespmem:s25+$0xFFFFFFE0]  }
0x147: {  	[tilespmem:s6+$0x50] =	vst v0;
	v7 =	vld [tilespmem:s6+$0x60]  }
0x148: {  	[tilespmem:s6+$0xFFFFFF50] =	vst v1;
	v8 =	vld [tilespmem:s25+$0x60];
	v0 =	vadd.f32 v4, v3  }
0x149: {  	v3 =	vld [tilespmem:s25+$0xFFFFFF60]  }
0x14a: {  	[tilespmem:s6+$0xE0] =	vst v0;
	v9 =	vld [tilespmem:s6+$0xF0]  }
0x14b: {  	v1 =	vadd.f32 v5, v2;
	v5 =	vld [tilespmem:s25+$0xF0]  }
0x14c: {  	v0 =	vld [tilespmem:s6+$0xFFFFFF70]  }
.Ltmp1:
0x14d: {  	[tilespmem:s6+$0xFFFFFFE0] =	vst v1;
	v1 =	vld [tilespmem:s6+$0xFFFFFFF0];
	v2 =	vadd.f32 v8, v7;
	(pc) =	sbr.rel @p0 .LBB2_4-.Ltmp1, $4  }
0x14e: {  	v4 =	vadd.f32 v3, v6;
	v3 =	vld [tilespmem:s25+$0xFFFFFFF0]  }
0x14f: {  	[tilespmem:s6+$0x60] =	vst v2;
	v2 =	vld [tilespmem:s6+$0x70]  }
0x150: {  	[tilespmem:s6+$0xFFFFFF60] =	vst v4;
	v4 =	vld [tilespmem:s25+$0x70];
	v6 =	vadd.f32 v5, v9  }
0x151: {  	s6 =	sadd.s32 $0x200, s6;
	v5 =	vld [tilespmem:s25+$0xFFFFFF70]  }
0x152: {  	_ =	sdelay $0x1  }
0x153: {  	v1 =	vadd.f32 v3, v1  }
0x154: {  	[tilespmem:s21+$0xF0] =	vst v6;
	v2 =	vadd.f32 v4, v2  }
0x155: {  	[tilespmem:s21+$0xFFFFFFF0] =	vst v1;
	v0 =	vadd.f32 v5, v0  }
0x156: {  	[tilespmem:s21+$0x70] =	vst v2  }
0x157: {  	[tilespmem:s21+$0xFFFFFF70] =	vst v0  }
0x158: {  	s6 =	rddreg [dreg:$0xd]  }
0x159: {  	[hbm4b:s6+s5] =	stream.linear.scatter [tilespmem:s31], [sflag:$0x5], $0x6400, $0x38;
	[tilespmem:$0x19300] =	vst v63  }
0x15a: {  	_ =	swait.ge [sflag:s19], $0x6400  }
0x15b: {  	[sflag:s19] =	ssyncset.done $0x0  }
0x15c: {  	s25 =	rddreg [dreg:$0xe];
	[sflag:s19] =	ssyncadd.s32 $0xFFFF9C00  }
0x15d: {  	[tilespmem:s5], [sflag:$0x1] =	stream.linear.gather [hbm4b:s25+s5], $0xC8, $0x38;
	[tilespmem:$0x19300] =	vst v63  }
0x15e: {  	s26 =	rddreg [dreg:$0xf]  }
0x15f: {  	[tilespmem:s29], [sflag:$0x1] =	stream.linear.gather [hbm4b:s26+s5], $0x6400, $0x38;
	[tilespmem:$0x19300] =	vst v63  }
0x160: {  	_ =	swait.ge [sflag:s20], $0x6400  }
0x161: {  	[sflag:s20] =	ssyncset.done $0x0  }
0x162: {  	[sflag:s20] =	ssyncadd.s32 $0xFFFF9C00  }
0x163: {  	_ =	swait.ge [sflag:s20], $0xC8  }
0x164: {  	[sflag:s20] =	ssyncset.done $0x0  }
0x165: {  	[sflag:s20] =	ssyncadd.s32 $0xFFFFFF38  }
0x166: {  	[tilespmem:s8], [sflag:$0x7] =	stream.indirect.gather [hbm4b:s7+s3], $0x80, s14, s3, $0xb8;
	[tilespmem:$0x19300] =	vst v63  }
0x167: {  	s28 =	simm.s32 $0x268  }
0x168: {  	[tilespmem:s11], [sflag:$0x7] =	stream.indirect.gather [hbm4b:s7+s10], $0x80, s28, s10, $0xb8;
	[tilespmem:$0x19300] =	vst v63  }
0x169: {  	_ =	swait.ge [sflag:s12], $0x3400  }
0x16a: {  	[sflag:s12] =	ssyncset.done $0x0  }
0x16b: {  	[sflag:s12] =	ssyncadd.s32 $0xFFFFCC00  }
0x16c: {  	_ =	swait.ge [sflag:s12], $0x3000  }
0x16d: {  	[sflag:s12] =	ssyncset.done $0x0  }
0x16e: {  	s21 =	simm.s32 $0xCC00;
	[sflag:s12] =	ssyncadd.s32 $0xFFFFD000  }
0x16f: {  	s25 =	simm.s32 $0x13000;
	v0 =	vld [tilespmem:s21+$0x80]  }
0x170: {  	v1 =	vld [tilespmem:s25+$0x80]  }
0x171: {  	v2 =	vld [tilespmem:s21+$0xFFFFFF80]  }
0x172: {  	v3 =	vld [tilespmem:s25+$0xFFFFFF80]  }
0x173: {  	v4 =	vld [tilespmem:s21+$0x0]  }
0x174: {  	v5 =	vld [tilespmem:s25+$0x0]  }
0x175: {  	v6 =	vld [tilespmem:s21+$0xFFFFFF00];
	v0 =	vadd.f32 v1, v0  }
0x176: {  	v1 =	vld [tilespmem:s25+$0xFFFFFF00]  }
0x177: {  	[tilespmem:s21+$0x80] =	vst v0;
	v0 =	vld [tilespmem:s21+$0x90]  }
0x178: {  	v2 =	vadd.f32 v3, v2;
	v3 =	vld [tilespmem:s25+$0x90]  }
0x179: {  	v7 =	vld [tilespmem:s21+$0xFFFFFF10]  }
0x17a: {  	[tilespmem:s21+$0xFFFFFF80] =	vst v2;
	v2 =	vadd.f32 v5, v4;
	v4 =	vld [tilespmem:s21+$0xFFFFFF90]  }
0x17b: {  	v5 =	vld [tilespmem:s25+$0xFFFFFF90];
	v1 =	vadd.f32 v1, v6  }
0x17c: {  	[tilespmem:s21+$0x0] =	vst v2;
	v2 =	vld [tilespmem:s21+$0x10]  }
0x17d: {  	v6 =	vld [tilespmem:s25+$0x10];
	[tilespmem:s21+$0xFFFFFF00] =	vst v1;
	v0 =	vadd.f32 v3, v0  }
0x17e: {  	v1 =	vld [tilespmem:s25+$0xFFFFFF10]  }
0x17f: {  	[tilespmem:s21+$0x90] =	vst v0;
	v0 =	vld [tilespmem:s21+$0xA0]  }
0x180: {  	v3 =	vadd.f32 v5, v4;
	v4 =	vld [tilespmem:s25+$0xA0]  }
0x181: {  	v5 =	vld [tilespmem:s21+$0xFFFFFF20]  }
0x182: {  	[tilespmem:s21+$0xFFFFFF90] =	vst v3;
	v2 =	vadd.f32 v6, v2;
	v3 =	vld [tilespmem:s21+$0xFFFFFFA0]  }
0x183: {  	v6 =	vld [tilespmem:s25+$0xFFFFFFA0];
	v1 =	vadd.f32 v1, v7  }
0x184: {  	[tilespmem:s21+$0x10] =	vst v2;
	v2 =	vld [tilespmem:s21+$0x20]  }
0x185: {  	v7 =	vld [tilespmem:s25+$0x20];
	[tilespmem:s21+$0xFFFFFF10] =	vst v1;
	v0 =	vadd.f32 v4, v0  }
0x186: {  	v1 =	vld [tilespmem:s25+$0xFFFFFF20]  }
0x187: {  	[tilespmem:s21+$0xA0] =	vst v0;
	v0 =	vld [tilespmem:s21+$0xB0]  }
0x188: {  	v3 =	vadd.f32 v6, v3;
	v4 =	vld [tilespmem:s25+$0xB0]  }
0x189: {  	v6 =	vld [tilespmem:s21+$0xFFFFFF30]  }
0x18a: {  	[tilespmem:s21+$0xFFFFFFA0] =	vst v3;
	v2 =	vadd.f32 v7, v2;
	v3 =	vld [tilespmem:s21+$0xFFFFFFB0]  }
0x18b: {  	v7 =	vld [tilespmem:s25+$0xFFFFFFB0];
	v1 =	vadd.f32 v1, v5  }
0x18c: {  	[tilespmem:s21+$0x20] =	vst v2;
	v2 =	vld [tilespmem:s21+$0x30]  }
0x18d: {  	v5 =	vld [tilespmem:s25+$0x30];
	[tilespmem:s21+$0xFFFFFF20] =	vst v1;
	v0 =	vadd.f32 v4, v0  }
0x18e: {  	v1 =	vld [tilespmem:s25+$0xFFFFFF30]  }
0x18f: {  	[tilespmem:s21+$0xB0] =	vst v0;
	v0 =	vld [tilespmem:s21+$0xC0]  }
0x190: {  	v3 =	vadd.f32 v7, v3;
	v4 =	vld [tilespmem:s25+$0xC0]  }
0x191: {  	v7 =	vld [tilespmem:s21+$0xFFFFFF40]  }
0x192: {  	[tilespmem:s21+$0xFFFFFFB0] =	vst v3;
	v2 =	vadd.f32 v5, v2;
	v3 =	vld [tilespmem:s21+$0xFFFFFFC0]  }
0x193: {  	v5 =	vld [tilespmem:s25+$0xFFFFFFC0];
	v1 =	vadd.f32 v1, v6  }
0x194: {  	[tilespmem:s21+$0x30] =	vst v2;
	v2 =	vld [tilespmem:s21+$0x40]  }
0x195: {  	v6 =	vld [tilespmem:s25+$0x40];
	[tilespmem:s21+$0xFFFFFF30] =	vst v1;
	v0 =	vadd.f32 v4, v0  }
0x196: {  	v1 =	vld [tilespmem:s25+$0xFFFFFF40]  }
0x197: {  	[tilespmem:s21+$0xC0] =	vst v0;
	v0 =	vld [tilespmem:s21+$0xD0]  }
0x198: {  	v3 =	vadd.f32 v5, v3;
	v4 =	vld [tilespmem:s25+$0xD0]  }
0x199: {  	v5 =	vld [tilespmem:s21+$0xFFFFFF50]  }
0x19a: {  	[tilespmem:s21+$0xFFFFFFC0] =	vst v3;
	v2 =	vadd.f32 v6, v2;
	v3 =	vld [tilespmem:s21+$0xFFFFFFD0]  }
0x19b: {  	v6 =	vld [tilespmem:s25+$0xFFFFFFD0];
	v1 =	vadd.f32 v1, v7  }
0x19c: {  	[tilespmem:s21+$0x40] =	vst v2;
	v2 =	vld [tilespmem:s21+$0x50]  }
0x19d: {  	v7 =	vld [tilespmem:s25+$0x50];
	[tilespmem:s21+$0xFFFFFF40] =	vst v1;
	v0 =	vadd.f32 v4, v0  }
0x19e: {  	v1 =	vld [tilespmem:s25+$0xFFFFFF50]  }
0x19f: {  	[tilespmem:s21+$0xD0] =	vst v0;
	v0 =	vld [tilespmem:s21+$0xE0]  }
0x1a0: {  	v3 =	vadd.f32 v6, v3;
	v4 =	vld [tilespmem:s25+$0xE0]  }
0x1a1: {  	v6 =	vld [tilespmem:s21+$0xFFFFFF60]  }
0x1a2: {  	[tilespmem:s21+$0xFFFFFFD0] =	vst v3;
	v2 =	vadd.f32 v7, v2;
	v3 =	vld [tilespmem:s21+$0xFFFFFFE0]  }
0x1a3: {  	v7 =	vld [tilespmem:s25+$0xFFFFFFE0];
	v1 =	vadd.f32 v1, v5  }
0x1a4: {  	[tilespmem:s21+$0x50] =	vst v2;
	v2 =	vld [tilespmem:s21+$0x60]  }
0x1a5: {  	v5 =	vld [tilespmem:s25+$0x60];
	[tilespmem:s21+$0xFFFFFF50] =	vst v1;
	v0 =	vadd.f32 v4, v0  }
0x1a6: {  	v4 =	vld [tilespmem:s25+$0xFFFFFF60]  }
0x1a7: {  	v8 =	vld [tilespmem:s21+$0xF0];
	[tilespmem:s21+$0xE0] =	vst v0  }
0x1a8: {  	v1 =	vadd.f32 v7, v3;
	v7 =	vld [tilespmem:s25+$0xF0]  }
0x1a9: {  	v0 =	vld [tilespmem:s21+$0xFFFFFF70]  }
0x1aa: {  	[tilespmem:s21+$0xFFFFFFE0] =	vst v1;
	v2 =	vadd.f32 v5, v2;
	v1 =	vld [tilespmem:s21+$0xFFFFFFF0]  }
0x1ab: {  	v3 =	vld [tilespmem:s25+$0xFFFFFFF0];
	v4 =	vadd.f32 v4, v6  }
0x1ac: {  	[tilespmem:s21+$0x60] =	vst v2;
	v2 =	vld [tilespmem:s21+$0x70]  }
0x1ad: {  	[tilespmem:s21+$0xFFFFFF60] =	vst v4;
	v4 =	vld [tilespmem:s25+$0x70];
	v6 =	vadd.f32 v7, v8  }
0x1ae: {  	s18 =	simm.s32 $0x0;
	s6 =	simm.s32 $0xCE00;
	v5 =	vld [tilespmem:s25+$0xFFFFFF70]  }
.LBB2_6:
0x1af: {  	v7 =	vld [tilespmem:s6+$0x80];
	[tilespmem:s21+$0xF0] =	vst v6;
	s25 =	sadd.s32 $0x200, s25  }
0x1b0: {  	s18 =	sadd.s32 $0x4, s18;
	v6 =	vld [tilespmem:s25+$0x80];
	v1 =	vadd.f32 v3, v1  }
0x1b1: {  	p0 =	slt.u32 s18, $0xC4;
	v3 =	vld [tilespmem:s25+$0xFFFFFF00]  }
0x1b2: {  	v8 =	vld [tilespmem:s6+$0xFFFFFF80];
	[tilespmem:s21+$0xFFFFFFF0] =	vst v1;
	v1 =	vadd.f32 v4, v2  }
0x1b3: {  	v2 =	vld [tilespmem:s25+$0xFFFFFF80];
	v0 =	vadd.f32 v5, v0  }
0x1b4: {  	v4 =	vld [tilespmem:s6+$0x0];
	[tilespmem:s21+$0x70] =	vst v1  }
0x1b5: {  	v1 =	vld [tilespmem:s25+$0x0];
	v5 =	vadd.f32 v6, v7;
	[tilespmem:s21+$0xFFFFFF70] =	vst v0;
	s21 =	smov.u32 s6  }
0x1b6: {  	v0 =	vld [tilespmem:s6+$0xFFFFFF00]  }
0x1b7: {  	[tilespmem:s6+$0x80] =	vst v5;
	v5 =	vld [tilespmem:s6+$0x90]  }
0x1b8: {  	v2 =	vadd.f32 v2, v8;
	v6 =	vld [tilespmem:s25+$0x90]  }
0x1b9: {  	v7 =	vld [tilespmem:s6+$0xFFFFFF10]  }
0x1ba: {  	[tilespmem:s6+$0xFFFFFF80] =	vst v2;
	v2 =	vld [tilespmem:s6+$0xFFFFFF90];
	v1 =	vadd.f32 v1, v4  }
0x1bb: {  	v0 =	vadd.f32 v3, v0;
	v3 =	vld [tilespmem:s25+$0xFFFFFF90]  }
0x1bc: {  	[tilespmem:s6+$0x0] =	vst v1;
	v1 =	vld [tilespmem:s6+$0x10]  }
0x1bd: {  	[tilespmem:s6+$0xFFFFFF00] =	vst v0;
	v0 =	vld [tilespmem:s25+$0x10];
	v4 =	vadd.f32 v6, v5  }
0x1be: {  	v5 =	vld [tilespmem:s25+$0xFFFFFF10]  }
0x1bf: {  	[tilespmem:s6+$0x90] =	vst v4;
	v4 =	vld [tilespmem:s6+$0xA0]  }
0x1c0: {  	v2 =	vadd.f32 v3, v2;
	v3 =	vld [tilespmem:s25+$0xA0]  }
0x1c1: {  	v6 =	vld [tilespmem:s6+$0xFFFFFF20]  }
0x1c2: {  	[tilespmem:s6+$0xFFFFFF90] =	vst v2;
	v2 =	vld [tilespmem:s6+$0xFFFFFFA0];
	v0 =	vadd.f32 v0, v1  }
0x1c3: {  	v1 =	vadd.f32 v5, v7;
	v5 =	vld [tilespmem:s25+$0xFFFFFFA0]  }
0x1c4: {  	[tilespmem:s6+$0x10] =	vst v0;
	v0 =	vld [tilespmem:s6+$0x20]  }
0x1c5: {  	[tilespmem:s6+$0xFFFFFF10] =	vst v1;
	v1 =	vld [tilespmem:s25+$0x20];
	v3 =	vadd.f32 v3, v4  }
0x1c6: {  	v4 =	vld [tilespmem:s25+$0xFFFFFF20]  }
0x1c7: {  	[tilespmem:s6+$0xA0] =	vst v3;
	v3 =	vld [tilespmem:s6+$0xB0]  }
0x1c8: {  	v2 =	vadd.f32 v5, v2;
	v5 =	vld [tilespmem:s25+$0xB0]  }
0x1c9: {  	v7 =	vld [tilespmem:s6+$0xFFFFFF30]  }
0x1ca: {  	[tilespmem:s6+$0xFFFFFFA0] =	vst v2;
	v2 =	vld [tilespmem:s6+$0xFFFFFFB0];
	v0 =	vadd.f32 v1, v0  }
0x1cb: {  	v1 =	vadd.f32 v4, v6;
	v4 =	vld [tilespmem:s25+$0xFFFFFFB0]  }
0x1cc: {  	[tilespmem:s6+$0x20] =	vst v0;
	v0 =	vld [tilespmem:s6+$0x30]  }
0x1cd: {  	[tilespmem:s6+$0xFFFFFF20] =	vst v1;
	v1 =	vld [tilespmem:s25+$0x30];
	v3 =	vadd.f32 v5, v3  }
0x1ce: {  	v5 =	vld [tilespmem:s25+$0xFFFFFF30]  }
0x1cf: {  	[tilespmem:s6+$0xB0] =	vst v3;
	v3 =	vld [tilespmem:s6+$0xC0]  }
0x1d0: {  	v2 =	vadd.f32 v4, v2;
	v4 =	vld [tilespmem:s25+$0xC0]  }
0x1d1: {  	v6 =	vld [tilespmem:s6+$0xFFFFFF40]  }
0x1d2: {  	[tilespmem:s6+$0xFFFFFFB0] =	vst v2;
	v2 =	vld [tilespmem:s6+$0xFFFFFFC0];
	v0 =	vadd.f32 v1, v0  }
0x1d3: {  	v1 =	vadd.f32 v5, v7;
	v5 =	vld [tilespmem:s25+$0xFFFFFFC0]  }
0x1d4: {  	[tilespmem:s6+$0x30] =	vst v0;
	v0 =	vld [tilespmem:s6+$0x40]  }
0x1d5: {  	[tilespmem:s6+$0xFFFFFF30] =	vst v1;
	v1 =	vld [tilespmem:s25+$0x40];
	v3 =	vadd.f32 v4, v3  }
0x1d6: {  	v4 =	vld [tilespmem:s25+$0xFFFFFF40]  }
0x1d7: {  	[tilespmem:s6+$0xC0] =	vst v3;
	v3 =	vld [tilespmem:s6+$0xD0]  }
0x1d8: {  	v2 =	vadd.f32 v5, v2;
	v5 =	vld [tilespmem:s25+$0xD0]  }
0x1d9: {  	v7 =	vld [tilespmem:s6+$0xFFFFFF50]  }
0x1da: {  	[tilespmem:s6+$0xFFFFFFC0] =	vst v2;
	v2 =	vld [tilespmem:s6+$0xFFFFFFD0];
	v0 =	vadd.f32 v1, v0  }
0x1db: {  	v1 =	vadd.f32 v4, v6;
	v4 =	vld [tilespmem:s25+$0xFFFFFFD0]  }
0x1dc: {  	[tilespmem:s6+$0x40] =	vst v0;
	v0 =	vld [tilespmem:s6+$0x50]  }
0x1dd: {  	[tilespmem:s6+$0xFFFFFF40] =	vst v1;
	v1 =	vld [tilespmem:s25+$0x50];
	v3 =	vadd.f32 v5, v3  }
0x1de: {  	v5 =	vld [tilespmem:s25+$0xFFFFFF50]  }
0x1df: {  	[tilespmem:s6+$0xD0] =	vst v3;
	v3 =	vld [tilespmem:s6+$0xE0]  }
0x1e0: {  	v2 =	vadd.f32 v4, v2;
	v4 =	vld [tilespmem:s25+$0xE0]  }
0x1e1: {  	v6 =	vld [tilespmem:s6+$0xFFFFFF60]  }
0x1e2: {  	[tilespmem:s6+$0xFFFFFFD0] =	vst v2;
	v2 =	vld [tilespmem:s6+$0xFFFFFFE0];
	v0 =	vadd.f32 v1, v0  }
0x1e3: {  	v1 =	vadd.f32 v5, v7;
	v5 =	vld [tilespmem:s25+$0xFFFFFFE0]  }
0x1e4: {  	[tilespmem:s6+$0x50] =	vst v0;
	v7 =	vld [tilespmem:s6+$0x60]  }
0x1e5: {  	[tilespmem:s6+$0xFFFFFF50] =	vst v1;
	v8 =	vld [tilespmem:s25+$0x60];
	v0 =	vadd.f32 v4, v3  }
0x1e6: {  	v3 =	vld [tilespmem:s25+$0xFFFFFF60]  }
0x1e7: {  	[tilespmem:s6+$0xE0] =	vst v0;
	v9 =	vld [tilespmem:s6+$0xF0]  }
0x1e8: {  	v1 =	vadd.f32 v5, v2;
	v5 =	vld [tilespmem:s25+$0xF0]  }
0x1e9: {  	v0 =	vld [tilespmem:s6+$0xFFFFFF70]  }
.Ltmp2:
0x1ea: {  	[tilespmem:s6+$0xFFFFFFE0] =	vst v1;
	v1 =	vld [tilespmem:s6+$0xFFFFFFF0];
	v2 =	vadd.f32 v8, v7;
	(pc) =	sbr.rel @p0 .LBB2_6-.Ltmp2, $4  }
0x1eb: {  	v4 =	vadd.f32 v3, v6;
	v3 =	vld [tilespmem:s25+$0xFFFFFFF0]  }
0x1ec: {  	[tilespmem:s6+$0x60] =	vst v2;
	v2 =	vld [tilespmem:s6+$0x70]  }
0x1ed: {  	[tilespmem:s6+$0xFFFFFF60] =	vst v4;
	v4 =	vld [tilespmem:s25+$0x70];
	v6 =	vadd.f32 v5, v9  }
0x1ee: {  	s6 =	sadd.s32 $0x200, s6;
	v5 =	vld [tilespmem:s25+$0xFFFFFF70]  }
0x1ef: {  	_ =	sdelay $0x1  }
0x1f0: {  	[dreg:$0x17] =	wrdreg s9;
	v1 =	vadd.f32 v3, v1  }
0x1f1: {  	[tilespmem:s21+$0xF0] =	vst v6;
	v2 =	vadd.f32 v4, v2  }
0x1f2: {  	[tilespmem:s21+$0xFFFFFFF0] =	vst v1;
	v0 =	vadd.f32 v5, v0  }
0x1f3: {  	[tilespmem:s21+$0x70] =	vst v2  }
0x1f4: {  	[tilespmem:s21+$0xFFFFFF70] =	vst v0  }
0x1f5: {  	s6 =	rddreg [dreg:$0x10]  }
0x1f6: {  	[hbm4b:s6+s5] =	stream.linear.scatter [tilespmem:s15], [sflag:$0x6], $0x6400, $0x38;
	[tilespmem:$0x19300] =	vst v63  }
0x1f7: {  	_ =	swait.ge [sflag:s23], $0x6400  }
0x1f8: {  	[sflag:s23] =	ssyncset.done $0x0  }
0x1f9: {  	s26 =	rddreg [dreg:$0x12];
	[sflag:s23] =	ssyncadd.s32 $0xFFFF9C00  }
0x1fa: {  	[tilespmem:s30], [sflag:$0x2] =	stream.linear.gather [hbm4b:s26+s5], $0xC8, $0x38;
	[tilespmem:$0x19300] =	vst v63  }
0x1fb: {  	s28 =	rddreg [dreg:$0x13];
	s26 =	simm.s32 $0x1  }
0x1fc: {  	[tilespmem:s31], [sflag:$0x2] =	stream.linear.gather [hbm4b:s28+s5], $0x6400, $0x38;
	[tilespmem:$0x19300] =	vst v63  }
.LBB2_8:
0x1fd: {  	_ =	swait.ge [sflag:s2], $0x6400  }
0x1fe: {  	[sflag:s2] =	ssyncset.done $0x0  }
0x1ff: {  	[sflag:s2] =	ssyncadd.s32 $0xFFFF9C00  }
0x200: {  	_ =	swait.ge [sflag:s2], $0xC8  }
0x201: {  	[sflag:s2] =	ssyncset.done $0x0  }
0x202: {  	[sflag:s2] =	ssyncadd.s32 $0xFFFFFF38  }
0x203: {  	[tilespmem:s8], [sflag:$0x7] =	stream.indirect.gather [hbm4b:s7+s3], $0x80, s5, s3, $0xb8;
	[tilespmem:$0x19300] =	vst v63  }
0x204: {  	_ = 	snop  }
0x205: {  	[tilespmem:s11], [sflag:$0x7] =	stream.indirect.gather [hbm4b:s7+s10], $0x80, s3, s10, $0xb8;
	[tilespmem:$0x19300] =	vst v63  }
0x206: {  	_ =	swait.ge [sflag:s12], $0x3400  }
0x207: {  	[sflag:s12] =	ssyncset.done $0x0  }
0x208: {  	[sflag:s12] =	ssyncadd.s32 $0xFFFFCC00  }
0x209: {  	_ =	swait.ge [sflag:s12], $0x3000  }
0x20a: {  	[sflag:s12] =	ssyncset.done $0x0  }
0x20b: {  	s25 =	simm.s32 $0x400;
	[sflag:s12] =	ssyncadd.s32 $0xFFFFD000  }
0x20c: {  	s21 =	simm.s32 $0x13000;
	v0 =	vld [tilespmem:s25+$0x80]  }
0x20d: {  	v1 =	vld [tilespmem:s21+$0x80]  }
0x20e: {  	v2 =	vld [tilespmem:s25+$0xFFFFFF80]  }
0x20f: {  	v3 =	vld [tilespmem:s21+$0xFFFFFF80]  }
0x210: {  	v4 =	vld [tilespmem:s25+$0x0]  }
0x211: {  	v5 =	vld [tilespmem:s21+$0x0]  }
0x212: {  	v6 =	vld [tilespmem:s25+$0xFFFFFF00];
	v0 =	vadd.f32 v1, v0  }
0x213: {  	v1 =	vld [tilespmem:s21+$0xFFFFFF00]  }
0x214: {  	[tilespmem:s25+$0x80] =	vst v0;
	v0 =	vld [tilespmem:s25+$0x90]  }
0x215: {  	v2 =	vadd.f32 v3, v2;
	v3 =	vld [tilespmem:s21+$0x90]  }
0x216: {  	v7 =	vld [tilespmem:s25+$0xFFFFFF10]  }
0x217: {  	[tilespmem:s25+$0xFFFFFF80] =	vst v2;
	v2 =	vadd.f32 v5, v4;
	v4 =	vld [tilespmem:s25+$0xFFFFFF90]  }
0x218: {  	v5 =	vld [tilespmem:s21+$0xFFFFFF90];
	v1 =	vadd.f32 v1, v6  }
0x219: {  	[tilespmem:s25+$0x0] =	vst v2;
	v2 =	vld [tilespmem:s25+$0x10]  }
0x21a: {  	v6 =	vld [tilespmem:s21+$0x10];
	[tilespmem:s25+$0xFFFFFF00] =	vst v1;
	v0 =	vadd.f32 v3, v0  }
0x21b: {  	v1 =	vld [tilespmem:s21+$0xFFFFFF10]  }
0x21c: {  	[tilespmem:s25+$0x90] =	vst v0;
	v0 =	vld [tilespmem:s25+$0xA0]  }
0x21d: {  	v3 =	vadd.f32 v5, v4;
	v4 =	vld [tilespmem:s21+$0xA0]  }
0x21e: {  	v5 =	vld [tilespmem:s25+$0xFFFFFF20]  }
0x21f: {  	[tilespmem:s25+$0xFFFFFF90] =	vst v3;
	v2 =	vadd.f32 v6, v2;
	v3 =	vld [tilespmem:s25+$0xFFFFFFA0]  }
0x220: {  	v6 =	vld [tilespmem:s21+$0xFFFFFFA0];
	v1 =	vadd.f32 v1, v7  }
0x221: {  	[tilespmem:s25+$0x10] =	vst v2;
	v2 =	vld [tilespmem:s25+$0x20]  }
0x222: {  	v7 =	vld [tilespmem:s21+$0x20];
	[tilespmem:s25+$0xFFFFFF10] =	vst v1;
	v0 =	vadd.f32 v4, v0  }
0x223: {  	v1 =	vld [tilespmem:s21+$0xFFFFFF20]  }
0x224: {  	[tilespmem:s25+$0xA0] =	vst v0;
	v0 =	vld [tilespmem:s25+$0xB0]  }
0x225: {  	v3 =	vadd.f32 v6, v3;
	v4 =	vld [tilespmem:s21+$0xB0]  }
0x226: {  	v6 =	vld [tilespmem:s25+$0xFFFFFF30]  }
0x227: {  	[tilespmem:s25+$0xFFFFFFA0] =	vst v3;
	v2 =	vadd.f32 v7, v2;
	v3 =	vld [tilespmem:s25+$0xFFFFFFB0]  }
0x228: {  	v7 =	vld [tilespmem:s21+$0xFFFFFFB0];
	v1 =	vadd.f32 v1, v5  }
0x229: {  	[tilespmem:s25+$0x20] =	vst v2;
	v2 =	vld [tilespmem:s25+$0x30]  }
0x22a: {  	v5 =	vld [tilespmem:s21+$0x30];
	[tilespmem:s25+$0xFFFFFF20] =	vst v1;
	v0 =	vadd.f32 v4, v0  }
0x22b: {  	v1 =	vld [tilespmem:s21+$0xFFFFFF30]  }
0x22c: {  	[tilespmem:s25+$0xB0] =	vst v0;
	v0 =	vld [tilespmem:s25+$0xC0]  }
0x22d: {  	v3 =	vadd.f32 v7, v3;
	v4 =	vld [tilespmem:s21+$0xC0]  }
0x22e: {  	v7 =	vld [tilespmem:s25+$0xFFFFFF40]  }
0x22f: {  	[tilespmem:s25+$0xFFFFFFB0] =	vst v3;
	v2 =	vadd.f32 v5, v2;
	v3 =	vld [tilespmem:s25+$0xFFFFFFC0]  }
0x230: {  	v5 =	vld [tilespmem:s21+$0xFFFFFFC0];
	v1 =	vadd.f32 v1, v6  }
0x231: {  	[tilespmem:s25+$0x30] =	vst v2;
	v2 =	vld [tilespmem:s25+$0x40]  }
0x232: {  	v6 =	vld [tilespmem:s21+$0x40];
	[tilespmem:s25+$0xFFFFFF30] =	vst v1;
	v0 =	vadd.f32 v4, v0  }
0x233: {  	v1 =	vld [tilespmem:s21+$0xFFFFFF40]  }
0x234: {  	[tilespmem:s25+$0xC0] =	vst v0;
	v0 =	vld [tilespmem:s25+$0xD0]  }
0x235: {  	v3 =	vadd.f32 v5, v3;
	v4 =	vld [tilespmem:s21+$0xD0]  }
0x236: {  	v5 =	vld [tilespmem:s25+$0xFFFFFF50]  }
0x237: {  	[tilespmem:s25+$0xFFFFFFC0] =	vst v3;
	v2 =	vadd.f32 v6, v2;
	v3 =	vld [tilespmem:s25+$0xFFFFFFD0]  }
0x238: {  	v6 =	vld [tilespmem:s21+$0xFFFFFFD0];
	v1 =	vadd.f32 v1, v7  }
0x239: {  	[tilespmem:s25+$0x40] =	vst v2;
	v2 =	vld [tilespmem:s25+$0x50]  }
0x23a: {  	v7 =	vld [tilespmem:s21+$0x50];
	[tilespmem:s25+$0xFFFFFF40] =	vst v1;
	v0 =	vadd.f32 v4, v0  }
0x23b: {  	v1 =	vld [tilespmem:s21+$0xFFFFFF50]  }
0x23c: {  	[tilespmem:s25+$0xD0] =	vst v0;
	v0 =	vld [tilespmem:s25+$0xE0]  }
0x23d: {  	v3 =	vadd.f32 v6, v3;
	v4 =	vld [tilespmem:s21+$0xE0]  }
0x23e: {  	v6 =	vld [tilespmem:s25+$0xFFFFFF60]  }
0x23f: {  	[tilespmem:s25+$0xFFFFFFD0] =	vst v3;
	v2 =	vadd.f32 v7, v2;
	v3 =	vld [tilespmem:s25+$0xFFFFFFE0]  }
0x240: {  	v7 =	vld [tilespmem:s21+$0xFFFFFFE0];
	v1 =	vadd.f32 v1, v5  }
0x241: {  	[tilespmem:s25+$0x50] =	vst v2;
	v2 =	vld [tilespmem:s25+$0x60]  }
0x242: {  	v5 =	vld [tilespmem:s21+$0x60];
	[tilespmem:s25+$0xFFFFFF50] =	vst v1;
	v0 =	vadd.f32 v4, v0  }
0x243: {  	v4 =	vld [tilespmem:s21+$0xFFFFFF60]  }
0x244: {  	v8 =	vld [tilespmem:s25+$0xF0];
	[tilespmem:s25+$0xE0] =	vst v0  }
0x245: {  	v1 =	vadd.f32 v7, v3;
	v7 =	vld [tilespmem:s21+$0xF0]  }
0x246: {  	v0 =	vld [tilespmem:s25+$0xFFFFFF70]  }
0x247: {  	[tilespmem:s25+$0xFFFFFFE0] =	vst v1;
	v2 =	vadd.f32 v5, v2;
	v1 =	vld [tilespmem:s25+$0xFFFFFFF0]  }
0x248: {  	v3 =	vld [tilespmem:s21+$0xFFFFFFF0];
	v4 =	vadd.f32 v4, v6  }
0x249: {  	[tilespmem:s25+$0x60] =	vst v2;
	v2 =	vld [tilespmem:s25+$0x70]  }
0x24a: {  	[tilespmem:s25+$0xFFFFFF60] =	vst v4;
	v4 =	vld [tilespmem:s21+$0x70];
	v6 =	vadd.f32 v7, v8  }
0x24b: {  	s18 =	simm.s32 $0x0;
	s6 =	simm.s32 $0x600;
	v5 =	vld [tilespmem:s21+$0xFFFFFF70]  }
.LBB2_9:
0x24c: {  	v7 =	vld [tilespmem:s6+$0x80];
	[tilespmem:s25+$0xF0] =	vst v6;
	s21 =	sadd.s32 $0x200, s21  }
0x24d: {  	s18 =	sadd.s32 $0x4, s18;
	v6 =	vld [tilespmem:s21+$0x80];
	v1 =	vadd.f32 v3, v1  }
0x24e: {  	p0 =	slt.u32 s18, $0xC4;
	v3 =	vld [tilespmem:s21+$0xFFFFFF00]  }
0x24f: {  	v8 =	vld [tilespmem:s6+$0xFFFFFF80];
	[tilespmem:s25+$0xFFFFFFF0] =	vst v1;
	v1 =	vadd.f32 v4, v2  }
0x250: {  	v2 =	vld [tilespmem:s21+$0xFFFFFF80];
	v0 =	vadd.f32 v5, v0  }
0x251: {  	v4 =	vld [tilespmem:s6+$0x0];
	[tilespmem:s25+$0x70] =	vst v1  }
0x252: {  	v1 =	vld [tilespmem:s21+$0x0];
	v5 =	vadd.f32 v6, v7;
	[tilespmem:s25+$0xFFFFFF70] =	vst v0;
	s25 =	smov.u32 s6  }
0x253: {  	v0 =	vld [tilespmem:s6+$0xFFFFFF00]  }
0x254: {  	[tilespmem:s6+$0x80] =	vst v5;
	v5 =	vld [tilespmem:s6+$0x90]  }
0x255: {  	v2 =	vadd.f32 v2, v8;
	v6 =	vld [tilespmem:s21+$0x90]  }
0x256: {  	v7 =	vld [tilespmem:s6+$0xFFFFFF10]  }
0x257: {  	[tilespmem:s6+$0xFFFFFF80] =	vst v2;
	v2 =	vld [tilespmem:s6+$0xFFFFFF90];
	v1 =	vadd.f32 v1, v4  }
0x258: {  	v0 =	vadd.f32 v3, v0;
	v3 =	vld [tilespmem:s21+$0xFFFFFF90]  }
0x259: {  	[tilespmem:s6+$0x0] =	vst v1;
	v1 =	vld [tilespmem:s6+$0x10]  }
0x25a: {  	[tilespmem:s6+$0xFFFFFF00] =	vst v0;
	v0 =	vld [tilespmem:s21+$0x10];
	v4 =	vadd.f32 v6, v5  }
0x25b: {  	v5 =	vld [tilespmem:s21+$0xFFFFFF10]  }
0x25c: {  	[tilespmem:s6+$0x90] =	vst v4;
	v4 =	vld [tilespmem:s6+$0xA0]  }
0x25d: {  	v2 =	vadd.f32 v3, v2;
	v3 =	vld [tilespmem:s21+$0xA0]  }
0x25e: {  	v6 =	vld [tilespmem:s6+$0xFFFFFF20]  }
0x25f: {  	[tilespmem:s6+$0xFFFFFF90] =	vst v2;
	v2 =	vld [tilespmem:s6+$0xFFFFFFA0];
	v0 =	vadd.f32 v0, v1  }
0x260: {  	v1 =	vadd.f32 v5, v7;
	v5 =	vld [tilespmem:s21+$0xFFFFFFA0]  }
0x261: {  	[tilespmem:s6+$0x10] =	vst v0;
	v0 =	vld [tilespmem:s6+$0x20]  }
0x262: {  	[tilespmem:s6+$0xFFFFFF10] =	vst v1;
	v1 =	vld [tilespmem:s21+$0x20];
	v3 =	vadd.f32 v3, v4  }
0x263: {  	v4 =	vld [tilespmem:s21+$0xFFFFFF20]  }
0x264: {  	[tilespmem:s6+$0xA0] =	vst v3;
	v3 =	vld [tilespmem:s6+$0xB0]  }
0x265: {  	v2 =	vadd.f32 v5, v2;
	v5 =	vld [tilespmem:s21+$0xB0]  }
0x266: {  	v7 =	vld [tilespmem:s6+$0xFFFFFF30]  }
0x267: {  	[tilespmem:s6+$0xFFFFFFA0] =	vst v2;
	v2 =	vld [tilespmem:s6+$0xFFFFFFB0];
	v0 =	vadd.f32 v1, v0  }
0x268: {  	v1 =	vadd.f32 v4, v6;
	v4 =	vld [tilespmem:s21+$0xFFFFFFB0]  }
0x269: {  	[tilespmem:s6+$0x20] =	vst v0;
	v0 =	vld [tilespmem:s6+$0x30]  }
0x26a: {  	[tilespmem:s6+$0xFFFFFF20] =	vst v1;
	v1 =	vld [tilespmem:s21+$0x30];
	v3 =	vadd.f32 v5, v3  }
0x26b: {  	v5 =	vld [tilespmem:s21+$0xFFFFFF30]  }
0x26c: {  	[tilespmem:s6+$0xB0] =	vst v3;
	v3 =	vld [tilespmem:s6+$0xC0]  }
0x26d: {  	v2 =	vadd.f32 v4, v2;
	v4 =	vld [tilespmem:s21+$0xC0]  }
0x26e: {  	v6 =	vld [tilespmem:s6+$0xFFFFFF40]  }
0x26f: {  	[tilespmem:s6+$0xFFFFFFB0] =	vst v2;
	v2 =	vld [tilespmem:s6+$0xFFFFFFC0];
	v0 =	vadd.f32 v1, v0  }
0x270: {  	v1 =	vadd.f32 v5, v7;
	v5 =	vld [tilespmem:s21+$0xFFFFFFC0]  }
0x271: {  	[tilespmem:s6+$0x30] =	vst v0;
	v0 =	vld [tilespmem:s6+$0x40]  }
0x272: {  	[tilespmem:s6+$0xFFFFFF30] =	vst v1;
	v1 =	vld [tilespmem:s21+$0x40];
	v3 =	vadd.f32 v4, v3  }
0x273: {  	v4 =	vld [tilespmem:s21+$0xFFFFFF40]  }
0x274: {  	[tilespmem:s6+$0xC0] =	vst v3;
	v3 =	vld [tilespmem:s6+$0xD0]  }
0x275: {  	v2 =	vadd.f32 v5, v2;
	v5 =	vld [tilespmem:s21+$0xD0]  }
0x276: {  	v7 =	vld [tilespmem:s6+$0xFFFFFF50]  }
0x277: {  	[tilespmem:s6+$0xFFFFFFC0] =	vst v2;
	v2 =	vld [tilespmem:s6+$0xFFFFFFD0];
	v0 =	vadd.f32 v1, v0  }
0x278: {  	v1 =	vadd.f32 v4, v6;
	v4 =	vld [tilespmem:s21+$0xFFFFFFD0]  }
0x279: {  	[tilespmem:s6+$0x40] =	vst v0;
	v0 =	vld [tilespmem:s6+$0x50]  }
0x27a: {  	[tilespmem:s6+$0xFFFFFF40] =	vst v1;
	v1 =	vld [tilespmem:s21+$0x50];
	v3 =	vadd.f32 v5, v3  }
0x27b: {  	v5 =	vld [tilespmem:s21+$0xFFFFFF50]  }
0x27c: {  	[tilespmem:s6+$0xD0] =	vst v3;
	v3 =	vld [tilespmem:s6+$0xE0]  }
0x27d: {  	v2 =	vadd.f32 v4, v2;
	v4 =	vld [tilespmem:s21+$0xE0]  }
0x27e: {  	v6 =	vld [tilespmem:s6+$0xFFFFFF60]  }
0x27f: {  	[tilespmem:s6+$0xFFFFFFD0] =	vst v2;
	v2 =	vld [tilespmem:s6+$0xFFFFFFE0];
	v0 =	vadd.f32 v1, v0  }
0x280: {  	v1 =	vadd.f32 v5, v7;
	v5 =	vld [tilespmem:s21+$0xFFFFFFE0]  }
0x281: {  	[tilespmem:s6+$0x50] =	vst v0;
	v7 =	vld [tilespmem:s6+$0x60]  }
0x282: {  	[tilespmem:s6+$0xFFFFFF50] =	vst v1;
	v8 =	vld [tilespmem:s21+$0x60];
	v0 =	vadd.f32 v4, v3  }
0x283: {  	v3 =	vld [tilespmem:s21+$0xFFFFFF60]  }
0x284: {  	[tilespmem:s6+$0xE0] =	vst v0;
	v9 =	vld [tilespmem:s6+$0xF0]  }
0x285: {  	v1 =	vadd.f32 v5, v2;
	v5 =	vld [tilespmem:s21+$0xF0]  }
0x286: {  	v0 =	vld [tilespmem:s6+$0xFFFFFF70]  }
.Ltmp3:
0x287: {  	[tilespmem:s6+$0xFFFFFFE0] =	vst v1;
	v1 =	vld [tilespmem:s6+$0xFFFFFFF0];
	v2 =	vadd.f32 v8, v7;
	(pc) =	sbr.rel @p0 .LBB2_9-.Ltmp3, $4  }
0x288: {  	v4 =	vadd.f32 v3, v6;
	v3 =	vld [tilespmem:s21+$0xFFFFFFF0]  }
0x289: {  	[tilespmem:s6+$0x60] =	vst v2;
	v2 =	vld [tilespmem:s6+$0x70]  }
0x28a: {  	[tilespmem:s6+$0xFFFFFF60] =	vst v4;
	v4 =	vld [tilespmem:s21+$0x70];
	v6 =	vadd.f32 v5, v9  }
0x28b: {  	s6 =	sadd.s32 $0x200, s6;
	v5 =	vld [tilespmem:s21+$0xFFFFFF70]  }
0x28c: {  	_ =	sdelay $0x1  }
0x28d: {  	s28 =	smul.u32 $0x258, s26;
	v1 =	vadd.f32 v3, v1  }
0x28e: {  	[tilespmem:s25+$0xF0] =	vst v6;
	v2 =	vadd.f32 v4, v2  }
0x28f: {  	s6 =	sadd.s32 s13, s28;
	[tilespmem:s25+$0xFFFFFFF0] =	vst v1;
	v0 =	vadd.f32 v5, v0  }
0x290: {  	s6 =	sshll.u32 s6, $0x4;
	[tilespmem:s25+$0x70] =	vst v2  }
0x291: {  	s6 =	sadd.s32 s4, s6;
	[tilespmem:s25+$0xFFFFFF70] =	vst v0  }
0x292: {  	[hbm4b:s6+s5] =	stream.linear.scatter [tilespmem:s29], [sflag:$0x4], $0x6400, $0x38;
	[tilespmem:$0x19300] =	vst v63  }
0x293: {  	_ =	swait.ge [sflag:s24], $0x6400  }
0x294: {  	s18 =	rddreg [dreg:$0x11]  }
0x295: {  	s6 =	sadd.s32 s28, s18  }
0x296: {  	[sflag:s24] =	ssyncset.done $0x0;
	s9 =	sshrl.u32 s6, $0x3  }
0x297: {  	[sflag:s24] =	ssyncadd.s32 $0xFFFF9C00;
	s25 =	sshll.u32 s6, $0x4;
	s9 =	sadd.s32 s1, s9  }
0x298: {  	[tilespmem:s14], [sflag:$0x3] =	stream.linear.gather [hbm4b:s9+s5], $0xC8, $0x38;
	[tilespmem:$0x19300] =	vst v63  }
0x299: {  	s6 =	sadd.s32 s0, s25  }
0x29a: {  	[tilespmem:s15], [sflag:$0x3] =	stream.linear.gather [hbm4b:s6+s5], $0x6400, $0x38;
	[tilespmem:$0x19300] =	vst v63  }
0x29b: {  	_ =	swait.ge [sflag:s16], $0x6400  }
0x29c: {  	[sflag:s16] =	ssyncset.done $0x0  }
0x29d: {  	[sflag:s16] =	ssyncadd.s32 $0xFFFF9C00  }
0x29e: {  	_ =	swait.ge [sflag:s16], $0xC8  }
0x29f: {  	[sflag:s16] =	ssyncset.done $0x0  }
0x2a0: {  	[sflag:s16] =	ssyncadd.s32 $0xFFFFFF38  }
0x2a1: {  	[tilespmem:s8], [sflag:$0x7] =	stream.indirect.gather [hbm4b:s7+s3], $0x80, s30, s3, $0xb8;
	[tilespmem:$0x19300] =	vst v63  }
0x2a2: {  	s21 =	simm.s32 $0x168  }
0x2a3: {  	[tilespmem:s11], [sflag:$0x7] =	stream.indirect.gather [hbm4b:s7+s10], $0x80, s21, s10, $0xb8;
	[tilespmem:$0x19300] =	vst v63  }
0x2a4: {  	_ =	swait.ge [sflag:s12], $0x3400  }
0x2a5: {  	[sflag:s12] =	ssyncset.done $0x0  }
0x2a6: {  	[sflag:s12] =	ssyncadd.s32 $0xFFFFCC00  }
0x2a7: {  	_ =	swait.ge [sflag:s12], $0x3000  }
0x2a8: {  	[sflag:s12] =	ssyncset.done $0x0  }
0x2a9: {  	s21 =	simm.s32 $0x6800;
	[sflag:s12] =	ssyncadd.s32 $0xFFFFD000  }
0x2aa: {  	s18 =	simm.s32 $0x13000;
	v0 =	vld [tilespmem:s21+$0x80]  }
0x2ab: {  	v1 =	vld [tilespmem:s18+$0x80]  }
0x2ac: {  	v2 =	vld [tilespmem:s21+$0xFFFFFF80]  }
0x2ad: {  	v3 =	vld [tilespmem:s18+$0xFFFFFF80]  }
0x2ae: {  	v4 =	vld [tilespmem:s21+$0x0]  }
0x2af: {  	v5 =	vld [tilespmem:s18+$0x0]  }
0x2b0: {  	v6 =	vld [tilespmem:s21+$0xFFFFFF00];
	v0 =	vadd.f32 v1, v0  }
0x2b1: {  	v1 =	vld [tilespmem:s18+$0xFFFFFF00]  }
0x2b2: {  	[tilespmem:s21+$0x80] =	vst v0;
	v0 =	vld [tilespmem:s21+$0x90]  }
0x2b3: {  	v2 =	vadd.f32 v3, v2;
	v3 =	vld [tilespmem:s18+$0x90]  }
0x2b4: {  	v7 =	vld [tilespmem:s21+$0xFFFFFF10]  }
0x2b5: {  	[tilespmem:s21+$0xFFFFFF80] =	vst v2;
	v2 =	vadd.f32 v5, v4;
	v4 =	vld [tilespmem:s21+$0xFFFFFF90]  }
0x2b6: {  	v5 =	vld [tilespmem:s18+$0xFFFFFF90];
	v1 =	vadd.f32 v1, v6  }
0x2b7: {  	[tilespmem:s21+$0x0] =	vst v2;
	v2 =	vld [tilespmem:s21+$0x10]  }
0x2b8: {  	v6 =	vld [tilespmem:s18+$0x10];
	[tilespmem:s21+$0xFFFFFF00] =	vst v1;
	v0 =	vadd.f32 v3, v0  }
0x2b9: {  	v1 =	vld [tilespmem:s18+$0xFFFFFF10]  }
0x2ba: {  	[tilespmem:s21+$0x90] =	vst v0;
	v0 =	vld [tilespmem:s21+$0xA0]  }
0x2bb: {  	v3 =	vadd.f32 v5, v4;
	v4 =	vld [tilespmem:s18+$0xA0]  }
0x2bc: {  	v5 =	vld [tilespmem:s21+$0xFFFFFF20]  }
0x2bd: {  	[tilespmem:s21+$0xFFFFFF90] =	vst v3;
	v2 =	vadd.f32 v6, v2;
	v3 =	vld [tilespmem:s21+$0xFFFFFFA0]  }
0x2be: {  	v6 =	vld [tilespmem:s18+$0xFFFFFFA0];
	v1 =	vadd.f32 v1, v7  }
0x2bf: {  	[tilespmem:s21+$0x10] =	vst v2;
	v2 =	vld [tilespmem:s21+$0x20]  }
0x2c0: {  	v7 =	vld [tilespmem:s18+$0x20];
	[tilespmem:s21+$0xFFFFFF10] =	vst v1;
	v0 =	vadd.f32 v4, v0  }
0x2c1: {  	v1 =	vld [tilespmem:s18+$0xFFFFFF20]  }
0x2c2: {  	[tilespmem:s21+$0xA0] =	vst v0;
	v0 =	vld [tilespmem:s21+$0xB0]  }
0x2c3: {  	v3 =	vadd.f32 v6, v3;
	v4 =	vld [tilespmem:s18+$0xB0]  }
0x2c4: {  	v6 =	vld [tilespmem:s21+$0xFFFFFF30]  }
0x2c5: {  	[tilespmem:s21+$0xFFFFFFA0] =	vst v3;
	v2 =	vadd.f32 v7, v2;
	v3 =	vld [tilespmem:s21+$0xFFFFFFB0]  }
0x2c6: {  	v7 =	vld [tilespmem:s18+$0xFFFFFFB0];
	v1 =	vadd.f32 v1, v5  }
0x2c7: {  	[tilespmem:s21+$0x20] =	vst v2;
	v2 =	vld [tilespmem:s21+$0x30]  }
0x2c8: {  	v5 =	vld [tilespmem:s18+$0x30];
	[tilespmem:s21+$0xFFFFFF20] =	vst v1;
	v0 =	vadd.f32 v4, v0  }
0x2c9: {  	v1 =	vld [tilespmem:s18+$0xFFFFFF30]  }
0x2ca: {  	[tilespmem:s21+$0xB0] =	vst v0;
	v0 =	vld [tilespmem:s21+$0xC0]  }
0x2cb: {  	v3 =	vadd.f32 v7, v3;
	v4 =	vld [tilespmem:s18+$0xC0]  }
0x2cc: {  	v7 =	vld [tilespmem:s21+$0xFFFFFF40]  }
0x2cd: {  	[tilespmem:s21+$0xFFFFFFB0] =	vst v3;
	v2 =	vadd.f32 v5, v2;
	v3 =	vld [tilespmem:s21+$0xFFFFFFC0]  }
0x2ce: {  	v5 =	vld [tilespmem:s18+$0xFFFFFFC0];
	v1 =	vadd.f32 v1, v6  }
0x2cf: {  	[tilespmem:s21+$0x30] =	vst v2;
	v2 =	vld [tilespmem:s21+$0x40]  }
0x2d0: {  	v6 =	vld [tilespmem:s18+$0x40];
	[tilespmem:s21+$0xFFFFFF30] =	vst v1;
	v0 =	vadd.f32 v4, v0  }
0x2d1: {  	v1 =	vld [tilespmem:s18+$0xFFFFFF40]  }
0x2d2: {  	[tilespmem:s21+$0xC0] =	vst v0;
	v0 =	vld [tilespmem:s21+$0xD0]  }
0x2d3: {  	v3 =	vadd.f32 v5, v3;
	v4 =	vld [tilespmem:s18+$0xD0]  }
0x2d4: {  	v5 =	vld [tilespmem:s21+$0xFFFFFF50]  }
0x2d5: {  	[tilespmem:s21+$0xFFFFFFC0] =	vst v3;
	v2 =	vadd.f32 v6, v2;
	v3 =	vld [tilespmem:s21+$0xFFFFFFD0]  }
0x2d6: {  	v6 =	vld [tilespmem:s18+$0xFFFFFFD0];
	v1 =	vadd.f32 v1, v7  }
0x2d7: {  	[tilespmem:s21+$0x40] =	vst v2;
	v2 =	vld [tilespmem:s21+$0x50]  }
0x2d8: {  	v7 =	vld [tilespmem:s18+$0x50];
	[tilespmem:s21+$0xFFFFFF40] =	vst v1;
	v0 =	vadd.f32 v4, v0  }
0x2d9: {  	v1 =	vld [tilespmem:s18+$0xFFFFFF50]  }
0x2da: {  	[tilespmem:s21+$0xD0] =	vst v0;
	v0 =	vld [tilespmem:s21+$0xE0]  }
0x2db: {  	v3 =	vadd.f32 v6, v3;
	v4 =	vld [tilespmem:s18+$0xE0]  }
0x2dc: {  	v6 =	vld [tilespmem:s21+$0xFFFFFF60]  }
0x2dd: {  	[tilespmem:s21+$0xFFFFFFD0] =	vst v3;
	v2 =	vadd.f32 v7, v2;
	v3 =	vld [tilespmem:s21+$0xFFFFFFE0]  }
0x2de: {  	v7 =	vld [tilespmem:s18+$0xFFFFFFE0];
	v1 =	vadd.f32 v1, v5  }
0x2df: {  	[tilespmem:s21+$0x50] =	vst v2;
	v2 =	vld [tilespmem:s21+$0x60]  }
0x2e0: {  	v5 =	vld [tilespmem:s18+$0x60];
	[tilespmem:s21+$0xFFFFFF50] =	vst v1;
	v0 =	vadd.f32 v4, v0  }
0x2e1: {  	v4 =	vld [tilespmem:s18+$0xFFFFFF60]  }
0x2e2: {  	v8 =	vld [tilespmem:s21+$0xF0];
	[tilespmem:s21+$0xE0] =	vst v0  }
0x2e3: {  	v1 =	vadd.f32 v7, v3;
	v7 =	vld [tilespmem:s18+$0xF0]  }
0x2e4: {  	v0 =	vld [tilespmem:s21+$0xFFFFFF70]  }
0x2e5: {  	[tilespmem:s21+$0xFFFFFFE0] =	vst v1;
	v2 =	vadd.f32 v5, v2;
	v1 =	vld [tilespmem:s21+$0xFFFFFFF0]  }
0x2e6: {  	v3 =	vld [tilespmem:s18+$0xFFFFFFF0];
	v4 =	vadd.f32 v4, v6  }
0x2e7: {  	[tilespmem:s21+$0x60] =	vst v2;
	v2 =	vld [tilespmem:s21+$0x70]  }
0x2e8: {  	[tilespmem:s21+$0xFFFFFF60] =	vst v4;
	v4 =	vld [tilespmem:s18+$0x70];
	v6 =	vadd.f32 v7, v8  }
0x2e9: {  	s9 =	simm.s32 $0x6A00;
	s6 =	simm.s32 $0x0;
	v5 =	vld [tilespmem:s18+$0xFFFFFF70]  }
.LBB2_11:
0x2ea: {  	v7 =	vld [tilespmem:s9+$0x80];
	[tilespmem:s21+$0xF0] =	vst v6;
	s18 =	sadd.s32 $0x200, s18  }
0x2eb: {  	s6 =	sadd.s32 $0x4, s6;
	v6 =	vld [tilespmem:s18+$0x80];
	v1 =	vadd.f32 v3, v1  }
0x2ec: {  	p0 =	slt.u32 s6, $0xC4;
	v3 =	vld [tilespmem:s18+$0xFFFFFF00]  }
0x2ed: {  	v8 =	vld [tilespmem:s9+$0xFFFFFF80];
	[tilespmem:s21+$0xFFFFFFF0] =	vst v1;
	v1 =	vadd.f32 v4, v2  }
0x2ee: {  	v2 =	vld [tilespmem:s18+$0xFFFFFF80];
	v0 =	vadd.f32 v5, v0  }
0x2ef: {  	v4 =	vld [tilespmem:s9+$0x0];
	[tilespmem:s21+$0x70] =	vst v1  }
0x2f0: {  	v1 =	vld [tilespmem:s18+$0x0];
	v5 =	vadd.f32 v6, v7;
	[tilespmem:s21+$0xFFFFFF70] =	vst v0;
	s21 =	smov.u32 s9  }
0x2f1: {  	v0 =	vld [tilespmem:s9+$0xFFFFFF00]  }
0x2f2: {  	[tilespmem:s9+$0x80] =	vst v5;
	v5 =	vld [tilespmem:s9+$0x90]  }
0x2f3: {  	v2 =	vadd.f32 v2, v8;
	v6 =	vld [tilespmem:s18+$0x90]  }
0x2f4: {  	v7 =	vld [tilespmem:s9+$0xFFFFFF10]  }
0x2f5: {  	[tilespmem:s9+$0xFFFFFF80] =	vst v2;
	v2 =	vld [tilespmem:s9+$0xFFFFFF90];
	v1 =	vadd.f32 v1, v4  }
0x2f6: {  	v0 =	vadd.f32 v3, v0;
	v3 =	vld [tilespmem:s18+$0xFFFFFF90]  }
0x2f7: {  	[tilespmem:s9+$0x0] =	vst v1;
	v1 =	vld [tilespmem:s9+$0x10]  }
0x2f8: {  	[tilespmem:s9+$0xFFFFFF00] =	vst v0;
	v0 =	vld [tilespmem:s18+$0x10];
	v4 =	vadd.f32 v6, v5  }
0x2f9: {  	v5 =	vld [tilespmem:s18+$0xFFFFFF10]  }
0x2fa: {  	[tilespmem:s9+$0x90] =	vst v4;
	v4 =	vld [tilespmem:s9+$0xA0]  }
0x2fb: {  	v2 =	vadd.f32 v3, v2;
	v3 =	vld [tilespmem:s18+$0xA0]  }
0x2fc: {  	v6 =	vld [tilespmem:s9+$0xFFFFFF20]  }
0x2fd: {  	[tilespmem:s9+$0xFFFFFF90] =	vst v2;
	v2 =	vld [tilespmem:s9+$0xFFFFFFA0];
	v0 =	vadd.f32 v0, v1  }
0x2fe: {  	v1 =	vadd.f32 v5, v7;
	v5 =	vld [tilespmem:s18+$0xFFFFFFA0]  }
0x2ff: {  	[tilespmem:s9+$0x10] =	vst v0;
	v0 =	vld [tilespmem:s9+$0x20]  }
0x300: {  	[tilespmem:s9+$0xFFFFFF10] =	vst v1;
	v1 =	vld [tilespmem:s18+$0x20];
	v3 =	vadd.f32 v3, v4  }
0x301: {  	v4 =	vld [tilespmem:s18+$0xFFFFFF20]  }
0x302: {  	[tilespmem:s9+$0xA0] =	vst v3;
	v3 =	vld [tilespmem:s9+$0xB0]  }
0x303: {  	v2 =	vadd.f32 v5, v2;
	v5 =	vld [tilespmem:s18+$0xB0]  }
0x304: {  	v7 =	vld [tilespmem:s9+$0xFFFFFF30]  }
0x305: {  	[tilespmem:s9+$0xFFFFFFA0] =	vst v2;
	v2 =	vld [tilespmem:s9+$0xFFFFFFB0];
	v0 =	vadd.f32 v1, v0  }
0x306: {  	v1 =	vadd.f32 v4, v6;
	v4 =	vld [tilespmem:s18+$0xFFFFFFB0]  }
0x307: {  	[tilespmem:s9+$0x20] =	vst v0;
	v0 =	vld [tilespmem:s9+$0x30]  }
0x308: {  	[tilespmem:s9+$0xFFFFFF20] =	vst v1;
	v1 =	vld [tilespmem:s18+$0x30];
	v3 =	vadd.f32 v5, v3  }
0x309: {  	v5 =	vld [tilespmem:s18+$0xFFFFFF30]  }
0x30a: {  	[tilespmem:s9+$0xB0] =	vst v3;
	v3 =	vld [tilespmem:s9+$0xC0]  }
0x30b: {  	v2 =	vadd.f32 v4, v2;
	v4 =	vld [tilespmem:s18+$0xC0]  }
0x30c: {  	v6 =	vld [tilespmem:s9+$0xFFFFFF40]  }
0x30d: {  	[tilespmem:s9+$0xFFFFFFB0] =	vst v2;
	v2 =	vld [tilespmem:s9+$0xFFFFFFC0];
	v0 =	vadd.f32 v1, v0  }
0x30e: {  	v1 =	vadd.f32 v5, v7;
	v5 =	vld [tilespmem:s18+$0xFFFFFFC0]  }
0x30f: {  	[tilespmem:s9+$0x30] =	vst v0;
	v0 =	vld [tilespmem:s9+$0x40]  }
0x310: {  	[tilespmem:s9+$0xFFFFFF30] =	vst v1;
	v1 =	vld [tilespmem:s18+$0x40];
	v3 =	vadd.f32 v4, v3  }
0x311: {  	v4 =	vld [tilespmem:s18+$0xFFFFFF40]  }
0x312: {  	[tilespmem:s9+$0xC0] =	vst v3;
	v3 =	vld [tilespmem:s9+$0xD0]  }
0x313: {  	v2 =	vadd.f32 v5, v2;
	v5 =	vld [tilespmem:s18+$0xD0]  }
0x314: {  	v7 =	vld [tilespmem:s9+$0xFFFFFF50]  }
0x315: {  	[tilespmem:s9+$0xFFFFFFC0] =	vst v2;
	v2 =	vld [tilespmem:s9+$0xFFFFFFD0];
	v0 =	vadd.f32 v1, v0  }
0x316: {  	v1 =	vadd.f32 v4, v6;
	v4 =	vld [tilespmem:s18+$0xFFFFFFD0]  }
0x317: {  	[tilespmem:s9+$0x40] =	vst v0;
	v0 =	vld [tilespmem:s9+$0x50]  }
0x318: {  	[tilespmem:s9+$0xFFFFFF40] =	vst v1;
	v1 =	vld [tilespmem:s18+$0x50];
	v3 =	vadd.f32 v5, v3  }
0x319: {  	v5 =	vld [tilespmem:s18+$0xFFFFFF50]  }
0x31a: {  	[tilespmem:s9+$0xD0] =	vst v3;
	v3 =	vld [tilespmem:s9+$0xE0]  }
0x31b: {  	v2 =	vadd.f32 v4, v2;
	v4 =	vld [tilespmem:s18+$0xE0]  }
0x31c: {  	v6 =	vld [tilespmem:s9+$0xFFFFFF60]  }
0x31d: {  	[tilespmem:s9+$0xFFFFFFD0] =	vst v2;
	v2 =	vld [tilespmem:s9+$0xFFFFFFE0];
	v0 =	vadd.f32 v1, v0  }
0x31e: {  	v1 =	vadd.f32 v5, v7;
	v5 =	vld [tilespmem:s18+$0xFFFFFFE0]  }
0x31f: {  	[tilespmem:s9+$0x50] =	vst v0;
	v7 =	vld [tilespmem:s9+$0x60]  }
0x320: {  	[tilespmem:s9+$0xFFFFFF50] =	vst v1;
	v8 =	vld [tilespmem:s18+$0x60];
	v0 =	vadd.f32 v4, v3  }
0x321: {  	v3 =	vld [tilespmem:s18+$0xFFFFFF60]  }
0x322: {  	[tilespmem:s9+$0xE0] =	vst v0;
	v9 =	vld [tilespmem:s9+$0xF0]  }
0x323: {  	v1 =	vadd.f32 v5, v2;
	v5 =	vld [tilespmem:s18+$0xF0]  }
0x324: {  	v0 =	vld [tilespmem:s9+$0xFFFFFF70]  }
.Ltmp4:
0x325: {  	[tilespmem:s9+$0xFFFFFFE0] =	vst v1;
	v1 =	vld [tilespmem:s9+$0xFFFFFFF0];
	v2 =	vadd.f32 v8, v7;
	(pc) =	sbr.rel @p0 .LBB2_11-.Ltmp4, $4  }
0x326: {  	v4 =	vadd.f32 v3, v6;
	v3 =	vld [tilespmem:s18+$0xFFFFFFF0]  }
0x327: {  	[tilespmem:s9+$0x60] =	vst v2;
	v2 =	vld [tilespmem:s9+$0x70]  }
0x328: {  	[tilespmem:s9+$0xFFFFFF60] =	vst v4;
	v4 =	vld [tilespmem:s18+$0x70];
	v6 =	vadd.f32 v5, v9  }
0x329: {  	s9 =	sadd.s32 $0x200, s9;
	v5 =	vld [tilespmem:s18+$0xFFFFFF70]  }
0x32a: {  	_ = 	snop  }
0x32b: {  	v1 =	vadd.f32 v3, v1  }
0x32c: {  	[tilespmem:s21+$0xF0] =	vst v6  }
0x32d: {  	[tilespmem:s21+$0xFFFFFFF0] =	vst v1  }
0x32e: {  	v2 =	vadd.f32 v4, v2;
	s6 =	rddreg [dreg:$0xc]  }
0x32f: {  	v0 =	vadd.f32 v5, v0;
	s6 =	sadd.s32 s28, s6  }
0x330: {  	[tilespmem:s21+$0x70] =	vst v2;
	s6 =	sshll.u32 s6, $0x4  }
0x331: {  	[tilespmem:s21+$0xFFFFFF70] =	vst v0;
	s6 =	sadd.s32 s4, s6  }
0x332: {  	[hbm4b:s6+s5] =	stream.linear.scatter [tilespmem:s31], [sflag:$0x5], $0x6400, $0x38;
	[tilespmem:$0x19300] =	vst v63  }
0x333: {  	s18 =	sadd.s32 s28, s17;
	_ =	swait.ge [sflag:s19], $0x6400  }
0x334: {  	s9 =	sshrl.u32 s18, $0x3;
	[sflag:s19] =	ssyncset.done $0x0  }
0x335: {  	s9 =	sadd.s32 s1, s9;
	s6 =	sshll.u32 s18, $0x4;
	[sflag:s19] =	ssyncadd.s32 $0xFFFF9C00  }
0x336: {  	[tilespmem:s5], [sflag:$0x1] =	stream.linear.gather [hbm4b:s9+s5], $0xC8, $0x38;
	[tilespmem:$0x19300] =	vst v63  }
0x337: {  	s6 =	sadd.s32 s0, s6  }
0x338: {  	[tilespmem:s29], [sflag:$0x1] =	stream.linear.gather [hbm4b:s6+s5], $0x6400, $0x38;
	[tilespmem:$0x19300] =	vst v63  }
0x339: {  	_ =	swait.ge [sflag:s20], $0x6400  }
0x33a: {  	[sflag:s20] =	ssyncset.done $0x0  }
0x33b: {  	[sflag:s20] =	ssyncadd.s32 $0xFFFF9C00  }
0x33c: {  	_ =	swait.ge [sflag:s20], $0xC8  }
0x33d: {  	[sflag:s20] =	ssyncset.done $0x0  }
0x33e: {  	[sflag:s20] =	ssyncadd.s32 $0xFFFFFF38  }
0x33f: {  	[tilespmem:s8], [sflag:$0x7] =	stream.indirect.gather [hbm4b:s7+s3], $0x80, s14, s3, $0xb8;
	[tilespmem:$0x19300] =	vst v63  }
0x340: {  	s21 =	simm.s32 $0x268  }
0x341: {  	[tilespmem:s11], [sflag:$0x7] =	stream.indirect.gather [hbm4b:s7+s10], $0x80, s21, s10, $0xb8;
	[tilespmem:$0x19300] =	vst v63  }
0x342: {  	_ =	swait.ge [sflag:s12], $0x3400  }
0x343: {  	[sflag:s12] =	ssyncset.done $0x0  }
0x344: {  	[sflag:s12] =	ssyncadd.s32 $0xFFFFCC00  }
0x345: {  	_ =	swait.ge [sflag:s12], $0x3000  }
0x346: {  	[sflag:s12] =	ssyncset.done $0x0  }
0x347: {  	s21 =	simm.s32 $0xCC00;
	[sflag:s12] =	ssyncadd.s32 $0xFFFFD000  }
0x348: {  	s18 =	simm.s32 $0x13000;
	v0 =	vld [tilespmem:s21+$0x80]  }
0x349: {  	v1 =	vld [tilespmem:s18+$0x80]  }
0x34a: {  	v2 =	vld [tilespmem:s21+$0xFFFFFF80]  }
0x34b: {  	v3 =	vld [tilespmem:s18+$0xFFFFFF80]  }
0x34c: {  	v4 =	vld [tilespmem:s21+$0x0]  }
0x34d: {  	v5 =	vld [tilespmem:s18+$0x0]  }
0x34e: {  	v6 =	vld [tilespmem:s21+$0xFFFFFF00];
	v0 =	vadd.f32 v1, v0  }
0x34f: {  	v1 =	vld [tilespmem:s18+$0xFFFFFF00]  }
0x350: {  	[tilespmem:s21+$0x80] =	vst v0;
	v0 =	vld [tilespmem:s21+$0x90]  }
0x351: {  	v2 =	vadd.f32 v3, v2;
	v3 =	vld [tilespmem:s18+$0x90]  }
0x352: {  	v7 =	vld [tilespmem:s21+$0xFFFFFF10]  }
0x353: {  	[tilespmem:s21+$0xFFFFFF80] =	vst v2;
	v2 =	vadd.f32 v5, v4;
	v4 =	vld [tilespmem:s21+$0xFFFFFF90]  }
0x354: {  	v5 =	vld [tilespmem:s18+$0xFFFFFF90];
	v1 =	vadd.f32 v1, v6  }
0x355: {  	[tilespmem:s21+$0x0] =	vst v2;
	v2 =	vld [tilespmem:s21+$0x10]  }
0x356: {  	v6 =	vld [tilespmem:s18+$0x10];
	[tilespmem:s21+$0xFFFFFF00] =	vst v1;
	v0 =	vadd.f32 v3, v0  }
0x357: {  	v1 =	vld [tilespmem:s18+$0xFFFFFF10]  }
0x358: {  	[tilespmem:s21+$0x90] =	vst v0;
	v0 =	vld [tilespmem:s21+$0xA0]  }
0x359: {  	v3 =	vadd.f32 v5, v4;
	v4 =	vld [tilespmem:s18+$0xA0]  }
0x35a: {  	v5 =	vld [tilespmem:s21+$0xFFFFFF20]  }
0x35b: {  	[tilespmem:s21+$0xFFFFFF90] =	vst v3;
	v2 =	vadd.f32 v6, v2;
	v3 =	vld [tilespmem:s21+$0xFFFFFFA0]  }
0x35c: {  	v6 =	vld [tilespmem:s18+$0xFFFFFFA0];
	v1 =	vadd.f32 v1, v7  }
0x35d: {  	[tilespmem:s21+$0x10] =	vst v2;
	v2 =	vld [tilespmem:s21+$0x20]  }
0x35e: {  	v7 =	vld [tilespmem:s18+$0x20];
	[tilespmem:s21+$0xFFFFFF10] =	vst v1;
	v0 =	vadd.f32 v4, v0  }
0x35f: {  	v1 =	vld [tilespmem:s18+$0xFFFFFF20]  }
0x360: {  	[tilespmem:s21+$0xA0] =	vst v0;
	v0 =	vld [tilespmem:s21+$0xB0]  }
0x361: {  	v3 =	vadd.f32 v6, v3;
	v4 =	vld [tilespmem:s18+$0xB0]  }
0x362: {  	v6 =	vld [tilespmem:s21+$0xFFFFFF30]  }
0x363: {  	[tilespmem:s21+$0xFFFFFFA0] =	vst v3;
	v2 =	vadd.f32 v7, v2;
	v3 =	vld [tilespmem:s21+$0xFFFFFFB0]  }
0x364: {  	v7 =	vld [tilespmem:s18+$0xFFFFFFB0];
	v1 =	vadd.f32 v1, v5  }
0x365: {  	[tilespmem:s21+$0x20] =	vst v2;
	v2 =	vld [tilespmem:s21+$0x30]  }
0x366: {  	v5 =	vld [tilespmem:s18+$0x30];
	[tilespmem:s21+$0xFFFFFF20] =	vst v1;
	v0 =	vadd.f32 v4, v0  }
0x367: {  	v1 =	vld [tilespmem:s18+$0xFFFFFF30]  }
0x368: {  	[tilespmem:s21+$0xB0] =	vst v0;
	v0 =	vld [tilespmem:s21+$0xC0]  }
0x369: {  	v3 =	vadd.f32 v7, v3;
	v4 =	vld [tilespmem:s18+$0xC0]  }
0x36a: {  	v7 =	vld [tilespmem:s21+$0xFFFFFF40]  }
0x36b: {  	[tilespmem:s21+$0xFFFFFFB0] =	vst v3;
	v2 =	vadd.f32 v5, v2;
	v3 =	vld [tilespmem:s21+$0xFFFFFFC0]  }
0x36c: {  	v5 =	vld [tilespmem:s18+$0xFFFFFFC0];
	v1 =	vadd.f32 v1, v6  }
0x36d: {  	[tilespmem:s21+$0x30] =	vst v2;
	v2 =	vld [tilespmem:s21+$0x40]  }
0x36e: {  	v6 =	vld [tilespmem:s18+$0x40];
	[tilespmem:s21+$0xFFFFFF30] =	vst v1;
	v0 =	vadd.f32 v4, v0  }
0x36f: {  	v1 =	vld [tilespmem:s18+$0xFFFFFF40]  }
0x370: {  	[tilespmem:s21+$0xC0] =	vst v0;
	v0 =	vld [tilespmem:s21+$0xD0]  }
0x371: {  	v3 =	vadd.f32 v5, v3;
	v4 =	vld [tilespmem:s18+$0xD0]  }
0x372: {  	v5 =	vld [tilespmem:s21+$0xFFFFFF50]  }
0x373: {  	[tilespmem:s21+$0xFFFFFFC0] =	vst v3;
	v2 =	vadd.f32 v6, v2;
	v3 =	vld [tilespmem:s21+$0xFFFFFFD0]  }
0x374: {  	v6 =	vld [tilespmem:s18+$0xFFFFFFD0];
	v1 =	vadd.f32 v1, v7  }
0x375: {  	[tilespmem:s21+$0x40] =	vst v2;
	v2 =	vld [tilespmem:s21+$0x50]  }
0x376: {  	v7 =	vld [tilespmem:s18+$0x50];
	[tilespmem:s21+$0xFFFFFF40] =	vst v1;
	v0 =	vadd.f32 v4, v0  }
0x377: {  	v1 =	vld [tilespmem:s18+$0xFFFFFF50]  }
0x378: {  	[tilespmem:s21+$0xD0] =	vst v0;
	v0 =	vld [tilespmem:s21+$0xE0]  }
0x379: {  	v3 =	vadd.f32 v6, v3;
	v4 =	vld [tilespmem:s18+$0xE0]  }
0x37a: {  	v6 =	vld [tilespmem:s21+$0xFFFFFF60]  }
0x37b: {  	[tilespmem:s21+$0xFFFFFFD0] =	vst v3;
	v2 =	vadd.f32 v7, v2;
	v3 =	vld [tilespmem:s21+$0xFFFFFFE0]  }
0x37c: {  	v7 =	vld [tilespmem:s18+$0xFFFFFFE0];
	v1 =	vadd.f32 v1, v5  }
0x37d: {  	[tilespmem:s21+$0x50] =	vst v2;
	v2 =	vld [tilespmem:s21+$0x60]  }
0x37e: {  	v5 =	vld [tilespmem:s18+$0x60];
	[tilespmem:s21+$0xFFFFFF50] =	vst v1;
	v0 =	vadd.f32 v4, v0  }
0x37f: {  	v4 =	vld [tilespmem:s18+$0xFFFFFF60]  }
0x380: {  	v8 =	vld [tilespmem:s21+$0xF0];
	[tilespmem:s21+$0xE0] =	vst v0  }
0x381: {  	v1 =	vadd.f32 v7, v3;
	v7 =	vld [tilespmem:s18+$0xF0]  }
0x382: {  	v0 =	vld [tilespmem:s21+$0xFFFFFF70]  }
0x383: {  	[tilespmem:s21+$0xFFFFFFE0] =	vst v1;
	v2 =	vadd.f32 v5, v2;
	v1 =	vld [tilespmem:s21+$0xFFFFFFF0]  }
0x384: {  	v3 =	vld [tilespmem:s18+$0xFFFFFFF0];
	v4 =	vadd.f32 v4, v6  }
0x385: {  	[tilespmem:s21+$0x60] =	vst v2;
	v2 =	vld [tilespmem:s21+$0x70]  }
0x386: {  	[tilespmem:s21+$0xFFFFFF60] =	vst v4;
	v4 =	vld [tilespmem:s18+$0x70];
	v6 =	vadd.f32 v7, v8  }
0x387: {  	s9 =	simm.s32 $0xCE00;
	s6 =	simm.s32 $0x0;
	v5 =	vld [tilespmem:s18+$0xFFFFFF70]  }
.LBB2_13:
0x388: {  	v7 =	vld [tilespmem:s9+$0x80];
	[tilespmem:s21+$0xF0] =	vst v6;
	s18 =	sadd.s32 $0x200, s18  }
0x389: {  	s6 =	sadd.s32 $0x4, s6;
	v6 =	vld [tilespmem:s18+$0x80];
	v1 =	vadd.f32 v3, v1  }
0x38a: {  	p0 =	slt.u32 s6, $0xC4;
	v3 =	vld [tilespmem:s18+$0xFFFFFF00]  }
0x38b: {  	v8 =	vld [tilespmem:s9+$0xFFFFFF80];
	[tilespmem:s21+$0xFFFFFFF0] =	vst v1;
	v1 =	vadd.f32 v4, v2  }
0x38c: {  	v2 =	vld [tilespmem:s18+$0xFFFFFF80];
	v0 =	vadd.f32 v5, v0  }
0x38d: {  	v4 =	vld [tilespmem:s9+$0x0];
	[tilespmem:s21+$0x70] =	vst v1  }
0x38e: {  	v1 =	vld [tilespmem:s18+$0x0];
	v5 =	vadd.f32 v6, v7;
	[tilespmem:s21+$0xFFFFFF70] =	vst v0;
	s21 =	smov.u32 s9  }
0x38f: {  	v0 =	vld [tilespmem:s9+$0xFFFFFF00]  }
0x390: {  	[tilespmem:s9+$0x80] =	vst v5;
	v5 =	vld [tilespmem:s9+$0x90]  }
0x391: {  	v2 =	vadd.f32 v2, v8;
	v6 =	vld [tilespmem:s18+$0x90]  }
0x392: {  	v7 =	vld [tilespmem:s9+$0xFFFFFF10]  }
0x393: {  	[tilespmem:s9+$0xFFFFFF80] =	vst v2;
	v2 =	vld [tilespmem:s9+$0xFFFFFF90];
	v1 =	vadd.f32 v1, v4  }
0x394: {  	v0 =	vadd.f32 v3, v0;
	v3 =	vld [tilespmem:s18+$0xFFFFFF90]  }
0x395: {  	[tilespmem:s9+$0x0] =	vst v1;
	v1 =	vld [tilespmem:s9+$0x10]  }
0x396: {  	[tilespmem:s9+$0xFFFFFF00] =	vst v0;
	v0 =	vld [tilespmem:s18+$0x10];
	v4 =	vadd.f32 v6, v5  }
0x397: {  	v5 =	vld [tilespmem:s18+$0xFFFFFF10]  }
0x398: {  	[tilespmem:s9+$0x90] =	vst v4;
	v4 =	vld [tilespmem:s9+$0xA0]  }
0x399: {  	v2 =	vadd.f32 v3, v2;
	v3 =	vld [tilespmem:s18+$0xA0]  }
0x39a: {  	v6 =	vld [tilespmem:s9+$0xFFFFFF20]  }
0x39b: {  	[tilespmem:s9+$0xFFFFFF90] =	vst v2;
	v2 =	vld [tilespmem:s9+$0xFFFFFFA0];
	v0 =	vadd.f32 v0, v1  }
0x39c: {  	v1 =	vadd.f32 v5, v7;
	v5 =	vld [tilespmem:s18+$0xFFFFFFA0]  }
0x39d: {  	[tilespmem:s9+$0x10] =	vst v0;
	v0 =	vld [tilespmem:s9+$0x20]  }
0x39e: {  	[tilespmem:s9+$0xFFFFFF10] =	vst v1;
	v1 =	vld [tilespmem:s18+$0x20];
	v3 =	vadd.f32 v3, v4  }
0x39f: {  	v4 =	vld [tilespmem:s18+$0xFFFFFF20]  }
0x3a0: {  	[tilespmem:s9+$0xA0] =	vst v3;
	v3 =	vld [tilespmem:s9+$0xB0]  }
0x3a1: {  	v2 =	vadd.f32 v5, v2;
	v5 =	vld [tilespmem:s18+$0xB0]  }
0x3a2: {  	v7 =	vld [tilespmem:s9+$0xFFFFFF30]  }
0x3a3: {  	[tilespmem:s9+$0xFFFFFFA0] =	vst v2;
	v2 =	vld [tilespmem:s9+$0xFFFFFFB0];
	v0 =	vadd.f32 v1, v0  }
0x3a4: {  	v1 =	vadd.f32 v4, v6;
	v4 =	vld [tilespmem:s18+$0xFFFFFFB0]  }
0x3a5: {  	[tilespmem:s9+$0x20] =	vst v0;
	v0 =	vld [tilespmem:s9+$0x30]  }
0x3a6: {  	[tilespmem:s9+$0xFFFFFF20] =	vst v1;
	v1 =	vld [tilespmem:s18+$0x30];
	v3 =	vadd.f32 v5, v3  }
0x3a7: {  	v5 =	vld [tilespmem:s18+$0xFFFFFF30]  }
0x3a8: {  	[tilespmem:s9+$0xB0] =	vst v3;
	v3 =	vld [tilespmem:s9+$0xC0]  }
0x3a9: {  	v2 =	vadd.f32 v4, v2;
	v4 =	vld [tilespmem:s18+$0xC0]  }
0x3aa: {  	v6 =	vld [tilespmem:s9+$0xFFFFFF40]  }
0x3ab: {  	[tilespmem:s9+$0xFFFFFFB0] =	vst v2;
	v2 =	vld [tilespmem:s9+$0xFFFFFFC0];
	v0 =	vadd.f32 v1, v0  }
0x3ac: {  	v1 =	vadd.f32 v5, v7;
	v5 =	vld [tilespmem:s18+$0xFFFFFFC0]  }
0x3ad: {  	[tilespmem:s9+$0x30] =	vst v0;
	v0 =	vld [tilespmem:s9+$0x40]  }
0x3ae: {  	[tilespmem:s9+$0xFFFFFF30] =	vst v1;
	v1 =	vld [tilespmem:s18+$0x40];
	v3 =	vadd.f32 v4, v3  }
0x3af: {  	v4 =	vld [tilespmem:s18+$0xFFFFFF40]  }
0x3b0: {  	[tilespmem:s9+$0xC0] =	vst v3;
	v3 =	vld [tilespmem:s9+$0xD0]  }
0x3b1: {  	v2 =	vadd.f32 v5, v2;
	v5 =	vld [tilespmem:s18+$0xD0]  }
0x3b2: {  	v7 =	vld [tilespmem:s9+$0xFFFFFF50]  }
0x3b3: {  	[tilespmem:s9+$0xFFFFFFC0] =	vst v2;
	v2 =	vld [tilespmem:s9+$0xFFFFFFD0];
	v0 =	vadd.f32 v1, v0  }
0x3b4: {  	v1 =	vadd.f32 v4, v6;
	v4 =	vld [tilespmem:s18+$0xFFFFFFD0]  }
0x3b5: {  	[tilespmem:s9+$0x40] =	vst v0;
	v0 =	vld [tilespmem:s9+$0x50]  }
0x3b6: {  	[tilespmem:s9+$0xFFFFFF40] =	vst v1;
	v1 =	vld [tilespmem:s18+$0x50];
	v3 =	vadd.f32 v5, v3  }
0x3b7: {  	v5 =	vld [tilespmem:s18+$0xFFFFFF50]  }
0x3b8: {  	[tilespmem:s9+$0xD0] =	vst v3;
	v3 =	vld [tilespmem:s9+$0xE0]  }
0x3b9: {  	v2 =	vadd.f32 v4, v2;
	v4 =	vld [tilespmem:s18+$0xE0]  }
0x3ba: {  	v6 =	vld [tilespmem:s9+$0xFFFFFF60]  }
0x3bb: {  	[tilespmem:s9+$0xFFFFFFD0] =	vst v2;
	v2 =	vld [tilespmem:s9+$0xFFFFFFE0];
	v0 =	vadd.f32 v1, v0  }
0x3bc: {  	v1 =	vadd.f32 v5, v7;
	v5 =	vld [tilespmem:s18+$0xFFFFFFE0]  }
0x3bd: {  	[tilespmem:s9+$0x50] =	vst v0;
	v7 =	vld [tilespmem:s9+$0x60]  }
0x3be: {  	[tilespmem:s9+$0xFFFFFF50] =	vst v1;
	v8 =	vld [tilespmem:s18+$0x60];
	v0 =	vadd.f32 v4, v3  }
0x3bf: {  	v3 =	vld [tilespmem:s18+$0xFFFFFF60]  }
0x3c0: {  	[tilespmem:s9+$0xE0] =	vst v0;
	v9 =	vld [tilespmem:s9+$0xF0]  }
0x3c1: {  	v1 =	vadd.f32 v5, v2;
	v5 =	vld [tilespmem:s18+$0xF0]  }
0x3c2: {  	v0 =	vld [tilespmem:s9+$0xFFFFFF70]  }
.Ltmp5:
0x3c3: {  	[tilespmem:s9+$0xFFFFFFE0] =	vst v1;
	v1 =	vld [tilespmem:s9+$0xFFFFFFF0];
	v2 =	vadd.f32 v8, v7;
	(pc) =	sbr.rel @p0 .LBB2_13-.Ltmp5, $4  }
0x3c4: {  	v4 =	vadd.f32 v3, v6;
	v3 =	vld [tilespmem:s18+$0xFFFFFFF0]  }
0x3c5: {  	[tilespmem:s9+$0x60] =	vst v2;
	v2 =	vld [tilespmem:s9+$0x70]  }
0x3c6: {  	[tilespmem:s9+$0xFFFFFF60] =	vst v4;
	v4 =	vld [tilespmem:s18+$0x70];
	v6 =	vadd.f32 v5, v9  }
0x3c7: {  	s9 =	sadd.s32 $0x200, s9;
	v5 =	vld [tilespmem:s18+$0xFFFFFF70]  }
0x3c8: {  	_ =	sdelay $0x1  }
0x3c9: {  	v1 =	vadd.f32 v3, v1  }
0x3ca: {  	[tilespmem:s21+$0xF0] =	vst v6;
	v2 =	vadd.f32 v4, v2  }
0x3cb: {  	[tilespmem:s21+$0xFFFFFFF0] =	vst v1;
	v0 =	vadd.f32 v5, v0  }
0x3cc: {  	[tilespmem:s21+$0x70] =	vst v2  }
0x3cd: {  	s6 =	sadd.s32 s4, s25;
	s26 =	sadd.s32 $0x1, s26;
	[tilespmem:s21+$0xFFFFFF70] =	vst v0  }
0x3ce: {  	[hbm4b:s6+s5] =	stream.linear.scatter [tilespmem:s15], [sflag:$0x6], $0x6400, $0x38;
	[tilespmem:$0x19300] =	vst v63  }
0x3cf: {  	s28 =	sadd.s32 s28, s22;
	p0 =	sne.s32 s26, $0x10;
	_ =	swait.ge [sflag:s23], $0x6400  }
.Ltmp6:
0x3d0: {  	s9 =	sshrl.u32 s28, $0x3;
	[sflag:s23] =	ssyncset.done $0x0;
	(pc) =	sbr.rel @p0 .LBB2_8-.Ltmp6, $4  }
0x3d1: {  	s9 =	sadd.s32 s1, s9;
	s6 =	sshll.u32 s28, $0x4;
	[sflag:s23] =	ssyncadd.s32 $0xFFFF9C00  }
0x3d2: {  	[tilespmem:s30], [sflag:$0x2] =	stream.linear.gather [hbm4b:s9+s5], $0xC8, $0x38;
	[tilespmem:$0x19300] =	vst v63  }
0x3d3: {  	s6 =	sadd.s32 s0, s6  }
0x3d4: {  	[tilespmem:s31], [sflag:$0x2] =	stream.linear.gather [hbm4b:s6+s5], $0x6400, $0x38;
	[tilespmem:$0x19300] =	vst v63  }
0x3d5: {  	_ =	swait.ge [sflag:s2], $0x6400  }
0x3d6: {  	[sflag:s2] =	ssyncset.done $0x0  }
0x3d7: {  	[sflag:s2] =	ssyncadd.s32 $0xFFFF9C00  }
0x3d8: {  	_ =	swait.ge [sflag:s2], $0xC8  }
0x3d9: {  	[sflag:s2] =	ssyncset.done $0x0  }
0x3da: {  	[sflag:s2] =	ssyncadd.s32 $0xFFFFFF38  }
0x3db: {  	[tilespmem:s8], [sflag:$0x7] =	stream.indirect.gather [hbm4b:s7+s3], $0x80, s5, s3, $0xb8;
	[tilespmem:$0x19300] =	vst v63  }
0x3dc: {  	_ = 	snop  }
0x3dd: {  	[tilespmem:s11], [sflag:$0x7] =	stream.indirect.gather [hbm4b:s7+s10], $0x80, s3, s10, $0xb8;
	[tilespmem:$0x19300] =	vst v63  }
0x3de: {  	_ =	swait.ge [sflag:s12], $0x3400  }
0x3df: {  	[sflag:s12] =	ssyncset.done $0x0  }
0x3e0: {  	[sflag:s12] =	ssyncadd.s32 $0xFFFFCC00  }
0x3e1: {  	_ =	swait.ge [sflag:s12], $0x3000  }
0x3e2: {  	[sflag:s12] =	ssyncset.done $0x0  }
0x3e3: {  	s21 =	simm.s32 $0x400;
	[sflag:s12] =	ssyncadd.s32 $0xFFFFD000  }
0x3e4: {  	s18 =	simm.s32 $0x13000;
	v0 =	vld [tilespmem:s21+$0x80]  }
0x3e5: {  	v1 =	vld [tilespmem:s18+$0x80]  }
0x3e6: {  	v2 =	vld [tilespmem:s21+$0xFFFFFF80]  }
0x3e7: {  	v3 =	vld [tilespmem:s18+$0xFFFFFF80]  }
0x3e8: {  	v4 =	vld [tilespmem:s21+$0x0]  }
0x3e9: {  	v5 =	vld [tilespmem:s18+$0x0]  }
0x3ea: {  	v6 =	vld [tilespmem:s21+$0xFFFFFF00];
	v0 =	vadd.f32 v1, v0  }
0x3eb: {  	v1 =	vld [tilespmem:s18+$0xFFFFFF00]  }
0x3ec: {  	[tilespmem:s21+$0x80] =	vst v0;
	v0 =	vld [tilespmem:s21+$0x90]  }
0x3ed: {  	v2 =	vadd.f32 v3, v2;
	v3 =	vld [tilespmem:s18+$0x90]  }
0x3ee: {  	v7 =	vld [tilespmem:s21+$0xFFFFFF10]  }
0x3ef: {  	[tilespmem:s21+$0xFFFFFF80] =	vst v2;
	v2 =	vadd.f32 v5, v4;
	v4 =	vld [tilespmem:s21+$0xFFFFFF90]  }
0x3f0: {  	v5 =	vld [tilespmem:s18+$0xFFFFFF90];
	v1 =	vadd.f32 v1, v6  }
0x3f1: {  	[tilespmem:s21+$0x0] =	vst v2;
	v2 =	vld [tilespmem:s21+$0x10]  }
0x3f2: {  	v6 =	vld [tilespmem:s18+$0x10];
	[tilespmem:s21+$0xFFFFFF00] =	vst v1;
	v0 =	vadd.f32 v3, v0  }
0x3f3: {  	v1 =	vld [tilespmem:s18+$0xFFFFFF10]  }
0x3f4: {  	[tilespmem:s21+$0x90] =	vst v0;
	v0 =	vld [tilespmem:s21+$0xA0]  }
0x3f5: {  	v3 =	vadd.f32 v5, v4;
	v4 =	vld [tilespmem:s18+$0xA0]  }
0x3f6: {  	v5 =	vld [tilespmem:s21+$0xFFFFFF20]  }
0x3f7: {  	[tilespmem:s21+$0xFFFFFF90] =	vst v3;
	v2 =	vadd.f32 v6, v2;
	v3 =	vld [tilespmem:s21+$0xFFFFFFA0]  }
0x3f8: {  	v6 =	vld [tilespmem:s18+$0xFFFFFFA0];
	v1 =	vadd.f32 v1, v7  }
0x3f9: {  	[tilespmem:s21+$0x10] =	vst v2;
	v2 =	vld [tilespmem:s21+$0x20]  }
0x3fa: {  	v7 =	vld [tilespmem:s18+$0x20];
	[tilespmem:s21+$0xFFFFFF10] =	vst v1;
	v0 =	vadd.f32 v4, v0  }
0x3fb: {  	v1 =	vld [tilespmem:s18+$0xFFFFFF20]  }
0x3fc: {  	[tilespmem:s21+$0xA0] =	vst v0;
	v0 =	vld [tilespmem:s21+$0xB0]  }
0x3fd: {  	v3 =	vadd.f32 v6, v3;
	v4 =	vld [tilespmem:s18+$0xB0]  }
0x3fe: {  	v6 =	vld [tilespmem:s21+$0xFFFFFF30]  }
0x3ff: {  	[tilespmem:s21+$0xFFFFFFA0] =	vst v3;
	v2 =	vadd.f32 v7, v2;
	v3 =	vld [tilespmem:s21+$0xFFFFFFB0]  }
0x400: {  	v7 =	vld [tilespmem:s18+$0xFFFFFFB0];
	v1 =	vadd.f32 v1, v5  }
0x401: {  	[tilespmem:s21+$0x20] =	vst v2;
	v2 =	vld [tilespmem:s21+$0x30]  }
0x402: {  	v5 =	vld [tilespmem:s18+$0x30];
	[tilespmem:s21+$0xFFFFFF20] =	vst v1;
	v0 =	vadd.f32 v4, v0  }
0x403: {  	v1 =	vld [tilespmem:s18+$0xFFFFFF30]  }
0x404: {  	[tilespmem:s21+$0xB0] =	vst v0;
	v0 =	vld [tilespmem:s21+$0xC0]  }
0x405: {  	v3 =	vadd.f32 v7, v3;
	v4 =	vld [tilespmem:s18+$0xC0]  }
0x406: {  	v7 =	vld [tilespmem:s21+$0xFFFFFF40]  }
0x407: {  	[tilespmem:s21+$0xFFFFFFB0] =	vst v3;
	v2 =	vadd.f32 v5, v2;
	v3 =	vld [tilespmem:s21+$0xFFFFFFC0]  }
0x408: {  	v5 =	vld [tilespmem:s18+$0xFFFFFFC0];
	v1 =	vadd.f32 v1, v6  }
0x409: {  	[tilespmem:s21+$0x30] =	vst v2;
	v2 =	vld [tilespmem:s21+$0x40]  }
0x40a: {  	v6 =	vld [tilespmem:s18+$0x40];
	[tilespmem:s21+$0xFFFFFF30] =	vst v1;
	v0 =	vadd.f32 v4, v0  }
0x40b: {  	v1 =	vld [tilespmem:s18+$0xFFFFFF40]  }
0x40c: {  	[tilespmem:s21+$0xC0] =	vst v0;
	v0 =	vld [tilespmem:s21+$0xD0]  }
0x40d: {  	v3 =	vadd.f32 v5, v3;
	v4 =	vld [tilespmem:s18+$0xD0]  }
0x40e: {  	v5 =	vld [tilespmem:s21+$0xFFFFFF50]  }
0x40f: {  	[tilespmem:s21+$0xFFFFFFC0] =	vst v3;
	v2 =	vadd.f32 v6, v2;
	v3 =	vld [tilespmem:s21+$0xFFFFFFD0]  }
0x410: {  	v6 =	vld [tilespmem:s18+$0xFFFFFFD0];
	v1 =	vadd.f32 v1, v7  }
0x411: {  	[tilespmem:s21+$0x40] =	vst v2;
	v2 =	vld [tilespmem:s21+$0x50]  }
0x412: {  	v7 =	vld [tilespmem:s18+$0x50];
	[tilespmem:s21+$0xFFFFFF40] =	vst v1;
	v0 =	vadd.f32 v4, v0  }
0x413: {  	v1 =	vld [tilespmem:s18+$0xFFFFFF50]  }
0x414: {  	[tilespmem:s21+$0xD0] =	vst v0;
	v0 =	vld [tilespmem:s21+$0xE0]  }
0x415: {  	v3 =	vadd.f32 v6, v3;
	v4 =	vld [tilespmem:s18+$0xE0]  }
0x416: {  	v6 =	vld [tilespmem:s21+$0xFFFFFF60]  }
0x417: {  	[tilespmem:s21+$0xFFFFFFD0] =	vst v3;
	v2 =	vadd.f32 v7, v2;
	v3 =	vld [tilespmem:s21+$0xFFFFFFE0]  }
0x418: {  	v7 =	vld [tilespmem:s18+$0xFFFFFFE0];
	v1 =	vadd.f32 v1, v5  }
0x419: {  	[tilespmem:s21+$0x50] =	vst v2;
	v2 =	vld [tilespmem:s21+$0x60]  }
0x41a: {  	v5 =	vld [tilespmem:s18+$0x60];
	[tilespmem:s21+$0xFFFFFF50] =	vst v1;
	v0 =	vadd.f32 v4, v0  }
0x41b: {  	v4 =	vld [tilespmem:s18+$0xFFFFFF60]  }
0x41c: {  	v8 =	vld [tilespmem:s21+$0xF0];
	[tilespmem:s21+$0xE0] =	vst v0  }
0x41d: {  	v1 =	vadd.f32 v7, v3;
	v7 =	vld [tilespmem:s18+$0xF0]  }
0x41e: {  	v0 =	vld [tilespmem:s21+$0xFFFFFF70]  }
0x41f: {  	[tilespmem:s21+$0xFFFFFFE0] =	vst v1;
	v2 =	vadd.f32 v5, v2;
	v1 =	vld [tilespmem:s21+$0xFFFFFFF0]  }
0x420: {  	v3 =	vld [tilespmem:s18+$0xFFFFFFF0];
	v4 =	vadd.f32 v4, v6  }
0x421: {  	[tilespmem:s21+$0x60] =	vst v2;
	v2 =	vld [tilespmem:s21+$0x70]  }
0x422: {  	[tilespmem:s21+$0xFFFFFF60] =	vst v4;
	v4 =	vld [tilespmem:s18+$0x70];
	v6 =	vadd.f32 v7, v8  }
0x423: {  	s6 =	simm.s32 $0x0;
	s9 =	simm.s32 $0x600;
	v5 =	vld [tilespmem:s18+$0xFFFFFF70]  }
.LBB2_16:
0x424: {  	v7 =	vld [tilespmem:s9+$0x80];
	[tilespmem:s21+$0xF0] =	vst v6;
	s18 =	sadd.s32 $0x200, s18  }
0x425: {  	s6 =	sadd.s32 $0x4, s6;
	v6 =	vld [tilespmem:s18+$0x80];
	v1 =	vadd.f32 v3, v1  }
0x426: {  	p0 =	slt.u32 s6, $0xC4;
	v3 =	vld [tilespmem:s18+$0xFFFFFF00]  }
0x427: {  	v8 =	vld [tilespmem:s9+$0xFFFFFF80];
	[tilespmem:s21+$0xFFFFFFF0] =	vst v1;
	v1 =	vadd.f32 v4, v2  }
0x428: {  	v2 =	vld [tilespmem:s18+$0xFFFFFF80];
	v0 =	vadd.f32 v5, v0  }
0x429: {  	v4 =	vld [tilespmem:s9+$0x0];
	[tilespmem:s21+$0x70] =	vst v1  }
0x42a: {  	v1 =	vld [tilespmem:s18+$0x0];
	v5 =	vadd.f32 v6, v7;
	[tilespmem:s21+$0xFFFFFF70] =	vst v0;
	s21 =	smov.u32 s9  }
0x42b: {  	v0 =	vld [tilespmem:s9+$0xFFFFFF00]  }
0x42c: {  	[tilespmem:s9+$0x80] =	vst v5;
	v5 =	vld [tilespmem:s9+$0x90]  }
0x42d: {  	v2 =	vadd.f32 v2, v8;
	v6 =	vld [tilespmem:s18+$0x90]  }
0x42e: {  	v7 =	vld [tilespmem:s9+$0xFFFFFF10]  }
0x42f: {  	[tilespmem:s9+$0xFFFFFF80] =	vst v2;
	v2 =	vld [tilespmem:s9+$0xFFFFFF90];
	v1 =	vadd.f32 v1, v4  }
0x430: {  	v0 =	vadd.f32 v3, v0;
	v3 =	vld [tilespmem:s18+$0xFFFFFF90]  }
0x431: {  	[tilespmem:s9+$0x0] =	vst v1;
	v1 =	vld [tilespmem:s9+$0x10]  }
0x432: {  	[tilespmem:s9+$0xFFFFFF00] =	vst v0;
	v0 =	vld [tilespmem:s18+$0x10];
	v4 =	vadd.f32 v6, v5  }
0x433: {  	v5 =	vld [tilespmem:s18+$0xFFFFFF10]  }
0x434: {  	[tilespmem:s9+$0x90] =	vst v4;
	v4 =	vld [tilespmem:s9+$0xA0]  }
0x435: {  	v2 =	vadd.f32 v3, v2;
	v3 =	vld [tilespmem:s18+$0xA0]  }
0x436: {  	v6 =	vld [tilespmem:s9+$0xFFFFFF20]  }
0x437: {  	[tilespmem:s9+$0xFFFFFF90] =	vst v2;
	v2 =	vld [tilespmem:s9+$0xFFFFFFA0];
	v0 =	vadd.f32 v0, v1  }
0x438: {  	v1 =	vadd.f32 v5, v7;
	v5 =	vld [tilespmem:s18+$0xFFFFFFA0]  }
0x439: {  	[tilespmem:s9+$0x10] =	vst v0;
	v0 =	vld [tilespmem:s9+$0x20]  }
0x43a: {  	[tilespmem:s9+$0xFFFFFF10] =	vst v1;
	v1 =	vld [tilespmem:s18+$0x20];
	v3 =	vadd.f32 v3, v4  }
0x43b: {  	v4 =	vld [tilespmem:s18+$0xFFFFFF20]  }
0x43c: {  	[tilespmem:s9+$0xA0] =	vst v3;
	v3 =	vld [tilespmem:s9+$0xB0]  }
0x43d: {  	v2 =	vadd.f32 v5, v2;
	v5 =	vld [tilespmem:s18+$0xB0]  }
0x43e: {  	v7 =	vld [tilespmem:s9+$0xFFFFFF30]  }
0x43f: {  	[tilespmem:s9+$0xFFFFFFA0] =	vst v2;
	v2 =	vld [tilespmem:s9+$0xFFFFFFB0];
	v0 =	vadd.f32 v1, v0  }
0x440: {  	v1 =	vadd.f32 v4, v6;
	v4 =	vld [tilespmem:s18+$0xFFFFFFB0]  }
0x441: {  	[tilespmem:s9+$0x20] =	vst v0;
	v0 =	vld [tilespmem:s9+$0x30]  }
0x442: {  	[tilespmem:s9+$0xFFFFFF20] =	vst v1;
	v1 =	vld [tilespmem:s18+$0x30];
	v3 =	vadd.f32 v5, v3  }
0x443: {  	v5 =	vld [tilespmem:s18+$0xFFFFFF30]  }
0x444: {  	[tilespmem:s9+$0xB0] =	vst v3;
	v3 =	vld [tilespmem:s9+$0xC0]  }
0x445: {  	v2 =	vadd.f32 v4, v2;
	v4 =	vld [tilespmem:s18+$0xC0]  }
0x446: {  	v6 =	vld [tilespmem:s9+$0xFFFFFF40]  }
0x447: {  	[tilespmem:s9+$0xFFFFFFB0] =	vst v2;
	v2 =	vld [tilespmem:s9+$0xFFFFFFC0];
	v0 =	vadd.f32 v1, v0  }
0x448: {  	v1 =	vadd.f32 v5, v7;
	v5 =	vld [tilespmem:s18+$0xFFFFFFC0]  }
0x449: {  	[tilespmem:s9+$0x30] =	vst v0;
	v0 =	vld [tilespmem:s9+$0x40]  }
0x44a: {  	[tilespmem:s9+$0xFFFFFF30] =	vst v1;
	v1 =	vld [tilespmem:s18+$0x40];
	v3 =	vadd.f32 v4, v3  }
0x44b: {  	v4 =	vld [tilespmem:s18+$0xFFFFFF40]  }
0x44c: {  	[tilespmem:s9+$0xC0] =	vst v3;
	v3 =	vld [tilespmem:s9+$0xD0]  }
0x44d: {  	v2 =	vadd.f32 v5, v2;
	v5 =	vld [tilespmem:s18+$0xD0]  }
0x44e: {  	v7 =	vld [tilespmem:s9+$0xFFFFFF50]  }
0x44f: {  	[tilespmem:s9+$0xFFFFFFC0] =	vst v2;
	v2 =	vld [tilespmem:s9+$0xFFFFFFD0];
	v0 =	vadd.f32 v1, v0  }
0x450: {  	v1 =	vadd.f32 v4, v6;
	v4 =	vld [tilespmem:s18+$0xFFFFFFD0]  }
0x451: {  	[tilespmem:s9+$0x40] =	vst v0;
	v0 =	vld [tilespmem:s9+$0x50]  }
0x452: {  	[tilespmem:s9+$0xFFFFFF40] =	vst v1;
	v1 =	vld [tilespmem:s18+$0x50];
	v3 =	vadd.f32 v5, v3  }
0x453: {  	v5 =	vld [tilespmem:s18+$0xFFFFFF50]  }
0x454: {  	[tilespmem:s9+$0xD0] =	vst v3;
	v3 =	vld [tilespmem:s9+$0xE0]  }
0x455: {  	v2 =	vadd.f32 v4, v2;
	v4 =	vld [tilespmem:s18+$0xE0]  }
0x456: {  	v6 =	vld [tilespmem:s9+$0xFFFFFF60]  }
0x457: {  	[tilespmem:s9+$0xFFFFFFD0] =	vst v2;
	v2 =	vld [tilespmem:s9+$0xFFFFFFE0];
	v0 =	vadd.f32 v1, v0  }
0x458: {  	v1 =	vadd.f32 v5, v7;
	v5 =	vld [tilespmem:s18+$0xFFFFFFE0]  }
0x459: {  	[tilespmem:s9+$0x50] =	vst v0;
	v7 =	vld [tilespmem:s9+$0x60]  }
0x45a: {  	[tilespmem:s9+$0xFFFFFF50] =	vst v1;
	v8 =	vld [tilespmem:s18+$0x60];
	v0 =	vadd.f32 v4, v3  }
0x45b: {  	v3 =	vld [tilespmem:s18+$0xFFFFFF60]  }
0x45c: {  	[tilespmem:s9+$0xE0] =	vst v0;
	v9 =	vld [tilespmem:s9+$0xF0]  }
0x45d: {  	v1 =	vadd.f32 v5, v2;
	v5 =	vld [tilespmem:s18+$0xF0]  }
0x45e: {  	v0 =	vld [tilespmem:s9+$0xFFFFFF70]  }
.Ltmp7:
0x45f: {  	[tilespmem:s9+$0xFFFFFFE0] =	vst v1;
	v1 =	vld [tilespmem:s9+$0xFFFFFFF0];
	v2 =	vadd.f32 v8, v7;
	(pc) =	sbr.rel @p0 .LBB2_16-.Ltmp7, $4  }
0x460: {  	v4 =	vadd.f32 v3, v6;
	v3 =	vld [tilespmem:s18+$0xFFFFFFF0]  }
0x461: {  	[tilespmem:s9+$0x60] =	vst v2;
	v2 =	vld [tilespmem:s9+$0x70]  }
0x462: {  	[tilespmem:s9+$0xFFFFFF60] =	vst v4;
	v4 =	vld [tilespmem:s18+$0x70];
	v6 =	vadd.f32 v5, v9  }
0x463: {  	s9 =	sadd.s32 $0x200, s9;
	v5 =	vld [tilespmem:s18+$0xFFFFFF70]  }
0x464: {  	_ =	sdelay $0x1  }
0x465: {  	v1 =	vadd.f32 v3, v1  }
0x466: {  	[tilespmem:s21+$0xF0] =	vst v6;
	v2 =	vadd.f32 v4, v2  }
0x467: {  	[tilespmem:s21+$0xFFFFFFF0] =	vst v1;
	v0 =	vadd.f32 v5, v0  }
0x468: {  	[tilespmem:s21+$0x70] =	vst v2  }
0x469: {  	[tilespmem:s21+$0xFFFFFF70] =	vst v0  }
0x46a: {  	s6 =	rddreg [dreg:$0x14]  }
0x46b: {  	[hbm4b:s6+s5] =	stream.linear.scatter [tilespmem:s29], [sflag:$0x4], $0x6400, $0x38;
	[tilespmem:$0x19300] =	vst v63  }
0x46c: {  	_ =	swait.ge [sflag:s24], $0x6400  }
0x46d: {  	[sflag:s24] =	ssyncset.done $0x0  }
0x46e: {  	[sflag:s24] =	ssyncadd.s32 $0xFFFF9C00  }
0x46f: {  	_ =	swait.ge [sflag:s16], $0x6400  }
0x470: {  	[sflag:s16] =	ssyncset.done $0x0  }
0x471: {  	[sflag:s16] =	ssyncadd.s32 $0xFFFF9C00  }
0x472: {  	_ =	swait.ge [sflag:s16], $0xC8  }
0x473: {  	[sflag:s16] =	ssyncset.done $0x0  }
0x474: {  	[sflag:s16] =	ssyncadd.s32 $0xFFFFFF38  }
0x475: {  	[tilespmem:s8], [sflag:$0x7] =	stream.indirect.gather [hbm4b:s7+s3], $0x80, s30, s3, $0xb8;
	[tilespmem:$0x19300] =	vst v63  }
0x476: {  	s28 =	simm.s32 $0x168  }
0x477: {  	[tilespmem:s11], [sflag:$0x7] =	stream.indirect.gather [hbm4b:s7+s10], $0x80, s28, s10, $0xb8;
	[tilespmem:$0x19300] =	vst v63  }
0x478: {  	_ =	swait.ge [sflag:s12], $0x3400  }
0x479: {  	[sflag:s12] =	ssyncset.done $0x0  }
0x47a: {  	[sflag:s12] =	ssyncadd.s32 $0xFFFFCC00  }
0x47b: {  	_ =	swait.ge [sflag:s12], $0x3000  }
0x47c: {  	[sflag:s12] =	ssyncset.done $0x0  }
0x47d: {  	s21 =	simm.s32 $0x6800;
	[sflag:s12] =	ssyncadd.s32 $0xFFFFD000  }
0x47e: {  	s18 =	simm.s32 $0x13000;
	v0 =	vld [tilespmem:s21+$0x80]  }
0x47f: {  	v1 =	vld [tilespmem:s18+$0x80]  }
0x480: {  	v2 =	vld [tilespmem:s21+$0xFFFFFF80]  }
0x481: {  	v3 =	vld [tilespmem:s18+$0xFFFFFF80]  }
0x482: {  	v4 =	vld [tilespmem:s21+$0x0]  }
0x483: {  	v5 =	vld [tilespmem:s18+$0x0]  }
0x484: {  	v6 =	vld [tilespmem:s21+$0xFFFFFF00];
	v0 =	vadd.f32 v1, v0  }
0x485: {  	v1 =	vld [tilespmem:s18+$0xFFFFFF00]  }
0x486: {  	[tilespmem:s21+$0x80] =	vst v0;
	v0 =	vld [tilespmem:s21+$0x90]  }
0x487: {  	v2 =	vadd.f32 v3, v2;
	v3 =	vld [tilespmem:s18+$0x90]  }
0x488: {  	v7 =	vld [tilespmem:s21+$0xFFFFFF10]  }
0x489: {  	[tilespmem:s21+$0xFFFFFF80] =	vst v2;
	v2 =	vadd.f32 v5, v4;
	v4 =	vld [tilespmem:s21+$0xFFFFFF90]  }
0x48a: {  	v5 =	vld [tilespmem:s18+$0xFFFFFF90];
	v1 =	vadd.f32 v1, v6  }
0x48b: {  	[tilespmem:s21+$0x0] =	vst v2;
	v2 =	vld [tilespmem:s21+$0x10]  }
0x48c: {  	v6 =	vld [tilespmem:s18+$0x10];
	[tilespmem:s21+$0xFFFFFF00] =	vst v1;
	v0 =	vadd.f32 v3, v0  }
0x48d: {  	v1 =	vld [tilespmem:s18+$0xFFFFFF10]  }
0x48e: {  	[tilespmem:s21+$0x90] =	vst v0;
	v0 =	vld [tilespmem:s21+$0xA0]  }
0x48f: {  	v3 =	vadd.f32 v5, v4;
	v4 =	vld [tilespmem:s18+$0xA0]  }
0x490: {  	v5 =	vld [tilespmem:s21+$0xFFFFFF20]  }
0x491: {  	[tilespmem:s21+$0xFFFFFF90] =	vst v3;
	v2 =	vadd.f32 v6, v2;
	v3 =	vld [tilespmem:s21+$0xFFFFFFA0]  }
0x492: {  	v6 =	vld [tilespmem:s18+$0xFFFFFFA0];
	v1 =	vadd.f32 v1, v7  }
0x493: {  	[tilespmem:s21+$0x10] =	vst v2;
	v2 =	vld [tilespmem:s21+$0x20]  }
0x494: {  	v7 =	vld [tilespmem:s18+$0x20];
	[tilespmem:s21+$0xFFFFFF10] =	vst v1;
	v0 =	vadd.f32 v4, v0  }
0x495: {  	v1 =	vld [tilespmem:s18+$0xFFFFFF20]  }
0x496: {  	[tilespmem:s21+$0xA0] =	vst v0;
	v0 =	vld [tilespmem:s21+$0xB0]  }
0x497: {  	v3 =	vadd.f32 v6, v3;
	v4 =	vld [tilespmem:s18+$0xB0]  }
0x498: {  	v6 =	vld [tilespmem:s21+$0xFFFFFF30]  }
0x499: {  	[tilespmem:s21+$0xFFFFFFA0] =	vst v3;
	v2 =	vadd.f32 v7, v2;
	v3 =	vld [tilespmem:s21+$0xFFFFFFB0]  }
0x49a: {  	v7 =	vld [tilespmem:s18+$0xFFFFFFB0];
	v1 =	vadd.f32 v1, v5  }
0x49b: {  	[tilespmem:s21+$0x20] =	vst v2;
	v2 =	vld [tilespmem:s21+$0x30]  }
0x49c: {  	v5 =	vld [tilespmem:s18+$0x30];
	[tilespmem:s21+$0xFFFFFF20] =	vst v1;
	v0 =	vadd.f32 v4, v0  }
0x49d: {  	v1 =	vld [tilespmem:s18+$0xFFFFFF30]  }
0x49e: {  	[tilespmem:s21+$0xB0] =	vst v0;
	v0 =	vld [tilespmem:s21+$0xC0]  }
0x49f: {  	v3 =	vadd.f32 v7, v3;
	v4 =	vld [tilespmem:s18+$0xC0]  }
0x4a0: {  	v7 =	vld [tilespmem:s21+$0xFFFFFF40]  }
0x4a1: {  	[tilespmem:s21+$0xFFFFFFB0] =	vst v3;
	v2 =	vadd.f32 v5, v2;
	v3 =	vld [tilespmem:s21+$0xFFFFFFC0]  }
0x4a2: {  	v5 =	vld [tilespmem:s18+$0xFFFFFFC0];
	v1 =	vadd.f32 v1, v6  }
0x4a3: {  	[tilespmem:s21+$0x30] =	vst v2;
	v2 =	vld [tilespmem:s21+$0x40]  }
0x4a4: {  	v6 =	vld [tilespmem:s18+$0x40];
	[tilespmem:s21+$0xFFFFFF30] =	vst v1;
	v0 =	vadd.f32 v4, v0  }
0x4a5: {  	v1 =	vld [tilespmem:s18+$0xFFFFFF40]  }
0x4a6: {  	[tilespmem:s21+$0xC0] =	vst v0;
	v0 =	vld [tilespmem:s21+$0xD0]  }
0x4a7: {  	v3 =	vadd.f32 v5, v3;
	v4 =	vld [tilespmem:s18+$0xD0]  }
0x4a8: {  	v5 =	vld [tilespmem:s21+$0xFFFFFF50]  }
0x4a9: {  	[tilespmem:s21+$0xFFFFFFC0] =	vst v3;
	v2 =	vadd.f32 v6, v2;
	v3 =	vld [tilespmem:s21+$0xFFFFFFD0]  }
0x4aa: {  	v6 =	vld [tilespmem:s18+$0xFFFFFFD0];
	v1 =	vadd.f32 v1, v7  }
0x4ab: {  	[tilespmem:s21+$0x40] =	vst v2;
	v2 =	vld [tilespmem:s21+$0x50]  }
0x4ac: {  	v7 =	vld [tilespmem:s18+$0x50];
	[tilespmem:s21+$0xFFFFFF40] =	vst v1;
	v0 =	vadd.f32 v4, v0  }
0x4ad: {  	v1 =	vld [tilespmem:s18+$0xFFFFFF50]  }
0x4ae: {  	[tilespmem:s21+$0xD0] =	vst v0;
	v0 =	vld [tilespmem:s21+$0xE0]  }
0x4af: {  	v3 =	vadd.f32 v6, v3;
	v4 =	vld [tilespmem:s18+$0xE0]  }
0x4b0: {  	v6 =	vld [tilespmem:s21+$0xFFFFFF60]  }
0x4b1: {  	[tilespmem:s21+$0xFFFFFFD0] =	vst v3;
	v2 =	vadd.f32 v7, v2;
	v3 =	vld [tilespmem:s21+$0xFFFFFFE0]  }
0x4b2: {  	v7 =	vld [tilespmem:s18+$0xFFFFFFE0];
	v1 =	vadd.f32 v1, v5  }
0x4b3: {  	[tilespmem:s21+$0x50] =	vst v2;
	v2 =	vld [tilespmem:s21+$0x60]  }
0x4b4: {  	v5 =	vld [tilespmem:s18+$0x60];
	[tilespmem:s21+$0xFFFFFF50] =	vst v1;
	v0 =	vadd.f32 v4, v0  }
0x4b5: {  	v4 =	vld [tilespmem:s18+$0xFFFFFF60]  }
0x4b6: {  	v8 =	vld [tilespmem:s21+$0xF0];
	[tilespmem:s21+$0xE0] =	vst v0  }
0x4b7: {  	v1 =	vadd.f32 v7, v3;
	v7 =	vld [tilespmem:s18+$0xF0]  }
0x4b8: {  	v0 =	vld [tilespmem:s21+$0xFFFFFF70]  }
0x4b9: {  	[tilespmem:s21+$0xFFFFFFE0] =	vst v1;
	v2 =	vadd.f32 v5, v2;
	v1 =	vld [tilespmem:s21+$0xFFFFFFF0]  }
0x4ba: {  	v3 =	vld [tilespmem:s18+$0xFFFFFFF0];
	v4 =	vadd.f32 v4, v6  }
0x4bb: {  	[tilespmem:s21+$0x60] =	vst v2;
	v2 =	vld [tilespmem:s21+$0x70]  }
0x4bc: {  	[tilespmem:s21+$0xFFFFFF60] =	vst v4;
	v4 =	vld [tilespmem:s18+$0x70];
	v6 =	vadd.f32 v7, v8  }
0x4bd: {  	s9 =	simm.s32 $0x6A00;
	s6 =	simm.s32 $0x0;
	v5 =	vld [tilespmem:s18+$0xFFFFFF70]  }
.LBB2_18:
0x4be: {  	v7 =	vld [tilespmem:s9+$0x80];
	[tilespmem:s21+$0xF0] =	vst v6;
	s18 =	sadd.s32 $0x200, s18  }
0x4bf: {  	s6 =	sadd.s32 $0x4, s6;
	v6 =	vld [tilespmem:s18+$0x80];
	v1 =	vadd.f32 v3, v1  }
0x4c0: {  	p0 =	slt.u32 s6, $0xC4;
	v3 =	vld [tilespmem:s18+$0xFFFFFF00]  }
0x4c1: {  	v8 =	vld [tilespmem:s9+$0xFFFFFF80];
	[tilespmem:s21+$0xFFFFFFF0] =	vst v1;
	v1 =	vadd.f32 v4, v2  }
0x4c2: {  	v2 =	vld [tilespmem:s18+$0xFFFFFF80];
	v0 =	vadd.f32 v5, v0  }
0x4c3: {  	v4 =	vld [tilespmem:s9+$0x0];
	[tilespmem:s21+$0x70] =	vst v1  }
0x4c4: {  	v1 =	vld [tilespmem:s18+$0x0];
	v5 =	vadd.f32 v6, v7;
	[tilespmem:s21+$0xFFFFFF70] =	vst v0;
	s21 =	smov.u32 s9  }
0x4c5: {  	v0 =	vld [tilespmem:s9+$0xFFFFFF00]  }
0x4c6: {  	[tilespmem:s9+$0x80] =	vst v5;
	v5 =	vld [tilespmem:s9+$0x90]  }
0x4c7: {  	v2 =	vadd.f32 v2, v8;
	v6 =	vld [tilespmem:s18+$0x90]  }
0x4c8: {  	v7 =	vld [tilespmem:s9+$0xFFFFFF10]  }
0x4c9: {  	[tilespmem:s9+$0xFFFFFF80] =	vst v2;
	v2 =	vld [tilespmem:s9+$0xFFFFFF90];
	v1 =	vadd.f32 v1, v4  }
0x4ca: {  	v0 =	vadd.f32 v3, v0;
	v3 =	vld [tilespmem:s18+$0xFFFFFF90]  }
0x4cb: {  	[tilespmem:s9+$0x0] =	vst v1;
	v1 =	vld [tilespmem:s9+$0x10]  }
0x4cc: {  	[tilespmem:s9+$0xFFFFFF00] =	vst v0;
	v0 =	vld [tilespmem:s18+$0x10];
	v4 =	vadd.f32 v6, v5  }
0x4cd: {  	v5 =	vld [tilespmem:s18+$0xFFFFFF10]  }
0x4ce: {  	[tilespmem:s9+$0x90] =	vst v4;
	v4 =	vld [tilespmem:s9+$0xA0]  }
0x4cf: {  	v2 =	vadd.f32 v3, v2;
	v3 =	vld [tilespmem:s18+$0xA0]  }
0x4d0: {  	v6 =	vld [tilespmem:s9+$0xFFFFFF20]  }
0x4d1: {  	[tilespmem:s9+$0xFFFFFF90] =	vst v2;
	v2 =	vld [tilespmem:s9+$0xFFFFFFA0];
	v0 =	vadd.f32 v0, v1  }
0x4d2: {  	v1 =	vadd.f32 v5, v7;
	v5 =	vld [tilespmem:s18+$0xFFFFFFA0]  }
0x4d3: {  	[tilespmem:s9+$0x10] =	vst v0;
	v0 =	vld [tilespmem:s9+$0x20]  }
0x4d4: {  	[tilespmem:s9+$0xFFFFFF10] =	vst v1;
	v1 =	vld [tilespmem:s18+$0x20];
	v3 =	vadd.f32 v3, v4  }
0x4d5: {  	v4 =	vld [tilespmem:s18+$0xFFFFFF20]  }
0x4d6: {  	[tilespmem:s9+$0xA0] =	vst v3;
	v3 =	vld [tilespmem:s9+$0xB0]  }
0x4d7: {  	v2 =	vadd.f32 v5, v2;
	v5 =	vld [tilespmem:s18+$0xB0]  }
0x4d8: {  	v7 =	vld [tilespmem:s9+$0xFFFFFF30]  }
0x4d9: {  	[tilespmem:s9+$0xFFFFFFA0] =	vst v2;
	v2 =	vld [tilespmem:s9+$0xFFFFFFB0];
	v0 =	vadd.f32 v1, v0  }
0x4da: {  	v1 =	vadd.f32 v4, v6;
	v4 =	vld [tilespmem:s18+$0xFFFFFFB0]  }
0x4db: {  	[tilespmem:s9+$0x20] =	vst v0;
	v0 =	vld [tilespmem:s9+$0x30]  }
0x4dc: {  	[tilespmem:s9+$0xFFFFFF20] =	vst v1;
	v1 =	vld [tilespmem:s18+$0x30];
	v3 =	vadd.f32 v5, v3  }
0x4dd: {  	v5 =	vld [tilespmem:s18+$0xFFFFFF30]  }
0x4de: {  	[tilespmem:s9+$0xB0] =	vst v3;
	v3 =	vld [tilespmem:s9+$0xC0]  }
0x4df: {  	v2 =	vadd.f32 v4, v2;
	v4 =	vld [tilespmem:s18+$0xC0]  }
0x4e0: {  	v6 =	vld [tilespmem:s9+$0xFFFFFF40]  }
0x4e1: {  	[tilespmem:s9+$0xFFFFFFB0] =	vst v2;
	v2 =	vld [tilespmem:s9+$0xFFFFFFC0];
	v0 =	vadd.f32 v1, v0  }
0x4e2: {  	v1 =	vadd.f32 v5, v7;
	v5 =	vld [tilespmem:s18+$0xFFFFFFC0]  }
0x4e3: {  	[tilespmem:s9+$0x30] =	vst v0;
	v0 =	vld [tilespmem:s9+$0x40]  }
0x4e4: {  	[tilespmem:s9+$0xFFFFFF30] =	vst v1;
	v1 =	vld [tilespmem:s18+$0x40];
	v3 =	vadd.f32 v4, v3  }
0x4e5: {  	v4 =	vld [tilespmem:s18+$0xFFFFFF40]  }
0x4e6: {  	[tilespmem:s9+$0xC0] =	vst v3;
	v3 =	vld [tilespmem:s9+$0xD0]  }
0x4e7: {  	v2 =	vadd.f32 v5, v2;
	v5 =	vld [tilespmem:s18+$0xD0]  }
0x4e8: {  	v7 =	vld [tilespmem:s9+$0xFFFFFF50]  }
0x4e9: {  	[tilespmem:s9+$0xFFFFFFC0] =	vst v2;
	v2 =	vld [tilespmem:s9+$0xFFFFFFD0];
	v0 =	vadd.f32 v1, v0  }
0x4ea: {  	v1 =	vadd.f32 v4, v6;
	v4 =	vld [tilespmem:s18+$0xFFFFFFD0]  }
0x4eb: {  	[tilespmem:s9+$0x40] =	vst v0;
	v0 =	vld [tilespmem:s9+$0x50]  }
0x4ec: {  	[tilespmem:s9+$0xFFFFFF40] =	vst v1;
	v1 =	vld [tilespmem:s18+$0x50];
	v3 =	vadd.f32 v5, v3  }
0x4ed: {  	v5 =	vld [tilespmem:s18+$0xFFFFFF50]  }
0x4ee: {  	[tilespmem:s9+$0xD0] =	vst v3;
	v3 =	vld [tilespmem:s9+$0xE0]  }
0x4ef: {  	v2 =	vadd.f32 v4, v2;
	v4 =	vld [tilespmem:s18+$0xE0]  }
0x4f0: {  	v6 =	vld [tilespmem:s9+$0xFFFFFF60]  }
0x4f1: {  	[tilespmem:s9+$0xFFFFFFD0] =	vst v2;
	v2 =	vld [tilespmem:s9+$0xFFFFFFE0];
	v0 =	vadd.f32 v1, v0  }
0x4f2: {  	v1 =	vadd.f32 v5, v7;
	v5 =	vld [tilespmem:s18+$0xFFFFFFE0]  }
0x4f3: {  	[tilespmem:s9+$0x50] =	vst v0;
	v7 =	vld [tilespmem:s9+$0x60]  }
0x4f4: {  	[tilespmem:s9+$0xFFFFFF50] =	vst v1;
	v8 =	vld [tilespmem:s18+$0x60];
	v0 =	vadd.f32 v4, v3  }
0x4f5: {  	v3 =	vld [tilespmem:s18+$0xFFFFFF60]  }
0x4f6: {  	[tilespmem:s9+$0xE0] =	vst v0;
	v9 =	vld [tilespmem:s9+$0xF0]  }
0x4f7: {  	v1 =	vadd.f32 v5, v2;
	v5 =	vld [tilespmem:s18+$0xF0]  }
0x4f8: {  	v0 =	vld [tilespmem:s9+$0xFFFFFF70]  }
.Ltmp8:
0x4f9: {  	[tilespmem:s9+$0xFFFFFFE0] =	vst v1;
	v1 =	vld [tilespmem:s9+$0xFFFFFFF0];
	v2 =	vadd.f32 v8, v7;
	(pc) =	sbr.rel @p0 .LBB2_18-.Ltmp8, $4  }
0x4fa: {  	v4 =	vadd.f32 v3, v6;
	v3 =	vld [tilespmem:s18+$0xFFFFFFF0]  }
0x4fb: {  	[tilespmem:s9+$0x60] =	vst v2;
	v2 =	vld [tilespmem:s9+$0x70]  }
0x4fc: {  	[tilespmem:s9+$0xFFFFFF60] =	vst v4;
	v4 =	vld [tilespmem:s18+$0x70];
	v6 =	vadd.f32 v5, v9  }
0x4fd: {  	s9 =	sadd.s32 $0x200, s9;
	v5 =	vld [tilespmem:s18+$0xFFFFFF70]  }
0x4fe: {  	_ =	sdelay $0x1  }
0x4ff: {  	v1 =	vadd.f32 v3, v1  }
0x500: {  	[tilespmem:s21+$0xF0] =	vst v6;
	v2 =	vadd.f32 v4, v2  }
0x501: {  	[tilespmem:s21+$0xFFFFFFF0] =	vst v1;
	v0 =	vadd.f32 v5, v0  }
0x502: {  	[tilespmem:s21+$0x70] =	vst v2  }
0x503: {  	[tilespmem:s21+$0xFFFFFF70] =	vst v0  }
0x504: {  	s6 =	rddreg [dreg:$0x15]  }
0x505: {  	[hbm4b:s6+s5] =	stream.linear.scatter [tilespmem:s31], [sflag:$0x5], $0x6400, $0x38;
	[tilespmem:$0x19300] =	vst v63  }
0x506: {  	_ =	swait.ge [sflag:s19], $0x6400  }
0x507: {  	[sflag:s19] =	ssyncset.done $0x0  }
0x508: {  	[sflag:s19] =	ssyncadd.s32 $0xFFFF9C00  }
0x509: {  	_ =	swait.ge [sflag:s23], $0x6400  }
0x50a: {  	s9 =	rddreg [dreg:$0x17]  }
0x50b: {  	s28 =	rddreg [dreg:$0x16];
	s9 =	sadd.s32 $0x1, s9  }
0x50c: {  	p0 =	sne.s32 s9, s28  }
.Ltmp9:
0x50d: {  	_ = 	snop;
	(pc) =	sbr.rel @p0 .LBB2_1-.Ltmp9, $3  }
0x50e: {  	_ =	sdelay $0x1  }
0x50f: {  	[sflag:s23] =	ssyncset.done $0x0  }
0x510: {  	[sflag:s23] =	ssyncadd.s32 $0xFFFF9C00  }
0x511: {  	_ =	sfence.sel $0x180000  }
0x512: {  	[bflag:$0x0] =	sbarrier.arrive $0xFFFF  }
0x513: {  	_ =	strace $0x9000004A  }
0x514: {  	s0 =	stileid.u32;
	[bflag:$0x2] =	sbarrier.arrive $0xFFFF  }
0x515: {  	p0 =	sne.s32 s0, $0x0;
	s0 =	rddreg [dreg:$0x4]  }
0x516: {  	s0 =	sadd.s32 @!p0 $0x100000, s0  }
0x517: {  	[sflag:s0] =	ssyncadd.tile.s32 @!p0 $0x1;
	_ =	shalt  }
.Lfunc_end2:
_tile_overlayer_lowered:
.L_overlay_start_2:
0x518: {  	(tag) =	ssettag $0x2  }
0x519: {  	s0 =	rddreg [dreg:$0x0];
	s2 =	stileid.u32  }
0x51a: {  	s1 =	rddreg [dreg:$0x1];
	p0 =	sne.s32 s2, $0x0  }
0x51b: {  	s3 =	rddreg [dreg:$0x2];
	[bflag:$0x3] =	sbarrier.arrive $0xFFFF;
	s2 =	simm.s32 @!p0 $0x1C08  }
0x51c: {  	[timem:s3], [sflag:s2] =	dma.local @!p0 [hbm:s0], s1  }
0x51d: {  	s0 =	simm.s32 @!p0 $0x8  }
0x51e: {  	_ =	swait.ge @!p0 [sflag:s0], s1  }
0x51f: {  	s1 =	ssub.s32 @!p0 $0x0, s1;
	[sflag:s0] =	ssyncset.done @!p0 $0x0  }
0x520: {  	[sflag:s0] =	ssyncadd.s32 @!p0 s1  }
0x521: {  	[bflag:$0x3] =	sbarrier.arrive $0xFFFF  }
0x522: {  	_ =	shalt  }

</sc_bundles>
